<compile_context>
chip_gen: v7x
topology: tpu7x:2x2x1
jax: 0.10.2.dev20260603
libtpu: 0.0.44.dev20260713+nightly
codegen_flags: <defaults>
</compile_context>

<pallas_src>
import functools

import jax
import jax.numpy as jnp
from jax import lax
from jax.experimental import pallas as pl
from jax.experimental.pallas import tpu as pltpu
from jax.experimental.pallas import tpu_sc as plsc

N = 4096
M = 4096
MS = 2048
MT = M - MS
NC = 2
NS = 16
L = 16
NW = NC * NS
SRC_PER_W = N // NW
NV = SRC_PER_W // L
MG = MS // L
CH = 32

_mesh = plsc.VectorSubcoreMesh(core_axis_name="c", subcore_axis_name="s")


@functools.partial(
    pl.kernel,
    mesh=_mesh,
    out_type=jax.ShapeDtypeStruct((NW, SRC_PER_W), jnp.float32),
    scratch_types=[
        pltpu.VMEM((SRC_PER_W,), jnp.float32),
        pltpu.VMEM((SRC_PER_W,), jnp.float32),
        pltpu.VMEM((SRC_PER_W,), jnp.float32),
        pltpu.VMEM((MS,), jnp.float32),
        pltpu.VMEM((MS,), jnp.float32),
        pltpu.VMEM((MS,), jnp.float32),
        pltpu.VMEM((MS,), jnp.float32),
        pltpu.VMEM((CH * L,), jnp.float32),
        pltpu.VMEM((CH * L,), jnp.float32),
        pltpu.VMEM((CH * L,), jnp.float32),
        pltpu.VMEM((CH * L,), jnp.float32),
        pltpu.VMEM((SRC_PER_W,), jnp.float32),
    ],
)
def _nn_partials_sc(sx_hbm, sy_hbm, sz_hbm, tx_hbm, ty_hbm, tz_hbm, out_hbm,
                    sx_v, sy_v, sz_v, a_v, b_v, c_v, d_v,
                    sa_v, sb_v, sc_v, sd_v, out_v):
    wid = lax.axis_index("s") * NC + lax.axis_index("c")
    base = wid * SRC_PER_W

    pltpu.sync_copy(sx_hbm.at[pl.ds(base, SRC_PER_W)], sx_v)
    pltpu.sync_copy(sy_hbm.at[pl.ds(base, SRC_PER_W)], sy_v)
    pltpu.sync_copy(sz_hbm.at[pl.ds(base, SRC_PER_W)], sz_v)
    pltpu.sync_copy(tx_hbm, a_v)
    pltpu.sync_copy(ty_hbm, b_v)
    pltpu.sync_copy(tz_hbm, c_v)

    def prep(i, carry):
        tx = a_v[pl.ds(i * L, L)]
        ty = b_v[pl.ds(i * L, L)]
        tz = c_v[pl.ds(i * L, L)]
        d_v[pl.ds(i * L, L)] = tx * tx + ty * ty + tz * tz
        a_v[pl.ds(i * L, L)] = tx * jnp.float32(-2.0)
        b_v[pl.ds(i * L, L)] = ty * jnp.float32(-2.0)
        c_v[pl.ds(i * L, L)] = tz * jnp.float32(-2.0)
        return carry

    lax.fori_loop(0, MG, prep, jnp.int32(0), unroll=False)

    big = jnp.full((L,), 1e30, dtype=jnp.float32)
    sxs = [sx_v[pl.ds(k * L, L)] for k in range(NV)]
    sys_ = [sy_v[pl.ds(k * L, L)] for k in range(NV)]
    szs = [sz_v[pl.ds(k * L, L)] for k in range(NV)]

    def chunk(c, accs):
        accs = list(accs)
        tbase = c * CH
        for g in range(CH // L):
            av = a_v[pl.ds(tbase + g * L, L)]
            bv = b_v[pl.ds(tbase + g * L, L)]
            cv = c_v[pl.ds(tbase + g * L, L)]
            dv = d_v[pl.ds(tbase + g * L, L)]
            for l in range(L):
                t = g * L + l
                sa_v[pl.ds(t * L, L)] = jnp.broadcast_to(av[l], (L,))
                sb_v[pl.ds(t * L, L)] = jnp.broadcast_to(bv[l], (L,))
                sc_v[pl.ds(t * L, L)] = jnp.broadcast_to(cv[l], (L,))
                sd_v[pl.ds(t * L, L)] = jnp.broadcast_to(dv[l], (L,))
        for t in range(CH):
            sa = sa_v[pl.ds(t * L, L)]
            sb = sb_v[pl.ds(t * L, L)]
            sc = sc_v[pl.ds(t * L, L)]
            sd = sd_v[pl.ds(t * L, L)]
            for k in range(NV):
                tt = sa * sxs[k] + (sb * sys_[k] + (sc * szs[k] + sd))
                accs[k] = jnp.minimum(accs[k], tt)
        return tuple(accs)

    accs = lax.fori_loop(0, MS // CH, chunk, tuple([big] * NV), unroll=False)

    for k in range(NV):
        s2 = sxs[k] * sxs[k] + sys_[k] * sys_[k] + szs[k] * szs[k]
        out_v[pl.ds(k * L, L)] = accs[k] + s2
    pltpu.sync_copy(out_v, out_hbm.at[wid])


ST_TC = 512
TT_TC = 1024


def _tc_body(sx_ref, sy_ref, sz_ref, tx_ref, ty_ref, tz_ref, o_ref):
    ti = pl.program_id(1)
    dx = sx_ref[...] - tx_ref[...]
    dy = sy_ref[...] - ty_ref[...]
    dz = sz_ref[...] - tz_ref[...]
    d2 = dx * dx + (dy * dy + dz * dz)
    m = jnp.min(d2, axis=1, keepdims=True)

    @pl.when(ti == 0)
    def _init():
        o_ref[...] = m

    @pl.when(ti != 0)
    def _acc():
        o_ref[...] = jnp.minimum(o_ref[...], m)


_nn_partials_tc = pl.pallas_call(
    _tc_body,
    grid=(N // ST_TC, MT // TT_TC),
    in_specs=[
        pl.BlockSpec((ST_TC, 1), lambda si, ti: (si, 0)),
        pl.BlockSpec((ST_TC, 1), lambda si, ti: (si, 0)),
        pl.BlockSpec((ST_TC, 1), lambda si, ti: (si, 0)),
        pl.BlockSpec((1, TT_TC), lambda si, ti: (0, ti)),
        pl.BlockSpec((1, TT_TC), lambda si, ti: (0, ti)),
        pl.BlockSpec((1, TT_TC), lambda si, ti: (0, ti)),
    ],
    out_specs=pl.BlockSpec((ST_TC, 1), lambda si, ti: (si, 0)),
    out_shape=jax.ShapeDtypeStruct((N, 1), jnp.float32),
    compiler_params=pltpu.CompilerParams(
        dimension_semantics=("parallel", "arbitrary")),
)


def kernel(source, target):
    st = source.T
    tt = target.T
    sc_out = _nn_partials_sc(st[0], st[1], st[2],
                             tt[0, :MS], tt[1, :MS], tt[2, :MS])
    tc_out = _nn_partials_tc(
        st[0].reshape(N, 1), st[1].reshape(N, 1), st[2].reshape(N, 1),
        tt[0, MS:].reshape(1, MT), tt[1, MS:].reshape(1, MT),
        tt[2, MS:].reshape(1, MT))
    mind = jnp.minimum(sc_out.reshape(N), tc_out.reshape(N))
    rmse = jnp.sqrt(jnp.sum(mind) / jnp.float32(N))
    return jnp.where(rmse < jnp.float32(0.1), jnp.float32(1.0),
                     jnp.float32(0.0))

# --- scband reference (transcript-rebuilt; emitter-appended) ---
"""Pipeline reference for scband-registration-recall-56831007261011 (READ-ONLY COPY).

The authoritative reference and input builder live on the scoring server;
editing this copy changes nothing except your own understanding.
"""

import jax, jax.numpy as jnp
import numpy as np

THRESHOLD = 0.1
K = 1

def setup_inputs(seed: int = 0) -> dict:
    key = jax.random.key(seed)
    k1, k2 = jax.random.split(key)
    source = jax.random.uniform(k1, (4096, 3), dtype=jnp.float32)
    target = jax.random.uniform(k2, (4096, 3), dtype=jnp.float32)
    return {"source": source, "target": target}

def reference(source, target):
    # calculate_rmse_knn: pairwise L2 distances (N, M), k smallest per source point
    diff = source[:, None, :] - target[None, :, :]
    distances = jnp.sqrt(jnp.sum(diff * diff, axis=2))
    # torch.topk(largest=False) -> negate, take top_k, negate back
    neg_topk, _ = jax.lax.top_k(-distances, K)
    k_distances = -neg_topk
    mean_distances = k_distances.mean(axis=1)
    rmse = jnp.sqrt(jnp.mean(mean_distances ** 2))
    # forward returns success = (rmse < threshold).float()
    success = jnp.where(rmse < THRESHOLD, jnp.float32(1.0), jnp.float32(0.0))
    return success

if __name__ == "__main__":
    import jax
    _d = setup_inputs()
    print(jax.jit(kernel)(*tuple(_d.values())))

</pallas_src>

<mosaic_0001>
#map = affine_map<(d0, d1) -> (0)>
#map1 = affine_map<(d0, d1) -> (0, 0)>
module attributes {stable_mosaic.version = 14 : i64} {
  func.func @_nn_partials_sc(%arg0: i32, %arg1: i32, %arg2: memref<4096xf32, #tpu.memory_space<hbm>>, %arg3: memref<4096xf32, #tpu.memory_space<hbm>>, %arg4: memref<4096xf32, #tpu.memory_space<hbm>>, %arg5: memref<2048xf32, #tpu.memory_space<hbm>>, %arg6: memref<2048xf32, #tpu.memory_space<hbm>>, %arg7: memref<2048xf32, #tpu.memory_space<hbm>>, %arg8: memref<32x128xf32, #tpu.memory_space<hbm>>, %arg9: memref<128xf32, #tpu.memory_space<vmem>>, %arg10: memref<128xf32, #tpu.memory_space<vmem>>, %arg11: memref<128xf32, #tpu.memory_space<vmem>>, %arg12: memref<2048xf32, #tpu.memory_space<vmem>>, %arg13: memref<2048xf32, #tpu.memory_space<vmem>>, %arg14: memref<2048xf32, #tpu.memory_space<vmem>>, %arg15: memref<2048xf32, #tpu.memory_space<vmem>>, %arg16: memref<512xf32, #tpu.memory_space<vmem>>, %arg17: memref<512xf32, #tpu.memory_space<vmem>>, %arg18: memref<512xf32, #tpu.memory_space<vmem>>, %arg19: memref<512xf32, #tpu.memory_space<vmem>>, %arg20: memref<128xf32, #tpu.memory_space<vmem>>) attributes {dimension_semantics = [#tpu.dimension_semantics<core_parallel>, #tpu.dimension_semantics<subcore_parallel>], iteration_bounds = array<i64: 2, 16>, scalar_prefetch = 0 : i64, scratch_operands = 12 : i64, tpu.core_type = #tpu.core_type<sc_vector_subcore>, window_params = [{transform_indices = #map}, {transform_indices = #map}, {transform_indices = #map}, {transform_indices = #map}, {transform_indices = #map}, {transform_indices = #map}, {transform_indices = #map1}]} {
    %mul3A = arith.constant 2 : i32
    %mul3A_0 = arith.muli %arg1, %mul3A : i32
    %add3A = arith.addi %mul3A_0, %arg0 : i32
    %mul3A_1 = arith.constant 128 : i32
    %mul3A_2 = arith.muli %add3A, %mul3A_1 : i32
    "tpu.region"() ({
      %run_scoped3A = tpu.sem_alloc : memref<!tpu.dma_semaphore, #tpu.memory_space<semaphore_mem>>
      %dma_start3A = tpu.memref_slice %arg2[%mul3A_2] : memref<4096xf32, #tpu.memory_space<hbm>> -> memref<128xf32, #tpu.memory_space<hbm>>
      %dma_start3A_165 = tpu.memref_slice %arg2[%mul3A_2] : memref<4096xf32, #tpu.memory_space<hbm>> -> memref<128xf32, #tpu.memory_space<hbm>>
      tpu.enqueue_dma source(%dma_start3A_165 : memref<128xf32, #tpu.memory_space<hbm>>) target(%arg9 : memref<128xf32, #tpu.memory_space<vmem>>) target_semaphore(%run_scoped3A : memref<!tpu.dma_semaphore, #tpu.memory_space<semaphore_mem>>)
      %dma_wait3A = tpu.memref_slice %arg2[%mul3A_2] : memref<4096xf32, #tpu.memory_space<hbm>> -> memref<128xf32, #tpu.memory_space<hbm>>
      %dma_wait3A_166 = tpu.memref_slice %arg2[%mul3A_2] : memref<4096xf32, #tpu.memory_space<hbm>> -> memref<128xf32, #tpu.memory_space<hbm>>
      tpu.wait_dma2 semaphore(%run_scoped3A : memref<!tpu.dma_semaphore, #tpu.memory_space<semaphore_mem>>) src(%dma_wait3A_166 : memref<128xf32, #tpu.memory_space<hbm>>) dst(%arg9 : memref<128xf32, #tpu.memory_space<vmem>>)
      tpu.yield
    }) : () -> ()
    "tpu.region"() ({
      %run_scoped3A = tpu.sem_alloc : memref<!tpu.dma_semaphore, #tpu.memory_space<semaphore_mem>>
      %dma_start3A = tpu.memref_slice %arg3[%mul3A_2] : memref<4096xf32, #tpu.memory_space<hbm>> -> memref<128xf32, #tpu.memory_space<hbm>>
      %dma_start3A_165 = tpu.memref_slice %arg3[%mul3A_2] : memref<4096xf32, #tpu.memory_space<hbm>> -> memref<128xf32, #tpu.memory_space<hbm>>
      tpu.enqueue_dma source(%dma_start3A_165 : memref<128xf32, #tpu.memory_space<hbm>>) target(%arg10 : memref<128xf32, #tpu.memory_space<vmem>>) target_semaphore(%run_scoped3A : memref<!tpu.dma_semaphore, #tpu.memory_space<semaphore_mem>>)
      %dma_wait3A = tpu.memref_slice %arg3[%mul3A_2] : memref<4096xf32, #tpu.memory_space<hbm>> -> memref<128xf32, #tpu.memory_space<hbm>>
      %dma_wait3A_166 = tpu.memref_slice %arg3[%mul3A_2] : memref<4096xf32, #tpu.memory_space<hbm>> -> memref<128xf32, #tpu.memory_space<hbm>>
      tpu.wait_dma2 semaphore(%run_scoped3A : memref<!tpu.dma_semaphore, #tpu.memory_space<semaphore_mem>>) src(%dma_wait3A_166 : memref<128xf32, #tpu.memory_space<hbm>>) dst(%arg10 : memref<128xf32, #tpu.memory_space<vmem>>)
      tpu.yield
    }) : () -> ()
    "tpu.region"() ({
      %run_scoped3A = tpu.sem_alloc : memref<!tpu.dma_semaphore, #tpu.memory_space<semaphore_mem>>
      %dma_start3A = tpu.memref_slice %arg4[%mul3A_2] : memref<4096xf32, #tpu.memory_space<hbm>> -> memref<128xf32, #tpu.memory_space<hbm>>
      %dma_start3A_165 = tpu.memref_slice %arg4[%mul3A_2] : memref<4096xf32, #tpu.memory_space<hbm>> -> memref<128xf32, #tpu.memory_space<hbm>>
      tpu.enqueue_dma source(%dma_start3A_165 : memref<128xf32, #tpu.memory_space<hbm>>) target(%arg11 : memref<128xf32, #tpu.memory_space<vmem>>) target_semaphore(%run_scoped3A : memref<!tpu.dma_semaphore, #tpu.memory_space<semaphore_mem>>)
      %dma_wait3A = tpu.memref_slice %arg4[%mul3A_2] : memref<4096xf32, #tpu.memory_space<hbm>> -> memref<128xf32, #tpu.memory_space<hbm>>
      %dma_wait3A_166 = tpu.memref_slice %arg4[%mul3A_2] : memref<4096xf32, #tpu.memory_space<hbm>> -> memref<128xf32, #tpu.memory_space<hbm>>
      tpu.wait_dma2 semaphore(%run_scoped3A : memref<!tpu.dma_semaphore, #tpu.memory_space<semaphore_mem>>) src(%dma_wait3A_166 : memref<128xf32, #tpu.memory_space<hbm>>) dst(%arg11 : memref<128xf32, #tpu.memory_space<vmem>>)
      tpu.yield
    }) : () -> ()
    "tpu.region"() ({
      %run_scoped3A = tpu.sem_alloc : memref<!tpu.dma_semaphore, #tpu.memory_space<semaphore_mem>>
      tpu.enqueue_dma source(%arg5 : memref<2048xf32, #tpu.memory_space<hbm>>) target(%arg12 : memref<2048xf32, #tpu.memory_space<vmem>>) target_semaphore(%run_scoped3A : memref<!tpu.dma_semaphore, #tpu.memory_space<semaphore_mem>>)
      tpu.wait_dma2 semaphore(%run_scoped3A : memref<!tpu.dma_semaphore, #tpu.memory_space<semaphore_mem>>) src(%arg5 : memref<2048xf32, #tpu.memory_space<hbm>>) dst(%arg12 : memref<2048xf32, #tpu.memory_space<vmem>>)
      tpu.yield
    }) : () -> ()
    "tpu.region"() ({
      %run_scoped3A = tpu.sem_alloc : memref<!tpu.dma_semaphore, #tpu.memory_space<semaphore_mem>>
      tpu.enqueue_dma source(%arg6 : memref<2048xf32, #tpu.memory_space<hbm>>) target(%arg13 : memref<2048xf32, #tpu.memory_space<vmem>>) target_semaphore(%run_scoped3A : memref<!tpu.dma_semaphore, #tpu.memory_space<semaphore_mem>>)
      tpu.wait_dma2 semaphore(%run_scoped3A : memref<!tpu.dma_semaphore, #tpu.memory_space<semaphore_mem>>) src(%arg6 : memref<2048xf32, #tpu.memory_space<hbm>>) dst(%arg13 : memref<2048xf32, #tpu.memory_space<vmem>>)
      tpu.yield
    }) : () -> ()
    "tpu.region"() ({
      %run_scoped3A = tpu.sem_alloc : memref<!tpu.dma_semaphore, #tpu.memory_space<semaphore_mem>>
      tpu.enqueue_dma source(%arg7 : memref<2048xf32, #tpu.memory_space<hbm>>) target(%arg14 : memref<2048xf32, #tpu.memory_space<vmem>>) target_semaphore(%run_scoped3A : memref<!tpu.dma_semaphore, #tpu.memory_space<semaphore_mem>>)
      tpu.wait_dma2 semaphore(%run_scoped3A : memref<!tpu.dma_semaphore, #tpu.memory_space<semaphore_mem>>) src(%arg7 : memref<2048xf32, #tpu.memory_space<hbm>>) dst(%arg14 : memref<2048xf32, #tpu.memory_space<vmem>>)
      tpu.yield
    }) : () -> ()
    %scan3A = arith.constant 0 : i32
    %scan3A_3 = arith.constant 0 : i32
    %scan3A_4 = arith.constant 128 : i32
    %scan3A_5 = arith.addi %scan3A_3, %scan3A_4 : i32
    %scan3A_6 = arith.constant 1 : i32
    scf.for %scan3A_165 = %scan3A_3 to %scan3A_5 step %scan3A_6  : i32 {
      %mul3A_166 = arith.constant 16 : i32
      %mul3A_167 = arith.muli %scan3A_165, %mul3A_166 : i32
      %get3A_168 = arith.index_cast %mul3A_167 : i32 to index
      %get3A_169 = tpu.vector_load %arg12[%get3A_168] {strides = array<i32>} : memref<2048xf32, #tpu.memory_space<vmem>>, vector<16xf32>,
      %get3A_170 = vector.shape_cast %get3A_169 : vector<16xf32> to vector<16xf32>
      %mul3A_171 = arith.constant 16 : i32
      %mul3A_172 = arith.muli %scan3A_165, %mul3A_171 : i32
      %get3A_173 = arith.index_cast %mul3A_172 : i32 to index
      %get3A_174 = tpu.vector_load %arg13[%get3A_173] {strides = array<i32>} : memref<2048xf32, #tpu.memory_space<vmem>>, vector<16xf32>,
      %get3A_175 = vector.shape_cast %get3A_174 : vector<16xf32> to vector<16xf32>
      %mul3A_176 = arith.constant 16 : i32
      %mul3A_177 = arith.muli %scan3A_165, %mul3A_176 : i32
      %get3A_178 = arith.index_cast %mul3A_177 : i32 to index
      %get3A_179 = tpu.vector_load %arg14[%get3A_178] {strides = array<i32>} : memref<2048xf32, #tpu.memory_space<vmem>>, vector<16xf32>,
      %get3A_180 = vector.shape_cast %get3A_179 : vector<16xf32> to vector<16xf32>
      %mul3A_181 = arith.mulf %get3A_170, %get3A_170 : vector<16xf32>
      %mul3A_182 = arith.mulf %get3A_175, %get3A_175 : vector<16xf32>
      %add3A_183 = arith.addf %mul3A_181, %mul3A_182 : vector<16xf32>
      %mul3A_184 = arith.mulf %get3A_180, %get3A_180 : vector<16xf32>
      %add3A_185 = arith.addf %add3A_183, %mul3A_184 : vector<16xf32>
      %mul3A_186 = arith.constant 16 : i32
      %mul3A_187 = arith.muli %scan3A_165, %mul3A_186 : i32
      %swap3A_188 = arith.index_cast %mul3A_187 : i32 to index
      %swap3A_189 = tpu.vector_load %arg15[%swap3A_188] {strides = array<i32>} : memref<2048xf32, #tpu.memory_space<vmem>>, vector<16xf32>,
      %swap3A_190 = vector.shape_cast %swap3A_189 : vector<16xf32> to vector<16xf32>
      %swap3A_191 = vector.shape_cast %add3A_185 : vector<16xf32> to vector<16xf32>
      tpu.vector_store %arg15[%swap3A_188], %swap3A_191 {strides = array<i32>} : memref<2048xf32, #tpu.memory_space<vmem>>, vector<16xf32>,
      %mul3A_192 = arith.constant -2.000000e+00 : f32
      %mul3A_193 = vector.broadcast %mul3A_192 : f32 to vector<16xf32>
      %mul3A_194 = arith.mulf %get3A_170, %mul3A_193 : vector<16xf32>
      %mul3A_195 = arith.constant 16 : i32
      %mul3A_196 = arith.muli %scan3A_165, %mul3A_195 : i32
      %swap3A_197 = arith.index_cast %mul3A_196 : i32 to index
      %swap3A_198 = tpu.vector_load %arg12[%swap3A_197] {strides = array<i32>} : memref<2048xf32, #tpu.memory_space<vmem>>, vector<16xf32>,
      %swap3A_199 = vector.shape_cast %swap3A_198 : vector<16xf32> to vector<16xf32>
      %swap3A_200 = vector.shape_cast %mul3A_194 : vector<16xf32> to vector<16xf32>
      tpu.vector_store %arg12[%swap3A_197], %swap3A_200 {strides = array<i32>} : memref<2048xf32, #tpu.memory_space<vmem>>, vector<16xf32>,
      %mul3A_201 = arith.constant -2.000000e+00 : f32
      %mul3A_202 = vector.broadcast %mul3A_201 : f32 to vector<16xf32>
      %mul3A_203 = arith.mulf %get3A_175, %mul3A_202 : vector<16xf32>
      %mul3A_204 = arith.constant 16 : i32
      %mul3A_205 = arith.muli %scan3A_165, %mul3A_204 : i32
      %swap3A_206 = arith.index_cast %mul3A_205 : i32 to index
      %swap3A_207 = tpu.vector_load %arg13[%swap3A_206] {strides = array<i32>} : memref<2048xf32, #tpu.memory_space<vmem>>, vector<16xf32>,
      %swap3A_208 = vector.shape_cast %swap3A_207 : vector<16xf32> to vector<16xf32>
      %swap3A_209 = vector.shape_cast %mul3A_203 : vector<16xf32> to vector<16xf32>
      tpu.vector_store %arg13[%swap3A_206], %swap3A_209 {strides = array<i32>} : memref<2048xf32, #tpu.memory_space<vmem>>, vector<16xf32>,
      %mul3A_210 = arith.constant -2.000000e+00 : f32
      %mul3A_211 = vector.broadcast %mul3A_210 : f32 to vector<16xf32>
      %mul3A_212 = arith.mulf %get3A_180, %mul3A_211 : vector<16xf32>
      %mul3A_213 = arith.constant 16 : i32
      %mul3A_214 = arith.muli %scan3A_165, %mul3A_213 : i32
      %swap3A_215 = arith.index_cast %mul3A_214 : i32 to index
      %swap3A_216 = tpu.vector_load %arg14[%swap3A_215] {strides = array<i32>} : memref<2048xf32, #tpu.memory_space<vmem>>, vector<16xf32>,
      %swap3A_217 = vector.shape_cast %swap3A_216 : vector<16xf32> to vector<16xf32>
      %swap3A_218 = vector.shape_cast %mul3A_212 : vector<16xf32> to vector<16xf32>
      tpu.vector_store %arg14[%swap3A_215], %swap3A_218 {strides = array<i32>} : memref<2048xf32, #tpu.memory_space<vmem>>, vector<16xf32>,
    }
    %scan3A_7 = arith.constant 128 : i32
    %broadcast_in_dim3A = arith.constant 1.000000e+30 : f32
    %broadcast_in_dim3A_8 = vector.broadcast %broadcast_in_dim3A : f32 to vector<16xf32>
    %get3A = arith.constant 0 : index
    %get3A_9 = tpu.vector_load %arg9[%get3A] {strides = array<i32>} : memref<128xf32, #tpu.memory_space<vmem>>, vector<16xf32>,
    %get3A_10 = vector.shape_cast %get3A_9 : vector<16xf32> to vector<16xf32>
    %get3A_11 = arith.constant 16 : index
    %get3A_12 = tpu.vector_load %arg9[%get3A_11] {strides = array<i32>} : memref<128xf32, #tpu.memory_space<vmem>>, vector<16xf32>,
    %get3A_13 = vector.shape_cast %get3A_12 : vector<16xf32> to vector<16xf32>
    %get3A_14 = arith.constant 32 : index
    %get3A_15 = tpu.vector_load %arg9[%get3A_14] {strides = array<i32>} : memref<128xf32, #tpu.memory_space<vmem>>, vector<16xf32>,
    %get3A_16 = vector.shape_cast %get3A_15 : vector<16xf32> to vector<16xf32>
    %get3A_17 = arith.constant 48 : index
    %get3A_18 = tpu.vector_load %arg9[%get3A_17] {strides = array<i32>} : memref<128xf32, #tpu.memory_space<vmem>>, vector<16xf32>,
    %get3A_19 = vector.shape_cast %get3A_18 : vector<16xf32> to vector<16xf32>
    %get3A_20 = arith.constant 64 : index
    %get3A_21 = tpu.vector_load %arg9[%get3A_20] {strides = array<i32>} : memref<128xf32, #tpu.memory_space<vmem>>, vector<16xf32>,
    %get3A_22 = vector.shape_cast %get3A_21 : vector<16xf32> to vector<16xf32>
    %get3A_23 = arith.constant 80 : index
    %get3A_24 = tpu.vector_load %arg9[%get3A_23] {strides = array<i32>} : memref<128xf32, #tpu.memory_space<vmem>>, vector<16xf32>,
    %get3A_25 = vector.shape_cast %get3A_24 : vector<16xf32> to vector<16xf32>
    %get3A_26 = arith.constant 96 : index
    %get3A_27 = tpu.vector_load %arg9[%get3A_26] {strides = array<i32>} : memref<128xf32, #tpu.memory_space<vmem>>, vector<16xf32>,
    %get3A_28 = vector.shape_cast %get3A_27 : vector<16xf32> to vector<16xf32>
    %get3A_29 = arith.constant 112 : index
    %get3A_30 = tpu.vector_load %arg9[%get3A_29] {strides = array<i32>} : memref<128xf32, #tpu.memory_space<vmem>>, vector<16xf32>,
    %get3A_31 = vector.shape_cast %get3A_30 : vector<16xf32> to vector<16xf32>
    %get3A_32 = arith.constant 0 : index
    %get3A_33 = tpu.vector_load %arg10[%get3A_32] {strides = array<i32>} : memref<128xf32, #tpu.memory_space<vmem>>, vector<16xf32>,
    %get3A_34 = vector.shape_cast %get3A_33 : vector<16xf32> to vector<16xf32>
    %get3A_35 = arith.constant 16 : index
    %get3A_36 = tpu.vector_load %arg10[%get3A_35] {strides = array<i32>} : memref<128xf32, #tpu.memory_space<vmem>>, vector<16xf32>,
    %get3A_37 = vector.shape_cast %get3A_36 : vector<16xf32> to vector<16xf32>
    %get3A_38 = arith.constant 32 : index
    %get3A_39 = tpu.vector_load %arg10[%get3A_38] {strides = array<i32>} : memref<128xf32, #tpu.memory_space<vmem>>, vector<16xf32>,
    %get3A_40 = vector.shape_cast %get3A_39 : vector<16xf32> to vector<16xf32>
    %get3A_41 = arith.constant 48 : index
    %get3A_42 = tpu.vector_load %arg10[%get3A_41] {strides = array<i32>} : memref<128xf32, #tpu.memory_space<vmem>>, vector<16xf32>,
    %get3A_43 = vector.shape_cast %get3A_42 : vector<16xf32> to vector<16xf32>
    %get3A_44 = arith.constant 64 : index
    %get3A_45 = tpu.vector_load %arg10[%get3A_44] {strides = array<i32>} : memref<128xf32, #tpu.memory_space<vmem>>, vector<16xf32>,
    %get3A_46 = vector.shape_cast %get3A_45 : vector<16xf32> to vector<16xf32>
    %get3A_47 = arith.constant 80 : index
    %get3A_48 = tpu.vector_load %arg10[%get3A_47] {strides = array<i32>} : memref<128xf32, #tpu.memory_space<vmem>>, vector<16xf32>,
    %get3A_49 = vector.shape_cast %get3A_48 : vector<16xf32> to vector<16xf32>
    %get3A_50 = arith.constant 96 : index
    %get3A_51 = tpu.vector_load %arg10[%get3A_50] {strides = array<i32>} : memref<128xf32, #tpu.memory_space<vmem>>, vector<16xf32>,
    %get3A_52 = vector.shape_cast %get3A_51 : vector<16xf32> to vector<16xf32>
    %get3A_53 = arith.constant 112 : index
    %get3A_54 = tpu.vector_load %arg10[%get3A_53] {strides = array<i32>} : memref<128xf32, #tpu.memory_space<vmem>>, vector<16xf32>,
    %get3A_55 = vector.shape_cast %get3A_54 : vector<16xf32> to vector<16xf32>
    %get3A_56 = arith.constant 0 : index
    %get3A_57 = tpu.vector_load %arg11[%get3A_56] {strides = array<i32>} : memref<128xf32, #tpu.memory_space<vmem>>, vector<16xf32>,
    %get3A_58 = vector.shape_cast %get3A_57 : vector<16xf32> to vector<16xf32>
    %get3A_59 = arith.constant 16 : index
    %get3A_60 = tpu.vector_load %arg11[%get3A_59] {strides = array<i32>} : memref<128xf32, #tpu.memory_space<vmem>>, vector<16xf32>,
    %get3A_61 = vector.shape_cast %get3A_60 : vector<16xf32> to vector<16xf32>
    %get3A_62 = arith.constant 32 : index
    %get3A_63 = tpu.vector_load %arg11[%get3A_62] {strides = array<i32>} : memref<128xf32, #tpu.memory_space<vmem>>, vector<16xf32>,
    %get3A_64 = vector.shape_cast %get3A_63 : vector<16xf32> to vector<16xf32>
    %get3A_65 = arith.constant 48 : index
    %get3A_66 = tpu.vector_load %arg11[%get3A_65] {strides = array<i32>} : memref<128xf32, #tpu.memory_space<vmem>>, vector<16xf32>,
    %get3A_67 = vector.shape_cast %get3A_66 : vector<16xf32> to vector<16xf32>
    %get3A_68 = arith.constant 64 : index
    %get3A_69 = tpu.vector_load %arg11[%get3A_68] {strides = array<i32>} : memref<128xf32, #tpu.memory_space<vmem>>, vector<16xf32>,
    %get3A_70 = vector.shape_cast %get3A_69 : vector<16xf32> to vector<16xf32>
    %get3A_71 = arith.constant 80 : index
    %get3A_72 = tpu.vector_load %arg11[%get3A_71] {strides = array<i32>} : memref<128xf32, #tpu.memory_space<vmem>>, vector<16xf32>,
    %get3A_73 = vector.shape_cast %get3A_72 : vector<16xf32> to vector<16xf32>
    %get3A_74 = arith.constant 96 : index
    %get3A_75 = tpu.vector_load %arg11[%get3A_74] {strides = array<i32>} : memref<128xf32, #tpu.memory_space<vmem>>, vector<16xf32>,
    %get3A_76 = vector.shape_cast %get3A_75 : vector<16xf32> to vector<16xf32>
    %get3A_77 = arith.constant 112 : index
    %get3A_78 = tpu.vector_load %arg11[%get3A_77] {strides = array<i32>} : memref<128xf32, #tpu.memory_space<vmem>>, vector<16xf32>,
    %get3A_79 = vector.shape_cast %get3A_78 : vector<16xf32> to vector<16xf32>
    %scan3A_80 = arith.constant 0 : i32
    %scan3A_81 = arith.constant 64 : i32
    %scan3A_82 = arith.addi %scan3A_80, %scan3A_81 : i32
    %scan3A_83 = arith.constant 1 : i32
    %scan3A_84:8 = scf.for %scan3A_165 = %scan3A_80 to %scan3A_82 step %scan3A_83 iter_args(%scan3A_166 = %broadcast_in_dim3A_8, %scan3A_167 = %broadcast_in_dim3A_8, %scan3A_168 = %broadcast_in_dim3A_8, %scan3A_169 = %broadcast_in_dim3A_8, %scan3A_170 = %broadcast_in_dim3A_8, %scan3A_171 = %broadcast_in_dim3A_8, %scan3A_172 = %broadcast_in_dim3A_8, %scan3A_173 = %broadcast_in_dim3A_8) -> (vector<16xf32>, vector<16xf32>, vector<16xf32>, vector<16xf32>, vector<16xf32>, vector<16xf32>, vector<16xf32>, vector<16xf32>)  : i32 {
      %mul3A_174 = arith.constant 32 : i32
      %mul3A_175 = arith.muli %scan3A_165, %mul3A_174 : i32
      %add3A_176 = arith.constant 0 : i32
      %add3A_177 = arith.addi %mul3A_175, %add3A_176 : i32
      %get3A_178 = arith.index_cast %add3A_177 : i32 to index
      %get3A_179 = tpu.vector_load %arg12[%get3A_178] {strides = array<i32>} : memref<2048xf32, #tpu.memory_space<vmem>>, vector<16xf32>,
      %get3A_180 = vector.shape_cast %get3A_179 : vector<16xf32> to vector<16xf32>
      %add3A_181 = arith.constant 0 : i32
      %add3A_182 = arith.addi %mul3A_175, %add3A_181 : i32
      %get3A_183 = arith.index_cast %add3A_182 : i32 to index
      %get3A_184 = tpu.vector_load %arg13[%get3A_183] {strides = array<i32>} : memref<2048xf32, #tpu.memory_space<vmem>>, vector<16xf32>,
      %get3A_185 = vector.shape_cast %get3A_184 : vector<16xf32> to vector<16xf32>
      %add3A_186 = arith.constant 0 : i32
      %add3A_187 = arith.addi %mul3A_175, %add3A_186 : i32
      %get3A_188 = arith.index_cast %add3A_187 : i32 to index
      %get3A_189 = tpu.vector_load %arg14[%get3A_188] {strides = array<i32>} : memref<2048xf32, #tpu.memory_space<vmem>>, vector<16xf32>,
      %get3A_190 = vector.shape_cast %get3A_189 : vector<16xf32> to vector<16xf32>
      %add3A_191 = arith.constant 0 : i32
      %add3A_192 = arith.addi %mul3A_175, %add3A_191 : i32
      %get3A_193 = arith.index_cast %add3A_192 : i32 to index
      %get3A_194 = tpu.vector_load %arg15[%get3A_193] {strides = array<i32>} : memref<2048xf32, #tpu.memory_space<vmem>>, vector<16xf32>,
      %get3A_195 = vector.shape_cast %get3A_194 : vector<16xf32> to vector<16xf32>
      %slice3A = vector.extract_strided_slice %get3A_180 {offsets = [0], sizes = [1], strides = [1]} : vector<16xf32> to vector<1xf32>
      %squeeze3A = vector.extract %slice3A[0] : f32 from vector<1xf32>
      %broadcast_in_dim3A_196 = vector.broadcast %squeeze3A : f32 to vector<16xf32>
      %swap3A_197 = arith.constant 0 : index
      %swap3A_198 = tpu.vector_load %arg16[%swap3A_197] {strides = array<i32>} : memref<512xf32, #tpu.memory_space<vmem>>, vector<16xf32>,
      %swap3A_199 = vector.shape_cast %swap3A_198 : vector<16xf32> to vector<16xf32>
      %swap3A_200 = vector.shape_cast %broadcast_in_dim3A_196 : vector<16xf32> to vector<16xf32>
      tpu.vector_store %arg16[%swap3A_197], %swap3A_200 {strides = array<i32>} : memref<512xf32, #tpu.memory_space<vmem>>, vector<16xf32>,
      %slice3A_201 = vector.extract_strided_slice %get3A_185 {offsets = [0], sizes = [1], strides = [1]} : vector<16xf32> to vector<1xf32>
      %squeeze3A_202 = vector.extract %slice3A_201[0] : f32 from vector<1xf32>
      %broadcast_in_dim3A_203 = vector.broadcast %squeeze3A_202 : f32 to vector<16xf32>
      %swap3A_204 = arith.constant 0 : index
      %swap3A_205 = tpu.vector_load %arg17[%swap3A_204] {strides = array<i32>} : memref<512xf32, #tpu.memory_space<vmem>>, vector<16xf32>,
      %swap3A_206 = vector.shape_cast %swap3A_205 : vector<16xf32> to vector<16xf32>
      %swap3A_207 = vector.shape_cast %broadcast_in_dim3A_203 : vector<16xf32> to vector<16xf32>
      tpu.vector_store %arg17[%swap3A_204], %swap3A_207 {strides = array<i32>} : memref<512xf32, #tpu.memory_space<vmem>>, vector<16xf32>,
      %slice3A_208 = vector.extract_strided_slice %get3A_190 {offsets = [0], sizes = [1], strides = [1]} : vector<16xf32> to vector<1xf32>
      %squeeze3A_209 = vector.extract %slice3A_208[0] : f32 from vector<1xf32>
      %broadcast_in_dim3A_210 = vector.broadcast %squeeze3A_209 : f32 to vector<16xf32>
      %swap3A_211 = arith.constant 0 : index
      %swap3A_212 = tpu.vector_load %arg18[%swap3A_211] {strides = array<i32>} : memref<512xf32, #tpu.memory_space<vmem>>, vector<16xf32>,
      %swap3A_213 = vector.shape_cast %swap3A_212 : vector<16xf32> to vector<16xf32>
      %swap3A_214 = vector.shape_cast %broadcast_in_dim3A_210 : vector<16xf32> to vector<16xf32>
      tpu.vector_store %arg18[%swap3A_211], %swap3A_214 {strides = array<i32>} : memref<512xf32, #tpu.memory_space<vmem>>, vector<16xf32>,
      %slice3A_215 = vector.extract_strided_slice %get3A_195 {offsets = [0], sizes = [1], strides = [1]} : vector<16xf32> to vector<1xf32>
      %squeeze3A_216 = vector.extract %slice3A_215[0] : f32 from vector<1xf32>
      %broadcast_in_dim3A_217 = vector.broadcast %squeeze3A_216 : f32 to vector<16xf32>
      %swap3A_218 = arith.constant 0 : index
      %swap3A_219 = tpu.vector_load %arg19[%swap3A_218] {strides = array<i32>} : memref<512xf32, #tpu.memory_space<vmem>>, vector<16xf32>,
      %swap3A_220 = vector.shape_cast %swap3A_219 : vector<16xf32> to vector<16xf32>
      %swap3A_221 = vector.shape_cast %broadcast_in_dim3A_217 : vector<16xf32> to vector<16xf32>
      tpu.vector_store %arg19[%swap3A_218], %swap3A_221 {strides = array<i32>} : memref<512xf32, #tpu.memory_space<vmem>>, vector<16xf32>,
      %slice3A_222 = vector.extract_strided_slice %get3A_180 {offsets = [1], sizes = [1], strides = [1]} : vector<16xf32> to vector<1xf32>
      %squeeze3A_223 = vector.extract %slice3A_222[0] : f32 from vector<1xf32>
      %broadcast_in_dim3A_224 = vector.broadcast %squeeze3A_223 : f32 to vector<16xf32>
      %swap3A_225 = arith.constant 16 : index
      %swap3A_226 = tpu.vector_load %arg16[%swap3A_225] {strides = array<i32>} : memref<512xf32, #tpu.memory_space<vmem>>, vector<16xf32>,
      %swap3A_227 = vector.shape_cast %swap3A_226 : vector<16xf32> to vector<16xf32>
      %swap3A_228 = vector.shape_cast %broadcast_in_dim3A_224 : vector<16xf32> to vector<16xf32>
      tpu.vector_store %arg16[%swap3A_225], %swap3A_228 {strides = array<i32>} : memref<512xf32, #tpu.memory_space<vmem>>, vector<16xf32>,
      %slice3A_229 = vector.extract_strided_slice %get3A_185 {offsets = [1], sizes = [1], strides = [1]} : vector<16xf32> to vector<1xf32>
      %squeeze3A_230 = vector.extract %slice3A_229[0] : f32 from vector<1xf32>
      %broadcast_in_dim3A_231 = vector.broadcast %squeeze3A_230 : f32 to vector<16xf32>
      %swap3A_232 = arith.constant 16 : index
      %swap3A_233 = tpu.vector_load %arg17[%swap3A_232] {strides = array<i32>} : memref<512xf32, #tpu.memory_space<vmem>>, vector<16xf32>,
      %swap3A_234 = vector.shape_cast %swap3A_233 : vector<16xf32> to vector<16xf32>
      %swap3A_235 = vector.shape_cast %broadcast_in_dim3A_231 : vector<16xf32> to vector<16xf32>
      tpu.vector_store %arg17[%swap3A_232], %swap3A_235 {strides = array<i32>} : memref<512xf32, #tpu.memory_space<vmem>>, vector<16xf32>,
      %slice3A_236 = vector.extract_strided_slice %get3A_190 {offsets = [1], sizes = [1], strides = [1]} : vector<16xf32> to vector<1xf32>
      %squeeze3A_237 = vector.extract %slice3A_236[0] : f32 from vector<1xf32>
      %broadcast_in_dim3A_238 = vector.broadcast %squeeze3A_237 : f32 to vector<16xf32>
      %swap3A_239 = arith.constant 16 : index
      %swap3A_240 = tpu.vector_load %arg18[%swap3A_239] {strides = array<i32>} : memref<512xf32, #tpu.memory_space<vmem>>, vector<16xf32>,
      %swap3A_241 = vector.shape_cast %swap3A_240 : vector<16xf32> to vector<16xf32>
      %swap3A_242 = vector.shape_cast %broadcast_in_dim3A_238 : vector<16xf32> to vector<16xf32>
      tpu.vector_store %arg18[%swap3A_239], %swap3A_242 {strides = array<i32>} : memref<512xf32, #tpu.memory_space<vmem>>, vector<16xf32>,
      %slice3A_243 = vector.extract_strided_slice %get3A_195 {offsets = [1], sizes = [1], strides = [1]} : vector<16xf32> to vector<1xf32>
      %squeeze3A_244 = vector.extract %slice3A_243[0] : f32 from vector<1xf32>
      %broadcast_in_dim3A_245 = vector.broadcast %squeeze3A_244 : f32 to vector<16xf32>
      %swap3A_246 = arith.constant 16 : index
      %swap3A_247 = tpu.vector_load %arg19[%swap3A_246] {strides = array<i32>} : memref<512xf32, #tpu.memory_space<vmem>>, vector<16xf32>,
      %swap3A_248 = vector.shape_cast %swap3A_247 : vector<16xf32> to vector<16xf32>
      %swap3A_249 = vector.shape_cast %broadcast_in_dim3A_245 : vector<16xf32> to vector<16xf32>
      tpu.vector_store %arg19[%swap3A_246], %swap3A_249 {strides = array<i32>} : memref<512xf32, #tpu.memory_space<vmem>>, vector<16xf32>,
      %slice3A_250 = vector.extract_strided_slice %get3A_180 {offsets = [2], sizes = [1], strides = [1]} : vector<16xf32> to vector<1xf32>
      %squeeze3A_251 = vector.extract %slice3A_250[0] : f32 from vector<1xf32>
      %broadcast_in_dim3A_252 = vector.broadcast %squeeze3A_251 : f32 to vector<16xf32>
      %swap3A_253 = arith.constant 32 : index
      %swap3A_254 = tpu.vector_load %arg16[%swap3A_253] {strides = array<i32>} : memref<512xf32, #tpu.memory_space<vmem>>, vector<16xf32>,
      %swap3A_255 = vector.shape_cast %swap3A_254 : vector<16xf32> to vector<16xf32>
      %swap3A_256 = vector.shape_cast %broadcast_in_dim3A_252 : vector<16xf32> to vector<16xf32>
      tpu.vector_store %arg16[%swap3A_253], %swap3A_256 {strides = array<i32>} : memref<512xf32, #tpu.memory_space<vmem>>, vector<16xf32>,
      %slice3A_257 = vector.extract_strided_slice %get3A_185 {offsets = [2], sizes = [1], strides = [1]} : vector<16xf32> to vector<1xf32>
      %squeeze3A_258 = vector.extract %slice3A_257[0] : f32 from vector<1xf32>
      %broadcast_in_dim3A_259 = vector.broadcast %squeeze3A_258 : f32 to vector<16xf32>
      %swap3A_260 = arith.constant 32 : index
      %swap3A_261 = tpu.vector_load %arg17[%swap3A_260] {strides = array<i32>} : memref<512xf32, #tpu.memory_space<vmem>>, vector<16xf32>,
      %swap3A_262 = vector.shape_cast %swap3A_261 : vector<16xf32> to vector<16xf32>
      %swap3A_263 = vector.shape_cast %broadcast_in_dim3A_259 : vector<16xf32> to vector<16xf32>
      tpu.vector_store %arg17[%swap3A_260], %swap3A_263 {strides = array<i32>} : memref<512xf32, #tpu.memory_space<vmem>>, vector<16xf32>,
      %slice3A_264 = vector.extract_strided_slice %get3A_190 {offsets = [2], sizes = [1], strides = [1]} : vector<16xf32> to vector<1xf32>
      %squeeze3A_265 = vector.extract %slice3A_264[0] : f32 from vector<1xf32>
      %broadcast_in_dim3A_266 = vector.broadcast %squeeze3A_265 : f32 to vector<16xf32>
      %swap3A_267 = arith.constant 32 : index
      %swap3A_268 = tpu.vector_load %arg18[%swap3A_267] {strides = array<i32>} : memref<512xf32, #tpu.memory_space<vmem>>, vector<16xf32>,
      %swap3A_269 = vector.shape_cast %swap3A_268 : vector<16xf32> to vector<16xf32>
      %swap3A_270 = vector.shape_cast %broadcast_in_dim3A_266 : vector<16xf32> to vector<16xf32>
      tpu.vector_store %arg18[%swap3A_267], %swap3A_270 {strides = array<i32>} : memref<512xf32, #tpu.memory_space<vmem>>, vector<16xf32>,
      %slice3A_271 = vector.extract_strided_slice %get3A_195 {offsets = [2], sizes = [1], strides = [1]} : vector<16xf32> to vector<1xf32>
      %squeeze3A_272 = vector.extract %slice3A_271[0] : f32 from vector<1xf32>
      %broadcast_in_dim3A_273 = vector.broadcast %squeeze3A_272 : f32 to vector<16xf32>
      %swap3A_274 = arith.constant 32 : index
      %swap3A_275 = tpu.vector_load %arg19[%swap3A_274] {strides = array<i32>} : memref<512xf32, #tpu.memory_space<vmem>>, vector<16xf32>,
      %swap3A_276 = vector.shape_cast %swap3A_275 : vector<16xf32> to vector<16xf32>
      %swap3A_277 = vector.shape_cast %broadcast_in_dim3A_273 : vector<16xf32> to vector<16xf32>
      tpu.vector_store %arg19[%swap3A_274], %swap3A_277 {strides = array<i32>} : memref<512xf32, #tpu.memory_space<vmem>>, vector<16xf32>,
      %slice3A_278 = vector.extract_strided_slice %get3A_180 {offsets = [3], sizes = [1], strides = [1]} : vector<16xf32> to vector<1xf32>
      %squeeze3A_279 = vector.extract %slice3A_278[0] : f32 from vector<1xf32>
      %broadcast_in_dim3A_280 = vector.broadcast %squeeze3A_279 : f32 to vector<16xf32>
      %swap3A_281 = arith.constant 48 : index
      %swap3A_282 = tpu.vector_load %arg16[%swap3A_281] {strides = array<i32>} : memref<512xf32, #tpu.memory_space<vmem>>, vector<16xf32>,
      %swap3A_283 = vector.shape_cast %swap3A_282 : vector<16xf32> to vector<16xf32>
      %swap3A_284 = vector.shape_cast %broadcast_in_dim3A_280 : vector<16xf32> to vector<16xf32>
      tpu.vector_store %arg16[%swap3A_281], %swap3A_284 {strides = array<i32>} : memref<512xf32, #tpu.memory_space<vmem>>, vector<16xf32>,
      %slice3A_285 = vector.extract_strided_slice %get3A_185 {offsets = [3], sizes = [1], strides = [1]} : vector<16xf32> to vector<1xf32>
      %squeeze3A_286 = vector.extract %slice3A_285[0] : f32 from vector<1xf32>
      %broadcast_in_dim3A_287 = vector.broadcast %squeeze3A_286 : f32 to vector<16xf32>
      %swap3A_288 = arith.constant 48 : index
      %swap3A_289 = tpu.vector_load %arg17[%swap3A_288] {strides = array<i32>} : memref<512xf32, #tpu.memory_space<vmem>>, vector<16xf32>,
      %swap3A_290 = vector.shape_cast %swap3A_289 : vector<16xf32> to vector<16xf32>
      %swap3A_291 = vector.shape_cast %broadcast_in_dim3A_287 : vector<16xf32> to vector<16xf32>
      tpu.vector_store %arg17[%swap3A_288], %swap3A_291 {strides = array<i32>} : memref<512xf32, #tpu.memory_space<vmem>>, vector<16xf32>,
      %slice3A_292 = vector.extract_strided_slice %get3A_190 {offsets = [3], sizes = [1], strides = [1]} : vector<16xf32> to vector<1xf32>
      %squeeze3A_293 = vector.extract %slice3A_292[0] : f32 from vector<1xf32>
      %broadcast_in_dim3A_294 = vector.broadcast %squeeze3A_293 : f32 to vector<16xf32>
      %swap3A_295 = arith.constant 48 : index
      %swap3A_296 = tpu.vector_load %arg18[%swap3A_295] {strides = array<i32>} : memref<512xf32, #tpu.memory_space<vmem>>, vector<16xf32>,
      %swap3A_297 = vector.shape_cast %swap3A_296 : vector<16xf32> to vector<16xf32>
      %swap3A_298 = vector.shape_cast %broadcast_in_dim3A_294 : vector<16xf32> to vector<16xf32>
      tpu.vector_store %arg18[%swap3A_295], %swap3A_298 {strides = array<i32>} : memref<512xf32, #tpu.memory_space<vmem>>, vector<16xf32>,
      %slice3A_299 = vector.extract_strided_slice %get3A_195 {offsets = [3], sizes = [1], strides = [1]} : vector<16xf32> to vector<1xf32>
      %squeeze3A_300 = vector.extract %slice3A_299[0] : f32 from vector<1xf32>
      %broadcast_in_dim3A_301 = vector.broadcast %squeeze3A_300 : f32 to vector<16xf32>
      %swap3A_302 = arith.constant 48 : index
      %swap3A_303 = tpu.vector_load %arg19[%swap3A_302] {strides = array<i32>} : memref<512xf32, #tpu.memory_space<vmem>>, vector<16xf32>,
      %swap3A_304 = vector.shape_cast %swap3A_303 : vector<16xf32> to vector<16xf32>
      %swap3A_305 = vector.shape_cast %broadcast_in_dim3A_301 : vector<16xf32> to vector<16xf32>
      tpu.vector_store %arg19[%swap3A_302], %swap3A_305 {strides = array<i32>} : memref<512xf32, #tpu.memory_space<vmem>>, vector<16xf32>,
      %slice3A_306 = vector.extract_strided_slice %get3A_180 {offsets = [4], sizes = [1], strides = [1]} : vector<16xf32> to vector<1xf32>
      %squeeze3A_307 = vector.extract %slice3A_306[0] : f32 from vector<1xf32>
      %broadcast_in_dim3A_308 = vector.broadcast %squeeze3A_307 : f32 to vector<16xf32>
      %swap3A_309 = arith.constant 64 : index
      %swap3A_310 = tpu.vector_load %arg16[%swap3A_309] {strides = array<i32>} : memref<512xf32, #tpu.memory_space<vmem>>, vector<16xf32>,
      %swap3A_311 = vector.shape_cast %swap3A_310 : vector<16xf32> to vector<16xf32>
      %swap3A_312 = vector.shape_cast %broadcast_in_dim3A_308 : vector<16xf32> to vector<16xf32>
      tpu.vector_store %arg16[%swap3A_309], %swap3A_312 {strides = array<i32>} : memref<512xf32, #tpu.memory_space<vmem>>, vector<16xf32>,
      %slice3A_313 = vector.extract_strided_slice %get3A_185 {offsets = [4], sizes = [1], strides = [1]} : vector<16xf32> to vector<1xf32>
      %squeeze3A_314 = vector.extract %slice3A_313[0] : f32 from vector<1xf32>
      %broadcast_in_dim3A_315 = vector.broadcast %squeeze3A_314 : f32 to vector<16xf32>
      %swap3A_316 = arith.constant 64 : index
      %swap3A_317 = tpu.vector_load %arg17[%swap3A_316] {strides = array<i32>} : memref<512xf32, #tpu.memory_space<vmem>>, vector<16xf32>,
      %swap3A_318 = vector.shape_cast %swap3A_317 : vector<16xf32> to vector<16xf32>
      %swap3A_319 = vector.shape_cast %broadcast_in_dim3A_315 : vector<16xf32> to vector<16xf32>
      tpu.vector_store %arg17[%swap3A_316], %swap3A_319 {strides = array<i32>} : memref<512xf32, #tpu.memory_space<vmem>>, vector<16xf32>,
      %slice3A_320 = vector.extract_strided_slice %get3A_190 {offsets = [4], sizes = [1], strides = [1]} : vector<16xf32> to vector<1xf32>
      %squeeze3A_321 = vector.extract %slice3A_320[0] : f32 from vector<1xf32>
      %broadcast_in_dim3A_322 = vector.broadcast %squeeze3A_321 : f32 to vector<16xf32>
      %swap3A_323 = arith.constant 64 : index
      %swap3A_324 = tpu.vector_load %arg18[%swap3A_323] {strides = array<i32>} : memref<512xf32, #tpu.memory_space<vmem>>, vector<16xf32>,
      %swap3A_325 = vector.shape_cast %swap3A_324 : vector<16xf32> to vector<16xf32>
      %swap3A_326 = vector.shape_cast %broadcast_in_dim3A_322 : vector<16xf32> to vector<16xf32>
      tpu.vector_store %arg18[%swap3A_323], %swap3A_326 {strides = array<i32>} : memref<512xf32, #tpu.memory_space<vmem>>, vector<16xf32>,
      %slice3A_327 = vector.extract_strided_slice %get3A_195 {offsets = [4], sizes = [1], strides = [1]} : vector<16xf32> to vector<1xf32>
      %squeeze3A_328 = vector.extract %slice3A_327[0] : f32 from vector<1xf32>
      %broadcast_in_dim3A_329 = vector.broadcast %squeeze3A_328 : f32 to vector<16xf32>
      %swap3A_330 = arith.constant 64 : index
      %swap3A_331 = tpu.vector_load %arg19[%swap3A_330] {strides = array<i32>} : memref<512xf32, #tpu.memory_space<vmem>>, vector<16xf32>,
      %swap3A_332 = vector.shape_cast %swap3A_331 : vector<16xf32> to vector<16xf32>
      %swap3A_333 = vector.shape_cast %broadcast_in_dim3A_329 : vector<16xf32> to vector<16xf32>
      tpu.vector_store %arg19[%swap3A_330], %swap3A_333 {strides = array<i32>} : memref<512xf32, #tpu.memory_space<vmem>>, vector<16xf32>,
      %slice3A_334 = vector.extract_strided_slice %get3A_180 {offsets = [5], sizes = [1], strides = [1]} : vector<16xf32> to vector<1xf32>
      %squeeze3A_335 = vector.extract %slice3A_334[0] : f32 from vector<1xf32>
      %broadcast_in_dim3A_336 = vector.broadcast %squeeze3A_335 : f32 to vector<16xf32>
      %swap3A_337 = arith.constant 80 : index
      %swap3A_338 = tpu.vector_load %arg16[%swap3A_337] {strides = array<i32>} : memref<512xf32, #tpu.memory_space<vmem>>, vector<16xf32>,
      %swap3A_339 = vector.shape_cast %swap3A_338 : vector<16xf32> to vector<16xf32>
      %swap3A_340 = vector.shape_cast %broadcast_in_dim3A_336 : vector<16xf32> to vector<16xf32>
      tpu.vector_store %arg16[%swap3A_337], %swap3A_340 {strides = array<i32>} : memref<512xf32, #tpu.memory_space<vmem>>, vector<16xf32>,
      %slice3A_341 = vector.extract_strided_slice %get3A_185 {offsets = [5], sizes = [1], strides = [1]} : vector<16xf32> to vector<1xf32>
      %squeeze3A_342 = vector.extract %slice3A_341[0] : f32 from vector<1xf32>
      %broadcast_in_dim3A_343 = vector.broadcast %squeeze3A_342 : f32 to vector<16xf32>
      %swap3A_344 = arith.constant 80 : index
      %swap3A_345 = tpu.vector_load %arg17[%swap3A_344] {strides = array<i32>} : memref<512xf32, #tpu.memory_space<vmem>>, vector<16xf32>,
      %swap3A_346 = vector.shape_cast %swap3A_345 : vector<16xf32> to vector<16xf32>
      %swap3A_347 = vector.shape_cast %broadcast_in_dim3A_343 : vector<16xf32> to vector<16xf32>
      tpu.vector_store %arg17[%swap3A_344], %swap3A_347 {strides = array<i32>} : memref<512xf32, #tpu.memory_space<vmem>>, vector<16xf32>,
      %slice3A_348 = vector.extract_strided_slice %get3A_190 {offsets = [5], sizes = [1], strides = [1]} : vector<16xf32> to vector<1xf32>
      %squeeze3A_349 = vector.extract %slice3A_348[0] : f32 from vector<1xf32>
      %broadcast_in_dim3A_350 = vector.broadcast %squeeze3A_349 : f32 to vector<16xf32>
      %swap3A_351 = arith.constant 80 : index
      %swap3A_352 = tpu.vector_load %arg18[%swap3A_351] {strides = array<i32>} : memref<512xf32, #tpu.memory_space<vmem>>, vector<16xf32>,
      %swap3A_353 = vector.shape_cast %swap3A_352 : vector<16xf32> to vector<16xf32>
      %swap3A_354 = vector.shape_cast %broadcast_in_dim3A_350 : vector<16xf32> to vector<16xf32>
      tpu.vector_store %arg18[%swap3A_351], %swap3A_354 {strides = array<i32>} : memref<512xf32, #tpu.memory_space<vmem>>, vector<16xf32>,
      %slice3A_355 = vector.extract_strided_slice %get3A_195 {offsets = [5], sizes = [1], strides = [1]} : vector<16xf32> to vector<1xf32>
      %squeeze3A_356 = vector.extract %slice3A_355[0] : f32 from vector<1xf32>
      %broadcast_in_dim3A_357 = vector.broadcast %squeeze3A_356 : f32 to vector<16xf32>
      %swap3A_358 = arith.constant 80 : index
      %swap3A_359 = tpu.vector_load %arg19[%swap3A_358] {strides = array<i32>} : memref<512xf32, #tpu.memory_space<vmem>>, vector<16xf32>,
      %swap3A_360 = vector.shape_cast %swap3A_359 : vector<16xf32> to vector<16xf32>
      %swap3A_361 = vector.shape_cast %broadcast_in_dim3A_357 : vector<16xf32> to vector<16xf32>
      tpu.vector_store %arg19[%swap3A_358], %swap3A_361 {strides = array<i32>} : memref<512xf32, #tpu.memory_space<vmem>>, vector<16xf32>,
      %slice3A_362 = vector.extract_strided_slice %get3A_180 {offsets = [6], sizes = [1], strides = [1]} : vector<16xf32> to vector<1xf32>
      %squeeze3A_363 = vector.extract %slice3A_362[0] : f32 from vector<1xf32>
      %broadcast_in_dim3A_364 = vector.broadcast %squeeze3A_363 : f32 to vector<16xf32>
      %swap3A_365 = arith.constant 96 : index
      %swap3A_366 = tpu.vector_load %arg16[%swap3A_365] {strides = array<i32>} : memref<512xf32, #tpu.memory_space<vmem>>, vector<16xf32>,
      %swap3A_367 = vector.shape_cast %swap3A_366 : vector<16xf32> to vector<16xf32>
      %swap3A_368 = vector.shape_cast %broadcast_in_dim3A_364 : vector<16xf32> to vector<16xf32>
      tpu.vector_store %arg16[%swap3A_365], %swap3A_368 {strides = array<i32>} : memref<512xf32, #tpu.memory_space<vmem>>, vector<16xf32>,
      %slice3A_369 = vector.extract_strided_slice %get3A_185 {offsets = [6], sizes = [1], strides = [1]} : vector<16xf32> to vector<1xf32>
      %squeeze3A_370 = vector.extract %slice3A_369[0] : f32 from vector<1xf32>
      %broadcast_in_dim3A_371 = vector.broadcast %squeeze3A_370 : f32 to vector<16xf32>
      %swap3A_372 = arith.constant 96 : index
      %swap3A_373 = tpu.vector_load %arg17[%swap3A_372] {strides = array<i32>} : memref<512xf32, #tpu.memory_space<vmem>>, vector<16xf32>,
      %swap3A_374 = vector.shape_cast %swap3A_373 : vector<16xf32> to vector<16xf32>
      %swap3A_375 = vector.shape_cast %broadcast_in_dim3A_371 : vector<16xf32> to vector<16xf32>
      tpu.vector_store %arg17[%swap3A_372], %swap3A_375 {strides = array<i32>} : memref<512xf32, #tpu.memory_space<vmem>>, vector<16xf32>,
      %slice3A_376 = vector.extract_strided_slice %get3A_190 {offsets = [6], sizes = [1], strides = [1]} : vector<16xf32> to vector<1xf32>
      %squeeze3A_377 = vector.extract %slice3A_376[0] : f32 from vector<1xf32>
      %broadcast_in_dim3A_378 = vector.broadcast %squeeze3A_377 : f32 to vector<16xf32>
      %swap3A_379 = arith.constant 96 : index
      %swap3A_380 = tpu.vector_load %arg18[%swap3A_379] {strides = array<i32>} : memref<512xf32, #tpu.memory_space<vmem>>, vector<16xf32>,
      %swap3A_381 = vector.shape_cast %swap3A_380 : vector<16xf32> to vector<16xf32>
      %swap3A_382 = vector.shape_cast %broadcast_in_dim3A_378 : vector<16xf32> to vector<16xf32>
      tpu.vector_store %arg18[%swap3A_379], %swap3A_382 {strides = array<i32>} : memref<512xf32, #tpu.memory_space<vmem>>, vector<16xf32>,
      %slice3A_383 = vector.extract_strided_slice %get3A_195 {offsets = [6], sizes = [1], strides = [1]} : vector<16xf32> to vector<1xf32>
      %squeeze3A_384 = vector.extract %slice3A_383[0] : f32 from vector<1xf32>
      %broadcast_in_dim3A_385 = vector.broadcast %squeeze3A_384 : f32 to vector<16xf32>
      %swap3A_386 = arith.constant 96 : index
      %swap3A_387 = tpu.vector_load %arg19[%swap3A_386] {strides = array<i32>} : memref<512xf32, #tpu.memory_space<vmem>>, vector<16xf32>,
      %swap3A_388 = vector.shape_cast %swap3A_387 : vector<16xf32> to vector<16xf32>
      %swap3A_389 = vector.shape_cast %broadcast_in_dim3A_385 : vector<16xf32> to vector<16xf32>
      tpu.vector_store %arg19[%swap3A_386], %swap3A_389 {strides = array<i32>} : memref<512xf32, #tpu.memory_space<vmem>>, vector<16xf32>,
      %slice3A_390 = vector.extract_strided_slice %get3A_180 {offsets = [7], sizes = [1], strides = [1]} : vector<16xf32> to vector<1xf32>
      %squeeze3A_391 = vector.extract %slice3A_390[0] : f32 from vector<1xf32>
      %broadcast_in_dim3A_392 = vector.broadcast %squeeze3A_391 : f32 to vector<16xf32>
      %swap3A_393 = arith.constant 112 : index
      %swap3A_394 = tpu.vector_load %arg16[%swap3A_393] {strides = array<i32>} : memref<512xf32, #tpu.memory_space<vmem>>, vector<16xf32>,
      %swap3A_395 = vector.shape_cast %swap3A_394 : vector<16xf32> to vector<16xf32>
      %swap3A_396 = vector.shape_cast %broadcast_in_dim3A_392 : vector<16xf32> to vector<16xf32>
      tpu.vector_store %arg16[%swap3A_393], %swap3A_396 {strides = array<i32>} : memref<512xf32, #tpu.memory_space<vmem>>, vector<16xf32>,
      %slice3A_397 = vector.extract_strided_slice %get3A_185 {offsets = [7], sizes = [1], strides = [1]} : vector<16xf32> to vector<1xf32>
      %squeeze3A_398 = vector.extract %slice3A_397[0] : f32 from vector<1xf32>
      %broadcast_in_dim3A_399 = vector.broadcast %squeeze3A_398 : f32 to vector<16xf32>
      %swap3A_400 = arith.constant 112 : index
      %swap3A_401 = tpu.vector_load %arg17[%swap3A_400] {strides = array<i32>} : memref<512xf32, #tpu.memory_space<vmem>>, vector<16xf32>,
      %swap3A_402 = vector.shape_cast %swap3A_401 : vector<16xf32> to vector<16xf32>
      %swap3A_403 = vector.shape_cast %broadcast_in_dim3A_399 : vector<16xf32> to vector<16xf32>
      tpu.vector_store %arg17[%swap3A_400], %swap3A_403 {strides = array<i32>} : memref<512xf32, #tpu.memory_space<vmem>>, vector<16xf32>,
      %slice3A_404 = vector.extract_strided_slice %get3A_190 {offsets = [7], sizes = [1], strides = [1]} : vector<16xf32> to vector<1xf32>
      %squeeze3A_405 = vector.extract %slice3A_404[0] : f32 from vector<1xf32>
      %broadcast_in_dim3A_406 = vector.broadcast %squeeze3A_405 : f32 to vector<16xf32>
      %swap3A_407 = arith.constant 112 : index
      %swap3A_408 = tpu.vector_load %arg18[%swap3A_407] {strides = array<i32>} : memref<512xf32, #tpu.memory_space<vmem>>, vector<16xf32>,
      %swap3A_409 = vector.shape_cast %swap3A_408 : vector<16xf32> to vector<16xf32>
      %swap3A_410 = vector.shape_cast %broadcast_in_dim3A_406 : vector<16xf32> to vector<16xf32>
      tpu.vector_store %arg18[%swap3A_407], %swap3A_410 {strides = array<i32>} : memref<512xf32, #tpu.memory_space<vmem>>, vector<16xf32>,
      %slice3A_411 = vector.extract_strided_slice %get3A_195 {offsets = [7], sizes = [1], strides = [1]} : vector<16xf32> to vector<1xf32>
      %squeeze3A_412 = vector.extract %slice3A_411[0] : f32 from vector<1xf32>
      %broadcast_in_dim3A_413 = vector.broadcast %squeeze3A_412 : f32 to vector<16xf32>
      %swap3A_414 = arith.constant 112 : index
      %swap3A_415 = tpu.vector_load %arg19[%swap3A_414] {strides = array<i32>} : memref<512xf32, #tpu.memory_space<vmem>>, vector<16xf32>,
      %swap3A_416 = vector.shape_cast %swap3A_415 : vector<16xf32> to vector<16xf32>
      %swap3A_417 = vector.shape_cast %broadcast_in_dim3A_413 : vector<16xf32> to vector<16xf32>
      tpu.vector_store %arg19[%swap3A_414], %swap3A_417 {strides = array<i32>} : memref<512xf32, #tpu.memory_space<vmem>>, vector<16xf32>,
      %slice3A_418 = vector.extract_strided_slice %get3A_180 {offsets = [8], sizes = [1], strides = [1]} : vector<16xf32> to vector<1xf32>
      %squeeze3A_419 = vector.extract %slice3A_418[0] : f32 from vector<1xf32>
      %broadcast_in_dim3A_420 = vector.broadcast %squeeze3A_419 : f32 to vector<16xf32>
      %swap3A_421 = arith.constant 128 : index
      %swap3A_422 = tpu.vector_load %arg16[%swap3A_421] {strides = array<i32>} : memref<512xf32, #tpu.memory_space<vmem>>, vector<16xf32>,
      %swap3A_423 = vector.shape_cast %swap3A_422 : vector<16xf32> to vector<16xf32>
      %swap3A_424 = vector.shape_cast %broadcast_in_dim3A_420 : vector<16xf32> to vector<16xf32>
      tpu.vector_store %arg16[%swap3A_421], %swap3A_424 {strides = array<i32>} : memref<512xf32, #tpu.memory_space<vmem>>, vector<16xf32>,
      %slice3A_425 = vector.extract_strided_slice %get3A_185 {offsets = [8], sizes = [1], strides = [1]} : vector<16xf32> to vector<1xf32>
      %squeeze3A_426 = vector.extract %slice3A_425[0] : f32 from vector<1xf32>
      %broadcast_in_dim3A_427 = vector.broadcast %squeeze3A_426 : f32 to vector<16xf32>
      %swap3A_428 = arith.constant 128 : index
      %swap3A_429 = tpu.vector_load %arg17[%swap3A_428] {strides = array<i32>} : memref<512xf32, #tpu.memory_space<vmem>>, vector<16xf32>,
      %swap3A_430 = vector.shape_cast %swap3A_429 : vector<16xf32> to vector<16xf32>
      %swap3A_431 = vector.shape_cast %broadcast_in_dim3A_427 : vector<16xf32> to vector<16xf32>
      tpu.vector_store %arg17[%swap3A_428], %swap3A_431 {strides = array<i32>} : memref<512xf32, #tpu.memory_space<vmem>>, vector<16xf32>,
      %slice3A_432 = vector.extract_strided_slice %get3A_190 {offsets = [8], sizes = [1], strides = [1]} : vector<16xf32> to vector<1xf32>
      %squeeze3A_433 = vector.extract %slice3A_432[0] : f32 from vector<1xf32>
      %broadcast_in_dim3A_434 = vector.broadcast %squeeze3A_433 : f32 to vector<16xf32>
      %swap3A_435 = arith.constant 128 : index
      %swap3A_436 = tpu.vector_load %arg18[%swap3A_435] {strides = array<i32>} : memref<512xf32, #tpu.memory_space<vmem>>, vector<16xf32>,
      %swap3A_437 = vector.shape_cast %swap3A_436 : vector<16xf32> to vector<16xf32>
      %swap3A_438 = vector.shape_cast %broadcast_in_dim3A_434 : vector<16xf32> to vector<16xf32>
      tpu.vector_store %arg18[%swap3A_435], %swap3A_438 {strides = array<i32>} : memref<512xf32, #tpu.memory_space<vmem>>, vector<16xf32>,
      %slice3A_439 = vector.extract_strided_slice %get3A_195 {offsets = [8], sizes = [1], strides = [1]} : vector<16xf32> to vector<1xf32>
      %squeeze3A_440 = vector.extract %slice3A_439[0] : f32 from vector<1xf32>
      %broadcast_in_dim3A_441 = vector.broadcast %squeeze3A_440 : f32 to vector<16xf32>
      %swap3A_442 = arith.constant 128 : index
      %swap3A_443 = tpu.vector_load %arg19[%swap3A_442] {strides = array<i32>} : memref<512xf32, #tpu.memory_space<vmem>>, vector<16xf32>,
      %swap3A_444 = vector.shape_cast %swap3A_443 : vector<16xf32> to vector<16xf32>
      %swap3A_445 = vector.shape_cast %broadcast_in_dim3A_441 : vector<16xf32> to vector<16xf32>
      tpu.vector_store %arg19[%swap3A_442], %swap3A_445 {strides = array<i32>} : memref<512xf32, #tpu.memory_space<vmem>>, vector<16xf32>,
      %slice3A_446 = vector.extract_strided_slice %get3A_180 {offsets = [9], sizes = [1], strides = [1]} : vector<16xf32> to vector<1xf32>
      %squeeze3A_447 = vector.extract %slice3A_446[0] : f32 from vector<1xf32>
      %broadcast_in_dim3A_448 = vector.broadcast %squeeze3A_447 : f32 to vector<16xf32>
      %swap3A_449 = arith.constant 144 : index
      %swap3A_450 = tpu.vector_load %arg16[%swap3A_449] {strides = array<i32>} : memref<512xf32, #tpu.memory_space<vmem>>, vector<16xf32>,
      %swap3A_451 = vector.shape_cast %swap3A_450 : vector<16xf32> to vector<16xf32>
      %swap3A_452 = vector.shape_cast %broadcast_in_dim3A_448 : vector<16xf32> to vector<16xf32>
      tpu.vector_store %arg16[%swap3A_449], %swap3A_452 {strides = array<i32>} : memref<512xf32, #tpu.memory_space<vmem>>, vector<16xf32>,
      %slice3A_453 = vector.extract_strided_slice %get3A_185 {offsets = [9], sizes = [1], strides = [1]} : vector<16xf32> to vector<1xf32>
      %squeeze3A_454 = vector.extract %slice3A_453[0] : f32 from vector<1xf32>
      %broadcast_in_dim3A_455 = vector.broadcast %squeeze3A_454 : f32 to vector<16xf32>
      %swap3A_456 = arith.constant 144 : index
      %swap3A_457 = tpu.vector_load %arg17[%swap3A_456] {strides = array<i32>} : memref<512xf32, #tpu.memory_space<vmem>>, vector<16xf32>,
      %swap3A_458 = vector.shape_cast %swap3A_457 : vector<16xf32> to vector<16xf32>
      %swap3A_459 = vector.shape_cast %broadcast_in_dim3A_455 : vector<16xf32> to vector<16xf32>
      tpu.vector_store %arg17[%swap3A_456], %swap3A_459 {strides = array<i32>} : memref<512xf32, #tpu.memory_space<vmem>>, vector<16xf32>,
      %slice3A_460 = vector.extract_strided_slice %get3A_190 {offsets = [9], sizes = [1], strides = [1]} : vector<16xf32> to vector<1xf32>
      %squeeze3A_461 = vector.extract %slice3A_460[0] : f32 from vector<1xf32>
      %broadcast_in_dim3A_462 = vector.broadcast %squeeze3A_461 : f32 to vector<16xf32>
      %swap3A_463 = arith.constant 144 : index
      %swap3A_464 = tpu.vector_load %arg18[%swap3A_463] {strides = array<i32>} : memref<512xf32, #tpu.memory_space<vmem>>, vector<16xf32>,
      %swap3A_465 = vector.shape_cast %swap3A_464 : vector<16xf32> to vector<16xf32>
      %swap3A_466 = vector.shape_cast %broadcast_in_dim3A_462 : vector<16xf32> to vector<16xf32>
      tpu.vector_store %arg18[%swap3A_463], %swap3A_466 {strides = array<i32>} : memref<512xf32, #tpu.memory_space<vmem>>, vector<16xf32>,
      %slice3A_467 = vector.extract_strided_slice %get3A_195 {offsets = [9], sizes = [1], strides = [1]} : vector<16xf32> to vector<1xf32>
      %squeeze3A_468 = vector.extract %slice3A_467[0] : f32 from vector<1xf32>
      %broadcast_in_dim3A_469 = vector.broadcast %squeeze3A_468 : f32 to vector<16xf32>
      %swap3A_470 = arith.constant 144 : index
      %swap3A_471 = tpu.vector_load %arg19[%swap3A_470] {strides = array<i32>} : memref<512xf32, #tpu.memory_space<vmem>>, vector<16xf32>,
      %swap3A_472 = vector.shape_cast %swap3A_471 : vector<16xf32> to vector<16xf32>
      %swap3A_473 = vector.shape_cast %broadcast_in_dim3A_469 : vector<16xf32> to vector<16xf32>
      tpu.vector_store %arg19[%swap3A_470], %swap3A_473 {strides = array<i32>} : memref<512xf32, #tpu.memory_space<vmem>>, vector<16xf32>,
      %slice3A_474 = vector.extract_strided_slice %get3A_180 {offsets = [10], sizes = [1], strides = [1]} : vector<16xf32> to vector<1xf32>
      %squeeze3A_475 = vector.extract %slice3A_474[0] : f32 from vector<1xf32>
      %broadcast_in_dim3A_476 = vector.broadcast %squeeze3A_475 : f32 to vector<16xf32>
      %swap3A_477 = arith.constant 160 : index
      %swap3A_478 = tpu.vector_load %arg16[%swap3A_477] {strides = array<i32>} : memref<512xf32, #tpu.memory_space<vmem>>, vector<16xf32>,
      %swap3A_479 = vector.shape_cast %swap3A_478 : vector<16xf32> to vector<16xf32>
      %swap3A_480 = vector.shape_cast %broadcast_in_dim3A_476 : vector<16xf32> to vector<16xf32>
      tpu.vector_store %arg16[%swap3A_477], %swap3A_480 {strides = array<i32>} : memref<512xf32, #tpu.memory_space<vmem>>, vector<16xf32>,
      %slice3A_481 = vector.extract_strided_slice %get3A_185 {offsets = [10], sizes = [1], strides = [1]} : vector<16xf32> to vector<1xf32>
      %squeeze3A_482 = vector.extract %slice3A_481[0] : f32 from vector<1xf32>
      %broadcast_in_dim3A_483 = vector.broadcast %squeeze3A_482 : f32 to vector<16xf32>
      %swap3A_484 = arith.constant 160 : index
      %swap3A_485 = tpu.vector_load %arg17[%swap3A_484] {strides = array<i32>} : memref<512xf32, #tpu.memory_space<vmem>>, vector<16xf32>,
      %swap3A_486 = vector.shape_cast %swap3A_485 : vector<16xf32> to vector<16xf32>
      %swap3A_487 = vector.shape_cast %broadcast_in_dim3A_483 : vector<16xf32> to vector<16xf32>
      tpu.vector_store %arg17[%swap3A_484], %swap3A_487 {strides = array<i32>} : memref<512xf32, #tpu.memory_space<vmem>>, vector<16xf32>,
      %slice3A_488 = vector.extract_strided_slice %get3A_190 {offsets = [10], sizes = [1], strides = [1]} : vector<16xf32> to vector<1xf32>
      %squeeze3A_489 = vector.extract %slice3A_488[0] : f32 from vector<1xf32>
      %broadcast_in_dim3A_490 = vector.broadcast %squeeze3A_489 : f32 to vector<16xf32>
      %swap3A_491 = arith.constant 160 : index
      %swap3A_492 = tpu.vector_load %arg18[%swap3A_491] {strides = array<i32>} : memref<512xf32, #tpu.memory_space<vmem>>, vector<16xf32>,
      %swap3A_493 = vector.shape_cast %swap3A_492 : vector<16xf32> to vector<16xf32>
      %swap3A_494 = vector.shape_cast %broadcast_in_dim3A_490 : vector<16xf32> to vector<16xf32>
      tpu.vector_store %arg18[%swap3A_491], %swap3A_494 {strides = array<i32>} : memref<512xf32, #tpu.memory_space<vmem>>, vector<16xf32>,
      %slice3A_495 = vector.extract_strided_slice %get3A_195 {offsets = [10], sizes = [1], strides = [1]} : vector<16xf32> to vector<1xf32>
      %squeeze3A_496 = vector.extract %slice3A_495[0] : f32 from vector<1xf32>
      %broadcast_in_dim3A_497 = vector.broadcast %squeeze3A_496 : f32 to vector<16xf32>
      %swap3A_498 = arith.constant 160 : index
      %swap3A_499 = tpu.vector_load %arg19[%swap3A_498] {strides = array<i32>} : memref<512xf32, #tpu.memory_space<vmem>>, vector<16xf32>,
      %swap3A_500 = vector.shape_cast %swap3A_499 : vector<16xf32> to vector<16xf32>
      %swap3A_501 = vector.shape_cast %broadcast_in_dim3A_497 : vector<16xf32> to vector<16xf32>
      tpu.vector_store %arg19[%swap3A_498], %swap3A_501 {strides = array<i32>} : memref<512xf32, #tpu.memory_space<vmem>>, vector<16xf32>,
      %slice3A_502 = vector.extract_strided_slice %get3A_180 {offsets = [11], sizes = [1], strides = [1]} : vector<16xf32> to vector<1xf32>
      %squeeze3A_503 = vector.extract %slice3A_502[0] : f32 from vector<1xf32>
      %broadcast_in_dim3A_504 = vector.broadcast %squeeze3A_503 : f32 to vector<16xf32>
      %swap3A_505 = arith.constant 176 : index
      %swap3A_506 = tpu.vector_load %arg16[%swap3A_505] {strides = array<i32>} : memref<512xf32, #tpu.memory_space<vmem>>, vector<16xf32>,
      %swap3A_507 = vector.shape_cast %swap3A_506 : vector<16xf32> to vector<16xf32>
      %swap3A_508 = vector.shape_cast %broadcast_in_dim3A_504 : vector<16xf32> to vector<16xf32>
      tpu.vector_store %arg16[%swap3A_505], %swap3A_508 {strides = array<i32>} : memref<512xf32, #tpu.memory_space<vmem>>, vector<16xf32>,
      %slice3A_509 = vector.extract_strided_slice %get3A_185 {offsets = [11], sizes = [1], strides = [1]} : vector<16xf32> to vector<1xf32>
      %squeeze3A_510 = vector.extract %slice3A_509[0] : f32 from vector<1xf32>
      %broadcast_in_dim3A_511 = vector.broadcast %squeeze3A_510 : f32 to vector<16xf32>
      %swap3A_512 = arith.constant 176 : index
      %swap3A_513 = tpu.vector_load %arg17[%swap3A_512] {strides = array<i32>} : memref<512xf32, #tpu.memory_space<vmem>>, vector<16xf32>,
      %swap3A_514 = vector.shape_cast %swap3A_513 : vector<16xf32> to vector<16xf32>
      %swap3A_515 = vector.shape_cast %broadcast_in_dim3A_511 : vector<16xf32> to vector<16xf32>
      tpu.vector_store %arg17[%swap3A_512], %swap3A_515 {strides = array<i32>} : memref<512xf32, #tpu.memory_space<vmem>>, vector<16xf32>,
      %slice3A_516 = vector.extract_strided_slice %get3A_190 {offsets = [11], sizes = [1], strides = [1]} : vector<16xf32> to vector<1xf32>
      %squeeze3A_517 = vector.extract %slice3A_516[0] : f32 from vector<1xf32>
      %broadcast_in_dim3A_518 = vector.broadcast %squeeze3A_517 : f32 to vector<16xf32>
      %swap3A_519 = arith.constant 176 : index
      %swap3A_520 = tpu.vector_load %arg18[%swap3A_519] {strides = array<i32>} : memref<512xf32, #tpu.memory_space<vmem>>, vector<16xf32>,
      %swap3A_521 = vector.shape_cast %swap3A_520 : vector<16xf32> to vector<16xf32>
      %swap3A_522 = vector.shape_cast %broadcast_in_dim3A_518 : vector<16xf32> to vector<16xf32>
      tpu.vector_store %arg18[%swap3A_519], %swap3A_522 {strides = array<i32>} : memref<512xf32, #tpu.memory_space<vmem>>, vector<16xf32>,
      %slice3A_523 = vector.extract_strided_slice %get3A_195 {offsets = [11], sizes = [1], strides = [1]} : vector<16xf32> to vector<1xf32>
      %squeeze3A_524 = vector.extract %slice3A_523[0] : f32 from vector<1xf32>
      %broadcast_in_dim3A_525 = vector.broadcast %squeeze3A_524 : f32 to vector<16xf32>
      %swap3A_526 = arith.constant 176 : index
      %swap3A_527 = tpu.vector_load %arg19[%swap3A_526] {strides = array<i32>} : memref<512xf32, #tpu.memory_space<vmem>>, vector<16xf32>,
      %swap3A_528 = vector.shape_cast %swap3A_527 : vector<16xf32> to vector<16xf32>
      %swap3A_529 = vector.shape_cast %broadcast_in_dim3A_525 : vector<16xf32> to vector<16xf32>
      tpu.vector_store %arg19[%swap3A_526], %swap3A_529 {strides = array<i32>} : memref<512xf32, #tpu.memory_space<vmem>>, vector<16xf32>,
      %slice3A_530 = vector.extract_strided_slice %get3A_180 {offsets = [12], sizes = [1], strides = [1]} : vector<16xf32> to vector<1xf32>
      %squeeze3A_531 = vector.extract %slice3A_530[0] : f32 from vector<1xf32>
      %broadcast_in_dim3A_532 = vector.broadcast %squeeze3A_531 : f32 to vector<16xf32>
      %swap3A_533 = arith.constant 192 : index
      %swap3A_534 = tpu.vector_load %arg16[%swap3A_533] {strides = array<i32>} : memref<512xf32, #tpu.memory_space<vmem>>, vector<16xf32>,
      %swap3A_535 = vector.shape_cast %swap3A_534 : vector<16xf32> to vector<16xf32>
      %swap3A_536 = vector.shape_cast %broadcast_in_dim3A_532 : vector<16xf32> to vector<16xf32>
      tpu.vector_store %arg16[%swap3A_533], %swap3A_536 {strides = array<i32>} : memref<512xf32, #tpu.memory_space<vmem>>, vector<16xf32>,
      %slice3A_537 = vector.extract_strided_slice %get3A_185 {offsets = [12], sizes = [1], strides = [1]} : vector<16xf32> to vector<1xf32>
      %squeeze3A_538 = vector.extract %slice3A_537[0] : f32 from vector<1xf32>
      %broadcast_in_dim3A_539 = vector.broadcast %squeeze3A_538 : f32 to vector<16xf32>
      %swap3A_540 = arith.constant 192 : index
      %swap3A_541 = tpu.vector_load %arg17[%swap3A_540] {strides = array<i32>} : memref<512xf32, #tpu.memory_space<vmem>>, vector<16xf32>,
      %swap3A_542 = vector.shape_cast %swap3A_541 : vector<16xf32> to vector<16xf32>
      %swap3A_543 = vector.shape_cast %broadcast_in_dim3A_539 : vector<16xf32> to vector<16xf32>
      tpu.vector_store %arg17[%swap3A_540], %swap3A_543 {strides = array<i32>} : memref<512xf32, #tpu.memory_space<vmem>>, vector<16xf32>,
      %slice3A_544 = vector.extract_strided_slice %get3A_190 {offsets = [12], sizes = [1], strides = [1]} : vector<16xf32> to vector<1xf32>
      %squeeze3A_545 = vector.extract %slice3A_544[0] : f32 from vector<1xf32>
      %broadcast_in_dim3A_546 = vector.broadcast %squeeze3A_545 : f32 to vector<16xf32>
      %swap3A_547 = arith.constant 192 : index
      %swap3A_548 = tpu.vector_load %arg18[%swap3A_547] {strides = array<i32>} : memref<512xf32, #tpu.memory_space<vmem>>, vector<16xf32>,
      %swap3A_549 = vector.shape_cast %swap3A_548 : vector<16xf32> to vector<16xf32>
      %swap3A_550 = vector.shape_cast %broadcast_in_dim3A_546 : vector<16xf32> to vector<16xf32>
      tpu.vector_store %arg18[%swap3A_547], %swap3A_550 {strides = array<i32>} : memref<512xf32, #tpu.memory_space<vmem>>, vector<16xf32>,
      %slice3A_551 = vector.extract_strided_slice %get3A_195 {offsets = [12], sizes = [1], strides = [1]} : vector<16xf32> to vector<1xf32>
      %squeeze3A_552 = vector.extract %slice3A_551[0] : f32 from vector<1xf32>
      %broadcast_in_dim3A_553 = vector.broadcast %squeeze3A_552 : f32 to vector<16xf32>
      %swap3A_554 = arith.constant 192 : index
      %swap3A_555 = tpu.vector_load %arg19[%swap3A_554] {strides = array<i32>} : memref<512xf32, #tpu.memory_space<vmem>>, vector<16xf32>,
      %swap3A_556 = vector.shape_cast %swap3A_555 : vector<16xf32> to vector<16xf32>
      %swap3A_557 = vector.shape_cast %broadcast_in_dim3A_553 : vector<16xf32> to vector<16xf32>
      tpu.vector_store %arg19[%swap3A_554], %swap3A_557 {strides = array<i32>} : memref<512xf32, #tpu.memory_space<vmem>>, vector<16xf32>,
      %slice3A_558 = vector.extract_strided_slice %get3A_180 {offsets = [13], sizes = [1], strides = [1]} : vector<16xf32> to vector<1xf32>
      %squeeze3A_559 = vector.extract %slice3A_558[0] : f32 from vector<1xf32>
      %broadcast_in_dim3A_560 = vector.broadcast %squeeze3A_559 : f32 to vector<16xf32>
      %swap3A_561 = arith.constant 208 : index
      %swap3A_562 = tpu.vector_load %arg16[%swap3A_561] {strides = array<i32>} : memref<512xf32, #tpu.memory_space<vmem>>, vector<16xf32>,
      %swap3A_563 = vector.shape_cast %swap3A_562 : vector<16xf32> to vector<16xf32>
      %swap3A_564 = vector.shape_cast %broadcast_in_dim3A_560 : vector<16xf32> to vector<16xf32>
      tpu.vector_store %arg16[%swap3A_561], %swap3A_564 {strides = array<i32>} : memref<512xf32, #tpu.memory_space<vmem>>, vector<16xf32>,
      %slice3A_565 = vector.extract_strided_slice %get3A_185 {offsets = [13], sizes = [1], strides = [1]} : vector<16xf32> to vector<1xf32>
      %squeeze3A_566 = vector.extract %slice3A_565[0] : f32 from vector<1xf32>
      %broadcast_in_dim3A_567 = vector.broadcast %squeeze3A_566 : f32 to vector<16xf32>
      %swap3A_568 = arith.constant 208 : index
      %swap3A_569 = tpu.vector_load %arg17[%swap3A_568] {strides = array<i32>} : memref<512xf32, #tpu.memory_space<vmem>>, vector<16xf32>,
      %swap3A_570 = vector.shape_cast %swap3A_569 : vector<16xf32> to vector<16xf32>
      %swap3A_571 = vector.shape_cast %broadcast_in_dim3A_567 : vector<16xf32> to vector<16xf32>
      tpu.vector_store %arg17[%swap3A_568], %swap3A_571 {strides = array<i32>} : memref<512xf32, #tpu.memory_space<vmem>>, vector<16xf32>,
      %slice3A_572 = vector.extract_strided_slice %get3A_190 {offsets = [13], sizes = [1], strides = [1]} : vector<16xf32> to vector<1xf32>
      %squeeze3A_573 = vector.extract %slice3A_572[0] : f32 from vector<1xf32>
      %broadcast_in_dim3A_574 = vector.broadcast %squeeze3A_573 : f32 to vector<16xf32>
      %swap3A_575 = arith.constant 208 : index
      %swap3A_576 = tpu.vector_load %arg18[%swap3A_575] {strides = array<i32>} : memref<512xf32, #tpu.memory_space<vmem>>, vector<16xf32>,
      %swap3A_577 = vector.shape_cast %swap3A_576 : vector<16xf32> to vector<16xf32>
      %swap3A_578 = vector.shape_cast %broadcast_in_dim3A_574 : vector<16xf32> to vector<16xf32>
      tpu.vector_store %arg18[%swap3A_575], %swap3A_578 {strides = array<i32>} : memref<512xf32, #tpu.memory_space<vmem>>, vector<16xf32>,
      %slice3A_579 = vector.extract_strided_slice %get3A_195 {offsets = [13], sizes = [1], strides = [1]} : vector<16xf32> to vector<1xf32>
      %squeeze3A_580 = vector.extract %slice3A_579[0] : f32 from vector<1xf32>
      %broadcast_in_dim3A_581 = vector.broadcast %squeeze3A_580 : f32 to vector<16xf32>
      %swap3A_582 = arith.constant 208 : index
      %swap3A_583 = tpu.vector_load %arg19[%swap3A_582] {strides = array<i32>} : memref<512xf32, #tpu.memory_space<vmem>>, vector<16xf32>,
      %swap3A_584 = vector.shape_cast %swap3A_583 : vector<16xf32> to vector<16xf32>
      %swap3A_585 = vector.shape_cast %broadcast_in_dim3A_581 : vector<16xf32> to vector<16xf32>
      tpu.vector_store %arg19[%swap3A_582], %swap3A_585 {strides = array<i32>} : memref<512xf32, #tpu.memory_space<vmem>>, vector<16xf32>,
      %slice3A_586 = vector.extract_strided_slice %get3A_180 {offsets = [14], sizes = [1], strides = [1]} : vector<16xf32> to vector<1xf32>
      %squeeze3A_587 = vector.extract %slice3A_586[0] : f32 from vector<1xf32>
      %broadcast_in_dim3A_588 = vector.broadcast %squeeze3A_587 : f32 to vector<16xf32>
      %swap3A_589 = arith.constant 224 : index
      %swap3A_590 = tpu.vector_load %arg16[%swap3A_589] {strides = array<i32>} : memref<512xf32, #tpu.memory_space<vmem>>, vector<16xf32>,
      %swap3A_591 = vector.shape_cast %swap3A_590 : vector<16xf32> to vector<16xf32>
      %swap3A_592 = vector.shape_cast %broadcast_in_dim3A_588 : vector<16xf32> to vector<16xf32>
      tpu.vector_store %arg16[%swap3A_589], %swap3A_592 {strides = array<i32>} : memref<512xf32, #tpu.memory_space<vmem>>, vector<16xf32>,
      %slice3A_593 = vector.extract_strided_slice %get3A_185 {offsets = [14], sizes = [1], strides = [1]} : vector<16xf32> to vector<1xf32>
      %squeeze3A_594 = vector.extract %slice3A_593[0] : f32 from vector<1xf32>
      %broadcast_in_dim3A_595 = vector.broadcast %squeeze3A_594 : f32 to vector<16xf32>
      %swap3A_596 = arith.constant 224 : index
      %swap3A_597 = tpu.vector_load %arg17[%swap3A_596] {strides = array<i32>} : memref<512xf32, #tpu.memory_space<vmem>>, vector<16xf32>,
      %swap3A_598 = vector.shape_cast %swap3A_597 : vector<16xf32> to vector<16xf32>
      %swap3A_599 = vector.shape_cast %broadcast_in_dim3A_595 : vector<16xf32> to vector<16xf32>
      tpu.vector_store %arg17[%swap3A_596], %swap3A_599 {strides = array<i32>} : memref<512xf32, #tpu.memory_space<vmem>>, vector<16xf32>,
      %slice3A_600 = vector.extract_strided_slice %get3A_190 {offsets = [14], sizes = [1], strides = [1]} : vector<16xf32> to vector<1xf32>
      %squeeze3A_601 = vector.extract %slice3A_600[0] : f32 from vector<1xf32>
      %broadcast_in_dim3A_602 = vector.broadcast %squeeze3A_601 : f32 to vector<16xf32>
      %swap3A_603 = arith.constant 224 : index
      %swap3A_604 = tpu.vector_load %arg18[%swap3A_603] {strides = array<i32>} : memref<512xf32, #tpu.memory_space<vmem>>, vector<16xf32>,
      %swap3A_605 = vector.shape_cast %swap3A_604 : vector<16xf32> to vector<16xf32>
      %swap3A_606 = vector.shape_cast %broadcast_in_dim3A_602 : vector<16xf32> to vector<16xf32>
      tpu.vector_store %arg18[%swap3A_603], %swap3A_606 {strides = array<i32>} : memref<512xf32, #tpu.memory_space<vmem>>, vector<16xf32>,
      %slice3A_607 = vector.extract_strided_slice %get3A_195 {offsets = [14], sizes = [1], strides = [1]} : vector<16xf32> to vector<1xf32>
      %squeeze3A_608 = vector.extract %slice3A_607[0] : f32 from vector<1xf32>
      %broadcast_in_dim3A_609 = vector.broadcast %squeeze3A_608 : f32 to vector<16xf32>
      %swap3A_610 = arith.constant 224 : index
      %swap3A_611 = tpu.vector_load %arg19[%swap3A_610] {strides = array<i32>} : memref<512xf32, #tpu.memory_space<vmem>>, vector<16xf32>,
      %swap3A_612 = vector.shape_cast %swap3A_611 : vector<16xf32> to vector<16xf32>
      %swap3A_613 = vector.shape_cast %broadcast_in_dim3A_609 : vector<16xf32> to vector<16xf32>
      tpu.vector_store %arg19[%swap3A_610], %swap3A_613 {strides = array<i32>} : memref<512xf32, #tpu.memory_space<vmem>>, vector<16xf32>,
      %slice3A_614 = vector.extract_strided_slice %get3A_180 {offsets = [15], sizes = [1], strides = [1]} : vector<16xf32> to vector<1xf32>
      %squeeze3A_615 = vector.extract %slice3A_614[0] : f32 from vector<1xf32>
      %broadcast_in_dim3A_616 = vector.broadcast %squeeze3A_615 : f32 to vector<16xf32>
      %swap3A_617 = arith.constant 240 : index
      %swap3A_618 = tpu.vector_load %arg16[%swap3A_617] {strides = array<i32>} : memref<512xf32, #tpu.memory_space<vmem>>, vector<16xf32>,
      %swap3A_619 = vector.shape_cast %swap3A_618 : vector<16xf32> to vector<16xf32>
      %swap3A_620 = vector.shape_cast %broadcast_in_dim3A_616 : vector<16xf32> to vector<16xf32>
      tpu.vector_store %arg16[%swap3A_617], %swap3A_620 {strides = array<i32>} : memref<512xf32, #tpu.memory_space<vmem>>, vector<16xf32>,
      %slice3A_621 = vector.extract_strided_slice %get3A_185 {offsets = [15], sizes = [1], strides = [1]} : vector<16xf32> to vector<1xf32>
      %squeeze3A_622 = vector.extract %slice3A_621[0] : f32 from vector<1xf32>
      %broadcast_in_dim3A_623 = vector.broadcast %squeeze3A_622 : f32 to vector<16xf32>
      %swap3A_624 = arith.constant 240 : index
      %swap3A_625 = tpu.vector_load %arg17[%swap3A_624] {strides = array<i32>} : memref<512xf32, #tpu.memory_space<vmem>>, vector<16xf32>,
      %swap3A_626 = vector.shape_cast %swap3A_625 : vector<16xf32> to vector<16xf32>
      %swap3A_627 = vector.shape_cast %broadcast_in_dim3A_623 : vector<16xf32> to vector<16xf32>
      tpu.vector_store %arg17[%swap3A_624], %swap3A_627 {strides = array<i32>} : memref<512xf32, #tpu.memory_space<vmem>>, vector<16xf32>,
      %slice3A_628 = vector.extract_strided_slice %get3A_190 {offsets = [15], sizes = [1], strides = [1]} : vector<16xf32> to vector<1xf32>
      %squeeze3A_629 = vector.extract %slice3A_628[0] : f32 from vector<1xf32>
      %broadcast_in_dim3A_630 = vector.broadcast %squeeze3A_629 : f32 to vector<16xf32>
      %swap3A_631 = arith.constant 240 : index
      %swap3A_632 = tpu.vector_load %arg18[%swap3A_631] {strides = array<i32>} : memref<512xf32, #tpu.memory_space<vmem>>, vector<16xf32>,
      %swap3A_633 = vector.shape_cast %swap3A_632 : vector<16xf32> to vector<16xf32>
      %swap3A_634 = vector.shape_cast %broadcast_in_dim3A_630 : vector<16xf32> to vector<16xf32>
      tpu.vector_store %arg18[%swap3A_631], %swap3A_634 {strides = array<i32>} : memref<512xf32, #tpu.memory_space<vmem>>, vector<16xf32>,
      %slice3A_635 = vector.extract_strided_slice %get3A_195 {offsets = [15], sizes = [1], strides = [1]} : vector<16xf32> to vector<1xf32>
      %squeeze3A_636 = vector.extract %slice3A_635[0] : f32 from vector<1xf32>
      %broadcast_in_dim3A_637 = vector.broadcast %squeeze3A_636 : f32 to vector<16xf32>
      %swap3A_638 = arith.constant 240 : index
      %swap3A_639 = tpu.vector_load %arg19[%swap3A_638] {strides = array<i32>} : memref<512xf32, #tpu.memory_space<vmem>>, vector<16xf32>,
      %swap3A_640 = vector.shape_cast %swap3A_639 : vector<16xf32> to vector<16xf32>
      %swap3A_641 = vector.shape_cast %broadcast_in_dim3A_637 : vector<16xf32> to vector<16xf32>
      tpu.vector_store %arg19[%swap3A_638], %swap3A_641 {strides = array<i32>} : memref<512xf32, #tpu.memory_space<vmem>>, vector<16xf32>,
      %add3A_642 = arith.constant 16 : i32
      %add3A_643 = arith.addi %mul3A_175, %add3A_642 : i32
      %get3A_644 = arith.index_cast %add3A_643 : i32 to index
      %get3A_645 = tpu.vector_load %arg12[%get3A_644] {strides = array<i32>} : memref<2048xf32, #tpu.memory_space<vmem>>, vector<16xf32>,
      %get3A_646 = vector.shape_cast %get3A_645 : vector<16xf32> to vector<16xf32>
      %add3A_647 = arith.constant 16 : i32
      %add3A_648 = arith.addi %mul3A_175, %add3A_647 : i32
      %get3A_649 = arith.index_cast %add3A_648 : i32 to index
      %get3A_650 = tpu.vector_load %arg13[%get3A_649] {strides = array<i32>} : memref<2048xf32, #tpu.memory_space<vmem>>, vector<16xf32>,
      %get3A_651 = vector.shape_cast %get3A_650 : vector<16xf32> to vector<16xf32>
      %add3A_652 = arith.constant 16 : i32
      %add3A_653 = arith.addi %mul3A_175, %add3A_652 : i32
      %get3A_654 = arith.index_cast %add3A_653 : i32 to index
      %get3A_655 = tpu.vector_load %arg14[%get3A_654] {strides = array<i32>} : memref<2048xf32, #tpu.memory_space<vmem>>, vector<16xf32>,
      %get3A_656 = vector.shape_cast %get3A_655 : vector<16xf32> to vector<16xf32>
      %add3A_657 = arith.constant 16 : i32
      %add3A_658 = arith.addi %mul3A_175, %add3A_657 : i32
      %get3A_659 = arith.index_cast %add3A_658 : i32 to index
      %get3A_660 = tpu.vector_load %arg15[%get3A_659] {strides = array<i32>} : memref<2048xf32, #tpu.memory_space<vmem>>, vector<16xf32>,
      %get3A_661 = vector.shape_cast %get3A_660 : vector<16xf32> to vector<16xf32>
      %slice3A_662 = vector.extract_strided_slice %get3A_646 {offsets = [0], sizes = [1], strides = [1]} : vector<16xf32> to vector<1xf32>
      %squeeze3A_663 = vector.extract %slice3A_662[0] : f32 from vector<1xf32>
      %broadcast_in_dim3A_664 = vector.broadcast %squeeze3A_663 : f32 to vector<16xf32>
      %swap3A_665 = arith.constant 256 : index
      %swap3A_666 = tpu.vector_load %arg16[%swap3A_665] {strides = array<i32>} : memref<512xf32, #tpu.memory_space<vmem>>, vector<16xf32>,
      %swap3A_667 = vector.shape_cast %swap3A_666 : vector<16xf32> to vector<16xf32>
      %swap3A_668 = vector.shape_cast %broadcast_in_dim3A_664 : vector<16xf32> to vector<16xf32>
      tpu.vector_store %arg16[%swap3A_665], %swap3A_668 {strides = array<i32>} : memref<512xf32, #tpu.memory_space<vmem>>, vector<16xf32>,
      %slice3A_669 = vector.extract_strided_slice %get3A_651 {offsets = [0], sizes = [1], strides = [1]} : vector<16xf32> to vector<1xf32>
      %squeeze3A_670 = vector.extract %slice3A_669[0] : f32 from vector<1xf32>
      %broadcast_in_dim3A_671 = vector.broadcast %squeeze3A_670 : f32 to vector<16xf32>
      %swap3A_672 = arith.constant 256 : index
      %swap3A_673 = tpu.vector_load %arg17[%swap3A_672] {strides = array<i32>} : memref<512xf32, #tpu.memory_space<vmem>>, vector<16xf32>,
      %swap3A_674 = vector.shape_cast %swap3A_673 : vector<16xf32> to vector<16xf32>
      %swap3A_675 = vector.shape_cast %broadcast_in_dim3A_671 : vector<16xf32> to vector<16xf32>
      tpu.vector_store %arg17[%swap3A_672], %swap3A_675 {strides = array<i32>} : memref<512xf32, #tpu.memory_space<vmem>>, vector<16xf32>,
      %slice3A_676 = vector.extract_strided_slice %get3A_656 {offsets = [0], sizes = [1], strides = [1]} : vector<16xf32> to vector<1xf32>
      %squeeze3A_677 = vector.extract %slice3A_676[0] : f32 from vector<1xf32>
      %broadcast_in_dim3A_678 = vector.broadcast %squeeze3A_677 : f32 to vector<16xf32>
      %swap3A_679 = arith.constant 256 : index
      %swap3A_680 = tpu.vector_load %arg18[%swap3A_679] {strides = array<i32>} : memref<512xf32, #tpu.memory_space<vmem>>, vector<16xf32>,
      %swap3A_681 = vector.shape_cast %swap3A_680 : vector<16xf32> to vector<16xf32>
      %swap3A_682 = vector.shape_cast %broadcast_in_dim3A_678 : vector<16xf32> to vector<16xf32>
      tpu.vector_store %arg18[%swap3A_679], %swap3A_682 {strides = array<i32>} : memref<512xf32, #tpu.memory_space<vmem>>, vector<16xf32>,
      %slice3A_683 = vector.extract_strided_slice %get3A_661 {offsets = [0], sizes = [1], strides = [1]} : vector<16xf32> to vector<1xf32>
      %squeeze3A_684 = vector.extract %slice3A_683[0] : f32 from vector<1xf32>
      %broadcast_in_dim3A_685 = vector.broadcast %squeeze3A_684 : f32 to vector<16xf32>
      %swap3A_686 = arith.constant 256 : index
      %swap3A_687 = tpu.vector_load %arg19[%swap3A_686] {strides = array<i32>} : memref<512xf32, #tpu.memory_space<vmem>>, vector<16xf32>,
      %swap3A_688 = vector.shape_cast %swap3A_687 : vector<16xf32> to vector<16xf32>
      %swap3A_689 = vector.shape_cast %broadcast_in_dim3A_685 : vector<16xf32> to vector<16xf32>
      tpu.vector_store %arg19[%swap3A_686], %swap3A_689 {strides = array<i32>} : memref<512xf32, #tpu.memory_space<vmem>>, vector<16xf32>,
      %slice3A_690 = vector.extract_strided_slice %get3A_646 {offsets = [1], sizes = [1], strides = [1]} : vector<16xf32> to vector<1xf32>
      %squeeze3A_691 = vector.extract %slice3A_690[0] : f32 from vector<1xf32>
      %broadcast_in_dim3A_692 = vector.broadcast %squeeze3A_691 : f32 to vector<16xf32>
      %swap3A_693 = arith.constant 272 : index
      %swap3A_694 = tpu.vector_load %arg16[%swap3A_693] {strides = array<i32>} : memref<512xf32, #tpu.memory_space<vmem>>, vector<16xf32>,
      %swap3A_695 = vector.shape_cast %swap3A_694 : vector<16xf32> to vector<16xf32>
      %swap3A_696 = vector.shape_cast %broadcast_in_dim3A_692 : vector<16xf32> to vector<16xf32>
      tpu.vector_store %arg16[%swap3A_693], %swap3A_696 {strides = array<i32>} : memref<512xf32, #tpu.memory_space<vmem>>, vector<16xf32>,
      %slice3A_697 = vector.extract_strided_slice %get3A_651 {offsets = [1], sizes = [1], strides = [1]} : vector<16xf32> to vector<1xf32>
      %squeeze3A_698 = vector.extract %slice3A_697[0] : f32 from vector<1xf32>
      %broadcast_in_dim3A_699 = vector.broadcast %squeeze3A_698 : f32 to vector<16xf32>
      %swap3A_700 = arith.constant 272 : index
      %swap3A_701 = tpu.vector_load %arg17[%swap3A_700] {strides = array<i32>} : memref<512xf32, #tpu.memory_space<vmem>>, vector<16xf32>,
      %swap3A_702 = vector.shape_cast %swap3A_701 : vector<16xf32> to vector<16xf32>
      %swap3A_703 = vector.shape_cast %broadcast_in_dim3A_699 : vector<16xf32> to vector<16xf32>
      tpu.vector_store %arg17[%swap3A_700], %swap3A_703 {strides = array<i32>} : memref<512xf32, #tpu.memory_space<vmem>>, vector<16xf32>,
      %slice3A_704 = vector.extract_strided_slice %get3A_656 {offsets = [1], sizes = [1], strides = [1]} : vector<16xf32> to vector<1xf32>
      %squeeze3A_705 = vector.extract %slice3A_704[0] : f32 from vector<1xf32>
      %broadcast_in_dim3A_706 = vector.broadcast %squeeze3A_705 : f32 to vector<16xf32>
      %swap3A_707 = arith.constant 272 : index
      %swap3A_708 = tpu.vector_load %arg18[%swap3A_707] {strides = array<i32>} : memref<512xf32, #tpu.memory_space<vmem>>, vector<16xf32>,
      %swap3A_709 = vector.shape_cast %swap3A_708 : vector<16xf32> to vector<16xf32>
      %swap3A_710 = vector.shape_cast %broadcast_in_dim3A_706 : vector<16xf32> to vector<16xf32>
      tpu.vector_store %arg18[%swap3A_707], %swap3A_710 {strides = array<i32>} : memref<512xf32, #tpu.memory_space<vmem>>, vector<16xf32>,
      %slice3A_711 = vector.extract_strided_slice %get3A_661 {offsets = [1], sizes = [1], strides = [1]} : vector<16xf32> to vector<1xf32>
      %squeeze3A_712 = vector.extract %slice3A_711[0] : f32 from vector<1xf32>
      %broadcast_in_dim3A_713 = vector.broadcast %squeeze3A_712 : f32 to vector<16xf32>
      %swap3A_714 = arith.constant 272 : index
      %swap3A_715 = tpu.vector_load %arg19[%swap3A_714] {strides = array<i32>} : memref<512xf32, #tpu.memory_space<vmem>>, vector<16xf32>,
      %swap3A_716 = vector.shape_cast %swap3A_715 : vector<16xf32> to vector<16xf32>
      %swap3A_717 = vector.shape_cast %broadcast_in_dim3A_713 : vector<16xf32> to vector<16xf32>
      tpu.vector_store %arg19[%swap3A_714], %swap3A_717 {strides = array<i32>} : memref<512xf32, #tpu.memory_space<vmem>>, vector<16xf32>,
      %slice3A_718 = vector.extract_strided_slice %get3A_646 {offsets = [2], sizes = [1], strides = [1]} : vector<16xf32> to vector<1xf32>
      %squeeze3A_719 = vector.extract %slice3A_718[0] : f32 from vector<1xf32>
      %broadcast_in_dim3A_720 = vector.broadcast %squeeze3A_719 : f32 to vector<16xf32>
      %swap3A_721 = arith.constant 288 : index
      %swap3A_722 = tpu.vector_load %arg16[%swap3A_721] {strides = array<i32>} : memref<512xf32, #tpu.memory_space<vmem>>, vector<16xf32>,
      %swap3A_723 = vector.shape_cast %swap3A_722 : vector<16xf32> to vector<16xf32>
      %swap3A_724 = vector.shape_cast %broadcast_in_dim3A_720 : vector<16xf32> to vector<16xf32>
      tpu.vector_store %arg16[%swap3A_721], %swap3A_724 {strides = array<i32>} : memref<512xf32, #tpu.memory_space<vmem>>, vector<16xf32>,
      %slice3A_725 = vector.extract_strided_slice %get3A_651 {offsets = [2], sizes = [1], strides = [1]} : vector<16xf32> to vector<1xf32>
      %squeeze3A_726 = vector.extract %slice3A_725[0] : f32 from vector<1xf32>
      %broadcast_in_dim3A_727 = vector.broadcast %squeeze3A_726 : f32 to vector<16xf32>
      %swap3A_728 = arith.constant 288 : index
      %swap3A_729 = tpu.vector_load %arg17[%swap3A_728] {strides = array<i32>} : memref<512xf32, #tpu.memory_space<vmem>>, vector<16xf32>,
      %swap3A_730 = vector.shape_cast %swap3A_729 : vector<16xf32> to vector<16xf32>
      %swap3A_731 = vector.shape_cast %broadcast_in_dim3A_727 : vector<16xf32> to vector<16xf32>
      tpu.vector_store %arg17[%swap3A_728], %swap3A_731 {strides = array<i32>} : memref<512xf32, #tpu.memory_space<vmem>>, vector<16xf32>,
      %slice3A_732 = vector.extract_strided_slice %get3A_656 {offsets = [2], sizes = [1], strides = [1]} : vector<16xf32> to vector<1xf32>
      %squeeze3A_733 = vector.extract %slice3A_732[0] : f32 from vector<1xf32>
      %broadcast_in_dim3A_734 = vector.broadcast %squeeze3A_733 : f32 to vector<16xf32>
      %swap3A_735 = arith.constant 288 : index
      %swap3A_736 = tpu.vector_load %arg18[%swap3A_735] {strides = array<i32>} : memref<512xf32, #tpu.memory_space<vmem>>, vector<16xf32>,
      %swap3A_737 = vector.shape_cast %swap3A_736 : vector<16xf32> to vector<16xf32>
      %swap3A_738 = vector.shape_cast %broadcast_in_dim3A_734 : vector<16xf32> to vector<16xf32>
      tpu.vector_store %arg18[%swap3A_735], %swap3A_738 {strides = array<i32>} : memref<512xf32, #tpu.memory_space<vmem>>, vector<16xf32>,
      %slice3A_739 = vector.extract_strided_slice %get3A_661 {offsets = [2], sizes = [1], strides = [1]} : vector<16xf32> to vector<1xf32>
      %squeeze3A_740 = vector.extract %slice3A_739[0] : f32 from vector<1xf32>
      %broadcast_in_dim3A_741 = vector.broadcast %squeeze3A_740 : f32 to vector<16xf32>
      %swap3A_742 = arith.constant 288 : index
      %swap3A_743 = tpu.vector_load %arg19[%swap3A_742] {strides = array<i32>} : memref<512xf32, #tpu.memory_space<vmem>>, vector<16xf32>,
      %swap3A_744 = vector.shape_cast %swap3A_743 : vector<16xf32> to vector<16xf32>
      %swap3A_745 = vector.shape_cast %broadcast_in_dim3A_741 : vector<16xf32> to vector<16xf32>
      tpu.vector_store %arg19[%swap3A_742], %swap3A_745 {strides = array<i32>} : memref<512xf32, #tpu.memory_space<vmem>>, vector<16xf32>,
      %slice3A_746 = vector.extract_strided_slice %get3A_646 {offsets = [3], sizes = [1], strides = [1]} : vector<16xf32> to vector<1xf32>
      %squeeze3A_747 = vector.extract %slice3A_746[0] : f32 from vector<1xf32>
      %broadcast_in_dim3A_748 = vector.broadcast %squeeze3A_747 : f32 to vector<16xf32>
      %swap3A_749 = arith.constant 304 : index
      %swap3A_750 = tpu.vector_load %arg16[%swap3A_749] {strides = array<i32>} : memref<512xf32, #tpu.memory_space<vmem>>, vector<16xf32>,
      %swap3A_751 = vector.shape_cast %swap3A_750 : vector<16xf32> to vector<16xf32>
      %swap3A_752 = vector.shape_cast %broadcast_in_dim3A_748 : vector<16xf32> to vector<16xf32>
      tpu.vector_store %arg16[%swap3A_749], %swap3A_752 {strides = array<i32>} : memref<512xf32, #tpu.memory_space<vmem>>, vector<16xf32>,
      %slice3A_753 = vector.extract_strided_slice %get3A_651 {offsets = [3], sizes = [1], strides = [1]} : vector<16xf32> to vector<1xf32>
      %squeeze3A_754 = vector.extract %slice3A_753[0] : f32 from vector<1xf32>
      %broadcast_in_dim3A_755 = vector.broadcast %squeeze3A_754 : f32 to vector<16xf32>
      %swap3A_756 = arith.constant 304 : index
      %swap3A_757 = tpu.vector_load %arg17[%swap3A_756] {strides = array<i32>} : memref<512xf32, #tpu.memory_space<vmem>>, vector<16xf32>,
      %swap3A_758 = vector.shape_cast %swap3A_757 : vector<16xf32> to vector<16xf32>
      %swap3A_759 = vector.shape_cast %broadcast_in_dim3A_755 : vector<16xf32> to vector<16xf32>
      tpu.vector_store %arg17[%swap3A_756], %swap3A_759 {strides = array<i32>} : memref<512xf32, #tpu.memory_space<vmem>>, vector<16xf32>,
      %slice3A_760 = vector.extract_strided_slice %get3A_656 {offsets = [3], sizes = [1], strides = [1]} : vector<16xf32> to vector<1xf32>
      %squeeze3A_761 = vector.extract %slice3A_760[0] : f32 from vector<1xf32>
      %broadcast_in_dim3A_762 = vector.broadcast %squeeze3A_761 : f32 to vector<16xf32>
      %swap3A_763 = arith.constant 304 : index
      %swap3A_764 = tpu.vector_load %arg18[%swap3A_763] {strides = array<i32>} : memref<512xf32, #tpu.memory_space<vmem>>, vector<16xf32>,
      %swap3A_765 = vector.shape_cast %swap3A_764 : vector<16xf32> to vector<16xf32>
      %swap3A_766 = vector.shape_cast %broadcast_in_dim3A_762 : vector<16xf32> to vector<16xf32>
      tpu.vector_store %arg18[%swap3A_763], %swap3A_766 {strides = array<i32>} : memref<512xf32, #tpu.memory_space<vmem>>, vector<16xf32>,
      %slice3A_767 = vector.extract_strided_slice %get3A_661 {offsets = [3], sizes = [1], strides = [1]} : vector<16xf32> to vector<1xf32>
      %squeeze3A_768 = vector.extract %slice3A_767[0] : f32 from vector<1xf32>
      %broadcast_in_dim3A_769 = vector.broadcast %squeeze3A_768 : f32 to vector<16xf32>
      %swap3A_770 = arith.constant 304 : index
      %swap3A_771 = tpu.vector_load %arg19[%swap3A_770] {strides = array<i32>} : memref<512xf32, #tpu.memory_space<vmem>>, vector<16xf32>,
      %swap3A_772 = vector.shape_cast %swap3A_771 : vector<16xf32> to vector<16xf32>
      %swap3A_773 = vector.shape_cast %broadcast_in_dim3A_769 : vector<16xf32> to vector<16xf32>
      tpu.vector_store %arg19[%swap3A_770], %swap3A_773 {strides = array<i32>} : memref<512xf32, #tpu.memory_space<vmem>>, vector<16xf32>,
      %slice3A_774 = vector.extract_strided_slice %get3A_646 {offsets = [4], sizes = [1], strides = [1]} : vector<16xf32> to vector<1xf32>
      %squeeze3A_775 = vector.extract %slice3A_774[0] : f32 from vector<1xf32>
      %broadcast_in_dim3A_776 = vector.broadcast %squeeze3A_775 : f32 to vector<16xf32>
      %swap3A_777 = arith.constant 320 : index
      %swap3A_778 = tpu.vector_load %arg16[%swap3A_777] {strides = array<i32>} : memref<512xf32, #tpu.memory_space<vmem>>, vector<16xf32>,
      %swap3A_779 = vector.shape_cast %swap3A_778 : vector<16xf32> to vector<16xf32>
      %swap3A_780 = vector.shape_cast %broadcast_in_dim3A_776 : vector<16xf32> to vector<16xf32>
      tpu.vector_store %arg16[%swap3A_777], %swap3A_780 {strides = array<i32>} : memref<512xf32, #tpu.memory_space<vmem>>, vector<16xf32>,
      %slice3A_781 = vector.extract_strided_slice %get3A_651 {offsets = [4], sizes = [1], strides = [1]} : vector<16xf32> to vector<1xf32>
      %squeeze3A_782 = vector.extract %slice3A_781[0] : f32 from vector<1xf32>
      %broadcast_in_dim3A_783 = vector.broadcast %squeeze3A_782 : f32 to vector<16xf32>
      %swap3A_784 = arith.constant 320 : index
      %swap3A_785 = tpu.vector_load %arg17[%swap3A_784] {strides = array<i32>} : memref<512xf32, #tpu.memory_space<vmem>>, vector<16xf32>,
      %swap3A_786 = vector.shape_cast %swap3A_785 : vector<16xf32> to vector<16xf32>
      %swap3A_787 = vector.shape_cast %broadcast_in_dim3A_783 : vector<16xf32> to vector<16xf32>
      tpu.vector_store %arg17[%swap3A_784], %swap3A_787 {strides = array<i32>} : memref<512xf32, #tpu.memory_space<vmem>>, vector<16xf32>,
      %slice3A_788 = vector.extract_strided_slice %get3A_656 {offsets = [4], sizes = [1], strides = [1]} : vector<16xf32> to vector<1xf32>
      %squeeze3A_789 = vector.extract %slice3A_788[0] : f32 from vector<1xf32>
      %broadcast_in_dim3A_790 = vector.broadcast %squeeze3A_789 : f32 to vector<16xf32>
      %swap3A_791 = arith.constant 320 : index
      %swap3A_792 = tpu.vector_load %arg18[%swap3A_791] {strides = array<i32>} : memref<512xf32, #tpu.memory_space<vmem>>, vector<16xf32>,
      %swap3A_793 = vector.shape_cast %swap3A_792 : vector<16xf32> to vector<16xf32>
      %swap3A_794 = vector.shape_cast %broadcast_in_dim3A_790 : vector<16xf32> to vector<16xf32>
      tpu.vector_store %arg18[%swap3A_791], %swap3A_794 {strides = array<i32>} : memref<512xf32, #tpu.memory_space<vmem>>, vector<16xf32>,
      %slice3A_795 = vector.extract_strided_slice %get3A_661 {offsets = [4], sizes = [1], strides = [1]} : vector<16xf32> to vector<1xf32>
      %squeeze3A_796 = vector.extract %slice3A_795[0] : f32 from vector<1xf32>
      %broadcast_in_dim3A_797 = vector.broadcast %squeeze3A_796 : f32 to vector<16xf32>
      %swap3A_798 = arith.constant 320 : index
      %swap3A_799 = tpu.vector_load %arg19[%swap3A_798] {strides = array<i32>} : memref<512xf32, #tpu.memory_space<vmem>>, vector<16xf32>,
      %swap3A_800 = vector.shape_cast %swap3A_799 : vector<16xf32> to vector<16xf32>
      %swap3A_801 = vector.shape_cast %broadcast_in_dim3A_797 : vector<16xf32> to vector<16xf32>
      tpu.vector_store %arg19[%swap3A_798], %swap3A_801 {strides = array<i32>} : memref<512xf32, #tpu.memory_space<vmem>>, vector<16xf32>,
      %slice3A_802 = vector.extract_strided_slice %get3A_646 {offsets = [5], sizes = [1], strides = [1]} : vector<16xf32> to vector<1xf32>
      %squeeze3A_803 = vector.extract %slice3A_802[0] : f32 from vector<1xf32>
      %broadcast_in_dim3A_804 = vector.broadcast %squeeze3A_803 : f32 to vector<16xf32>
      %swap3A_805 = arith.constant 336 : index
      %swap3A_806 = tpu.vector_load %arg16[%swap3A_805] {strides = array<i32>} : memref<512xf32, #tpu.memory_space<vmem>>, vector<16xf32>,
      %swap3A_807 = vector.shape_cast %swap3A_806 : vector<16xf32> to vector<16xf32>
      %swap3A_808 = vector.shape_cast %broadcast_in_dim3A_804 : vector<16xf32> to vector<16xf32>
      tpu.vector_store %arg16[%swap3A_805], %swap3A_808 {strides = array<i32>} : memref<512xf32, #tpu.memory_space<vmem>>, vector<16xf32>,
      %slice3A_809 = vector.extract_strided_slice %get3A_651 {offsets = [5], sizes = [1], strides = [1]} : vector<16xf32> to vector<1xf32>
      %squeeze3A_810 = vector.extract %slice3A_809[0] : f32 from vector<1xf32>
      %broadcast_in_dim3A_811 = vector.broadcast %squeeze3A_810 : f32 to vector<16xf32>
      %swap3A_812 = arith.constant 336 : index
      %swap3A_813 = tpu.vector_load %arg17[%swap3A_812] {strides = array<i32>} : memref<512xf32, #tpu.memory_space<vmem>>, vector<16xf32>,
      %swap3A_814 = vector.shape_cast %swap3A_813 : vector<16xf32> to vector<16xf32>
      %swap3A_815 = vector.shape_cast %broadcast_in_dim3A_811 : vector<16xf32> to vector<16xf32>
      tpu.vector_store %arg17[%swap3A_812], %swap3A_815 {strides = array<i32>} : memref<512xf32, #tpu.memory_space<vmem>>, vector<16xf32>,
      %slice3A_816 = vector.extract_strided_slice %get3A_656 {offsets = [5], sizes = [1], strides = [1]} : vector<16xf32> to vector<1xf32>
      %squeeze3A_817 = vector.extract %slice3A_816[0] : f32 from vector<1xf32>
      %broadcast_in_dim3A_818 = vector.broadcast %squeeze3A_817 : f32 to vector<16xf32>
      %swap3A_819 = arith.constant 336 : index
      %swap3A_820 = tpu.vector_load %arg18[%swap3A_819] {strides = array<i32>} : memref<512xf32, #tpu.memory_space<vmem>>, vector<16xf32>,
      %swap3A_821 = vector.shape_cast %swap3A_820 : vector<16xf32> to vector<16xf32>
      %swap3A_822 = vector.shape_cast %broadcast_in_dim3A_818 : vector<16xf32> to vector<16xf32>
      tpu.vector_store %arg18[%swap3A_819], %swap3A_822 {strides = array<i32>} : memref<512xf32, #tpu.memory_space<vmem>>, vector<16xf32>,
      %slice3A_823 = vector.extract_strided_slice %get3A_661 {offsets = [5], sizes = [1], strides = [1]} : vector<16xf32> to vector<1xf32>
      %squeeze3A_824 = vector.extract %slice3A_823[0] : f32 from vector<1xf32>
      %broadcast_in_dim3A_825 = vector.broadcast %squeeze3A_824 : f32 to vector<16xf32>
      %swap3A_826 = arith.constant 336 : index
      %swap3A_827 = tpu.vector_load %arg19[%swap3A_826] {strides = array<i32>} : memref<512xf32, #tpu.memory_space<vmem>>, vector<16xf32>,
      %swap3A_828 = vector.shape_cast %swap3A_827 : vector<16xf32> to vector<16xf32>
      %swap3A_829 = vector.shape_cast %broadcast_in_dim3A_825 : vector<16xf32> to vector<16xf32>
      tpu.vector_store %arg19[%swap3A_826], %swap3A_829 {strides = array<i32>} : memref<512xf32, #tpu.memory_space<vmem>>, vector<16xf32>,
      %slice3A_830 = vector.extract_strided_slice %get3A_646 {offsets = [6], sizes = [1], strides = [1]} : vector<16xf32> to vector<1xf32>
      %squeeze3A_831 = vector.extract %slice3A_830[0] : f32 from vector<1xf32>
      %broadcast_in_dim3A_832 = vector.broadcast %squeeze3A_831 : f32 to vector<16xf32>
      %swap3A_833 = arith.constant 352 : index
      %swap3A_834 = tpu.vector_load %arg16[%swap3A_833] {strides = array<i32>} : memref<512xf32, #tpu.memory_space<vmem>>, vector<16xf32>,
      %swap3A_835 = vector.shape_cast %swap3A_834 : vector<16xf32> to vector<16xf32>
      %swap3A_836 = vector.shape_cast %broadcast_in_dim3A_832 : vector<16xf32> to vector<16xf32>
      tpu.vector_store %arg16[%swap3A_833], %swap3A_836 {strides = array<i32>} : memref<512xf32, #tpu.memory_space<vmem>>, vector<16xf32>,
      %slice3A_837 = vector.extract_strided_slice %get3A_651 {offsets = [6], sizes = [1], strides = [1]} : vector<16xf32> to vector<1xf32>
      %squeeze3A_838 = vector.extract %slice3A_837[0] : f32 from vector<1xf32>
      %broadcast_in_dim3A_839 = vector.broadcast %squeeze3A_838 : f32 to vector<16xf32>
      %swap3A_840 = arith.constant 352 : index
      %swap3A_841 = tpu.vector_load %arg17[%swap3A_840] {strides = array<i32>} : memref<512xf32, #tpu.memory_space<vmem>>, vector<16xf32>,
      %swap3A_842 = vector.shape_cast %swap3A_841 : vector<16xf32> to vector<16xf32>
      %swap3A_843 = vector.shape_cast %broadcast_in_dim3A_839 : vector<16xf32> to vector<16xf32>
      tpu.vector_store %arg17[%swap3A_840], %swap3A_843 {strides = array<i32>} : memref<512xf32, #tpu.memory_space<vmem>>, vector<16xf32>,
      %slice3A_844 = vector.extract_strided_slice %get3A_656 {offsets = [6], sizes = [1], strides = [1]} : vector<16xf32> to vector<1xf32>
      %squeeze3A_845 = vector.extract %slice3A_844[0] : f32 from vector<1xf32>
      %broadcast_in_dim3A_846 = vector.broadcast %squeeze3A_845 : f32 to vector<16xf32>
      %swap3A_847 = arith.constant 352 : index
      %swap3A_848 = tpu.vector_load %arg18[%swap3A_847] {strides = array<i32>} : memref<512xf32, #tpu.memory_space<vmem>>, vector<16xf32>,
      %swap3A_849 = vector.shape_cast %swap3A_848 : vector<16xf32> to vector<16xf32>
      %swap3A_850 = vector.shape_cast %broadcast_in_dim3A_846 : vector<16xf32> to vector<16xf32>
      tpu.vector_store %arg18[%swap3A_847], %swap3A_850 {strides = array<i32>} : memref<512xf32, #tpu.memory_space<vmem>>, vector<16xf32>,
      %slice3A_851 = vector.extract_strided_slice %get3A_661 {offsets = [6], sizes = [1], strides = [1]} : vector<16xf32> to vector<1xf32>
      %squeeze3A_852 = vector.extract %slice3A_851[0] : f32 from vector<1xf32>
      %broadcast_in_dim3A_853 = vector.broadcast %squeeze3A_852 : f32 to vector<16xf32>
      %swap3A_854 = arith.constant 352 : index
      %swap3A_855 = tpu.vector_load %arg19[%swap3A_854] {strides = array<i32>} : memref<512xf32, #tpu.memory_space<vmem>>, vector<16xf32>,
      %swap3A_856 = vector.shape_cast %swap3A_855 : vector<16xf32> to vector<16xf32>
      %swap3A_857 = vector.shape_cast %broadcast_in_dim3A_853 : vector<16xf32> to vector<16xf32>
      tpu.vector_store %arg19[%swap3A_854], %swap3A_857 {strides = array<i32>} : memref<512xf32, #tpu.memory_space<vmem>>, vector<16xf32>,
      %slice3A_858 = vector.extract_strided_slice %get3A_646 {offsets = [7], sizes = [1], strides = [1]} : vector<16xf32> to vector<1xf32>
      %squeeze3A_859 = vector.extract %slice3A_858[0] : f32 from vector<1xf32>
      %broadcast_in_dim3A_860 = vector.broadcast %squeeze3A_859 : f32 to vector<16xf32>
      %swap3A_861 = arith.constant 368 : index
      %swap3A_862 = tpu.vector_load %arg16[%swap3A_861] {strides = array<i32>} : memref<512xf32, #tpu.memory_space<vmem>>, vector<16xf32>,
      %swap3A_863 = vector.shape_cast %swap3A_862 : vector<16xf32> to vector<16xf32>
      %swap3A_864 = vector.shape_cast %broadcast_in_dim3A_860 : vector<16xf32> to vector<16xf32>
      tpu.vector_store %arg16[%swap3A_861], %swap3A_864 {strides = array<i32>} : memref<512xf32, #tpu.memory_space<vmem>>, vector<16xf32>,
      %slice3A_865 = vector.extract_strided_slice %get3A_651 {offsets = [7], sizes = [1], strides = [1]} : vector<16xf32> to vector<1xf32>
      %squeeze3A_866 = vector.extract %slice3A_865[0] : f32 from vector<1xf32>
      %broadcast_in_dim3A_867 = vector.broadcast %squeeze3A_866 : f32 to vector<16xf32>
      %swap3A_868 = arith.constant 368 : index
      %swap3A_869 = tpu.vector_load %arg17[%swap3A_868] {strides = array<i32>} : memref<512xf32, #tpu.memory_space<vmem>>, vector<16xf32>,
      %swap3A_870 = vector.shape_cast %swap3A_869 : vector<16xf32> to vector<16xf32>
      %swap3A_871 = vector.shape_cast %broadcast_in_dim3A_867 : vector<16xf32> to vector<16xf32>
      tpu.vector_store %arg17[%swap3A_868], %swap3A_871 {strides = array<i32>} : memref<512xf32, #tpu.memory_space<vmem>>, vector<16xf32>,
      %slice3A_872 = vector.extract_strided_slice %get3A_656 {offsets = [7], sizes = [1], strides = [1]} : vector<16xf32> to vector<1xf32>
      %squeeze3A_873 = vector.extract %slice3A_872[0] : f32 from vector<1xf32>
      %broadcast_in_dim3A_874 = vector.broadcast %squeeze3A_873 : f32 to vector<16xf32>
      %swap3A_875 = arith.constant 368 : index
      %swap3A_876 = tpu.vector_load %arg18[%swap3A_875] {strides = array<i32>} : memref<512xf32, #tpu.memory_space<vmem>>, vector<16xf32>,
      %swap3A_877 = vector.shape_cast %swap3A_876 : vector<16xf32> to vector<16xf32>
      %swap3A_878 = vector.shape_cast %broadcast_in_dim3A_874 : vector<16xf32> to vector<16xf32>
      tpu.vector_store %arg18[%swap3A_875], %swap3A_878 {strides = array<i32>} : memref<512xf32, #tpu.memory_space<vmem>>, vector<16xf32>,
      %slice3A_879 = vector.extract_strided_slice %get3A_661 {offsets = [7], sizes = [1], strides = [1]} : vector<16xf32> to vector<1xf32>
      %squeeze3A_880 = vector.extract %slice3A_879[0] : f32 from vector<1xf32>
      %broadcast_in_dim3A_881 = vector.broadcast %squeeze3A_880 : f32 to vector<16xf32>
      %swap3A_882 = arith.constant 368 : index
      %swap3A_883 = tpu.vector_load %arg19[%swap3A_882] {strides = array<i32>} : memref<512xf32, #tpu.memory_space<vmem>>, vector<16xf32>,
      %swap3A_884 = vector.shape_cast %swap3A_883 : vector<16xf32> to vector<16xf32>
      %swap3A_885 = vector.shape_cast %broadcast_in_dim3A_881 : vector<16xf32> to vector<16xf32>
      tpu.vector_store %arg19[%swap3A_882], %swap3A_885 {strides = array<i32>} : memref<512xf32, #tpu.memory_space<vmem>>, vector<16xf32>,
      %slice3A_886 = vector.extract_strided_slice %get3A_646 {offsets = [8], sizes = [1], strides = [1]} : vector<16xf32> to vector<1xf32>
      %squeeze3A_887 = vector.extract %slice3A_886[0] : f32 from vector<1xf32>
      %broadcast_in_dim3A_888 = vector.broadcast %squeeze3A_887 : f32 to vector<16xf32>
      %swap3A_889 = arith.constant 384 : index
      %swap3A_890 = tpu.vector_load %arg16[%swap3A_889] {strides = array<i32>} : memref<512xf32, #tpu.memory_space<vmem>>, vector<16xf32>,
      %swap3A_891 = vector.shape_cast %swap3A_890 : vector<16xf32> to vector<16xf32>
      %swap3A_892 = vector.shape_cast %broadcast_in_dim3A_888 : vector<16xf32> to vector<16xf32>
      tpu.vector_store %arg16[%swap3A_889], %swap3A_892 {strides = array<i32>} : memref<512xf32, #tpu.memory_space<vmem>>, vector<16xf32>,
      %slice3A_893 = vector.extract_strided_slice %get3A_651 {offsets = [8], sizes = [1], strides = [1]} : vector<16xf32> to vector<1xf32>
      %squeeze3A_894 = vector.extract %slice3A_893[0] : f32 from vector<1xf32>
      %broadcast_in_dim3A_895 = vector.broadcast %squeeze3A_894 : f32 to vector<16xf32>
      %swap3A_896 = arith.constant 384 : index
      %swap3A_897 = tpu.vector_load %arg17[%swap3A_896] {strides = array<i32>} : memref<512xf32, #tpu.memory_space<vmem>>, vector<16xf32>,
      %swap3A_898 = vector.shape_cast %swap3A_897 : vector<16xf32> to vector<16xf32>
      %swap3A_899 = vector.shape_cast %broadcast_in_dim3A_895 : vector<16xf32> to vector<16xf32>
      tpu.vector_store %arg17[%swap3A_896], %swap3A_899 {strides = array<i32>} : memref<512xf32, #tpu.memory_space<vmem>>, vector<16xf32>,
      %slice3A_900 = vector.extract_strided_slice %get3A_656 {offsets = [8], sizes = [1], strides = [1]} : vector<16xf32> to vector<1xf32>
      %squeeze3A_901 = vector.extract %slice3A_900[0] : f32 from vector<1xf32>
      %broadcast_in_dim3A_902 = vector.broadcast %squeeze3A_901 : f32 to vector<16xf32>
      %swap3A_903 = arith.constant 384 : index
      %swap3A_904 = tpu.vector_load %arg18[%swap3A_903] {strides = array<i32>} : memref<512xf32, #tpu.memory_space<vmem>>, vector<16xf32>,
      %swap3A_905 = vector.shape_cast %swap3A_904 : vector<16xf32> to vector<16xf32>
      %swap3A_906 = vector.shape_cast %broadcast_in_dim3A_902 : vector<16xf32> to vector<16xf32>
      tpu.vector_store %arg18[%swap3A_903], %swap3A_906 {strides = array<i32>} : memref<512xf32, #tpu.memory_space<vmem>>, vector<16xf32>,
      %slice3A_907 = vector.extract_strided_slice %get3A_661 {offsets = [8], sizes = [1], strides = [1]} : vector<16xf32> to vector<1xf32>
      %squeeze3A_908 = vector.extract %slice3A_907[0] : f32 from vector<1xf32>
      %broadcast_in_dim3A_909 = vector.broadcast %squeeze3A_908 : f32 to vector<16xf32>
      %swap3A_910 = arith.constant 384 : index
      %swap3A_911 = tpu.vector_load %arg19[%swap3A_910] {strides = array<i32>} : memref<512xf32, #tpu.memory_space<vmem>>, vector<16xf32>,
      %swap3A_912 = vector.shape_cast %swap3A_911 : vector<16xf32> to vector<16xf32>
      %swap3A_913 = vector.shape_cast %broadcast_in_dim3A_909 : vector<16xf32> to vector<16xf32>
      tpu.vector_store %arg19[%swap3A_910], %swap3A_913 {strides = array<i32>} : memref<512xf32, #tpu.memory_space<vmem>>, vector<16xf32>,
      %slice3A_914 = vector.extract_strided_slice %get3A_646 {offsets = [9], sizes = [1], strides = [1]} : vector<16xf32> to vector<1xf32>
      %squeeze3A_915 = vector.extract %slice3A_914[0] : f32 from vector<1xf32>
      %broadcast_in_dim3A_916 = vector.broadcast %squeeze3A_915 : f32 to vector<16xf32>
      %swap3A_917 = arith.constant 400 : index
      %swap3A_918 = tpu.vector_load %arg16[%swap3A_917] {strides = array<i32>} : memref<512xf32, #tpu.memory_space<vmem>>, vector<16xf32>,
      %swap3A_919 = vector.shape_cast %swap3A_918 : vector<16xf32> to vector<16xf32>
      %swap3A_920 = vector.shape_cast %broadcast_in_dim3A_916 : vector<16xf32> to vector<16xf32>
      tpu.vector_store %arg16[%swap3A_917], %swap3A_920 {strides = array<i32>} : memref<512xf32, #tpu.memory_space<vmem>>, vector<16xf32>,
      %slice3A_921 = vector.extract_strided_slice %get3A_651 {offsets = [9], sizes = [1], strides = [1]} : vector<16xf32> to vector<1xf32>
      %squeeze3A_922 = vector.extract %slice3A_921[0] : f32 from vector<1xf32>
      %broadcast_in_dim3A_923 = vector.broadcast %squeeze3A_922 : f32 to vector<16xf32>
      %swap3A_924 = arith.constant 400 : index
      %swap3A_925 = tpu.vector_load %arg17[%swap3A_924] {strides = array<i32>} : memref<512xf32, #tpu.memory_space<vmem>>, vector<16xf32>,
      %swap3A_926 = vector.shape_cast %swap3A_925 : vector<16xf32> to vector<16xf32>
      %swap3A_927 = vector.shape_cast %broadcast_in_dim3A_923 : vector<16xf32> to vector<16xf32>
      tpu.vector_store %arg17[%swap3A_924], %swap3A_927 {strides = array<i32>} : memref<512xf32, #tpu.memory_space<vmem>>, vector<16xf32>,
      %slice3A_928 = vector.extract_strided_slice %get3A_656 {offsets = [9], sizes = [1], strides = [1]} : vector<16xf32> to vector<1xf32>
      %squeeze3A_929 = vector.extract %slice3A_928[0] : f32 from vector<1xf32>
      %broadcast_in_dim3A_930 = vector.broadcast %squeeze3A_929 : f32 to vector<16xf32>
      %swap3A_931 = arith.constant 400 : index
      %swap3A_932 = tpu.vector_load %arg18[%swap3A_931] {strides = array<i32>} : memref<512xf32, #tpu.memory_space<vmem>>, vector<16xf32>,
      %swap3A_933 = vector.shape_cast %swap3A_932 : vector<16xf32> to vector<16xf32>
      %swap3A_934 = vector.shape_cast %broadcast_in_dim3A_930 : vector<16xf32> to vector<16xf32>
      tpu.vector_store %arg18[%swap3A_931], %swap3A_934 {strides = array<i32>} : memref<512xf32, #tpu.memory_space<vmem>>, vector<16xf32>,
      %slice3A_935 = vector.extract_strided_slice %get3A_661 {offsets = [9], sizes = [1], strides = [1]} : vector<16xf32> to vector<1xf32>
      %squeeze3A_936 = vector.extract %slice3A_935[0] : f32 from vector<1xf32>
      %broadcast_in_dim3A_937 = vector.broadcast %squeeze3A_936 : f32 to vector<16xf32>
      %swap3A_938 = arith.constant 400 : index
      %swap3A_939 = tpu.vector_load %arg19[%swap3A_938] {strides = array<i32>} : memref<512xf32, #tpu.memory_space<vmem>>, vector<16xf32>,
      %swap3A_940 = vector.shape_cast %swap3A_939 : vector<16xf32> to vector<16xf32>
      %swap3A_941 = vector.shape_cast %broadcast_in_dim3A_937 : vector<16xf32> to vector<16xf32>
      tpu.vector_store %arg19[%swap3A_938], %swap3A_941 {strides = array<i32>} : memref<512xf32, #tpu.memory_space<vmem>>, vector<16xf32>,
      %slice3A_942 = vector.extract_strided_slice %get3A_646 {offsets = [10], sizes = [1], strides = [1]} : vector<16xf32> to vector<1xf32>
      %squeeze3A_943 = vector.extract %slice3A_942[0] : f32 from vector<1xf32>
      %broadcast_in_dim3A_944 = vector.broadcast %squeeze3A_943 : f32 to vector<16xf32>
      %swap3A_945 = arith.constant 416 : index
      %swap3A_946 = tpu.vector_load %arg16[%swap3A_945] {strides = array<i32>} : memref<512xf32, #tpu.memory_space<vmem>>, vector<16xf32>,
      %swap3A_947 = vector.shape_cast %swap3A_946 : vector<16xf32> to vector<16xf32>
      %swap3A_948 = vector.shape_cast %broadcast_in_dim3A_944 : vector<16xf32> to vector<16xf32>
      tpu.vector_store %arg16[%swap3A_945], %swap3A_948 {strides = array<i32>} : memref<512xf32, #tpu.memory_space<vmem>>, vector<16xf32>,
      %slice3A_949 = vector.extract_strided_slice %get3A_651 {offsets = [10], sizes = [1], strides = [1]} : vector<16xf32> to vector<1xf32>
      %squeeze3A_950 = vector.extract %slice3A_949[0] : f32 from vector<1xf32>
      %broadcast_in_dim3A_951 = vector.broadcast %squeeze3A_950 : f32 to vector<16xf32>
      %swap3A_952 = arith.constant 416 : index
      %swap3A_953 = tpu.vector_load %arg17[%swap3A_952] {strides = array<i32>} : memref<512xf32, #tpu.memory_space<vmem>>, vector<16xf32>,
      %swap3A_954 = vector.shape_cast %swap3A_953 : vector<16xf32> to vector<16xf32>
      %swap3A_955 = vector.shape_cast %broadcast_in_dim3A_951 : vector<16xf32> to vector<16xf32>
      tpu.vector_store %arg17[%swap3A_952], %swap3A_955 {strides = array<i32>} : memref<512xf32, #tpu.memory_space<vmem>>, vector<16xf32>,
      %slice3A_956 = vector.extract_strided_slice %get3A_656 {offsets = [10], sizes = [1], strides = [1]} : vector<16xf32> to vector<1xf32>
      %squeeze3A_957 = vector.extract %slice3A_956[0] : f32 from vector<1xf32>
      %broadcast_in_dim3A_958 = vector.broadcast %squeeze3A_957 : f32 to vector<16xf32>
      %swap3A_959 = arith.constant 416 : index
      %swap3A_960 = tpu.vector_load %arg18[%swap3A_959] {strides = array<i32>} : memref<512xf32, #tpu.memory_space<vmem>>, vector<16xf32>,
      %swap3A_961 = vector.shape_cast %swap3A_960 : vector<16xf32> to vector<16xf32>
      %swap3A_962 = vector.shape_cast %broadcast_in_dim3A_958 : vector<16xf32> to vector<16xf32>
      tpu.vector_store %arg18[%swap3A_959], %swap3A_962 {strides = array<i32>} : memref<512xf32, #tpu.memory_space<vmem>>, vector<16xf32>,
      %slice3A_963 = vector.extract_strided_slice %get3A_661 {offsets = [10], sizes = [1], strides = [1]} : vector<16xf32> to vector<1xf32>
      %squeeze3A_964 = vector.extract %slice3A_963[0] : f32 from vector<1xf32>
      %broadcast_in_dim3A_965 = vector.broadcast %squeeze3A_964 : f32 to vector<16xf32>
      %swap3A_966 = arith.constant 416 : index
      %swap3A_967 = tpu.vector_load %arg19[%swap3A_966] {strides = array<i32>} : memref<512xf32, #tpu.memory_space<vmem>>, vector<16xf32>,
      %swap3A_968 = vector.shape_cast %swap3A_967 : vector<16xf32> to vector<16xf32>
      %swap3A_969 = vector.shape_cast %broadcast_in_dim3A_965 : vector<16xf32> to vector<16xf32>
      tpu.vector_store %arg19[%swap3A_966], %swap3A_969 {strides = array<i32>} : memref<512xf32, #tpu.memory_space<vmem>>, vector<16xf32>,
      %slice3A_970 = vector.extract_strided_slice %get3A_646 {offsets = [11], sizes = [1], strides = [1]} : vector<16xf32> to vector<1xf32>
      %squeeze3A_971 = vector.extract %slice3A_970[0] : f32 from vector<1xf32>
      %broadcast_in_dim3A_972 = vector.broadcast %squeeze3A_971 : f32 to vector<16xf32>
      %swap3A_973 = arith.constant 432 : index
      %swap3A_974 = tpu.vector_load %arg16[%swap3A_973] {strides = array<i32>} : memref<512xf32, #tpu.memory_space<vmem>>, vector<16xf32>,
      %swap3A_975 = vector.shape_cast %swap3A_974 : vector<16xf32> to vector<16xf32>
      %swap3A_976 = vector.shape_cast %broadcast_in_dim3A_972 : vector<16xf32> to vector<16xf32>
      tpu.vector_store %arg16[%swap3A_973], %swap3A_976 {strides = array<i32>} : memref<512xf32, #tpu.memory_space<vmem>>, vector<16xf32>,
      %slice3A_977 = vector.extract_strided_slice %get3A_651 {offsets = [11], sizes = [1], strides = [1]} : vector<16xf32> to vector<1xf32>
      %squeeze3A_978 = vector.extract %slice3A_977[0] : f32 from vector<1xf32>
      %broadcast_in_dim3A_979 = vector.broadcast %squeeze3A_978 : f32 to vector<16xf32>
      %swap3A_980 = arith.constant 432 : index
      %swap3A_981 = tpu.vector_load %arg17[%swap3A_980] {strides = array<i32>} : memref<512xf32, #tpu.memory_space<vmem>>, vector<16xf32>,
      %swap3A_982 = vector.shape_cast %swap3A_981 : vector<16xf32> to vector<16xf32>
      %swap3A_983 = vector.shape_cast %broadcast_in_dim3A_979 : vector<16xf32> to vector<16xf32>
      tpu.vector_store %arg17[%swap3A_980], %swap3A_983 {strides = array<i32>} : memref<512xf32, #tpu.memory_space<vmem>>, vector<16xf32>,
      %slice3A_984 = vector.extract_strided_slice %get3A_656 {offsets = [11], sizes = [1], strides = [1]} : vector<16xf32> to vector<1xf32>
      %squeeze3A_985 = vector.extract %slice3A_984[0] : f32 from vector<1xf32>
      %broadcast_in_dim3A_986 = vector.broadcast %squeeze3A_985 : f32 to vector<16xf32>
      %swap3A_987 = arith.constant 432 : index
      %swap3A_988 = tpu.vector_load %arg18[%swap3A_987] {strides = array<i32>} : memref<512xf32, #tpu.memory_space<vmem>>, vector<16xf32>,
      %swap3A_989 = vector.shape_cast %swap3A_988 : vector<16xf32> to vector<16xf32>
      %swap3A_990 = vector.shape_cast %broadcast_in_dim3A_986 : vector<16xf32> to vector<16xf32>
      tpu.vector_store %arg18[%swap3A_987], %swap3A_990 {strides = array<i32>} : memref<512xf32, #tpu.memory_space<vmem>>, vector<16xf32>,
      %slice3A_991 = vector.extract_strided_slice %get3A_661 {offsets = [11], sizes = [1], strides = [1]} : vector<16xf32> to vector<1xf32>
      %squeeze3A_992 = vector.extract %slice3A_991[0] : f32 from vector<1xf32>
      %broadcast_in_dim3A_993 = vector.broadcast %squeeze3A_992 : f32 to vector<16xf32>
      %swap3A_994 = arith.constant 432 : index
      %swap3A_995 = tpu.vector_load %arg19[%swap3A_994] {strides = array<i32>} : memref<512xf32, #tpu.memory_space<vmem>>, vector<16xf32>,
      %swap3A_996 = vector.shape_cast %swap3A_995 : vector<16xf32> to vector<16xf32>
      %swap3A_997 = vector.shape_cast %broadcast_in_dim3A_993 : vector<16xf32> to vector<16xf32>
      tpu.vector_store %arg19[%swap3A_994], %swap3A_997 {strides = array<i32>} : memref<512xf32, #tpu.memory_space<vmem>>, vector<16xf32>,
      %slice3A_998 = vector.extract_strided_slice %get3A_646 {offsets = [12], sizes = [1], strides = [1]} : vector<16xf32> to vector<1xf32>
      %squeeze3A_999 = vector.extract %slice3A_998[0] : f32 from vector<1xf32>
      %broadcast_in_dim3A_1000 = vector.broadcast %squeeze3A_999 : f32 to vector<16xf32>
      %swap3A_1001 = arith.constant 448 : index
      %swap3A_1002 = tpu.vector_load %arg16[%swap3A_1001] {strides = array<i32>} : memref<512xf32, #tpu.memory_space<vmem>>, vector<16xf32>,
      %swap3A_1003 = vector.shape_cast %swap3A_1002 : vector<16xf32> to vector<16xf32>
      %swap3A_1004 = vector.shape_cast %broadcast_in_dim3A_1000 : vector<16xf32> to vector<16xf32>
      tpu.vector_store %arg16[%swap3A_1001], %swap3A_1004 {strides = array<i32>} : memref<512xf32, #tpu.memory_space<vmem>>, vector<16xf32>,
      %slice3A_1005 = vector.extract_strided_slice %get3A_651 {offsets = [12], sizes = [1], strides = [1]} : vector<16xf32> to vector<1xf32>
      %squeeze3A_1006 = vector.extract %slice3A_1005[0] : f32 from vector<1xf32>
      %broadcast_in_dim3A_1007 = vector.broadcast %squeeze3A_1006 : f32 to vector<16xf32>
      %swap3A_1008 = arith.constant 448 : index
      %swap3A_1009 = tpu.vector_load %arg17[%swap3A_1008] {strides = array<i32>} : memref<512xf32, #tpu.memory_space<vmem>>, vector<16xf32>,
      %swap3A_1010 = vector.shape_cast %swap3A_1009 : vector<16xf32> to vector<16xf32>
      %swap3A_1011 = vector.shape_cast %broadcast_in_dim3A_1007 : vector<16xf32> to vector<16xf32>
      tpu.vector_store %arg17[%swap3A_1008], %swap3A_1011 {strides = array<i32>} : memref<512xf32, #tpu.memory_space<vmem>>, vector<16xf32>,
      %slice3A_1012 = vector.extract_strided_slice %get3A_656 {offsets = [12], sizes = [1], strides = [1]} : vector<16xf32> to vector<1xf32>
      %squeeze3A_1013 = vector.extract %slice3A_1012[0] : f32 from vector<1xf32>
      %broadcast_in_dim3A_1014 = vector.broadcast %squeeze3A_1013 : f32 to vector<16xf32>
      %swap3A_1015 = arith.constant 448 : index
      %swap3A_1016 = tpu.vector_load %arg18[%swap3A_1015] {strides = array<i32>} : memref<512xf32, #tpu.memory_space<vmem>>, vector<16xf32>,
      %swap3A_1017 = vector.shape_cast %swap3A_1016 : vector<16xf32> to vector<16xf32>
      %swap3A_1018 = vector.shape_cast %broadcast_in_dim3A_1014 : vector<16xf32> to vector<16xf32>
      tpu.vector_store %arg18[%swap3A_1015], %swap3A_1018 {strides = array<i32>} : memref<512xf32, #tpu.memory_space<vmem>>, vector<16xf32>,
      %slice3A_1019 = vector.extract_strided_slice %get3A_661 {offsets = [12], sizes = [1], strides = [1]} : vector<16xf32> to vector<1xf32>
      %squeeze3A_1020 = vector.extract %slice3A_1019[0] : f32 from vector<1xf32>
      %broadcast_in_dim3A_1021 = vector.broadcast %squeeze3A_1020 : f32 to vector<16xf32>
      %swap3A_1022 = arith.constant 448 : index
      %swap3A_1023 = tpu.vector_load %arg19[%swap3A_1022] {strides = array<i32>} : memref<512xf32, #tpu.memory_space<vmem>>, vector<16xf32>,
      %swap3A_1024 = vector.shape_cast %swap3A_1023 : vector<16xf32> to vector<16xf32>
      %swap3A_1025 = vector.shape_cast %broadcast_in_dim3A_1021 : vector<16xf32> to vector<16xf32>
      tpu.vector_store %arg19[%swap3A_1022], %swap3A_1025 {strides = array<i32>} : memref<512xf32, #tpu.memory_space<vmem>>, vector<16xf32>,
      %slice3A_1026 = vector.extract_strided_slice %get3A_646 {offsets = [13], sizes = [1], strides = [1]} : vector<16xf32> to vector<1xf32>
      %squeeze3A_1027 = vector.extract %slice3A_1026[0] : f32 from vector<1xf32>
      %broadcast_in_dim3A_1028 = vector.broadcast %squeeze3A_1027 : f32 to vector<16xf32>
      %swap3A_1029 = arith.constant 464 : index
      %swap3A_1030 = tpu.vector_load %arg16[%swap3A_1029] {strides = array<i32>} : memref<512xf32, #tpu.memory_space<vmem>>, vector<16xf32>,
      %swap3A_1031 = vector.shape_cast %swap3A_1030 : vector<16xf32> to vector<16xf32>
      %swap3A_1032 = vector.shape_cast %broadcast_in_dim3A_1028 : vector<16xf32> to vector<16xf32>
      tpu.vector_store %arg16[%swap3A_1029], %swap3A_1032 {strides = array<i32>} : memref<512xf32, #tpu.memory_space<vmem>>, vector<16xf32>,
      %slice3A_1033 = vector.extract_strided_slice %get3A_651 {offsets = [13], sizes = [1], strides = [1]} : vector<16xf32> to vector<1xf32>
      %squeeze3A_1034 = vector.extract %slice3A_1033[0] : f32 from vector<1xf32>
      %broadcast_in_dim3A_1035 = vector.broadcast %squeeze3A_1034 : f32 to vector<16xf32>
      %swap3A_1036 = arith.constant 464 : index
      %swap3A_1037 = tpu.vector_load %arg17[%swap3A_1036] {strides = array<i32>} : memref<512xf32, #tpu.memory_space<vmem>>, vector<16xf32>,
      %swap3A_1038 = vector.shape_cast %swap3A_1037 : vector<16xf32> to vector<16xf32>
      %swap3A_1039 = vector.shape_cast %broadcast_in_dim3A_1035 : vector<16xf32> to vector<16xf32>
      tpu.vector_store %arg17[%swap3A_1036], %swap3A_1039 {strides = array<i32>} : memref<512xf32, #tpu.memory_space<vmem>>, vector<16xf32>,
      %slice3A_1040 = vector.extract_strided_slice %get3A_656 {offsets = [13], sizes = [1], strides = [1]} : vector<16xf32> to vector<1xf32>
      %squeeze3A_1041 = vector.extract %slice3A_1040[0] : f32 from vector<1xf32>
      %broadcast_in_dim3A_1042 = vector.broadcast %squeeze3A_1041 : f32 to vector<16xf32>
      %swap3A_1043 = arith.constant 464 : index
      %swap3A_1044 = tpu.vector_load %arg18[%swap3A_1043] {strides = array<i32>} : memref<512xf32, #tpu.memory_space<vmem>>, vector<16xf32>,
      %swap3A_1045 = vector.shape_cast %swap3A_1044 : vector<16xf32> to vector<16xf32>
      %swap3A_1046 = vector.shape_cast %broadcast_in_dim3A_1042 : vector<16xf32> to vector<16xf32>
      tpu.vector_store %arg18[%swap3A_1043], %swap3A_1046 {strides = array<i32>} : memref<512xf32, #tpu.memory_space<vmem>>, vector<16xf32>,
      %slice3A_1047 = vector.extract_strided_slice %get3A_661 {offsets = [13], sizes = [1], strides = [1]} : vector<16xf32> to vector<1xf32>
      %squeeze3A_1048 = vector.extract %slice3A_1047[0] : f32 from vector<1xf32>
      %broadcast_in_dim3A_1049 = vector.broadcast %squeeze3A_1048 : f32 to vector<16xf32>
      %swap3A_1050 = arith.constant 464 : index
      %swap3A_1051 = tpu.vector_load %arg19[%swap3A_1050] {strides = array<i32>} : memref<512xf32, #tpu.memory_space<vmem>>, vector<16xf32>,
      %swap3A_1052 = vector.shape_cast %swap3A_1051 : vector<16xf32> to vector<16xf32>
      %swap3A_1053 = vector.shape_cast %broadcast_in_dim3A_1049 : vector<16xf32> to vector<16xf32>
      tpu.vector_store %arg19[%swap3A_1050], %swap3A_1053 {strides = array<i32>} : memref<512xf32, #tpu.memory_space<vmem>>, vector<16xf32>,
      %slice3A_1054 = vector.extract_strided_slice %get3A_646 {offsets = [14], sizes = [1], strides = [1]} : vector<16xf32> to vector<1xf32>
      %squeeze3A_1055 = vector.extract %slice3A_1054[0] : f32 from vector<1xf32>
      %broadcast_in_dim3A_1056 = vector.broadcast %squeeze3A_1055 : f32 to vector<16xf32>
      %swap3A_1057 = arith.constant 480 : index
      %swap3A_1058 = tpu.vector_load %arg16[%swap3A_1057] {strides = array<i32>} : memref<512xf32, #tpu.memory_space<vmem>>, vector<16xf32>,
      %swap3A_1059 = vector.shape_cast %swap3A_1058 : vector<16xf32> to vector<16xf32>
      %swap3A_1060 = vector.shape_cast %broadcast_in_dim3A_1056 : vector<16xf32> to vector<16xf32>
      tpu.vector_store %arg16[%swap3A_1057], %swap3A_1060 {strides = array<i32>} : memref<512xf32, #tpu.memory_space<vmem>>, vector<16xf32>,
      %slice3A_1061 = vector.extract_strided_slice %get3A_651 {offsets = [14], sizes = [1], strides = [1]} : vector<16xf32> to vector<1xf32>
      %squeeze3A_1062 = vector.extract %slice3A_1061[0] : f32 from vector<1xf32>
      %broadcast_in_dim3A_1063 = vector.broadcast %squeeze3A_1062 : f32 to vector<16xf32>
      %swap3A_1064 = arith.constant 480 : index
      %swap3A_1065 = tpu.vector_load %arg17[%swap3A_1064] {strides = array<i32>} : memref<512xf32, #tpu.memory_space<vmem>>, vector<16xf32>,
      %swap3A_1066 = vector.shape_cast %swap3A_1065 : vector<16xf32> to vector<16xf32>
      %swap3A_1067 = vector.shape_cast %broadcast_in_dim3A_1063 : vector<16xf32> to vector<16xf32>
      tpu.vector_store %arg17[%swap3A_1064], %swap3A_1067 {strides = array<i32>} : memref<512xf32, #tpu.memory_space<vmem>>, vector<16xf32>,
      %slice3A_1068 = vector.extract_strided_slice %get3A_656 {offsets = [14], sizes = [1], strides = [1]} : vector<16xf32> to vector<1xf32>
      %squeeze3A_1069 = vector.extract %slice3A_1068[0] : f32 from vector<1xf32>
      %broadcast_in_dim3A_1070 = vector.broadcast %squeeze3A_1069 : f32 to vector<16xf32>
      %swap3A_1071 = arith.constant 480 : index
      %swap3A_1072 = tpu.vector_load %arg18[%swap3A_1071] {strides = array<i32>} : memref<512xf32, #tpu.memory_space<vmem>>, vector<16xf32>,
      %swap3A_1073 = vector.shape_cast %swap3A_1072 : vector<16xf32> to vector<16xf32>
      %swap3A_1074 = vector.shape_cast %broadcast_in_dim3A_1070 : vector<16xf32> to vector<16xf32>
      tpu.vector_store %arg18[%swap3A_1071], %swap3A_1074 {strides = array<i32>} : memref<512xf32, #tpu.memory_space<vmem>>, vector<16xf32>,
      %slice3A_1075 = vector.extract_strided_slice %get3A_661 {offsets = [14], sizes = [1], strides = [1]} : vector<16xf32> to vector<1xf32>
      %squeeze3A_1076 = vector.extract %slice3A_1075[0] : f32 from vector<1xf32>
      %broadcast_in_dim3A_1077 = vector.broadcast %squeeze3A_1076 : f32 to vector<16xf32>
      %swap3A_1078 = arith.constant 480 : index
      %swap3A_1079 = tpu.vector_load %arg19[%swap3A_1078] {strides = array<i32>} : memref<512xf32, #tpu.memory_space<vmem>>, vector<16xf32>,
      %swap3A_1080 = vector.shape_cast %swap3A_1079 : vector<16xf32> to vector<16xf32>
      %swap3A_1081 = vector.shape_cast %broadcast_in_dim3A_1077 : vector<16xf32> to vector<16xf32>
      tpu.vector_store %arg19[%swap3A_1078], %swap3A_1081 {strides = array<i32>} : memref<512xf32, #tpu.memory_space<vmem>>, vector<16xf32>,
      %slice3A_1082 = vector.extract_strided_slice %get3A_646 {offsets = [15], sizes = [1], strides = [1]} : vector<16xf32> to vector<1xf32>
      %squeeze3A_1083 = vector.extract %slice3A_1082[0] : f32 from vector<1xf32>
      %broadcast_in_dim3A_1084 = vector.broadcast %squeeze3A_1083 : f32 to vector<16xf32>
      %swap3A_1085 = arith.constant 496 : index
      %swap3A_1086 = tpu.vector_load %arg16[%swap3A_1085] {strides = array<i32>} : memref<512xf32, #tpu.memory_space<vmem>>, vector<16xf32>,
      %swap3A_1087 = vector.shape_cast %swap3A_1086 : vector<16xf32> to vector<16xf32>
      %swap3A_1088 = vector.shape_cast %broadcast_in_dim3A_1084 : vector<16xf32> to vector<16xf32>
      tpu.vector_store %arg16[%swap3A_1085], %swap3A_1088 {strides = array<i32>} : memref<512xf32, #tpu.memory_space<vmem>>, vector<16xf32>,
      %slice3A_1089 = vector.extract_strided_slice %get3A_651 {offsets = [15], sizes = [1], strides = [1]} : vector<16xf32> to vector<1xf32>
      %squeeze3A_1090 = vector.extract %slice3A_1089[0] : f32 from vector<1xf32>
      %broadcast_in_dim3A_1091 = vector.broadcast %squeeze3A_1090 : f32 to vector<16xf32>
      %swap3A_1092 = arith.constant 496 : index
      %swap3A_1093 = tpu.vector_load %arg17[%swap3A_1092] {strides = array<i32>} : memref<512xf32, #tpu.memory_space<vmem>>, vector<16xf32>,
      %swap3A_1094 = vector.shape_cast %swap3A_1093 : vector<16xf32> to vector<16xf32>
      %swap3A_1095 = vector.shape_cast %broadcast_in_dim3A_1091 : vector<16xf32> to vector<16xf32>
      tpu.vector_store %arg17[%swap3A_1092], %swap3A_1095 {strides = array<i32>} : memref<512xf32, #tpu.memory_space<vmem>>, vector<16xf32>,
      %slice3A_1096 = vector.extract_strided_slice %get3A_656 {offsets = [15], sizes = [1], strides = [1]} : vector<16xf32> to vector<1xf32>
      %squeeze3A_1097 = vector.extract %slice3A_1096[0] : f32 from vector<1xf32>
      %broadcast_in_dim3A_1098 = vector.broadcast %squeeze3A_1097 : f32 to vector<16xf32>
      %swap3A_1099 = arith.constant 496 : index
      %swap3A_1100 = tpu.vector_load %arg18[%swap3A_1099] {strides = array<i32>} : memref<512xf32, #tpu.memory_space<vmem>>, vector<16xf32>,
      %swap3A_1101 = vector.shape_cast %swap3A_1100 : vector<16xf32> to vector<16xf32>
      %swap3A_1102 = vector.shape_cast %broadcast_in_dim3A_1098 : vector<16xf32> to vector<16xf32>
      tpu.vector_store %arg18[%swap3A_1099], %swap3A_1102 {strides = array<i32>} : memref<512xf32, #tpu.memory_space<vmem>>, vector<16xf32>,
      %slice3A_1103 = vector.extract_strided_slice %get3A_661 {offsets = [15], sizes = [1], strides = [1]} : vector<16xf32> to vector<1xf32>
      %squeeze3A_1104 = vector.extract %slice3A_1103[0] : f32 from vector<1xf32>
      %broadcast_in_dim3A_1105 = vector.broadcast %squeeze3A_1104 : f32 to vector<16xf32>
      %swap3A_1106 = arith.constant 496 : index
      %swap3A_1107 = tpu.vector_load %arg19[%swap3A_1106] {strides = array<i32>} : memref<512xf32, #tpu.memory_space<vmem>>, vector<16xf32>,
      %swap3A_1108 = vector.shape_cast %swap3A_1107 : vector<16xf32> to vector<16xf32>
      %swap3A_1109 = vector.shape_cast %broadcast_in_dim3A_1105 : vector<16xf32> to vector<16xf32>
      tpu.vector_store %arg19[%swap3A_1106], %swap3A_1109 {strides = array<i32>} : memref<512xf32, #tpu.memory_space<vmem>>, vector<16xf32>,
      %get3A_1110 = arith.constant 0 : index
      %get3A_1111 = tpu.vector_load %arg16[%get3A_1110] {strides = array<i32>} : memref<512xf32, #tpu.memory_space<vmem>>, vector<16xf32>,
      %get3A_1112 = vector.shape_cast %get3A_1111 : vector<16xf32> to vector<16xf32>
      %get3A_1113 = arith.constant 0 : index
      %get3A_1114 = tpu.vector_load %arg17[%get3A_1113] {strides = array<i32>} : memref<512xf32, #tpu.memory_space<vmem>>, vector<16xf32>,
      %get3A_1115 = vector.shape_cast %get3A_1114 : vector<16xf32> to vector<16xf32>
      %get3A_1116 = arith.constant 0 : index
      %get3A_1117 = tpu.vector_load %arg18[%get3A_1116] {strides = array<i32>} : memref<512xf32, #tpu.memory_space<vmem>>, vector<16xf32>,
      %get3A_1118 = vector.shape_cast %get3A_1117 : vector<16xf32> to vector<16xf32>
      %get3A_1119 = arith.constant 0 : index
      %get3A_1120 = tpu.vector_load %arg19[%get3A_1119] {strides = array<i32>} : memref<512xf32, #tpu.memory_space<vmem>>, vector<16xf32>,
      %get3A_1121 = vector.shape_cast %get3A_1120 : vector<16xf32> to vector<16xf32>
      %mul3A_1122 = arith.mulf %get3A_1112, %get3A_10 : vector<16xf32>
      %mul3A_1123 = arith.mulf %get3A_1115, %get3A_34 : vector<16xf32>
      %mul3A_1124 = arith.mulf %get3A_1118, %get3A_58 : vector<16xf32>
      %add3A_1125 = arith.addf %mul3A_1124, %get3A_1121 : vector<16xf32>
      %add3A_1126 = arith.addf %mul3A_1123, %add3A_1125 : vector<16xf32>
      %add3A_1127 = arith.addf %mul3A_1122, %add3A_1126 : vector<16xf32>
      %min3A = arith.minimumf %scan3A_166, %add3A_1127 : vector<16xf32>
      %mul3A_1128 = arith.mulf %get3A_1112, %get3A_13 : vector<16xf32>
      %mul3A_1129 = arith.mulf %get3A_1115, %get3A_37 : vector<16xf32>
      %mul3A_1130 = arith.mulf %get3A_1118, %get3A_61 : vector<16xf32>
      %add3A_1131 = arith.addf %mul3A_1130, %get3A_1121 : vector<16xf32>
      %add3A_1132 = arith.addf %mul3A_1129, %add3A_1131 : vector<16xf32>
      %add3A_1133 = arith.addf %mul3A_1128, %add3A_1132 : vector<16xf32>
      %min3A_1134 = arith.minimumf %scan3A_167, %add3A_1133 : vector<16xf32>
      %mul3A_1135 = arith.mulf %get3A_1112, %get3A_16 : vector<16xf32>
      %mul3A_1136 = arith.mulf %get3A_1115, %get3A_40 : vector<16xf32>
      %mul3A_1137 = arith.mulf %get3A_1118, %get3A_64 : vector<16xf32>
      %add3A_1138 = arith.addf %mul3A_1137, %get3A_1121 : vector<16xf32>
      %add3A_1139 = arith.addf %mul3A_1136, %add3A_1138 : vector<16xf32>
      %add3A_1140 = arith.addf %mul3A_1135, %add3A_1139 : vector<16xf32>
      %min3A_1141 = arith.minimumf %scan3A_168, %add3A_1140 : vector<16xf32>
      %mul3A_1142 = arith.mulf %get3A_1112, %get3A_19 : vector<16xf32>
      %mul3A_1143 = arith.mulf %get3A_1115, %get3A_43 : vector<16xf32>
      %mul3A_1144 = arith.mulf %get3A_1118, %get3A_67 : vector<16xf32>
      %add3A_1145 = arith.addf %mul3A_1144, %get3A_1121 : vector<16xf32>
      %add3A_1146 = arith.addf %mul3A_1143, %add3A_1145 : vector<16xf32>
      %add3A_1147 = arith.addf %mul3A_1142, %add3A_1146 : vector<16xf32>
      %min3A_1148 = arith.minimumf %scan3A_169, %add3A_1147 : vector<16xf32>
      %mul3A_1149 = arith.mulf %get3A_1112, %get3A_22 : vector<16xf32>
      %mul3A_1150 = arith.mulf %get3A_1115, %get3A_46 : vector<16xf32>
      %mul3A_1151 = arith.mulf %get3A_1118, %get3A_70 : vector<16xf32>
      %add3A_1152 = arith.addf %mul3A_1151, %get3A_1121 : vector<16xf32>
      %add3A_1153 = arith.addf %mul3A_1150, %add3A_1152 : vector<16xf32>
      %add3A_1154 = arith.addf %mul3A_1149, %add3A_1153 : vector<16xf32>
      %min3A_1155 = arith.minimumf %scan3A_170, %add3A_1154 : vector<16xf32>
      %mul3A_1156 = arith.mulf %get3A_1112, %get3A_25 : vector<16xf32>
      %mul3A_1157 = arith.mulf %get3A_1115, %get3A_49 : vector<16xf32>
      %mul3A_1158 = arith.mulf %get3A_1118, %get3A_73 : vector<16xf32>
      %add3A_1159 = arith.addf %mul3A_1158, %get3A_1121 : vector<16xf32>
      %add3A_1160 = arith.addf %mul3A_1157, %add3A_1159 : vector<16xf32>
      %add3A_1161 = arith.addf %mul3A_1156, %add3A_1160 : vector<16xf32>
      %min3A_1162 = arith.minimumf %scan3A_171, %add3A_1161 : vector<16xf32>
      %mul3A_1163 = arith.mulf %get3A_1112, %get3A_28 : vector<16xf32>
      %mul3A_1164 = arith.mulf %get3A_1115, %get3A_52 : vector<16xf32>
      %mul3A_1165 = arith.mulf %get3A_1118, %get3A_76 : vector<16xf32>
      %add3A_1166 = arith.addf %mul3A_1165, %get3A_1121 : vector<16xf32>
      %add3A_1167 = arith.addf %mul3A_1164, %add3A_1166 : vector<16xf32>
      %add3A_1168 = arith.addf %mul3A_1163, %add3A_1167 : vector<16xf32>
      %min3A_1169 = arith.minimumf %scan3A_172, %add3A_1168 : vector<16xf32>
      %mul3A_1170 = arith.mulf %get3A_1112, %get3A_31 : vector<16xf32>
      %mul3A_1171 = arith.mulf %get3A_1115, %get3A_55 : vector<16xf32>
      %mul3A_1172 = arith.mulf %get3A_1118, %get3A_79 : vector<16xf32>
      %add3A_1173 = arith.addf %mul3A_1172, %get3A_1121 : vector<16xf32>
      %add3A_1174 = arith.addf %mul3A_1171, %add3A_1173 : vector<16xf32>
      %add3A_1175 = arith.addf %mul3A_1170, %add3A_1174 : vector<16xf32>
      %min3A_1176 = arith.minimumf %scan3A_173, %add3A_1175 : vector<16xf32>
      %get3A_1177 = arith.constant 16 : index
      %get3A_1178 = tpu.vector_load %arg16[%get3A_1177] {strides = array<i32>} : memref<512xf32, #tpu.memory_space<vmem>>, vector<16xf32>,
      %get3A_1179 = vector.shape_cast %get3A_1178 : vector<16xf32> to vector<16xf32>
      %get3A_1180 = arith.constant 16 : index
      %get3A_1181 = tpu.vector_load %arg17[%get3A_1180] {strides = array<i32>} : memref<512xf32, #tpu.memory_space<vmem>>, vector<16xf32>,
      %get3A_1182 = vector.shape_cast %get3A_1181 : vector<16xf32> to vector<16xf32>
      %get3A_1183 = arith.constant 16 : index
      %get3A_1184 = tpu.vector_load %arg18[%get3A_1183] {strides = array<i32>} : memref<512xf32, #tpu.memory_space<vmem>>, vector<16xf32>,
      %get3A_1185 = vector.shape_cast %get3A_1184 : vector<16xf32> to vector<16xf32>
      %get3A_1186 = arith.constant 16 : index
      %get3A_1187 = tpu.vector_load %arg19[%get3A_1186] {strides = array<i32>} : memref<512xf32, #tpu.memory_space<vmem>>, vector<16xf32>,
      %get3A_1188 = vector.shape_cast %get3A_1187 : vector<16xf32> to vector<16xf32>
      %mul3A_1189 = arith.mulf %get3A_1179, %get3A_10 : vector<16xf32>
      %mul3A_1190 = arith.mulf %get3A_1182, %get3A_34 : vector<16xf32>
      %mul3A_1191 = arith.mulf %get3A_1185, %get3A_58 : vector<16xf32>
      %add3A_1192 = arith.addf %mul3A_1191, %get3A_1188 : vector<16xf32>
      %add3A_1193 = arith.addf %mul3A_1190, %add3A_1192 : vector<16xf32>
      %add3A_1194 = arith.addf %mul3A_1189, %add3A_1193 : vector<16xf32>
      %min3A_1195 = arith.minimumf %min3A, %add3A_1194 : vector<16xf32>
      %mul3A_1196 = arith.mulf %get3A_1179, %get3A_13 : vector<16xf32>
      %mul3A_1197 = arith.mulf %get3A_1182, %get3A_37 : vector<16xf32>
      %mul3A_1198 = arith.mulf %get3A_1185, %get3A_61 : vector<16xf32>
      %add3A_1199 = arith.addf %mul3A_1198, %get3A_1188 : vector<16xf32>
      %add3A_1200 = arith.addf %mul3A_1197, %add3A_1199 : vector<16xf32>
      %add3A_1201 = arith.addf %mul3A_1196, %add3A_1200 : vector<16xf32>
      %min3A_1202 = arith.minimumf %min3A_1134, %add3A_1201 : vector<16xf32>
      %mul3A_1203 = arith.mulf %get3A_1179, %get3A_16 : vector<16xf32>
      %mul3A_1204 = arith.mulf %get3A_1182, %get3A_40 : vector<16xf32>
      %mul3A_1205 = arith.mulf %get3A_1185, %get3A_64 : vector<16xf32>
      %add3A_1206 = arith.addf %mul3A_1205, %get3A_1188 : vector<16xf32>
      %add3A_1207 = arith.addf %mul3A_1204, %add3A_1206 : vector<16xf32>
      %add3A_1208 = arith.addf %mul3A_1203, %add3A_1207 : vector<16xf32>
      %min3A_1209 = arith.minimumf %min3A_1141, %add3A_1208 : vector<16xf32>
      %mul3A_1210 = arith.mulf %get3A_1179, %get3A_19 : vector<16xf32>
      %mul3A_1211 = arith.mulf %get3A_1182, %get3A_43 : vector<16xf32>
      %mul3A_1212 = arith.mulf %get3A_1185, %get3A_67 : vector<16xf32>
      %add3A_1213 = arith.addf %mul3A_1212, %get3A_1188 : vector<16xf32>
      %add3A_1214 = arith.addf %mul3A_1211, %add3A_1213 : vector<16xf32>
      %add3A_1215 = arith.addf %mul3A_1210, %add3A_1214 : vector<16xf32>
      %min3A_1216 = arith.minimumf %min3A_1148, %add3A_1215 : vector<16xf32>
      %mul3A_1217 = arith.mulf %get3A_1179, %get3A_22 : vector<16xf32>
      %mul3A_1218 = arith.mulf %get3A_1182, %get3A_46 : vector<16xf32>
      %mul3A_1219 = arith.mulf %get3A_1185, %get3A_70 : vector<16xf32>
      %add3A_1220 = arith.addf %mul3A_1219, %get3A_1188 : vector<16xf32>
      %add3A_1221 = arith.addf %mul3A_1218, %add3A_1220 : vector<16xf32>
      %add3A_1222 = arith.addf %mul3A_1217, %add3A_1221 : vector<16xf32>
      %min3A_1223 = arith.minimumf %min3A_1155, %add3A_1222 : vector<16xf32>
      %mul3A_1224 = arith.mulf %get3A_1179, %get3A_25 : vector<16xf32>
      %mul3A_1225 = arith.mulf %get3A_1182, %get3A_49 : vector<16xf32>
      %mul3A_1226 = arith.mulf %get3A_1185, %get3A_73 : vector<16xf32>
      %add3A_1227 = arith.addf %mul3A_1226, %get3A_1188 : vector<16xf32>
      %add3A_1228 = arith.addf %mul3A_1225, %add3A_1227 : vector<16xf32>
      %add3A_1229 = arith.addf %mul3A_1224, %add3A_1228 : vector<16xf32>
      %min3A_1230 = arith.minimumf %min3A_1162, %add3A_1229 : vector<16xf32>
      %mul3A_1231 = arith.mulf %get3A_1179, %get3A_28 : vector<16xf32>
      %mul3A_1232 = arith.mulf %get3A_1182, %get3A_52 : vector<16xf32>
      %mul3A_1233 = arith.mulf %get3A_1185, %get3A_76 : vector<16xf32>
      %add3A_1234 = arith.addf %mul3A_1233, %get3A_1188 : vector<16xf32>
      %add3A_1235 = arith.addf %mul3A_1232, %add3A_1234 : vector<16xf32>
      %add3A_1236 = arith.addf %mul3A_1231, %add3A_1235 : vector<16xf32>
      %min3A_1237 = arith.minimumf %min3A_1169, %add3A_1236 : vector<16xf32>
      %mul3A_1238 = arith.mulf %get3A_1179, %get3A_31 : vector<16xf32>
      %mul3A_1239 = arith.mulf %get3A_1182, %get3A_55 : vector<16xf32>
      %mul3A_1240 = arith.mulf %get3A_1185, %get3A_79 : vector<16xf32>
      %add3A_1241 = arith.addf %mul3A_1240, %get3A_1188 : vector<16xf32>
      %add3A_1242 = arith.addf %mul3A_1239, %add3A_1241 : vector<16xf32>
      %add3A_1243 = arith.addf %mul3A_1238, %add3A_1242 : vector<16xf32>
      %min3A_1244 = arith.minimumf %min3A_1176, %add3A_1243 : vector<16xf32>
      %get3A_1245 = arith.constant 32 : index
      %get3A_1246 = tpu.vector_load %arg16[%get3A_1245] {strides = array<i32>} : memref<512xf32, #tpu.memory_space<vmem>>, vector<16xf32>,
      %get3A_1247 = vector.shape_cast %get3A_1246 : vector<16xf32> to vector<16xf32>
      %get3A_1248 = arith.constant 32 : index
      %get3A_1249 = tpu.vector_load %arg17[%get3A_1248] {strides = array<i32>} : memref<512xf32, #tpu.memory_space<vmem>>, vector<16xf32>,
      %get3A_1250 = vector.shape_cast %get3A_1249 : vector<16xf32> to vector<16xf32>
      %get3A_1251 = arith.constant 32 : index
      %get3A_1252 = tpu.vector_load %arg18[%get3A_1251] {strides = array<i32>} : memref<512xf32, #tpu.memory_space<vmem>>, vector<16xf32>,
      %get3A_1253 = vector.shape_cast %get3A_1252 : vector<16xf32> to vector<16xf32>
      %get3A_1254 = arith.constant 32 : index
      %get3A_1255 = tpu.vector_load %arg19[%get3A_1254] {strides = array<i32>} : memref<512xf32, #tpu.memory_space<vmem>>, vector<16xf32>,
      %get3A_1256 = vector.shape_cast %get3A_1255 : vector<16xf32> to vector<16xf32>
      %mul3A_1257 = arith.mulf %get3A_1247, %get3A_10 : vector<16xf32>
      %mul3A_1258 = arith.mulf %get3A_1250, %get3A_34 : vector<16xf32>
      %mul3A_1259 = arith.mulf %get3A_1253, %get3A_58 : vector<16xf32>
      %add3A_1260 = arith.addf %mul3A_1259, %get3A_1256 : vector<16xf32>
      %add3A_1261 = arith.addf %mul3A_1258, %add3A_1260 : vector<16xf32>
      %add3A_1262 = arith.addf %mul3A_1257, %add3A_1261 : vector<16xf32>
      %min3A_1263 = arith.minimumf %min3A_1195, %add3A_1262 : vector<16xf32>
      %mul3A_1264 = arith.mulf %get3A_1247, %get3A_13 : vector<16xf32>
      %mul3A_1265 = arith.mulf %get3A_1250, %get3A_37 : vector<16xf32>
      %mul3A_1266 = arith.mulf %get3A_1253, %get3A_61 : vector<16xf32>
      %add3A_1267 = arith.addf %mul3A_1266, %get3A_1256 : vector<16xf32>
      %add3A_1268 = arith.addf %mul3A_1265, %add3A_1267 : vector<16xf32>
      %add3A_1269 = arith.addf %mul3A_1264, %add3A_1268 : vector<16xf32>
      %min3A_1270 = arith.minimumf %min3A_1202, %add3A_1269 : vector<16xf32>
      %mul3A_1271 = arith.mulf %get3A_1247, %get3A_16 : vector<16xf32>
      %mul3A_1272 = arith.mulf %get3A_1250, %get3A_40 : vector<16xf32>
      %mul3A_1273 = arith.mulf %get3A_1253, %get3A_64 : vector<16xf32>
      %add3A_1274 = arith.addf %mul3A_1273, %get3A_1256 : vector<16xf32>
      %add3A_1275 = arith.addf %mul3A_1272, %add3A_1274 : vector<16xf32>
      %add3A_1276 = arith.addf %mul3A_1271, %add3A_1275 : vector<16xf32>
      %min3A_1277 = arith.minimumf %min3A_1209, %add3A_1276 : vector<16xf32>
      %mul3A_1278 = arith.mulf %get3A_1247, %get3A_19 : vector<16xf32>
      %mul3A_1279 = arith.mulf %get3A_1250, %get3A_43 : vector<16xf32>
      %mul3A_1280 = arith.mulf %get3A_1253, %get3A_67 : vector<16xf32>
      %add3A_1281 = arith.addf %mul3A_1280, %get3A_1256 : vector<16xf32>
      %add3A_1282 = arith.addf %mul3A_1279, %add3A_1281 : vector<16xf32>
      %add3A_1283 = arith.addf %mul3A_1278, %add3A_1282 : vector<16xf32>
      %min3A_1284 = arith.minimumf %min3A_1216, %add3A_1283 : vector<16xf32>
      %mul3A_1285 = arith.mulf %get3A_1247, %get3A_22 : vector<16xf32>
      %mul3A_1286 = arith.mulf %get3A_1250, %get3A_46 : vector<16xf32>
      %mul3A_1287 = arith.mulf %get3A_1253, %get3A_70 : vector<16xf32>
      %add3A_1288 = arith.addf %mul3A_1287, %get3A_1256 : vector<16xf32>
      %add3A_1289 = arith.addf %mul3A_1286, %add3A_1288 : vector<16xf32>
      %add3A_1290 = arith.addf %mul3A_1285, %add3A_1289 : vector<16xf32>
      %min3A_1291 = arith.minimumf %min3A_1223, %add3A_1290 : vector<16xf32>
      %mul3A_1292 = arith.mulf %get3A_1247, %get3A_25 : vector<16xf32>
      %mul3A_1293 = arith.mulf %get3A_1250, %get3A_49 : vector<16xf32>
      %mul3A_1294 = arith.mulf %get3A_1253, %get3A_73 : vector<16xf32>
      %add3A_1295 = arith.addf %mul3A_1294, %get3A_1256 : vector<16xf32>
      %add3A_1296 = arith.addf %mul3A_1293, %add3A_1295 : vector<16xf32>
      %add3A_1297 = arith.addf %mul3A_1292, %add3A_1296 : vector<16xf32>
      %min3A_1298 = arith.minimumf %min3A_1230, %add3A_1297 : vector<16xf32>
      %mul3A_1299 = arith.mulf %get3A_1247, %get3A_28 : vector<16xf32>
      %mul3A_1300 = arith.mulf %get3A_1250, %get3A_52 : vector<16xf32>
      %mul3A_1301 = arith.mulf %get3A_1253, %get3A_76 : vector<16xf32>
      %add3A_1302 = arith.addf %mul3A_1301, %get3A_1256 : vector<16xf32>
      %add3A_1303 = arith.addf %mul3A_1300, %add3A_1302 : vector<16xf32>
      %add3A_1304 = arith.addf %mul3A_1299, %add3A_1303 : vector<16xf32>
      %min3A_1305 = arith.minimumf %min3A_1237, %add3A_1304 : vector<16xf32>
      %mul3A_1306 = arith.mulf %get3A_1247, %get3A_31 : vector<16xf32>
      %mul3A_1307 = arith.mulf %get3A_1250, %get3A_55 : vector<16xf32>
      %mul3A_1308 = arith.mulf %get3A_1253, %get3A_79 : vector<16xf32>
      %add3A_1309 = arith.addf %mul3A_1308, %get3A_1256 : vector<16xf32>
      %add3A_1310 = arith.addf %mul3A_1307, %add3A_1309 : vector<16xf32>
      %add3A_1311 = arith.addf %mul3A_1306, %add3A_1310 : vector<16xf32>
      %min3A_1312 = arith.minimumf %min3A_1244, %add3A_1311 : vector<16xf32>
      %get3A_1313 = arith.constant 48 : index
      %get3A_1314 = tpu.vector_load %arg16[%get3A_1313] {strides = array<i32>} : memref<512xf32, #tpu.memory_space<vmem>>, vector<16xf32>,
      %get3A_1315 = vector.shape_cast %get3A_1314 : vector<16xf32> to vector<16xf32>
      %get3A_1316 = arith.constant 48 : index
      %get3A_1317 = tpu.vector_load %arg17[%get3A_1316] {strides = array<i32>} : memref<512xf32, #tpu.memory_space<vmem>>, vector<16xf32>,
      %get3A_1318 = vector.shape_cast %get3A_1317 : vector<16xf32> to vector<16xf32>
      %get3A_1319 = arith.constant 48 : index
      %get3A_1320 = tpu.vector_load %arg18[%get3A_1319] {strides = array<i32>} : memref<512xf32, #tpu.memory_space<vmem>>, vector<16xf32>,
      %get3A_1321 = vector.shape_cast %get3A_1320 : vector<16xf32> to vector<16xf32>
      %get3A_1322 = arith.constant 48 : index
      %get3A_1323 = tpu.vector_load %arg19[%get3A_1322] {strides = array<i32>} : memref<512xf32, #tpu.memory_space<vmem>>, vector<16xf32>,
      %get3A_1324 = vector.shape_cast %get3A_1323 : vector<16xf32> to vector<16xf32>
      %mul3A_1325 = arith.mulf %get3A_1315, %get3A_10 : vector<16xf32>
      %mul3A_1326 = arith.mulf %get3A_1318, %get3A_34 : vector<16xf32>
      %mul3A_1327 = arith.mulf %get3A_1321, %get3A_58 : vector<16xf32>
      %add3A_1328 = arith.addf %mul3A_1327, %get3A_1324 : vector<16xf32>
      %add3A_1329 = arith.addf %mul3A_1326, %add3A_1328 : vector<16xf32>
      %add3A_1330 = arith.addf %mul3A_1325, %add3A_1329 : vector<16xf32>
      %min3A_1331 = arith.minimumf %min3A_1263, %add3A_1330 : vector<16xf32>
      %mul3A_1332 = arith.mulf %get3A_1315, %get3A_13 : vector<16xf32>
      %mul3A_1333 = arith.mulf %get3A_1318, %get3A_37 : vector<16xf32>
      %mul3A_1334 = arith.mulf %get3A_1321, %get3A_61 : vector<16xf32>
      %add3A_1335 = arith.addf %mul3A_1334, %get3A_1324 : vector<16xf32>
      %add3A_1336 = arith.addf %mul3A_1333, %add3A_1335 : vector<16xf32>
      %add3A_1337 = arith.addf %mul3A_1332, %add3A_1336 : vector<16xf32>
      %min3A_1338 = arith.minimumf %min3A_1270, %add3A_1337 : vector<16xf32>
      %mul3A_1339 = arith.mulf %get3A_1315, %get3A_16 : vector<16xf32>
      %mul3A_1340 = arith.mulf %get3A_1318, %get3A_40 : vector<16xf32>
      %mul3A_1341 = arith.mulf %get3A_1321, %get3A_64 : vector<16xf32>
      %add3A_1342 = arith.addf %mul3A_1341, %get3A_1324 : vector<16xf32>
      %add3A_1343 = arith.addf %mul3A_1340, %add3A_1342 : vector<16xf32>
      %add3A_1344 = arith.addf %mul3A_1339, %add3A_1343 : vector<16xf32>
      %min3A_1345 = arith.minimumf %min3A_1277, %add3A_1344 : vector<16xf32>
      %mul3A_1346 = arith.mulf %get3A_1315, %get3A_19 : vector<16xf32>
      %mul3A_1347 = arith.mulf %get3A_1318, %get3A_43 : vector<16xf32>
      %mul3A_1348 = arith.mulf %get3A_1321, %get3A_67 : vector<16xf32>
      %add3A_1349 = arith.addf %mul3A_1348, %get3A_1324 : vector<16xf32>
      %add3A_1350 = arith.addf %mul3A_1347, %add3A_1349 : vector<16xf32>
      %add3A_1351 = arith.addf %mul3A_1346, %add3A_1350 : vector<16xf32>
      %min3A_1352 = arith.minimumf %min3A_1284, %add3A_1351 : vector<16xf32>
      %mul3A_1353 = arith.mulf %get3A_1315, %get3A_22 : vector<16xf32>
      %mul3A_1354 = arith.mulf %get3A_1318, %get3A_46 : vector<16xf32>
      %mul3A_1355 = arith.mulf %get3A_1321, %get3A_70 : vector<16xf32>
      %add3A_1356 = arith.addf %mul3A_1355, %get3A_1324 : vector<16xf32>
      %add3A_1357 = arith.addf %mul3A_1354, %add3A_1356 : vector<16xf32>
      %add3A_1358 = arith.addf %mul3A_1353, %add3A_1357 : vector<16xf32>
      %min3A_1359 = arith.minimumf %min3A_1291, %add3A_1358 : vector<16xf32>
      %mul3A_1360 = arith.mulf %get3A_1315, %get3A_25 : vector<16xf32>
      %mul3A_1361 = arith.mulf %get3A_1318, %get3A_49 : vector<16xf32>
      %mul3A_1362 = arith.mulf %get3A_1321, %get3A_73 : vector<16xf32>
      %add3A_1363 = arith.addf %mul3A_1362, %get3A_1324 : vector<16xf32>
      %add3A_1364 = arith.addf %mul3A_1361, %add3A_1363 : vector<16xf32>
      %add3A_1365 = arith.addf %mul3A_1360, %add3A_1364 : vector<16xf32>
      %min3A_1366 = arith.minimumf %min3A_1298, %add3A_1365 : vector<16xf32>
      %mul3A_1367 = arith.mulf %get3A_1315, %get3A_28 : vector<16xf32>
      %mul3A_1368 = arith.mulf %get3A_1318, %get3A_52 : vector<16xf32>
      %mul3A_1369 = arith.mulf %get3A_1321, %get3A_76 : vector<16xf32>
      %add3A_1370 = arith.addf %mul3A_1369, %get3A_1324 : vector<16xf32>
      %add3A_1371 = arith.addf %mul3A_1368, %add3A_1370 : vector<16xf32>
      %add3A_1372 = arith.addf %mul3A_1367, %add3A_1371 : vector<16xf32>
      %min3A_1373 = arith.minimumf %min3A_1305, %add3A_1372 : vector<16xf32>
      %mul3A_1374 = arith.mulf %get3A_1315, %get3A_31 : vector<16xf32>
      %mul3A_1375 = arith.mulf %get3A_1318, %get3A_55 : vector<16xf32>
      %mul3A_1376 = arith.mulf %get3A_1321, %get3A_79 : vector<16xf32>
      %add3A_1377 = arith.addf %mul3A_1376, %get3A_1324 : vector<16xf32>
      %add3A_1378 = arith.addf %mul3A_1375, %add3A_1377 : vector<16xf32>
      %add3A_1379 = arith.addf %mul3A_1374, %add3A_1378 : vector<16xf32>
      %min3A_1380 = arith.minimumf %min3A_1312, %add3A_1379 : vector<16xf32>
      %get3A_1381 = arith.constant 64 : index
      %get3A_1382 = tpu.vector_load %arg16[%get3A_1381] {strides = array<i32>} : memref<512xf32, #tpu.memory_space<vmem>>, vector<16xf32>,
      %get3A_1383 = vector.shape_cast %get3A_1382 : vector<16xf32> to vector<16xf32>
      %get3A_1384 = arith.constant 64 : index
      %get3A_1385 = tpu.vector_load %arg17[%get3A_1384] {strides = array<i32>} : memref<512xf32, #tpu.memory_space<vmem>>, vector<16xf32>,
      %get3A_1386 = vector.shape_cast %get3A_1385 : vector<16xf32> to vector<16xf32>
      %get3A_1387 = arith.constant 64 : index
      %get3A_1388 = tpu.vector_load %arg18[%get3A_1387] {strides = array<i32>} : memref<512xf32, #tpu.memory_space<vmem>>, vector<16xf32>,
      %get3A_1389 = vector.shape_cast %get3A_1388 : vector<16xf32> to vector<16xf32>
      %get3A_1390 = arith.constant 64 : index
      %get3A_1391 = tpu.vector_load %arg19[%get3A_1390] {strides = array<i32>} : memref<512xf32, #tpu.memory_space<vmem>>, vector<16xf32>,
      %get3A_1392 = vector.shape_cast %get3A_1391 : vector<16xf32> to vector<16xf32>
      %mul3A_1393 = arith.mulf %get3A_1383, %get3A_10 : vector<16xf32>
      %mul3A_1394 = arith.mulf %get3A_1386, %get3A_34 : vector<16xf32>
      %mul3A_1395 = arith.mulf %get3A_1389, %get3A_58 : vector<16xf32>
      %add3A_1396 = arith.addf %mul3A_1395, %get3A_1392 : vector<16xf32>
      %add3A_1397 = arith.addf %mul3A_1394, %add3A_1396 : vector<16xf32>
      %add3A_1398 = arith.addf %mul3A_1393, %add3A_1397 : vector<16xf32>
      %min3A_1399 = arith.minimumf %min3A_1331, %add3A_1398 : vector<16xf32>
      %mul3A_1400 = arith.mulf %get3A_1383, %get3A_13 : vector<16xf32>
      %mul3A_1401 = arith.mulf %get3A_1386, %get3A_37 : vector<16xf32>
      %mul3A_1402 = arith.mulf %get3A_1389, %get3A_61 : vector<16xf32>
      %add3A_1403 = arith.addf %mul3A_1402, %get3A_1392 : vector<16xf32>
      %add3A_1404 = arith.addf %mul3A_1401, %add3A_1403 : vector<16xf32>
      %add3A_1405 = arith.addf %mul3A_1400, %add3A_1404 : vector<16xf32>
      %min3A_1406 = arith.minimumf %min3A_1338, %add3A_1405 : vector<16xf32>
      %mul3A_1407 = arith.mulf %get3A_1383, %get3A_16 : vector<16xf32>
      %mul3A_1408 = arith.mulf %get3A_1386, %get3A_40 : vector<16xf32>
      %mul3A_1409 = arith.mulf %get3A_1389, %get3A_64 : vector<16xf32>
      %add3A_1410 = arith.addf %mul3A_1409, %get3A_1392 : vector<16xf32>
      %add3A_1411 = arith.addf %mul3A_1408, %add3A_1410 : vector<16xf32>
      %add3A_1412 = arith.addf %mul3A_1407, %add3A_1411 : vector<16xf32>
      %min3A_1413 = arith.minimumf %min3A_1345, %add3A_1412 : vector<16xf32>
      %mul3A_1414 = arith.mulf %get3A_1383, %get3A_19 : vector<16xf32>
      %mul3A_1415 = arith.mulf %get3A_1386, %get3A_43 : vector<16xf32>
      %mul3A_1416 = arith.mulf %get3A_1389, %get3A_67 : vector<16xf32>
      %add3A_1417 = arith.addf %mul3A_1416, %get3A_1392 : vector<16xf32>
      %add3A_1418 = arith.addf %mul3A_1415, %add3A_1417 : vector<16xf32>
      %add3A_1419 = arith.addf %mul3A_1414, %add3A_1418 : vector<16xf32>
      %min3A_1420 = arith.minimumf %min3A_1352, %add3A_1419 : vector<16xf32>
      %mul3A_1421 = arith.mulf %get3A_1383, %get3A_22 : vector<16xf32>
      %mul3A_1422 = arith.mulf %get3A_1386, %get3A_46 : vector<16xf32>
      %mul3A_1423 = arith.mulf %get3A_1389, %get3A_70 : vector<16xf32>
      %add3A_1424 = arith.addf %mul3A_1423, %get3A_1392 : vector<16xf32>
      %add3A_1425 = arith.addf %mul3A_1422, %add3A_1424 : vector<16xf32>
      %add3A_1426 = arith.addf %mul3A_1421, %add3A_1425 : vector<16xf32>
      %min3A_1427 = arith.minimumf %min3A_1359, %add3A_1426 : vector<16xf32>
      %mul3A_1428 = arith.mulf %get3A_1383, %get3A_25 : vector<16xf32>
      %mul3A_1429 = arith.mulf %get3A_1386, %get3A_49 : vector<16xf32>
      %mul3A_1430 = arith.mulf %get3A_1389, %get3A_73 : vector<16xf32>
      %add3A_1431 = arith.addf %mul3A_1430, %get3A_1392 : vector<16xf32>
      %add3A_1432 = arith.addf %mul3A_1429, %add3A_1431 : vector<16xf32>
      %add3A_1433 = arith.addf %mul3A_1428, %add3A_1432 : vector<16xf32>
      %min3A_1434 = arith.minimumf %min3A_1366, %add3A_1433 : vector<16xf32>
      %mul3A_1435 = arith.mulf %get3A_1383, %get3A_28 : vector<16xf32>
      %mul3A_1436 = arith.mulf %get3A_1386, %get3A_52 : vector<16xf32>
      %mul3A_1437 = arith.mulf %get3A_1389, %get3A_76 : vector<16xf32>
      %add3A_1438 = arith.addf %mul3A_1437, %get3A_1392 : vector<16xf32>
      %add3A_1439 = arith.addf %mul3A_1436, %add3A_1438 : vector<16xf32>
      %add3A_1440 = arith.addf %mul3A_1435, %add3A_1439 : vector<16xf32>
      %min3A_1441 = arith.minimumf %min3A_1373, %add3A_1440 : vector<16xf32>
      %mul3A_1442 = arith.mulf %get3A_1383, %get3A_31 : vector<16xf32>
      %mul3A_1443 = arith.mulf %get3A_1386, %get3A_55 : vector<16xf32>
      %mul3A_1444 = arith.mulf %get3A_1389, %get3A_79 : vector<16xf32>
      %add3A_1445 = arith.addf %mul3A_1444, %get3A_1392 : vector<16xf32>
      %add3A_1446 = arith.addf %mul3A_1443, %add3A_1445 : vector<16xf32>
      %add3A_1447 = arith.addf %mul3A_1442, %add3A_1446 : vector<16xf32>
      %min3A_1448 = arith.minimumf %min3A_1380, %add3A_1447 : vector<16xf32>
      %get3A_1449 = arith.constant 80 : index
      %get3A_1450 = tpu.vector_load %arg16[%get3A_1449] {strides = array<i32>} : memref<512xf32, #tpu.memory_space<vmem>>, vector<16xf32>,
      %get3A_1451 = vector.shape_cast %get3A_1450 : vector<16xf32> to vector<16xf32>
      %get3A_1452 = arith.constant 80 : index
      %get3A_1453 = tpu.vector_load %arg17[%get3A_1452] {strides = array<i32>} : memref<512xf32, #tpu.memory_space<vmem>>, vector<16xf32>,
      %get3A_1454 = vector.shape_cast %get3A_1453 : vector<16xf32> to vector<16xf32>
      %get3A_1455 = arith.constant 80 : index
      %get3A_1456 = tpu.vector_load %arg18[%get3A_1455] {strides = array<i32>} : memref<512xf32, #tpu.memory_space<vmem>>, vector<16xf32>,
      %get3A_1457 = vector.shape_cast %get3A_1456 : vector<16xf32> to vector<16xf32>
      %get3A_1458 = arith.constant 80 : index
      %get3A_1459 = tpu.vector_load %arg19[%get3A_1458] {strides = array<i32>} : memref<512xf32, #tpu.memory_space<vmem>>, vector<16xf32>,
      %get3A_1460 = vector.shape_cast %get3A_1459 : vector<16xf32> to vector<16xf32>
      %mul3A_1461 = arith.mulf %get3A_1451, %get3A_10 : vector<16xf32>
      %mul3A_1462 = arith.mulf %get3A_1454, %get3A_34 : vector<16xf32>
      %mul3A_1463 = arith.mulf %get3A_1457, %get3A_58 : vector<16xf32>
      %add3A_1464 = arith.addf %mul3A_1463, %get3A_1460 : vector<16xf32>
      %add3A_1465 = arith.addf %mul3A_1462, %add3A_1464 : vector<16xf32>
      %add3A_1466 = arith.addf %mul3A_1461, %add3A_1465 : vector<16xf32>
      %min3A_1467 = arith.minimumf %min3A_1399, %add3A_1466 : vector<16xf32>
      %mul3A_1468 = arith.mulf %get3A_1451, %get3A_13 : vector<16xf32>
      %mul3A_1469 = arith.mulf %get3A_1454, %get3A_37 : vector<16xf32>
      %mul3A_1470 = arith.mulf %get3A_1457, %get3A_61 : vector<16xf32>
      %add3A_1471 = arith.addf %mul3A_1470, %get3A_1460 : vector<16xf32>
      %add3A_1472 = arith.addf %mul3A_1469, %add3A_1471 : vector<16xf32>
      %add3A_1473 = arith.addf %mul3A_1468, %add3A_1472 : vector<16xf32>
      %min3A_1474 = arith.minimumf %min3A_1406, %add3A_1473 : vector<16xf32>
      %mul3A_1475 = arith.mulf %get3A_1451, %get3A_16 : vector<16xf32>
      %mul3A_1476 = arith.mulf %get3A_1454, %get3A_40 : vector<16xf32>
      %mul3A_1477 = arith.mulf %get3A_1457, %get3A_64 : vector<16xf32>
      %add3A_1478 = arith.addf %mul3A_1477, %get3A_1460 : vector<16xf32>
      %add3A_1479 = arith.addf %mul3A_1476, %add3A_1478 : vector<16xf32>
      %add3A_1480 = arith.addf %mul3A_1475, %add3A_1479 : vector<16xf32>
      %min3A_1481 = arith.minimumf %min3A_1413, %add3A_1480 : vector<16xf32>
      %mul3A_1482 = arith.mulf %get3A_1451, %get3A_19 : vector<16xf32>
      %mul3A_1483 = arith.mulf %get3A_1454, %get3A_43 : vector<16xf32>
      %mul3A_1484 = arith.mulf %get3A_1457, %get3A_67 : vector<16xf32>
      %add3A_1485 = arith.addf %mul3A_1484, %get3A_1460 : vector<16xf32>
      %add3A_1486 = arith.addf %mul3A_1483, %add3A_1485 : vector<16xf32>
      %add3A_1487 = arith.addf %mul3A_1482, %add3A_1486 : vector<16xf32>
      %min3A_1488 = arith.minimumf %min3A_1420, %add3A_1487 : vector<16xf32>
      %mul3A_1489 = arith.mulf %get3A_1451, %get3A_22 : vector<16xf32>
      %mul3A_1490 = arith.mulf %get3A_1454, %get3A_46 : vector<16xf32>
      %mul3A_1491 = arith.mulf %get3A_1457, %get3A_70 : vector<16xf32>
      %add3A_1492 = arith.addf %mul3A_1491, %get3A_1460 : vector<16xf32>
      %add3A_1493 = arith.addf %mul3A_1490, %add3A_1492 : vector<16xf32>
      %add3A_1494 = arith.addf %mul3A_1489, %add3A_1493 : vector<16xf32>
      %min3A_1495 = arith.minimumf %min3A_1427, %add3A_1494 : vector<16xf32>
      %mul3A_1496 = arith.mulf %get3A_1451, %get3A_25 : vector<16xf32>
      %mul3A_1497 = arith.mulf %get3A_1454, %get3A_49 : vector<16xf32>
      %mul3A_1498 = arith.mulf %get3A_1457, %get3A_73 : vector<16xf32>
      %add3A_1499 = arith.addf %mul3A_1498, %get3A_1460 : vector<16xf32>
      %add3A_1500 = arith.addf %mul3A_1497, %add3A_1499 : vector<16xf32>
      %add3A_1501 = arith.addf %mul3A_1496, %add3A_1500 : vector<16xf32>
      %min3A_1502 = arith.minimumf %min3A_1434, %add3A_1501 : vector<16xf32>
      %mul3A_1503 = arith.mulf %get3A_1451, %get3A_28 : vector<16xf32>
      %mul3A_1504 = arith.mulf %get3A_1454, %get3A_52 : vector<16xf32>
      %mul3A_1505 = arith.mulf %get3A_1457, %get3A_76 : vector<16xf32>
      %add3A_1506 = arith.addf %mul3A_1505, %get3A_1460 : vector<16xf32>
      %add3A_1507 = arith.addf %mul3A_1504, %add3A_1506 : vector<16xf32>
      %add3A_1508 = arith.addf %mul3A_1503, %add3A_1507 : vector<16xf32>
      %min3A_1509 = arith.minimumf %min3A_1441, %add3A_1508 : vector<16xf32>
      %mul3A_1510 = arith.mulf %get3A_1451, %get3A_31 : vector<16xf32>
      %mul3A_1511 = arith.mulf %get3A_1454, %get3A_55 : vector<16xf32>
      %mul3A_1512 = arith.mulf %get3A_1457, %get3A_79 : vector<16xf32>
      %add3A_1513 = arith.addf %mul3A_1512, %get3A_1460 : vector<16xf32>
      %add3A_1514 = arith.addf %mul3A_1511, %add3A_1513 : vector<16xf32>
      %add3A_1515 = arith.addf %mul3A_1510, %add3A_1514 : vector<16xf32>
      %min3A_1516 = arith.minimumf %min3A_1448, %add3A_1515 : vector<16xf32>
      %get3A_1517 = arith.constant 96 : index
      %get3A_1518 = tpu.vector_load %arg16[%get3A_1517] {strides = array<i32>} : memref<512xf32, #tpu.memory_space<vmem>>, vector<16xf32>,
      %get3A_1519 = vector.shape_cast %get3A_1518 : vector<16xf32> to vector<16xf32>
      %get3A_1520 = arith.constant 96 : index
      %get3A_1521 = tpu.vector_load %arg17[%get3A_1520] {strides = array<i32>} : memref<512xf32, #tpu.memory_space<vmem>>, vector<16xf32>,
      %get3A_1522 = vector.shape_cast %get3A_1521 : vector<16xf32> to vector<16xf32>
      %get3A_1523 = arith.constant 96 : index
      %get3A_1524 = tpu.vector_load %arg18[%get3A_1523] {strides = array<i32>} : memref<512xf32, #tpu.memory_space<vmem>>, vector<16xf32>,
      %get3A_1525 = vector.shape_cast %get3A_1524 : vector<16xf32> to vector<16xf32>
      %get3A_1526 = arith.constant 96 : index
      %get3A_1527 = tpu.vector_load %arg19[%get3A_1526] {strides = array<i32>} : memref<512xf32, #tpu.memory_space<vmem>>, vector<16xf32>,
      %get3A_1528 = vector.shape_cast %get3A_1527 : vector<16xf32> to vector<16xf32>
      %mul3A_1529 = arith.mulf %get3A_1519, %get3A_10 : vector<16xf32>
      %mul3A_1530 = arith.mulf %get3A_1522, %get3A_34 : vector<16xf32>
      %mul3A_1531 = arith.mulf %get3A_1525, %get3A_58 : vector<16xf32>
      %add3A_1532 = arith.addf %mul3A_1531, %get3A_1528 : vector<16xf32>
      %add3A_1533 = arith.addf %mul3A_1530, %add3A_1532 : vector<16xf32>
      %add3A_1534 = arith.addf %mul3A_1529, %add3A_1533 : vector<16xf32>
      %min3A_1535 = arith.minimumf %min3A_1467, %add3A_1534 : vector<16xf32>
      %mul3A_1536 = arith.mulf %get3A_1519, %get3A_13 : vector<16xf32>
      %mul3A_1537 = arith.mulf %get3A_1522, %get3A_37 : vector<16xf32>
      %mul3A_1538 = arith.mulf %get3A_1525, %get3A_61 : vector<16xf32>
      %add3A_1539 = arith.addf %mul3A_1538, %get3A_1528 : vector<16xf32>
      %add3A_1540 = arith.addf %mul3A_1537, %add3A_1539 : vector<16xf32>
      %add3A_1541 = arith.addf %mul3A_1536, %add3A_1540 : vector<16xf32>
      %min3A_1542 = arith.minimumf %min3A_1474, %add3A_1541 : vector<16xf32>
      %mul3A_1543 = arith.mulf %get3A_1519, %get3A_16 : vector<16xf32>
      %mul3A_1544 = arith.mulf %get3A_1522, %get3A_40 : vector<16xf32>
      %mul3A_1545 = arith.mulf %get3A_1525, %get3A_64 : vector<16xf32>
      %add3A_1546 = arith.addf %mul3A_1545, %get3A_1528 : vector<16xf32>
      %add3A_1547 = arith.addf %mul3A_1544, %add3A_1546 : vector<16xf32>
      %add3A_1548 = arith.addf %mul3A_1543, %add3A_1547 : vector<16xf32>
      %min3A_1549 = arith.minimumf %min3A_1481, %add3A_1548 : vector<16xf32>
      %mul3A_1550 = arith.mulf %get3A_1519, %get3A_19 : vector<16xf32>
      %mul3A_1551 = arith.mulf %get3A_1522, %get3A_43 : vector<16xf32>
      %mul3A_1552 = arith.mulf %get3A_1525, %get3A_67 : vector<16xf32>
      %add3A_1553 = arith.addf %mul3A_1552, %get3A_1528 : vector<16xf32>
      %add3A_1554 = arith.addf %mul3A_1551, %add3A_1553 : vector<16xf32>
      %add3A_1555 = arith.addf %mul3A_1550, %add3A_1554 : vector<16xf32>
      %min3A_1556 = arith.minimumf %min3A_1488, %add3A_1555 : vector<16xf32>
      %mul3A_1557 = arith.mulf %get3A_1519, %get3A_22 : vector<16xf32>
      %mul3A_1558 = arith.mulf %get3A_1522, %get3A_46 : vector<16xf32>
      %mul3A_1559 = arith.mulf %get3A_1525, %get3A_70 : vector<16xf32>
      %add3A_1560 = arith.addf %mul3A_1559, %get3A_1528 : vector<16xf32>
      %add3A_1561 = arith.addf %mul3A_1558, %add3A_1560 : vector<16xf32>
      %add3A_1562 = arith.addf %mul3A_1557, %add3A_1561 : vector<16xf32>
      %min3A_1563 = arith.minimumf %min3A_1495, %add3A_1562 : vector<16xf32>
      %mul3A_1564 = arith.mulf %get3A_1519, %get3A_25 : vector<16xf32>
      %mul3A_1565 = arith.mulf %get3A_1522, %get3A_49 : vector<16xf32>
      %mul3A_1566 = arith.mulf %get3A_1525, %get3A_73 : vector<16xf32>
      %add3A_1567 = arith.addf %mul3A_1566, %get3A_1528 : vector<16xf32>
      %add3A_1568 = arith.addf %mul3A_1565, %add3A_1567 : vector<16xf32>
      %add3A_1569 = arith.addf %mul3A_1564, %add3A_1568 : vector<16xf32>
      %min3A_1570 = arith.minimumf %min3A_1502, %add3A_1569 : vector<16xf32>
      %mul3A_1571 = arith.mulf %get3A_1519, %get3A_28 : vector<16xf32>
      %mul3A_1572 = arith.mulf %get3A_1522, %get3A_52 : vector<16xf32>
      %mul3A_1573 = arith.mulf %get3A_1525, %get3A_76 : vector<16xf32>
      %add3A_1574 = arith.addf %mul3A_1573, %get3A_1528 : vector<16xf32>
      %add3A_1575 = arith.addf %mul3A_1572, %add3A_1574 : vector<16xf32>
      %add3A_1576 = arith.addf %mul3A_1571, %add3A_1575 : vector<16xf32>
      %min3A_1577 = arith.minimumf %min3A_1509, %add3A_1576 : vector<16xf32>
      %mul3A_1578 = arith.mulf %get3A_1519, %get3A_31 : vector<16xf32>
      %mul3A_1579 = arith.mulf %get3A_1522, %get3A_55 : vector<16xf32>
      %mul3A_1580 = arith.mulf %get3A_1525, %get3A_79 : vector<16xf32>
      %add3A_1581 = arith.addf %mul3A_1580, %get3A_1528 : vector<16xf32>
      %add3A_1582 = arith.addf %mul3A_1579, %add3A_1581 : vector<16xf32>
      %add3A_1583 = arith.addf %mul3A_1578, %add3A_1582 : vector<16xf32>
      %min3A_1584 = arith.minimumf %min3A_1516, %add3A_1583 : vector<16xf32>
      %get3A_1585 = arith.constant 112 : index
      %get3A_1586 = tpu.vector_load %arg16[%get3A_1585] {strides = array<i32>} : memref<512xf32, #tpu.memory_space<vmem>>, vector<16xf32>,
      %get3A_1587 = vector.shape_cast %get3A_1586 : vector<16xf32> to vector<16xf32>
      %get3A_1588 = arith.constant 112 : index
      %get3A_1589 = tpu.vector_load %arg17[%get3A_1588] {strides = array<i32>} : memref<512xf32, #tpu.memory_space<vmem>>, vector<16xf32>,
      %get3A_1590 = vector.shape_cast %get3A_1589 : vector<16xf32> to vector<16xf32>
      %get3A_1591 = arith.constant 112 : index
      %get3A_1592 = tpu.vector_load %arg18[%get3A_1591] {strides = array<i32>} : memref<512xf32, #tpu.memory_space<vmem>>, vector<16xf32>,
      %get3A_1593 = vector.shape_cast %get3A_1592 : vector<16xf32> to vector<16xf32>
      %get3A_1594 = arith.constant 112 : index
      %get3A_1595 = tpu.vector_load %arg19[%get3A_1594] {strides = array<i32>} : memref<512xf32, #tpu.memory_space<vmem>>, vector<16xf32>,
      %get3A_1596 = vector.shape_cast %get3A_1595 : vector<16xf32> to vector<16xf32>
      %mul3A_1597 = arith.mulf %get3A_1587, %get3A_10 : vector<16xf32>
      %mul3A_1598 = arith.mulf %get3A_1590, %get3A_34 : vector<16xf32>
      %mul3A_1599 = arith.mulf %get3A_1593, %get3A_58 : vector<16xf32>
      %add3A_1600 = arith.addf %mul3A_1599, %get3A_1596 : vector<16xf32>
      %add3A_1601 = arith.addf %mul3A_1598, %add3A_1600 : vector<16xf32>
      %add3A_1602 = arith.addf %mul3A_1597, %add3A_1601 : vector<16xf32>
      %min3A_1603 = arith.minimumf %min3A_1535, %add3A_1602 : vector<16xf32>
      %mul3A_1604 = arith.mulf %get3A_1587, %get3A_13 : vector<16xf32>
      %mul3A_1605 = arith.mulf %get3A_1590, %get3A_37 : vector<16xf32>
      %mul3A_1606 = arith.mulf %get3A_1593, %get3A_61 : vector<16xf32>
      %add3A_1607 = arith.addf %mul3A_1606, %get3A_1596 : vector<16xf32>
      %add3A_1608 = arith.addf %mul3A_1605, %add3A_1607 : vector<16xf32>
      %add3A_1609 = arith.addf %mul3A_1604, %add3A_1608 : vector<16xf32>
      %min3A_1610 = arith.minimumf %min3A_1542, %add3A_1609 : vector<16xf32>
      %mul3A_1611 = arith.mulf %get3A_1587, %get3A_16 : vector<16xf32>
      %mul3A_1612 = arith.mulf %get3A_1590, %get3A_40 : vector<16xf32>
      %mul3A_1613 = arith.mulf %get3A_1593, %get3A_64 : vector<16xf32>
      %add3A_1614 = arith.addf %mul3A_1613, %get3A_1596 : vector<16xf32>
      %add3A_1615 = arith.addf %mul3A_1612, %add3A_1614 : vector<16xf32>
      %add3A_1616 = arith.addf %mul3A_1611, %add3A_1615 : vector<16xf32>
      %min3A_1617 = arith.minimumf %min3A_1549, %add3A_1616 : vector<16xf32>
      %mul3A_1618 = arith.mulf %get3A_1587, %get3A_19 : vector<16xf32>
      %mul3A_1619 = arith.mulf %get3A_1590, %get3A_43 : vector<16xf32>
      %mul3A_1620 = arith.mulf %get3A_1593, %get3A_67 : vector<16xf32>
      %add3A_1621 = arith.addf %mul3A_1620, %get3A_1596 : vector<16xf32>
      %add3A_1622 = arith.addf %mul3A_1619, %add3A_1621 : vector<16xf32>
      %add3A_1623 = arith.addf %mul3A_1618, %add3A_1622 : vector<16xf32>
      %min3A_1624 = arith.minimumf %min3A_1556, %add3A_1623 : vector<16xf32>
      %mul3A_1625 = arith.mulf %get3A_1587, %get3A_22 : vector<16xf32>
      %mul3A_1626 = arith.mulf %get3A_1590, %get3A_46 : vector<16xf32>
      %mul3A_1627 = arith.mulf %get3A_1593, %get3A_70 : vector<16xf32>
      %add3A_1628 = arith.addf %mul3A_1627, %get3A_1596 : vector<16xf32>
      %add3A_1629 = arith.addf %mul3A_1626, %add3A_1628 : vector<16xf32>
      %add3A_1630 = arith.addf %mul3A_1625, %add3A_1629 : vector<16xf32>
      %min3A_1631 = arith.minimumf %min3A_1563, %add3A_1630 : vector<16xf32>
      %mul3A_1632 = arith.mulf %get3A_1587, %get3A_25 : vector<16xf32>
      %mul3A_1633 = arith.mulf %get3A_1590, %get3A_49 : vector<16xf32>
      %mul3A_1634 = arith.mulf %get3A_1593, %get3A_73 : vector<16xf32>
      %add3A_1635 = arith.addf %mul3A_1634, %get3A_1596 : vector<16xf32>
      %add3A_1636 = arith.addf %mul3A_1633, %add3A_1635 : vector<16xf32>
      %add3A_1637 = arith.addf %mul3A_1632, %add3A_1636 : vector<16xf32>
      %min3A_1638 = arith.minimumf %min3A_1570, %add3A_1637 : vector<16xf32>
      %mul3A_1639 = arith.mulf %get3A_1587, %get3A_28 : vector<16xf32>
      %mul3A_1640 = arith.mulf %get3A_1590, %get3A_52 : vector<16xf32>
      %mul3A_1641 = arith.mulf %get3A_1593, %get3A_76 : vector<16xf32>
      %add3A_1642 = arith.addf %mul3A_1641, %get3A_1596 : vector<16xf32>
      %add3A_1643 = arith.addf %mul3A_1640, %add3A_1642 : vector<16xf32>
      %add3A_1644 = arith.addf %mul3A_1639, %add3A_1643 : vector<16xf32>
      %min3A_1645 = arith.minimumf %min3A_1577, %add3A_1644 : vector<16xf32>
      %mul3A_1646 = arith.mulf %get3A_1587, %get3A_31 : vector<16xf32>
      %mul3A_1647 = arith.mulf %get3A_1590, %get3A_55 : vector<16xf32>
      %mul3A_1648 = arith.mulf %get3A_1593, %get3A_79 : vector<16xf32>
      %add3A_1649 = arith.addf %mul3A_1648, %get3A_1596 : vector<16xf32>
      %add3A_1650 = arith.addf %mul3A_1647, %add3A_1649 : vector<16xf32>
      %add3A_1651 = arith.addf %mul3A_1646, %add3A_1650 : vector<16xf32>
      %min3A_1652 = arith.minimumf %min3A_1584, %add3A_1651 : vector<16xf32>
      %get3A_1653 = arith.constant 128 : index
      %get3A_1654 = tpu.vector_load %arg16[%get3A_1653] {strides = array<i32>} : memref<512xf32, #tpu.memory_space<vmem>>, vector<16xf32>,
      %get3A_1655 = vector.shape_cast %get3A_1654 : vector<16xf32> to vector<16xf32>
      %get3A_1656 = arith.constant 128 : index
      %get3A_1657 = tpu.vector_load %arg17[%get3A_1656] {strides = array<i32>} : memref<512xf32, #tpu.memory_space<vmem>>, vector<16xf32>,
      %get3A_1658 = vector.shape_cast %get3A_1657 : vector<16xf32> to vector<16xf32>
      %get3A_1659 = arith.constant 128 : index
      %get3A_1660 = tpu.vector_load %arg18[%get3A_1659] {strides = array<i32>} : memref<512xf32, #tpu.memory_space<vmem>>, vector<16xf32>,
      %get3A_1661 = vector.shape_cast %get3A_1660 : vector<16xf32> to vector<16xf32>
      %get3A_1662 = arith.constant 128 : index
      %get3A_1663 = tpu.vector_load %arg19[%get3A_1662] {strides = array<i32>} : memref<512xf32, #tpu.memory_space<vmem>>, vector<16xf32>,
      %get3A_1664 = vector.shape_cast %get3A_1663 : vector<16xf32> to vector<16xf32>
      %mul3A_1665 = arith.mulf %get3A_1655, %get3A_10 : vector<16xf32>
      %mul3A_1666 = arith.mulf %get3A_1658, %get3A_34 : vector<16xf32>
      %mul3A_1667 = arith.mulf %get3A_1661, %get3A_58 : vector<16xf32>
      %add3A_1668 = arith.addf %mul3A_1667, %get3A_1664 : vector<16xf32>
      %add3A_1669 = arith.addf %mul3A_1666, %add3A_1668 : vector<16xf32>
      %add3A_1670 = arith.addf %mul3A_1665, %add3A_1669 : vector<16xf32>
      %min3A_1671 = arith.minimumf %min3A_1603, %add3A_1670 : vector<16xf32>
      %mul3A_1672 = arith.mulf %get3A_1655, %get3A_13 : vector<16xf32>
      %mul3A_1673 = arith.mulf %get3A_1658, %get3A_37 : vector<16xf32>
      %mul3A_1674 = arith.mulf %get3A_1661, %get3A_61 : vector<16xf32>
      %add3A_1675 = arith.addf %mul3A_1674, %get3A_1664 : vector<16xf32>
      %add3A_1676 = arith.addf %mul3A_1673, %add3A_1675 : vector<16xf32>
      %add3A_1677 = arith.addf %mul3A_1672, %add3A_1676 : vector<16xf32>
      %min3A_1678 = arith.minimumf %min3A_1610, %add3A_1677 : vector<16xf32>
      %mul3A_1679 = arith.mulf %get3A_1655, %get3A_16 : vector<16xf32>
      %mul3A_1680 = arith.mulf %get3A_1658, %get3A_40 : vector<16xf32>
      %mul3A_1681 = arith.mulf %get3A_1661, %get3A_64 : vector<16xf32>
      %add3A_1682 = arith.addf %mul3A_1681, %get3A_1664 : vector<16xf32>
      %add3A_1683 = arith.addf %mul3A_1680, %add3A_1682 : vector<16xf32>
      %add3A_1684 = arith.addf %mul3A_1679, %add3A_1683 : vector<16xf32>
      %min3A_1685 = arith.minimumf %min3A_1617, %add3A_1684 : vector<16xf32>
      %mul3A_1686 = arith.mulf %get3A_1655, %get3A_19 : vector<16xf32>
      %mul3A_1687 = arith.mulf %get3A_1658, %get3A_43 : vector<16xf32>
      %mul3A_1688 = arith.mulf %get3A_1661, %get3A_67 : vector<16xf32>
      %add3A_1689 = arith.addf %mul3A_1688, %get3A_1664 : vector<16xf32>
      %add3A_1690 = arith.addf %mul3A_1687, %add3A_1689 : vector<16xf32>
      %add3A_1691 = arith.addf %mul3A_1686, %add3A_1690 : vector<16xf32>
      %min3A_1692 = arith.minimumf %min3A_1624, %add3A_1691 : vector<16xf32>
      %mul3A_1693 = arith.mulf %get3A_1655, %get3A_22 : vector<16xf32>
      %mul3A_1694 = arith.mulf %get3A_1658, %get3A_46 : vector<16xf32>
      %mul3A_1695 = arith.mulf %get3A_1661, %get3A_70 : vector<16xf32>
      %add3A_1696 = arith.addf %mul3A_1695, %get3A_1664 : vector<16xf32>
      %add3A_1697 = arith.addf %mul3A_1694, %add3A_1696 : vector<16xf32>
      %add3A_1698 = arith.addf %mul3A_1693, %add3A_1697 : vector<16xf32>
      %min3A_1699 = arith.minimumf %min3A_1631, %add3A_1698 : vector<16xf32>
      %mul3A_1700 = arith.mulf %get3A_1655, %get3A_25 : vector<16xf32>
      %mul3A_1701 = arith.mulf %get3A_1658, %get3A_49 : vector<16xf32>
      %mul3A_1702 = arith.mulf %get3A_1661, %get3A_73 : vector<16xf32>
      %add3A_1703 = arith.addf %mul3A_1702, %get3A_1664 : vector<16xf32>
      %add3A_1704 = arith.addf %mul3A_1701, %add3A_1703 : vector<16xf32>
      %add3A_1705 = arith.addf %mul3A_1700, %add3A_1704 : vector<16xf32>
      %min3A_1706 = arith.minimumf %min3A_1638, %add3A_1705 : vector<16xf32>
      %mul3A_1707 = arith.mulf %get3A_1655, %get3A_28 : vector<16xf32>
      %mul3A_1708 = arith.mulf %get3A_1658, %get3A_52 : vector<16xf32>
      %mul3A_1709 = arith.mulf %get3A_1661, %get3A_76 : vector<16xf32>
      %add3A_1710 = arith.addf %mul3A_1709, %get3A_1664 : vector<16xf32>
      %add3A_1711 = arith.addf %mul3A_1708, %add3A_1710 : vector<16xf32>
      %add3A_1712 = arith.addf %mul3A_1707, %add3A_1711 : vector<16xf32>
      %min3A_1713 = arith.minimumf %min3A_1645, %add3A_1712 : vector<16xf32>
      %mul3A_1714 = arith.mulf %get3A_1655, %get3A_31 : vector<16xf32>
      %mul3A_1715 = arith.mulf %get3A_1658, %get3A_55 : vector<16xf32>
      %mul3A_1716 = arith.mulf %get3A_1661, %get3A_79 : vector<16xf32>
      %add3A_1717 = arith.addf %mul3A_1716, %get3A_1664 : vector<16xf32>
      %add3A_1718 = arith.addf %mul3A_1715, %add3A_1717 : vector<16xf32>
      %add3A_1719 = arith.addf %mul3A_1714, %add3A_1718 : vector<16xf32>
      %min3A_1720 = arith.minimumf %min3A_1652, %add3A_1719 : vector<16xf32>
      %get3A_1721 = arith.constant 144 : index
      %get3A_1722 = tpu.vector_load %arg16[%get3A_1721] {strides = array<i32>} : memref<512xf32, #tpu.memory_space<vmem>>, vector<16xf32>,
      %get3A_1723 = vector.shape_cast %get3A_1722 : vector<16xf32> to vector<16xf32>
      %get3A_1724 = arith.constant 144 : index
      %get3A_1725 = tpu.vector_load %arg17[%get3A_1724] {strides = array<i32>} : memref<512xf32, #tpu.memory_space<vmem>>, vector<16xf32>,
      %get3A_1726 = vector.shape_cast %get3A_1725 : vector<16xf32> to vector<16xf32>
      %get3A_1727 = arith.constant 144 : index
      %get3A_1728 = tpu.vector_load %arg18[%get3A_1727] {strides = array<i32>} : memref<512xf32, #tpu.memory_space<vmem>>, vector<16xf32>,
      %get3A_1729 = vector.shape_cast %get3A_1728 : vector<16xf32> to vector<16xf32>
      %get3A_1730 = arith.constant 144 : index
      %get3A_1731 = tpu.vector_load %arg19[%get3A_1730] {strides = array<i32>} : memref<512xf32, #tpu.memory_space<vmem>>, vector<16xf32>,
      %get3A_1732 = vector.shape_cast %get3A_1731 : vector<16xf32> to vector<16xf32>
      %mul3A_1733 = arith.mulf %get3A_1723, %get3A_10 : vector<16xf32>
      %mul3A_1734 = arith.mulf %get3A_1726, %get3A_34 : vector<16xf32>
      %mul3A_1735 = arith.mulf %get3A_1729, %get3A_58 : vector<16xf32>
      %add3A_1736 = arith.addf %mul3A_1735, %get3A_1732 : vector<16xf32>
      %add3A_1737 = arith.addf %mul3A_1734, %add3A_1736 : vector<16xf32>
      %add3A_1738 = arith.addf %mul3A_1733, %add3A_1737 : vector<16xf32>
      %min3A_1739 = arith.minimumf %min3A_1671, %add3A_1738 : vector<16xf32>
      %mul3A_1740 = arith.mulf %get3A_1723, %get3A_13 : vector<16xf32>
      %mul3A_1741 = arith.mulf %get3A_1726, %get3A_37 : vector<16xf32>
      %mul3A_1742 = arith.mulf %get3A_1729, %get3A_61 : vector<16xf32>
      %add3A_1743 = arith.addf %mul3A_1742, %get3A_1732 : vector<16xf32>
      %add3A_1744 = arith.addf %mul3A_1741, %add3A_1743 : vector<16xf32>
      %add3A_1745 = arith.addf %mul3A_1740, %add3A_1744 : vector<16xf32>
      %min3A_1746 = arith.minimumf %min3A_1678, %add3A_1745 : vector<16xf32>
      %mul3A_1747 = arith.mulf %get3A_1723, %get3A_16 : vector<16xf32>
      %mul3A_1748 = arith.mulf %get3A_1726, %get3A_40 : vector<16xf32>
      %mul3A_1749 = arith.mulf %get3A_1729, %get3A_64 : vector<16xf32>
      %add3A_1750 = arith.addf %mul3A_1749, %get3A_1732 : vector<16xf32>
      %add3A_1751 = arith.addf %mul3A_1748, %add3A_1750 : vector<16xf32>
      %add3A_1752 = arith.addf %mul3A_1747, %add3A_1751 : vector<16xf32>
      %min3A_1753 = arith.minimumf %min3A_1685, %add3A_1752 : vector<16xf32>
      %mul3A_1754 = arith.mulf %get3A_1723, %get3A_19 : vector<16xf32>
      %mul3A_1755 = arith.mulf %get3A_1726, %get3A_43 : vector<16xf32>
      %mul3A_1756 = arith.mulf %get3A_1729, %get3A_67 : vector<16xf32>
      %add3A_1757 = arith.addf %mul3A_1756, %get3A_1732 : vector<16xf32>
      %add3A_1758 = arith.addf %mul3A_1755, %add3A_1757 : vector<16xf32>
      %add3A_1759 = arith.addf %mul3A_1754, %add3A_1758 : vector<16xf32>
      %min3A_1760 = arith.minimumf %min3A_1692, %add3A_1759 : vector<16xf32>
      %mul3A_1761 = arith.mulf %get3A_1723, %get3A_22 : vector<16xf32>
      %mul3A_1762 = arith.mulf %get3A_1726, %get3A_46 : vector<16xf32>
      %mul3A_1763 = arith.mulf %get3A_1729, %get3A_70 : vector<16xf32>
      %add3A_1764 = arith.addf %mul3A_1763, %get3A_1732 : vector<16xf32>
      %add3A_1765 = arith.addf %mul3A_1762, %add3A_1764 : vector<16xf32>
      %add3A_1766 = arith.addf %mul3A_1761, %add3A_1765 : vector<16xf32>
      %min3A_1767 = arith.minimumf %min3A_1699, %add3A_1766 : vector<16xf32>
      %mul3A_1768 = arith.mulf %get3A_1723, %get3A_25 : vector<16xf32>
      %mul3A_1769 = arith.mulf %get3A_1726, %get3A_49 : vector<16xf32>
      %mul3A_1770 = arith.mulf %get3A_1729, %get3A_73 : vector<16xf32>
      %add3A_1771 = arith.addf %mul3A_1770, %get3A_1732 : vector<16xf32>
      %add3A_1772 = arith.addf %mul3A_1769, %add3A_1771 : vector<16xf32>
      %add3A_1773 = arith.addf %mul3A_1768, %add3A_1772 : vector<16xf32>
      %min3A_1774 = arith.minimumf %min3A_1706, %add3A_1773 : vector<16xf32>
      %mul3A_1775 = arith.mulf %get3A_1723, %get3A_28 : vector<16xf32>
      %mul3A_1776 = arith.mulf %get3A_1726, %get3A_52 : vector<16xf32>
      %mul3A_1777 = arith.mulf %get3A_1729, %get3A_76 : vector<16xf32>
      %add3A_1778 = arith.addf %mul3A_1777, %get3A_1732 : vector<16xf32>
      %add3A_1779 = arith.addf %mul3A_1776, %add3A_1778 : vector<16xf32>
      %add3A_1780 = arith.addf %mul3A_1775, %add3A_1779 : vector<16xf32>
      %min3A_1781 = arith.minimumf %min3A_1713, %add3A_1780 : vector<16xf32>
      %mul3A_1782 = arith.mulf %get3A_1723, %get3A_31 : vector<16xf32>
      %mul3A_1783 = arith.mulf %get3A_1726, %get3A_55 : vector<16xf32>
      %mul3A_1784 = arith.mulf %get3A_1729, %get3A_79 : vector<16xf32>
      %add3A_1785 = arith.addf %mul3A_1784, %get3A_1732 : vector<16xf32>
      %add3A_1786 = arith.addf %mul3A_1783, %add3A_1785 : vector<16xf32>
      %add3A_1787 = arith.addf %mul3A_1782, %add3A_1786 : vector<16xf32>
      %min3A_1788 = arith.minimumf %min3A_1720, %add3A_1787 : vector<16xf32>
      %get3A_1789 = arith.constant 160 : index
      %get3A_1790 = tpu.vector_load %arg16[%get3A_1789] {strides = array<i32>} : memref<512xf32, #tpu.memory_space<vmem>>, vector<16xf32>,
      %get3A_1791 = vector.shape_cast %get3A_1790 : vector<16xf32> to vector<16xf32>
      %get3A_1792 = arith.constant 160 : index
      %get3A_1793 = tpu.vector_load %arg17[%get3A_1792] {strides = array<i32>} : memref<512xf32, #tpu.memory_space<vmem>>, vector<16xf32>,
      %get3A_1794 = vector.shape_cast %get3A_1793 : vector<16xf32> to vector<16xf32>
      %get3A_1795 = arith.constant 160 : index
      %get3A_1796 = tpu.vector_load %arg18[%get3A_1795] {strides = array<i32>} : memref<512xf32, #tpu.memory_space<vmem>>, vector<16xf32>,
      %get3A_1797 = vector.shape_cast %get3A_1796 : vector<16xf32> to vector<16xf32>
      %get3A_1798 = arith.constant 160 : index
      %get3A_1799 = tpu.vector_load %arg19[%get3A_1798] {strides = array<i32>} : memref<512xf32, #tpu.memory_space<vmem>>, vector<16xf32>,
      %get3A_1800 = vector.shape_cast %get3A_1799 : vector<16xf32> to vector<16xf32>
      %mul3A_1801 = arith.mulf %get3A_1791, %get3A_10 : vector<16xf32>
      %mul3A_1802 = arith.mulf %get3A_1794, %get3A_34 : vector<16xf32>
      %mul3A_1803 = arith.mulf %get3A_1797, %get3A_58 : vector<16xf32>
      %add3A_1804 = arith.addf %mul3A_1803, %get3A_1800 : vector<16xf32>
      %add3A_1805 = arith.addf %mul3A_1802, %add3A_1804 : vector<16xf32>
      %add3A_1806 = arith.addf %mul3A_1801, %add3A_1805 : vector<16xf32>
      %min3A_1807 = arith.minimumf %min3A_1739, %add3A_1806 : vector<16xf32>
      %mul3A_1808 = arith.mulf %get3A_1791, %get3A_13 : vector<16xf32>
      %mul3A_1809 = arith.mulf %get3A_1794, %get3A_37 : vector<16xf32>
      %mul3A_1810 = arith.mulf %get3A_1797, %get3A_61 : vector<16xf32>
      %add3A_1811 = arith.addf %mul3A_1810, %get3A_1800 : vector<16xf32>
      %add3A_1812 = arith.addf %mul3A_1809, %add3A_1811 : vector<16xf32>
      %add3A_1813 = arith.addf %mul3A_1808, %add3A_1812 : vector<16xf32>
      %min3A_1814 = arith.minimumf %min3A_1746, %add3A_1813 : vector<16xf32>
      %mul3A_1815 = arith.mulf %get3A_1791, %get3A_16 : vector<16xf32>
      %mul3A_1816 = arith.mulf %get3A_1794, %get3A_40 : vector<16xf32>
      %mul3A_1817 = arith.mulf %get3A_1797, %get3A_64 : vector<16xf32>
      %add3A_1818 = arith.addf %mul3A_1817, %get3A_1800 : vector<16xf32>
      %add3A_1819 = arith.addf %mul3A_1816, %add3A_1818 : vector<16xf32>
      %add3A_1820 = arith.addf %mul3A_1815, %add3A_1819 : vector<16xf32>
      %min3A_1821 = arith.minimumf %min3A_1753, %add3A_1820 : vector<16xf32>
      %mul3A_1822 = arith.mulf %get3A_1791, %get3A_19 : vector<16xf32>
      %mul3A_1823 = arith.mulf %get3A_1794, %get3A_43 : vector<16xf32>
      %mul3A_1824 = arith.mulf %get3A_1797, %get3A_67 : vector<16xf32>
      %add3A_1825 = arith.addf %mul3A_1824, %get3A_1800 : vector<16xf32>
      %add3A_1826 = arith.addf %mul3A_1823, %add3A_1825 : vector<16xf32>
      %add3A_1827 = arith.addf %mul3A_1822, %add3A_1826 : vector<16xf32>
      %min3A_1828 = arith.minimumf %min3A_1760, %add3A_1827 : vector<16xf32>
      %mul3A_1829 = arith.mulf %get3A_1791, %get3A_22 : vector<16xf32>
      %mul3A_1830 = arith.mulf %get3A_1794, %get3A_46 : vector<16xf32>
      %mul3A_1831 = arith.mulf %get3A_1797, %get3A_70 : vector<16xf32>
      %add3A_1832 = arith.addf %mul3A_1831, %get3A_1800 : vector<16xf32>
      %add3A_1833 = arith.addf %mul3A_1830, %add3A_1832 : vector<16xf32>
      %add3A_1834 = arith.addf %mul3A_1829, %add3A_1833 : vector<16xf32>
      %min3A_1835 = arith.minimumf %min3A_1767, %add3A_1834 : vector<16xf32>
      %mul3A_1836 = arith.mulf %get3A_1791, %get3A_25 : vector<16xf32>
      %mul3A_1837 = arith.mulf %get3A_1794, %get3A_49 : vector<16xf32>
      %mul3A_1838 = arith.mulf %get3A_1797, %get3A_73 : vector<16xf32>
      %add3A_1839 = arith.addf %mul3A_1838, %get3A_1800 : vector<16xf32>
      %add3A_1840 = arith.addf %mul3A_1837, %add3A_1839 : vector<16xf32>
      %add3A_1841 = arith.addf %mul3A_1836, %add3A_1840 : vector<16xf32>
      %min3A_1842 = arith.minimumf %min3A_1774, %add3A_1841 : vector<16xf32>
      %mul3A_1843 = arith.mulf %get3A_1791, %get3A_28 : vector<16xf32>
      %mul3A_1844 = arith.mulf %get3A_1794, %get3A_52 : vector<16xf32>
      %mul3A_1845 = arith.mulf %get3A_1797, %get3A_76 : vector<16xf32>
      %add3A_1846 = arith.addf %mul3A_1845, %get3A_1800 : vector<16xf32>
      %add3A_1847 = arith.addf %mul3A_1844, %add3A_1846 : vector<16xf32>
      %add3A_1848 = arith.addf %mul3A_1843, %add3A_1847 : vector<16xf32>
      %min3A_1849 = arith.minimumf %min3A_1781, %add3A_1848 : vector<16xf32>
      %mul3A_1850 = arith.mulf %get3A_1791, %get3A_31 : vector<16xf32>
      %mul3A_1851 = arith.mulf %get3A_1794, %get3A_55 : vector<16xf32>
      %mul3A_1852 = arith.mulf %get3A_1797, %get3A_79 : vector<16xf32>
      %add3A_1853 = arith.addf %mul3A_1852, %get3A_1800 : vector<16xf32>
      %add3A_1854 = arith.addf %mul3A_1851, %add3A_1853 : vector<16xf32>
      %add3A_1855 = arith.addf %mul3A_1850, %add3A_1854 : vector<16xf32>
      %min3A_1856 = arith.minimumf %min3A_1788, %add3A_1855 : vector<16xf32>
      %get3A_1857 = arith.constant 176 : index
      %get3A_1858 = tpu.vector_load %arg16[%get3A_1857] {strides = array<i32>} : memref<512xf32, #tpu.memory_space<vmem>>, vector<16xf32>,
      %get3A_1859 = vector.shape_cast %get3A_1858 : vector<16xf32> to vector<16xf32>
      %get3A_1860 = arith.constant 176 : index
      %get3A_1861 = tpu.vector_load %arg17[%get3A_1860] {strides = array<i32>} : memref<512xf32, #tpu.memory_space<vmem>>, vector<16xf32>,
      %get3A_1862 = vector.shape_cast %get3A_1861 : vector<16xf32> to vector<16xf32>
      %get3A_1863 = arith.constant 176 : index
      %get3A_1864 = tpu.vector_load %arg18[%get3A_1863] {strides = array<i32>} : memref<512xf32, #tpu.memory_space<vmem>>, vector<16xf32>,
      %get3A_1865 = vector.shape_cast %get3A_1864 : vector<16xf32> to vector<16xf32>
      %get3A_1866 = arith.constant 176 : index
      %get3A_1867 = tpu.vector_load %arg19[%get3A_1866] {strides = array<i32>} : memref<512xf32, #tpu.memory_space<vmem>>, vector<16xf32>,
      %get3A_1868 = vector.shape_cast %get3A_1867 : vector<16xf32> to vector<16xf32>
      %mul3A_1869 = arith.mulf %get3A_1859, %get3A_10 : vector<16xf32>
      %mul3A_1870 = arith.mulf %get3A_1862, %get3A_34 : vector<16xf32>
      %mul3A_1871 = arith.mulf %get3A_1865, %get3A_58 : vector<16xf32>
      %add3A_1872 = arith.addf %mul3A_1871, %get3A_1868 : vector<16xf32>
      %add3A_1873 = arith.addf %mul3A_1870, %add3A_1872 : vector<16xf32>
      %add3A_1874 = arith.addf %mul3A_1869, %add3A_1873 : vector<16xf32>
      %min3A_1875 = arith.minimumf %min3A_1807, %add3A_1874 : vector<16xf32>
      %mul3A_1876 = arith.mulf %get3A_1859, %get3A_13 : vector<16xf32>
      %mul3A_1877 = arith.mulf %get3A_1862, %get3A_37 : vector<16xf32>
      %mul3A_1878 = arith.mulf %get3A_1865, %get3A_61 : vector<16xf32>
      %add3A_1879 = arith.addf %mul3A_1878, %get3A_1868 : vector<16xf32>
      %add3A_1880 = arith.addf %mul3A_1877, %add3A_1879 : vector<16xf32>
      %add3A_1881 = arith.addf %mul3A_1876, %add3A_1880 : vector<16xf32>
      %min3A_1882 = arith.minimumf %min3A_1814, %add3A_1881 : vector<16xf32>
      %mul3A_1883 = arith.mulf %get3A_1859, %get3A_16 : vector<16xf32>
      %mul3A_1884 = arith.mulf %get3A_1862, %get3A_40 : vector<16xf32>
      %mul3A_1885 = arith.mulf %get3A_1865, %get3A_64 : vector<16xf32>
      %add3A_1886 = arith.addf %mul3A_1885, %get3A_1868 : vector<16xf32>
      %add3A_1887 = arith.addf %mul3A_1884, %add3A_1886 : vector<16xf32>
      %add3A_1888 = arith.addf %mul3A_1883, %add3A_1887 : vector<16xf32>
      %min3A_1889 = arith.minimumf %min3A_1821, %add3A_1888 : vector<16xf32>
      %mul3A_1890 = arith.mulf %get3A_1859, %get3A_19 : vector<16xf32>
      %mul3A_1891 = arith.mulf %get3A_1862, %get3A_43 : vector<16xf32>
      %mul3A_1892 = arith.mulf %get3A_1865, %get3A_67 : vector<16xf32>
      %add3A_1893 = arith.addf %mul3A_1892, %get3A_1868 : vector<16xf32>
      %add3A_1894 = arith.addf %mul3A_1891, %add3A_1893 : vector<16xf32>
      %add3A_1895 = arith.addf %mul3A_1890, %add3A_1894 : vector<16xf32>
      %min3A_1896 = arith.minimumf %min3A_1828, %add3A_1895 : vector<16xf32>
      %mul3A_1897 = arith.mulf %get3A_1859, %get3A_22 : vector<16xf32>
      %mul3A_1898 = arith.mulf %get3A_1862, %get3A_46 : vector<16xf32>
      %mul3A_1899 = arith.mulf %get3A_1865, %get3A_70 : vector<16xf32>
      %add3A_1900 = arith.addf %mul3A_1899, %get3A_1868 : vector<16xf32>
      %add3A_1901 = arith.addf %mul3A_1898, %add3A_1900 : vector<16xf32>
      %add3A_1902 = arith.addf %mul3A_1897, %add3A_1901 : vector<16xf32>
      %min3A_1903 = arith.minimumf %min3A_1835, %add3A_1902 : vector<16xf32>
      %mul3A_1904 = arith.mulf %get3A_1859, %get3A_25 : vector<16xf32>
      %mul3A_1905 = arith.mulf %get3A_1862, %get3A_49 : vector<16xf32>
      %mul3A_1906 = arith.mulf %get3A_1865, %get3A_73 : vector<16xf32>
      %add3A_1907 = arith.addf %mul3A_1906, %get3A_1868 : vector<16xf32>
      %add3A_1908 = arith.addf %mul3A_1905, %add3A_1907 : vector<16xf32>
      %add3A_1909 = arith.addf %mul3A_1904, %add3A_1908 : vector<16xf32>
      %min3A_1910 = arith.minimumf %min3A_1842, %add3A_1909 : vector<16xf32>
      %mul3A_1911 = arith.mulf %get3A_1859, %get3A_28 : vector<16xf32>
      %mul3A_1912 = arith.mulf %get3A_1862, %get3A_52 : vector<16xf32>
      %mul3A_1913 = arith.mulf %get3A_1865, %get3A_76 : vector<16xf32>
      %add3A_1914 = arith.addf %mul3A_1913, %get3A_1868 : vector<16xf32>
      %add3A_1915 = arith.addf %mul3A_1912, %add3A_1914 : vector<16xf32>
      %add3A_1916 = arith.addf %mul3A_1911, %add3A_1915 : vector<16xf32>
      %min3A_1917 = arith.minimumf %min3A_1849, %add3A_1916 : vector<16xf32>
      %mul3A_1918 = arith.mulf %get3A_1859, %get3A_31 : vector<16xf32>
      %mul3A_1919 = arith.mulf %get3A_1862, %get3A_55 : vector<16xf32>
      %mul3A_1920 = arith.mulf %get3A_1865, %get3A_79 : vector<16xf32>
      %add3A_1921 = arith.addf %mul3A_1920, %get3A_1868 : vector<16xf32>
      %add3A_1922 = arith.addf %mul3A_1919, %add3A_1921 : vector<16xf32>
      %add3A_1923 = arith.addf %mul3A_1918, %add3A_1922 : vector<16xf32>
      %min3A_1924 = arith.minimumf %min3A_1856, %add3A_1923 : vector<16xf32>
      %get3A_1925 = arith.constant 192 : index
      %get3A_1926 = tpu.vector_load %arg16[%get3A_1925] {strides = array<i32>} : memref<512xf32, #tpu.memory_space<vmem>>, vector<16xf32>,
      %get3A_1927 = vector.shape_cast %get3A_1926 : vector<16xf32> to vector<16xf32>
      %get3A_1928 = arith.constant 192 : index
      %get3A_1929 = tpu.vector_load %arg17[%get3A_1928] {strides = array<i32>} : memref<512xf32, #tpu.memory_space<vmem>>, vector<16xf32>,
      %get3A_1930 = vector.shape_cast %get3A_1929 : vector<16xf32> to vector<16xf32>
      %get3A_1931 = arith.constant 192 : index
      %get3A_1932 = tpu.vector_load %arg18[%get3A_1931] {strides = array<i32>} : memref<512xf32, #tpu.memory_space<vmem>>, vector<16xf32>,
      %get3A_1933 = vector.shape_cast %get3A_1932 : vector<16xf32> to vector<16xf32>
      %get3A_1934 = arith.constant 192 : index
      %get3A_1935 = tpu.vector_load %arg19[%get3A_1934] {strides = array<i32>} : memref<512xf32, #tpu.memory_space<vmem>>, vector<16xf32>,
      %get3A_1936 = vector.shape_cast %get3A_1935 : vector<16xf32> to vector<16xf32>
      %mul3A_1937 = arith.mulf %get3A_1927, %get3A_10 : vector<16xf32>
      %mul3A_1938 = arith.mulf %get3A_1930, %get3A_34 : vector<16xf32>
      %mul3A_1939 = arith.mulf %get3A_1933, %get3A_58 : vector<16xf32>
      %add3A_1940 = arith.addf %mul3A_1939, %get3A_1936 : vector<16xf32>
      %add3A_1941 = arith.addf %mul3A_1938, %add3A_1940 : vector<16xf32>
      %add3A_1942 = arith.addf %mul3A_1937, %add3A_1941 : vector<16xf32>
      %min3A_1943 = arith.minimumf %min3A_1875, %add3A_1942 : vector<16xf32>
      %mul3A_1944 = arith.mulf %get3A_1927, %get3A_13 : vector<16xf32>
      %mul3A_1945 = arith.mulf %get3A_1930, %get3A_37 : vector<16xf32>
      %mul3A_1946 = arith.mulf %get3A_1933, %get3A_61 : vector<16xf32>
      %add3A_1947 = arith.addf %mul3A_1946, %get3A_1936 : vector<16xf32>
      %add3A_1948 = arith.addf %mul3A_1945, %add3A_1947 : vector<16xf32>
      %add3A_1949 = arith.addf %mul3A_1944, %add3A_1948 : vector<16xf32>
      %min3A_1950 = arith.minimumf %min3A_1882, %add3A_1949 : vector<16xf32>
      %mul3A_1951 = arith.mulf %get3A_1927, %get3A_16 : vector<16xf32>
      %mul3A_1952 = arith.mulf %get3A_1930, %get3A_40 : vector<16xf32>
      %mul3A_1953 = arith.mulf %get3A_1933, %get3A_64 : vector<16xf32>
      %add3A_1954 = arith.addf %mul3A_1953, %get3A_1936 : vector<16xf32>
      %add3A_1955 = arith.addf %mul3A_1952, %add3A_1954 : vector<16xf32>
      %add3A_1956 = arith.addf %mul3A_1951, %add3A_1955 : vector<16xf32>
      %min3A_1957 = arith.minimumf %min3A_1889, %add3A_1956 : vector<16xf32>
      %mul3A_1958 = arith.mulf %get3A_1927, %get3A_19 : vector<16xf32>
      %mul3A_1959 = arith.mulf %get3A_1930, %get3A_43 : vector<16xf32>
      %mul3A_1960 = arith.mulf %get3A_1933, %get3A_67 : vector<16xf32>
      %add3A_1961 = arith.addf %mul3A_1960, %get3A_1936 : vector<16xf32>
      %add3A_1962 = arith.addf %mul3A_1959, %add3A_1961 : vector<16xf32>
      %add3A_1963 = arith.addf %mul3A_1958, %add3A_1962 : vector<16xf32>
      %min3A_1964 = arith.minimumf %min3A_1896, %add3A_1963 : vector<16xf32>
      %mul3A_1965 = arith.mulf %get3A_1927, %get3A_22 : vector<16xf32>
      %mul3A_1966 = arith.mulf %get3A_1930, %get3A_46 : vector<16xf32>
      %mul3A_1967 = arith.mulf %get3A_1933, %get3A_70 : vector<16xf32>
      %add3A_1968 = arith.addf %mul3A_1967, %get3A_1936 : vector<16xf32>
      %add3A_1969 = arith.addf %mul3A_1966, %add3A_1968 : vector<16xf32>
      %add3A_1970 = arith.addf %mul3A_1965, %add3A_1969 : vector<16xf32>
      %min3A_1971 = arith.minimumf %min3A_1903, %add3A_1970 : vector<16xf32>
      %mul3A_1972 = arith.mulf %get3A_1927, %get3A_25 : vector<16xf32>
      %mul3A_1973 = arith.mulf %get3A_1930, %get3A_49 : vector<16xf32>
      %mul3A_1974 = arith.mulf %get3A_1933, %get3A_73 : vector<16xf32>
      %add3A_1975 = arith.addf %mul3A_1974, %get3A_1936 : vector<16xf32>
      %add3A_1976 = arith.addf %mul3A_1973, %add3A_1975 : vector<16xf32>
      %add3A_1977 = arith.addf %mul3A_1972, %add3A_1976 : vector<16xf32>
      %min3A_1978 = arith.minimumf %min3A_1910, %add3A_1977 : vector<16xf32>
      %mul3A_1979 = arith.mulf %get3A_1927, %get3A_28 : vector<16xf32>
      %mul3A_1980 = arith.mulf %get3A_1930, %get3A_52 : vector<16xf32>
      %mul3A_1981 = arith.mulf %get3A_1933, %get3A_76 : vector<16xf32>
      %add3A_1982 = arith.addf %mul3A_1981, %get3A_1936 : vector<16xf32>
      %add3A_1983 = arith.addf %mul3A_1980, %add3A_1982 : vector<16xf32>
      %add3A_1984 = arith.addf %mul3A_1979, %add3A_1983 : vector<16xf32>
      %min3A_1985 = arith.minimumf %min3A_1917, %add3A_1984 : vector<16xf32>
      %mul3A_1986 = arith.mulf %get3A_1927, %get3A_31 : vector<16xf32>
      %mul3A_1987 = arith.mulf %get3A_1930, %get3A_55 : vector<16xf32>
      %mul3A_1988 = arith.mulf %get3A_1933, %get3A_79 : vector<16xf32>
      %add3A_1989 = arith.addf %mul3A_1988, %get3A_1936 : vector<16xf32>
      %add3A_1990 = arith.addf %mul3A_1987, %add3A_1989 : vector<16xf32>
      %add3A_1991 = arith.addf %mul3A_1986, %add3A_1990 : vector<16xf32>
      %min3A_1992 = arith.minimumf %min3A_1924, %add3A_1991 : vector<16xf32>
      %get3A_1993 = arith.constant 208 : index
      %get3A_1994 = tpu.vector_load %arg16[%get3A_1993] {strides = array<i32>} : memref<512xf32, #tpu.memory_space<vmem>>, vector<16xf32>,
      %get3A_1995 = vector.shape_cast %get3A_1994 : vector<16xf32> to vector<16xf32>
      %get3A_1996 = arith.constant 208 : index
      %get3A_1997 = tpu.vector_load %arg17[%get3A_1996] {strides = array<i32>} : memref<512xf32, #tpu.memory_space<vmem>>, vector<16xf32>,
      %get3A_1998 = vector.shape_cast %get3A_1997 : vector<16xf32> to vector<16xf32>
      %get3A_1999 = arith.constant 208 : index
      %get3A_2000 = tpu.vector_load %arg18[%get3A_1999] {strides = array<i32>} : memref<512xf32, #tpu.memory_space<vmem>>, vector<16xf32>,
      %get3A_2001 = vector.shape_cast %get3A_2000 : vector<16xf32> to vector<16xf32>
      %get3A_2002 = arith.constant 208 : index
      %get3A_2003 = tpu.vector_load %arg19[%get3A_2002] {strides = array<i32>} : memref<512xf32, #tpu.memory_space<vmem>>, vector<16xf32>,
      %get3A_2004 = vector.shape_cast %get3A_2003 : vector<16xf32> to vector<16xf32>
      %mul3A_2005 = arith.mulf %get3A_1995, %get3A_10 : vector<16xf32>
      %mul3A_2006 = arith.mulf %get3A_1998, %get3A_34 : vector<16xf32>
      %mul3A_2007 = arith.mulf %get3A_2001, %get3A_58 : vector<16xf32>
      %add3A_2008 = arith.addf %mul3A_2007, %get3A_2004 : vector<16xf32>
      %add3A_2009 = arith.addf %mul3A_2006, %add3A_2008 : vector<16xf32>
      %add3A_2010 = arith.addf %mul3A_2005, %add3A_2009 : vector<16xf32>
      %min3A_2011 = arith.minimumf %min3A_1943, %add3A_2010 : vector<16xf32>
      %mul3A_2012 = arith.mulf %get3A_1995, %get3A_13 : vector<16xf32>
      %mul3A_2013 = arith.mulf %get3A_1998, %get3A_37 : vector<16xf32>
      %mul3A_2014 = arith.mulf %get3A_2001, %get3A_61 : vector<16xf32>
      %add3A_2015 = arith.addf %mul3A_2014, %get3A_2004 : vector<16xf32>
      %add3A_2016 = arith.addf %mul3A_2013, %add3A_2015 : vector<16xf32>
      %add3A_2017 = arith.addf %mul3A_2012, %add3A_2016 : vector<16xf32>
      %min3A_2018 = arith.minimumf %min3A_1950, %add3A_2017 : vector<16xf32>
      %mul3A_2019 = arith.mulf %get3A_1995, %get3A_16 : vector<16xf32>
      %mul3A_2020 = arith.mulf %get3A_1998, %get3A_40 : vector<16xf32>
      %mul3A_2021 = arith.mulf %get3A_2001, %get3A_64 : vector<16xf32>
      %add3A_2022 = arith.addf %mul3A_2021, %get3A_2004 : vector<16xf32>
      %add3A_2023 = arith.addf %mul3A_2020, %add3A_2022 : vector<16xf32>
      %add3A_2024 = arith.addf %mul3A_2019, %add3A_2023 : vector<16xf32>
      %min3A_2025 = arith.minimumf %min3A_1957, %add3A_2024 : vector<16xf32>
      %mul3A_2026 = arith.mulf %get3A_1995, %get3A_19 : vector<16xf32>
      %mul3A_2027 = arith.mulf %get3A_1998, %get3A_43 : vector<16xf32>
      %mul3A_2028 = arith.mulf %get3A_2001, %get3A_67 : vector<16xf32>
      %add3A_2029 = arith.addf %mul3A_2028, %get3A_2004 : vector<16xf32>
      %add3A_2030 = arith.addf %mul3A_2027, %add3A_2029 : vector<16xf32>
      %add3A_2031 = arith.addf %mul3A_2026, %add3A_2030 : vector<16xf32>
      %min3A_2032 = arith.minimumf %min3A_1964, %add3A_2031 : vector<16xf32>
      %mul3A_2033 = arith.mulf %get3A_1995, %get3A_22 : vector<16xf32>
      %mul3A_2034 = arith.mulf %get3A_1998, %get3A_46 : vector<16xf32>
      %mul3A_2035 = arith.mulf %get3A_2001, %get3A_70 : vector<16xf32>
      %add3A_2036 = arith.addf %mul3A_2035, %get3A_2004 : vector<16xf32>
      %add3A_2037 = arith.addf %mul3A_2034, %add3A_2036 : vector<16xf32>
      %add3A_2038 = arith.addf %mul3A_2033, %add3A_2037 : vector<16xf32>
      %min3A_2039 = arith.minimumf %min3A_1971, %add3A_2038 : vector<16xf32>
      %mul3A_2040 = arith.mulf %get3A_1995, %get3A_25 : vector<16xf32>
      %mul3A_2041 = arith.mulf %get3A_1998, %get3A_49 : vector<16xf32>
      %mul3A_2042 = arith.mulf %get3A_2001, %get3A_73 : vector<16xf32>
      %add3A_2043 = arith.addf %mul3A_2042, %get3A_2004 : vector<16xf32>
      %add3A_2044 = arith.addf %mul3A_2041, %add3A_2043 : vector<16xf32>
      %add3A_2045 = arith.addf %mul3A_2040, %add3A_2044 : vector<16xf32>
      %min3A_2046 = arith.minimumf %min3A_1978, %add3A_2045 : vector<16xf32>
      %mul3A_2047 = arith.mulf %get3A_1995, %get3A_28 : vector<16xf32>
      %mul3A_2048 = arith.mulf %get3A_1998, %get3A_52 : vector<16xf32>
      %mul3A_2049 = arith.mulf %get3A_2001, %get3A_76 : vector<16xf32>
      %add3A_2050 = arith.addf %mul3A_2049, %get3A_2004 : vector<16xf32>
      %add3A_2051 = arith.addf %mul3A_2048, %add3A_2050 : vector<16xf32>
      %add3A_2052 = arith.addf %mul3A_2047, %add3A_2051 : vector<16xf32>
      %min3A_2053 = arith.minimumf %min3A_1985, %add3A_2052 : vector<16xf32>
      %mul3A_2054 = arith.mulf %get3A_1995, %get3A_31 : vector<16xf32>
      %mul3A_2055 = arith.mulf %get3A_1998, %get3A_55 : vector<16xf32>
      %mul3A_2056 = arith.mulf %get3A_2001, %get3A_79 : vector<16xf32>
      %add3A_2057 = arith.addf %mul3A_2056, %get3A_2004 : vector<16xf32>
      %add3A_2058 = arith.addf %mul3A_2055, %add3A_2057 : vector<16xf32>
      %add3A_2059 = arith.addf %mul3A_2054, %add3A_2058 : vector<16xf32>
      %min3A_2060 = arith.minimumf %min3A_1992, %add3A_2059 : vector<16xf32>
      %get3A_2061 = arith.constant 224 : index
      %get3A_2062 = tpu.vector_load %arg16[%get3A_2061] {strides = array<i32>} : memref<512xf32, #tpu.memory_space<vmem>>, vector<16xf32>,
      %get3A_2063 = vector.shape_cast %get3A_2062 : vector<16xf32> to vector<16xf32>
      %get3A_2064 = arith.constant 224 : index
      %get3A_2065 = tpu.vector_load %arg17[%get3A_2064] {strides = array<i32>} : memref<512xf32, #tpu.memory_space<vmem>>, vector<16xf32>,
      %get3A_2066 = vector.shape_cast %get3A_2065 : vector<16xf32> to vector<16xf32>
      %get3A_2067 = arith.constant 224 : index
      %get3A_2068 = tpu.vector_load %arg18[%get3A_2067] {strides = array<i32>} : memref<512xf32, #tpu.memory_space<vmem>>, vector<16xf32>,
      %get3A_2069 = vector.shape_cast %get3A_2068 : vector<16xf32> to vector<16xf32>
      %get3A_2070 = arith.constant 224 : index
      %get3A_2071 = tpu.vector_load %arg19[%get3A_2070] {strides = array<i32>} : memref<512xf32, #tpu.memory_space<vmem>>, vector<16xf32>,
      %get3A_2072 = vector.shape_cast %get3A_2071 : vector<16xf32> to vector<16xf32>
      %mul3A_2073 = arith.mulf %get3A_2063, %get3A_10 : vector<16xf32>
      %mul3A_2074 = arith.mulf %get3A_2066, %get3A_34 : vector<16xf32>
      %mul3A_2075 = arith.mulf %get3A_2069, %get3A_58 : vector<16xf32>
      %add3A_2076 = arith.addf %mul3A_2075, %get3A_2072 : vector<16xf32>
      %add3A_2077 = arith.addf %mul3A_2074, %add3A_2076 : vector<16xf32>
      %add3A_2078 = arith.addf %mul3A_2073, %add3A_2077 : vector<16xf32>
      %min3A_2079 = arith.minimumf %min3A_2011, %add3A_2078 : vector<16xf32>
      %mul3A_2080 = arith.mulf %get3A_2063, %get3A_13 : vector<16xf32>
      %mul3A_2081 = arith.mulf %get3A_2066, %get3A_37 : vector<16xf32>
      %mul3A_2082 = arith.mulf %get3A_2069, %get3A_61 : vector<16xf32>
      %add3A_2083 = arith.addf %mul3A_2082, %get3A_2072 : vector<16xf32>
      %add3A_2084 = arith.addf %mul3A_2081, %add3A_2083 : vector<16xf32>
      %add3A_2085 = arith.addf %mul3A_2080, %add3A_2084 : vector<16xf32>
      %min3A_2086 = arith.minimumf %min3A_2018, %add3A_2085 : vector<16xf32>
      %mul3A_2087 = arith.mulf %get3A_2063, %get3A_16 : vector<16xf32>
      %mul3A_2088 = arith.mulf %get3A_2066, %get3A_40 : vector<16xf32>
      %mul3A_2089 = arith.mulf %get3A_2069, %get3A_64 : vector<16xf32>
      %add3A_2090 = arith.addf %mul3A_2089, %get3A_2072 : vector<16xf32>
      %add3A_2091 = arith.addf %mul3A_2088, %add3A_2090 : vector<16xf32>
      %add3A_2092 = arith.addf %mul3A_2087, %add3A_2091 : vector<16xf32>
      %min3A_2093 = arith.minimumf %min3A_2025, %add3A_2092 : vector<16xf32>
      %mul3A_2094 = arith.mulf %get3A_2063, %get3A_19 : vector<16xf32>
      %mul3A_2095 = arith.mulf %get3A_2066, %get3A_43 : vector<16xf32>
      %mul3A_2096 = arith.mulf %get3A_2069, %get3A_67 : vector<16xf32>
      %add3A_2097 = arith.addf %mul3A_2096, %get3A_2072 : vector<16xf32>
      %add3A_2098 = arith.addf %mul3A_2095, %add3A_2097 : vector<16xf32>
      %add3A_2099 = arith.addf %mul3A_2094, %add3A_2098 : vector<16xf32>
      %min3A_2100 = arith.minimumf %min3A_2032, %add3A_2099 : vector<16xf32>
      %mul3A_2101 = arith.mulf %get3A_2063, %get3A_22 : vector<16xf32>
      %mul3A_2102 = arith.mulf %get3A_2066, %get3A_46 : vector<16xf32>
      %mul3A_2103 = arith.mulf %get3A_2069, %get3A_70 : vector<16xf32>
      %add3A_2104 = arith.addf %mul3A_2103, %get3A_2072 : vector<16xf32>
      %add3A_2105 = arith.addf %mul3A_2102, %add3A_2104 : vector<16xf32>
      %add3A_2106 = arith.addf %mul3A_2101, %add3A_2105 : vector<16xf32>
      %min3A_2107 = arith.minimumf %min3A_2039, %add3A_2106 : vector<16xf32>
      %mul3A_2108 = arith.mulf %get3A_2063, %get3A_25 : vector<16xf32>
      %mul3A_2109 = arith.mulf %get3A_2066, %get3A_49 : vector<16xf32>
      %mul3A_2110 = arith.mulf %get3A_2069, %get3A_73 : vector<16xf32>
      %add3A_2111 = arith.addf %mul3A_2110, %get3A_2072 : vector<16xf32>
      %add3A_2112 = arith.addf %mul3A_2109, %add3A_2111 : vector<16xf32>
      %add3A_2113 = arith.addf %mul3A_2108, %add3A_2112 : vector<16xf32>
      %min3A_2114 = arith.minimumf %min3A_2046, %add3A_2113 : vector<16xf32>
      %mul3A_2115 = arith.mulf %get3A_2063, %get3A_28 : vector<16xf32>
      %mul3A_2116 = arith.mulf %get3A_2066, %get3A_52 : vector<16xf32>
      %mul3A_2117 = arith.mulf %get3A_2069, %get3A_76 : vector<16xf32>
      %add3A_2118 = arith.addf %mul3A_2117, %get3A_2072 : vector<16xf32>
      %add3A_2119 = arith.addf %mul3A_2116, %add3A_2118 : vector<16xf32>
      %add3A_2120 = arith.addf %mul3A_2115, %add3A_2119 : vector<16xf32>
      %min3A_2121 = arith.minimumf %min3A_2053, %add3A_2120 : vector<16xf32>
      %mul3A_2122 = arith.mulf %get3A_2063, %get3A_31 : vector<16xf32>
      %mul3A_2123 = arith.mulf %get3A_2066, %get3A_55 : vector<16xf32>
      %mul3A_2124 = arith.mulf %get3A_2069, %get3A_79 : vector<16xf32>
      %add3A_2125 = arith.addf %mul3A_2124, %get3A_2072 : vector<16xf32>
      %add3A_2126 = arith.addf %mul3A_2123, %add3A_2125 : vector<16xf32>
      %add3A_2127 = arith.addf %mul3A_2122, %add3A_2126 : vector<16xf32>
      %min3A_2128 = arith.minimumf %min3A_2060, %add3A_2127 : vector<16xf32>
      %get3A_2129 = arith.constant 240 : index
      %get3A_2130 = tpu.vector_load %arg16[%get3A_2129] {strides = array<i32>} : memref<512xf32, #tpu.memory_space<vmem>>, vector<16xf32>,
      %get3A_2131 = vector.shape_cast %get3A_2130 : vector<16xf32> to vector<16xf32>
      %get3A_2132 = arith.constant 240 : index
      %get3A_2133 = tpu.vector_load %arg17[%get3A_2132] {strides = array<i32>} : memref<512xf32, #tpu.memory_space<vmem>>, vector<16xf32>,
      %get3A_2134 = vector.shape_cast %get3A_2133 : vector<16xf32> to vector<16xf32>
      %get3A_2135 = arith.constant 240 : index
      %get3A_2136 = tpu.vector_load %arg18[%get3A_2135] {strides = array<i32>} : memref<512xf32, #tpu.memory_space<vmem>>, vector<16xf32>,
      %get3A_2137 = vector.shape_cast %get3A_2136 : vector<16xf32> to vector<16xf32>
      %get3A_2138 = arith.constant 240 : index
      %get3A_2139 = tpu.vector_load %arg19[%get3A_2138] {strides = array<i32>} : memref<512xf32, #tpu.memory_space<vmem>>, vector<16xf32>,
      %get3A_2140 = vector.shape_cast %get3A_2139 : vector<16xf32> to vector<16xf32>
      %mul3A_2141 = arith.mulf %get3A_2131, %get3A_10 : vector<16xf32>
      %mul3A_2142 = arith.mulf %get3A_2134, %get3A_34 : vector<16xf32>
      %mul3A_2143 = arith.mulf %get3A_2137, %get3A_58 : vector<16xf32>
      %add3A_2144 = arith.addf %mul3A_2143, %get3A_2140 : vector<16xf32>
      %add3A_2145 = arith.addf %mul3A_2142, %add3A_2144 : vector<16xf32>
      %add3A_2146 = arith.addf %mul3A_2141, %add3A_2145 : vector<16xf32>
      %min3A_2147 = arith.minimumf %min3A_2079, %add3A_2146 : vector<16xf32>
      %mul3A_2148 = arith.mulf %get3A_2131, %get3A_13 : vector<16xf32>
      %mul3A_2149 = arith.mulf %get3A_2134, %get3A_37 : vector<16xf32>
      %mul3A_2150 = arith.mulf %get3A_2137, %get3A_61 : vector<16xf32>
      %add3A_2151 = arith.addf %mul3A_2150, %get3A_2140 : vector<16xf32>
      %add3A_2152 = arith.addf %mul3A_2149, %add3A_2151 : vector<16xf32>
      %add3A_2153 = arith.addf %mul3A_2148, %add3A_2152 : vector<16xf32>
      %min3A_2154 = arith.minimumf %min3A_2086, %add3A_2153 : vector<16xf32>
      %mul3A_2155 = arith.mulf %get3A_2131, %get3A_16 : vector<16xf32>
      %mul3A_2156 = arith.mulf %get3A_2134, %get3A_40 : vector<16xf32>
      %mul3A_2157 = arith.mulf %get3A_2137, %get3A_64 : vector<16xf32>
      %add3A_2158 = arith.addf %mul3A_2157, %get3A_2140 : vector<16xf32>
      %add3A_2159 = arith.addf %mul3A_2156, %add3A_2158 : vector<16xf32>
      %add3A_2160 = arith.addf %mul3A_2155, %add3A_2159 : vector<16xf32>
      %min3A_2161 = arith.minimumf %min3A_2093, %add3A_2160 : vector<16xf32>
      %mul3A_2162 = arith.mulf %get3A_2131, %get3A_19 : vector<16xf32>
      %mul3A_2163 = arith.mulf %get3A_2134, %get3A_43 : vector<16xf32>
      %mul3A_2164 = arith.mulf %get3A_2137, %get3A_67 : vector<16xf32>
      %add3A_2165 = arith.addf %mul3A_2164, %get3A_2140 : vector<16xf32>
      %add3A_2166 = arith.addf %mul3A_2163, %add3A_2165 : vector<16xf32>
      %add3A_2167 = arith.addf %mul3A_2162, %add3A_2166 : vector<16xf32>
      %min3A_2168 = arith.minimumf %min3A_2100, %add3A_2167 : vector<16xf32>
      %mul3A_2169 = arith.mulf %get3A_2131, %get3A_22 : vector<16xf32>
      %mul3A_2170 = arith.mulf %get3A_2134, %get3A_46 : vector<16xf32>
      %mul3A_2171 = arith.mulf %get3A_2137, %get3A_70 : vector<16xf32>
      %add3A_2172 = arith.addf %mul3A_2171, %get3A_2140 : vector<16xf32>
      %add3A_2173 = arith.addf %mul3A_2170, %add3A_2172 : vector<16xf32>
      %add3A_2174 = arith.addf %mul3A_2169, %add3A_2173 : vector<16xf32>
      %min3A_2175 = arith.minimumf %min3A_2107, %add3A_2174 : vector<16xf32>
      %mul3A_2176 = arith.mulf %get3A_2131, %get3A_25 : vector<16xf32>
      %mul3A_2177 = arith.mulf %get3A_2134, %get3A_49 : vector<16xf32>
      %mul3A_2178 = arith.mulf %get3A_2137, %get3A_73 : vector<16xf32>
      %add3A_2179 = arith.addf %mul3A_2178, %get3A_2140 : vector<16xf32>
      %add3A_2180 = arith.addf %mul3A_2177, %add3A_2179 : vector<16xf32>
      %add3A_2181 = arith.addf %mul3A_2176, %add3A_2180 : vector<16xf32>
      %min3A_2182 = arith.minimumf %min3A_2114, %add3A_2181 : vector<16xf32>
      %mul3A_2183 = arith.mulf %get3A_2131, %get3A_28 : vector<16xf32>
      %mul3A_2184 = arith.mulf %get3A_2134, %get3A_52 : vector<16xf32>
      %mul3A_2185 = arith.mulf %get3A_2137, %get3A_76 : vector<16xf32>
      %add3A_2186 = arith.addf %mul3A_2185, %get3A_2140 : vector<16xf32>
      %add3A_2187 = arith.addf %mul3A_2184, %add3A_2186 : vector<16xf32>
      %add3A_2188 = arith.addf %mul3A_2183, %add3A_2187 : vector<16xf32>
      %min3A_2189 = arith.minimumf %min3A_2121, %add3A_2188 : vector<16xf32>
      %mul3A_2190 = arith.mulf %get3A_2131, %get3A_31 : vector<16xf32>
      %mul3A_2191 = arith.mulf %get3A_2134, %get3A_55 : vector<16xf32>
      %mul3A_2192 = arith.mulf %get3A_2137, %get3A_79 : vector<16xf32>
      %add3A_2193 = arith.addf %mul3A_2192, %get3A_2140 : vector<16xf32>
      %add3A_2194 = arith.addf %mul3A_2191, %add3A_2193 : vector<16xf32>
      %add3A_2195 = arith.addf %mul3A_2190, %add3A_2194 : vector<16xf32>
      %min3A_2196 = arith.minimumf %min3A_2128, %add3A_2195 : vector<16xf32>
      %get3A_2197 = arith.constant 256 : index
      %get3A_2198 = tpu.vector_load %arg16[%get3A_2197] {strides = array<i32>} : memref<512xf32, #tpu.memory_space<vmem>>, vector<16xf32>,
      %get3A_2199 = vector.shape_cast %get3A_2198 : vector<16xf32> to vector<16xf32>
      %get3A_2200 = arith.constant 256 : index
      %get3A_2201 = tpu.vector_load %arg17[%get3A_2200] {strides = array<i32>} : memref<512xf32, #tpu.memory_space<vmem>>, vector<16xf32>,
      %get3A_2202 = vector.shape_cast %get3A_2201 : vector<16xf32> to vector<16xf32>
      %get3A_2203 = arith.constant 256 : index
      %get3A_2204 = tpu.vector_load %arg18[%get3A_2203] {strides = array<i32>} : memref<512xf32, #tpu.memory_space<vmem>>, vector<16xf32>,
      %get3A_2205 = vector.shape_cast %get3A_2204 : vector<16xf32> to vector<16xf32>
      %get3A_2206 = arith.constant 256 : index
      %get3A_2207 = tpu.vector_load %arg19[%get3A_2206] {strides = array<i32>} : memref<512xf32, #tpu.memory_space<vmem>>, vector<16xf32>,
      %get3A_2208 = vector.shape_cast %get3A_2207 : vector<16xf32> to vector<16xf32>
      %mul3A_2209 = arith.mulf %get3A_2199, %get3A_10 : vector<16xf32>
      %mul3A_2210 = arith.mulf %get3A_2202, %get3A_34 : vector<16xf32>
      %mul3A_2211 = arith.mulf %get3A_2205, %get3A_58 : vector<16xf32>
      %add3A_2212 = arith.addf %mul3A_2211, %get3A_2208 : vector<16xf32>
      %add3A_2213 = arith.addf %mul3A_2210, %add3A_2212 : vector<16xf32>
      %add3A_2214 = arith.addf %mul3A_2209, %add3A_2213 : vector<16xf32>
      %min3A_2215 = arith.minimumf %min3A_2147, %add3A_2214 : vector<16xf32>
      %mul3A_2216 = arith.mulf %get3A_2199, %get3A_13 : vector<16xf32>
      %mul3A_2217 = arith.mulf %get3A_2202, %get3A_37 : vector<16xf32>
      %mul3A_2218 = arith.mulf %get3A_2205, %get3A_61 : vector<16xf32>
      %add3A_2219 = arith.addf %mul3A_2218, %get3A_2208 : vector<16xf32>
      %add3A_2220 = arith.addf %mul3A_2217, %add3A_2219 : vector<16xf32>
      %add3A_2221 = arith.addf %mul3A_2216, %add3A_2220 : vector<16xf32>
      %min3A_2222 = arith.minimumf %min3A_2154, %add3A_2221 : vector<16xf32>
      %mul3A_2223 = arith.mulf %get3A_2199, %get3A_16 : vector<16xf32>
      %mul3A_2224 = arith.mulf %get3A_2202, %get3A_40 : vector<16xf32>
      %mul3A_2225 = arith.mulf %get3A_2205, %get3A_64 : vector<16xf32>
      %add3A_2226 = arith.addf %mul3A_2225, %get3A_2208 : vector<16xf32>
      %add3A_2227 = arith.addf %mul3A_2224, %add3A_2226 : vector<16xf32>
      %add3A_2228 = arith.addf %mul3A_2223, %add3A_2227 : vector<16xf32>
      %min3A_2229 = arith.minimumf %min3A_2161, %add3A_2228 : vector<16xf32>
      %mul3A_2230 = arith.mulf %get3A_2199, %get3A_19 : vector<16xf32>
      %mul3A_2231 = arith.mulf %get3A_2202, %get3A_43 : vector<16xf32>
      %mul3A_2232 = arith.mulf %get3A_2205, %get3A_67 : vector<16xf32>
      %add3A_2233 = arith.addf %mul3A_2232, %get3A_2208 : vector<16xf32>
      %add3A_2234 = arith.addf %mul3A_2231, %add3A_2233 : vector<16xf32>
      %add3A_2235 = arith.addf %mul3A_2230, %add3A_2234 : vector<16xf32>
      %min3A_2236 = arith.minimumf %min3A_2168, %add3A_2235 : vector<16xf32>
      %mul3A_2237 = arith.mulf %get3A_2199, %get3A_22 : vector<16xf32>
      %mul3A_2238 = arith.mulf %get3A_2202, %get3A_46 : vector<16xf32>
      %mul3A_2239 = arith.mulf %get3A_2205, %get3A_70 : vector<16xf32>
      %add3A_2240 = arith.addf %mul3A_2239, %get3A_2208 : vector<16xf32>
      %add3A_2241 = arith.addf %mul3A_2238, %add3A_2240 : vector<16xf32>
      %add3A_2242 = arith.addf %mul3A_2237, %add3A_2241 : vector<16xf32>
      %min3A_2243 = arith.minimumf %min3A_2175, %add3A_2242 : vector<16xf32>
      %mul3A_2244 = arith.mulf %get3A_2199, %get3A_25 : vector<16xf32>
      %mul3A_2245 = arith.mulf %get3A_2202, %get3A_49 : vector<16xf32>
      %mul3A_2246 = arith.mulf %get3A_2205, %get3A_73 : vector<16xf32>
      %add3A_2247 = arith.addf %mul3A_2246, %get3A_2208 : vector<16xf32>
      %add3A_2248 = arith.addf %mul3A_2245, %add3A_2247 : vector<16xf32>
      %add3A_2249 = arith.addf %mul3A_2244, %add3A_2248 : vector<16xf32>
      %min3A_2250 = arith.minimumf %min3A_2182, %add3A_2249 : vector<16xf32>
      %mul3A_2251 = arith.mulf %get3A_2199, %get3A_28 : vector<16xf32>
      %mul3A_2252 = arith.mulf %get3A_2202, %get3A_52 : vector<16xf32>
      %mul3A_2253 = arith.mulf %get3A_2205, %get3A_76 : vector<16xf32>
      %add3A_2254 = arith.addf %mul3A_2253, %get3A_2208 : vector<16xf32>
      %add3A_2255 = arith.addf %mul3A_2252, %add3A_2254 : vector<16xf32>
      %add3A_2256 = arith.addf %mul3A_2251, %add3A_2255 : vector<16xf32>
      %min3A_2257 = arith.minimumf %min3A_2189, %add3A_2256 : vector<16xf32>
      %mul3A_2258 = arith.mulf %get3A_2199, %get3A_31 : vector<16xf32>
      %mul3A_2259 = arith.mulf %get3A_2202, %get3A_55 : vector<16xf32>
      %mul3A_2260 = arith.mulf %get3A_2205, %get3A_79 : vector<16xf32>
      %add3A_2261 = arith.addf %mul3A_2260, %get3A_2208 : vector<16xf32>
      %add3A_2262 = arith.addf %mul3A_2259, %add3A_2261 : vector<16xf32>
      %add3A_2263 = arith.addf %mul3A_2258, %add3A_2262 : vector<16xf32>
      %min3A_2264 = arith.minimumf %min3A_2196, %add3A_2263 : vector<16xf32>
      %get3A_2265 = arith.constant 272 : index
      %get3A_2266 = tpu.vector_load %arg16[%get3A_2265] {strides = array<i32>} : memref<512xf32, #tpu.memory_space<vmem>>, vector<16xf32>,
      %get3A_2267 = vector.shape_cast %get3A_2266 : vector<16xf32> to vector<16xf32>
      %get3A_2268 = arith.constant 272 : index
      %get3A_2269 = tpu.vector_load %arg17[%get3A_2268] {strides = array<i32>} : memref<512xf32, #tpu.memory_space<vmem>>, vector<16xf32>,
      %get3A_2270 = vector.shape_cast %get3A_2269 : vector<16xf32> to vector<16xf32>
      %get3A_2271 = arith.constant 272 : index
      %get3A_2272 = tpu.vector_load %arg18[%get3A_2271] {strides = array<i32>} : memref<512xf32, #tpu.memory_space<vmem>>, vector<16xf32>,
      %get3A_2273 = vector.shape_cast %get3A_2272 : vector<16xf32> to vector<16xf32>
      %get3A_2274 = arith.constant 272 : index
      %get3A_2275 = tpu.vector_load %arg19[%get3A_2274] {strides = array<i32>} : memref<512xf32, #tpu.memory_space<vmem>>, vector<16xf32>,
      %get3A_2276 = vector.shape_cast %get3A_2275 : vector<16xf32> to vector<16xf32>
      %mul3A_2277 = arith.mulf %get3A_2267, %get3A_10 : vector<16xf32>
      %mul3A_2278 = arith.mulf %get3A_2270, %get3A_34 : vector<16xf32>
      %mul3A_2279 = arith.mulf %get3A_2273, %get3A_58 : vector<16xf32>
      %add3A_2280 = arith.addf %mul3A_2279, %get3A_2276 : vector<16xf32>
      %add3A_2281 = arith.addf %mul3A_2278, %add3A_2280 : vector<16xf32>
      %add3A_2282 = arith.addf %mul3A_2277, %add3A_2281 : vector<16xf32>
      %min3A_2283 = arith.minimumf %min3A_2215, %add3A_2282 : vector<16xf32>
      %mul3A_2284 = arith.mulf %get3A_2267, %get3A_13 : vector<16xf32>
      %mul3A_2285 = arith.mulf %get3A_2270, %get3A_37 : vector<16xf32>
      %mul3A_2286 = arith.mulf %get3A_2273, %get3A_61 : vector<16xf32>
      %add3A_2287 = arith.addf %mul3A_2286, %get3A_2276 : vector<16xf32>
      %add3A_2288 = arith.addf %mul3A_2285, %add3A_2287 : vector<16xf32>
      %add3A_2289 = arith.addf %mul3A_2284, %add3A_2288 : vector<16xf32>
      %min3A_2290 = arith.minimumf %min3A_2222, %add3A_2289 : vector<16xf32>
      %mul3A_2291 = arith.mulf %get3A_2267, %get3A_16 : vector<16xf32>
      %mul3A_2292 = arith.mulf %get3A_2270, %get3A_40 : vector<16xf32>
      %mul3A_2293 = arith.mulf %get3A_2273, %get3A_64 : vector<16xf32>
      %add3A_2294 = arith.addf %mul3A_2293, %get3A_2276 : vector<16xf32>
      %add3A_2295 = arith.addf %mul3A_2292, %add3A_2294 : vector<16xf32>
      %add3A_2296 = arith.addf %mul3A_2291, %add3A_2295 : vector<16xf32>
      %min3A_2297 = arith.minimumf %min3A_2229, %add3A_2296 : vector<16xf32>
      %mul3A_2298 = arith.mulf %get3A_2267, %get3A_19 : vector<16xf32>
      %mul3A_2299 = arith.mulf %get3A_2270, %get3A_43 : vector<16xf32>
      %mul3A_2300 = arith.mulf %get3A_2273, %get3A_67 : vector<16xf32>
      %add3A_2301 = arith.addf %mul3A_2300, %get3A_2276 : vector<16xf32>
      %add3A_2302 = arith.addf %mul3A_2299, %add3A_2301 : vector<16xf32>
      %add3A_2303 = arith.addf %mul3A_2298, %add3A_2302 : vector<16xf32>
      %min3A_2304 = arith.minimumf %min3A_2236, %add3A_2303 : vector<16xf32>
      %mul3A_2305 = arith.mulf %get3A_2267, %get3A_22 : vector<16xf32>
      %mul3A_2306 = arith.mulf %get3A_2270, %get3A_46 : vector<16xf32>
      %mul3A_2307 = arith.mulf %get3A_2273, %get3A_70 : vector<16xf32>
      %add3A_2308 = arith.addf %mul3A_2307, %get3A_2276 : vector<16xf32>
      %add3A_2309 = arith.addf %mul3A_2306, %add3A_2308 : vector<16xf32>
      %add3A_2310 = arith.addf %mul3A_2305, %add3A_2309 : vector<16xf32>
      %min3A_2311 = arith.minimumf %min3A_2243, %add3A_2310 : vector<16xf32>
      %mul3A_2312 = arith.mulf %get3A_2267, %get3A_25 : vector<16xf32>
      %mul3A_2313 = arith.mulf %get3A_2270, %get3A_49 : vector<16xf32>
      %mul3A_2314 = arith.mulf %get3A_2273, %get3A_73 : vector<16xf32>
      %add3A_2315 = arith.addf %mul3A_2314, %get3A_2276 : vector<16xf32>
      %add3A_2316 = arith.addf %mul3A_2313, %add3A_2315 : vector<16xf32>
      %add3A_2317 = arith.addf %mul3A_2312, %add3A_2316 : vector<16xf32>
      %min3A_2318 = arith.minimumf %min3A_2250, %add3A_2317 : vector<16xf32>
      %mul3A_2319 = arith.mulf %get3A_2267, %get3A_28 : vector<16xf32>
      %mul3A_2320 = arith.mulf %get3A_2270, %get3A_52 : vector<16xf32>
      %mul3A_2321 = arith.mulf %get3A_2273, %get3A_76 : vector<16xf32>
      %add3A_2322 = arith.addf %mul3A_2321, %get3A_2276 : vector<16xf32>
      %add3A_2323 = arith.addf %mul3A_2320, %add3A_2322 : vector<16xf32>
      %add3A_2324 = arith.addf %mul3A_2319, %add3A_2323 : vector<16xf32>
      %min3A_2325 = arith.minimumf %min3A_2257, %add3A_2324 : vector<16xf32>
      %mul3A_2326 = arith.mulf %get3A_2267, %get3A_31 : vector<16xf32>
      %mul3A_2327 = arith.mulf %get3A_2270, %get3A_55 : vector<16xf32>
      %mul3A_2328 = arith.mulf %get3A_2273, %get3A_79 : vector<16xf32>
      %add3A_2329 = arith.addf %mul3A_2328, %get3A_2276 : vector<16xf32>
      %add3A_2330 = arith.addf %mul3A_2327, %add3A_2329 : vector<16xf32>
      %add3A_2331 = arith.addf %mul3A_2326, %add3A_2330 : vector<16xf32>
      %min3A_2332 = arith.minimumf %min3A_2264, %add3A_2331 : vector<16xf32>
      %get3A_2333 = arith.constant 288 : index
      %get3A_2334 = tpu.vector_load %arg16[%get3A_2333] {strides = array<i32>} : memref<512xf32, #tpu.memory_space<vmem>>, vector<16xf32>,
      %get3A_2335 = vector.shape_cast %get3A_2334 : vector<16xf32> to vector<16xf32>
      %get3A_2336 = arith.constant 288 : index
      %get3A_2337 = tpu.vector_load %arg17[%get3A_2336] {strides = array<i32>} : memref<512xf32, #tpu.memory_space<vmem>>, vector<16xf32>,
      %get3A_2338 = vector.shape_cast %get3A_2337 : vector<16xf32> to vector<16xf32>
      %get3A_2339 = arith.constant 288 : index
      %get3A_2340 = tpu.vector_load %arg18[%get3A_2339] {strides = array<i32>} : memref<512xf32, #tpu.memory_space<vmem>>, vector<16xf32>,
      %get3A_2341 = vector.shape_cast %get3A_2340 : vector<16xf32> to vector<16xf32>
      %get3A_2342 = arith.constant 288 : index
      %get3A_2343 = tpu.vector_load %arg19[%get3A_2342] {strides = array<i32>} : memref<512xf32, #tpu.memory_space<vmem>>, vector<16xf32>,
      %get3A_2344 = vector.shape_cast %get3A_2343 : vector<16xf32> to vector<16xf32>
      %mul3A_2345 = arith.mulf %get3A_2335, %get3A_10 : vector<16xf32>
      %mul3A_2346 = arith.mulf %get3A_2338, %get3A_34 : vector<16xf32>
      %mul3A_2347 = arith.mulf %get3A_2341, %get3A_58 : vector<16xf32>
      %add3A_2348 = arith.addf %mul3A_2347, %get3A_2344 : vector<16xf32>
      %add3A_2349 = arith.addf %mul3A_2346, %add3A_2348 : vector<16xf32>
      %add3A_2350 = arith.addf %mul3A_2345, %add3A_2349 : vector<16xf32>
      %min3A_2351 = arith.minimumf %min3A_2283, %add3A_2350 : vector<16xf32>
      %mul3A_2352 = arith.mulf %get3A_2335, %get3A_13 : vector<16xf32>
      %mul3A_2353 = arith.mulf %get3A_2338, %get3A_37 : vector<16xf32>
      %mul3A_2354 = arith.mulf %get3A_2341, %get3A_61 : vector<16xf32>
      %add3A_2355 = arith.addf %mul3A_2354, %get3A_2344 : vector<16xf32>
      %add3A_2356 = arith.addf %mul3A_2353, %add3A_2355 : vector<16xf32>
      %add3A_2357 = arith.addf %mul3A_2352, %add3A_2356 : vector<16xf32>
      %min3A_2358 = arith.minimumf %min3A_2290, %add3A_2357 : vector<16xf32>
      %mul3A_2359 = arith.mulf %get3A_2335, %get3A_16 : vector<16xf32>
      %mul3A_2360 = arith.mulf %get3A_2338, %get3A_40 : vector<16xf32>
      %mul3A_2361 = arith.mulf %get3A_2341, %get3A_64 : vector<16xf32>
      %add3A_2362 = arith.addf %mul3A_2361, %get3A_2344 : vector<16xf32>
      %add3A_2363 = arith.addf %mul3A_2360, %add3A_2362 : vector<16xf32>
      %add3A_2364 = arith.addf %mul3A_2359, %add3A_2363 : vector<16xf32>
      %min3A_2365 = arith.minimumf %min3A_2297, %add3A_2364 : vector<16xf32>
      %mul3A_2366 = arith.mulf %get3A_2335, %get3A_19 : vector<16xf32>
      %mul3A_2367 = arith.mulf %get3A_2338, %get3A_43 : vector<16xf32>
      %mul3A_2368 = arith.mulf %get3A_2341, %get3A_67 : vector<16xf32>
      %add3A_2369 = arith.addf %mul3A_2368, %get3A_2344 : vector<16xf32>
      %add3A_2370 = arith.addf %mul3A_2367, %add3A_2369 : vector<16xf32>
      %add3A_2371 = arith.addf %mul3A_2366, %add3A_2370 : vector<16xf32>
      %min3A_2372 = arith.minimumf %min3A_2304, %add3A_2371 : vector<16xf32>
      %mul3A_2373 = arith.mulf %get3A_2335, %get3A_22 : vector<16xf32>
      %mul3A_2374 = arith.mulf %get3A_2338, %get3A_46 : vector<16xf32>
      %mul3A_2375 = arith.mulf %get3A_2341, %get3A_70 : vector<16xf32>
      %add3A_2376 = arith.addf %mul3A_2375, %get3A_2344 : vector<16xf32>
      %add3A_2377 = arith.addf %mul3A_2374, %add3A_2376 : vector<16xf32>
      %add3A_2378 = arith.addf %mul3A_2373, %add3A_2377 : vector<16xf32>
      %min3A_2379 = arith.minimumf %min3A_2311, %add3A_2378 : vector<16xf32>
      %mul3A_2380 = arith.mulf %get3A_2335, %get3A_25 : vector<16xf32>
      %mul3A_2381 = arith.mulf %get3A_2338, %get3A_49 : vector<16xf32>
      %mul3A_2382 = arith.mulf %get3A_2341, %get3A_73 : vector<16xf32>
      %add3A_2383 = arith.addf %mul3A_2382, %get3A_2344 : vector<16xf32>
      %add3A_2384 = arith.addf %mul3A_2381, %add3A_2383 : vector<16xf32>
      %add3A_2385 = arith.addf %mul3A_2380, %add3A_2384 : vector<16xf32>
      %min3A_2386 = arith.minimumf %min3A_2318, %add3A_2385 : vector<16xf32>
      %mul3A_2387 = arith.mulf %get3A_2335, %get3A_28 : vector<16xf32>
      %mul3A_2388 = arith.mulf %get3A_2338, %get3A_52 : vector<16xf32>
      %mul3A_2389 = arith.mulf %get3A_2341, %get3A_76 : vector<16xf32>
      %add3A_2390 = arith.addf %mul3A_2389, %get3A_2344 : vector<16xf32>
      %add3A_2391 = arith.addf %mul3A_2388, %add3A_2390 : vector<16xf32>
      %add3A_2392 = arith.addf %mul3A_2387, %add3A_2391 : vector<16xf32>
      %min3A_2393 = arith.minimumf %min3A_2325, %add3A_2392 : vector<16xf32>
      %mul3A_2394 = arith.mulf %get3A_2335, %get3A_31 : vector<16xf32>
      %mul3A_2395 = arith.mulf %get3A_2338, %get3A_55 : vector<16xf32>
      %mul3A_2396 = arith.mulf %get3A_2341, %get3A_79 : vector<16xf32>
      %add3A_2397 = arith.addf %mul3A_2396, %get3A_2344 : vector<16xf32>
      %add3A_2398 = arith.addf %mul3A_2395, %add3A_2397 : vector<16xf32>
      %add3A_2399 = arith.addf %mul3A_2394, %add3A_2398 : vector<16xf32>
      %min3A_2400 = arith.minimumf %min3A_2332, %add3A_2399 : vector<16xf32>
      %get3A_2401 = arith.constant 304 : index
      %get3A_2402 = tpu.vector_load %arg16[%get3A_2401] {strides = array<i32>} : memref<512xf32, #tpu.memory_space<vmem>>, vector<16xf32>,
      %get3A_2403 = vector.shape_cast %get3A_2402 : vector<16xf32> to vector<16xf32>
      %get3A_2404 = arith.constant 304 : index
      %get3A_2405 = tpu.vector_load %arg17[%get3A_2404] {strides = array<i32>} : memref<512xf32, #tpu.memory_space<vmem>>, vector<16xf32>,
      %get3A_2406 = vector.shape_cast %get3A_2405 : vector<16xf32> to vector<16xf32>
      %get3A_2407 = arith.constant 304 : index
      %get3A_2408 = tpu.vector_load %arg18[%get3A_2407] {strides = array<i32>} : memref<512xf32, #tpu.memory_space<vmem>>, vector<16xf32>,
      %get3A_2409 = vector.shape_cast %get3A_2408 : vector<16xf32> to vector<16xf32>
      %get3A_2410 = arith.constant 304 : index
      %get3A_2411 = tpu.vector_load %arg19[%get3A_2410] {strides = array<i32>} : memref<512xf32, #tpu.memory_space<vmem>>, vector<16xf32>,
      %get3A_2412 = vector.shape_cast %get3A_2411 : vector<16xf32> to vector<16xf32>
      %mul3A_2413 = arith.mulf %get3A_2403, %get3A_10 : vector<16xf32>
      %mul3A_2414 = arith.mulf %get3A_2406, %get3A_34 : vector<16xf32>
      %mul3A_2415 = arith.mulf %get3A_2409, %get3A_58 : vector<16xf32>
      %add3A_2416 = arith.addf %mul3A_2415, %get3A_2412 : vector<16xf32>
      %add3A_2417 = arith.addf %mul3A_2414, %add3A_2416 : vector<16xf32>
      %add3A_2418 = arith.addf %mul3A_2413, %add3A_2417 : vector<16xf32>
      %min3A_2419 = arith.minimumf %min3A_2351, %add3A_2418 : vector<16xf32>
      %mul3A_2420 = arith.mulf %get3A_2403, %get3A_13 : vector<16xf32>
      %mul3A_2421 = arith.mulf %get3A_2406, %get3A_37 : vector<16xf32>
      %mul3A_2422 = arith.mulf %get3A_2409, %get3A_61 : vector<16xf32>
      %add3A_2423 = arith.addf %mul3A_2422, %get3A_2412 : vector<16xf32>
      %add3A_2424 = arith.addf %mul3A_2421, %add3A_2423 : vector<16xf32>
      %add3A_2425 = arith.addf %mul3A_2420, %add3A_2424 : vector<16xf32>
      %min3A_2426 = arith.minimumf %min3A_2358, %add3A_2425 : vector<16xf32>
      %mul3A_2427 = arith.mulf %get3A_2403, %get3A_16 : vector<16xf32>
      %mul3A_2428 = arith.mulf %get3A_2406, %get3A_40 : vector<16xf32>
      %mul3A_2429 = arith.mulf %get3A_2409, %get3A_64 : vector<16xf32>
      %add3A_2430 = arith.addf %mul3A_2429, %get3A_2412 : vector<16xf32>
      %add3A_2431 = arith.addf %mul3A_2428, %add3A_2430 : vector<16xf32>
      %add3A_2432 = arith.addf %mul3A_2427, %add3A_2431 : vector<16xf32>
      %min3A_2433 = arith.minimumf %min3A_2365, %add3A_2432 : vector<16xf32>
      %mul3A_2434 = arith.mulf %get3A_2403, %get3A_19 : vector<16xf32>
      %mul3A_2435 = arith.mulf %get3A_2406, %get3A_43 : vector<16xf32>
      %mul3A_2436 = arith.mulf %get3A_2409, %get3A_67 : vector<16xf32>
      %add3A_2437 = arith.addf %mul3A_2436, %get3A_2412 : vector<16xf32>
      %add3A_2438 = arith.addf %mul3A_2435, %add3A_2437 : vector<16xf32>
      %add3A_2439 = arith.addf %mul3A_2434, %add3A_2438 : vector<16xf32>
      %min3A_2440 = arith.minimumf %min3A_2372, %add3A_2439 : vector<16xf32>
      %mul3A_2441 = arith.mulf %get3A_2403, %get3A_22 : vector<16xf32>
      %mul3A_2442 = arith.mulf %get3A_2406, %get3A_46 : vector<16xf32>
      %mul3A_2443 = arith.mulf %get3A_2409, %get3A_70 : vector<16xf32>
      %add3A_2444 = arith.addf %mul3A_2443, %get3A_2412 : vector<16xf32>
      %add3A_2445 = arith.addf %mul3A_2442, %add3A_2444 : vector<16xf32>
      %add3A_2446 = arith.addf %mul3A_2441, %add3A_2445 : vector<16xf32>
      %min3A_2447 = arith.minimumf %min3A_2379, %add3A_2446 : vector<16xf32>
      %mul3A_2448 = arith.mulf %get3A_2403, %get3A_25 : vector<16xf32>
      %mul3A_2449 = arith.mulf %get3A_2406, %get3A_49 : vector<16xf32>
      %mul3A_2450 = arith.mulf %get3A_2409, %get3A_73 : vector<16xf32>
      %add3A_2451 = arith.addf %mul3A_2450, %get3A_2412 : vector<16xf32>
      %add3A_2452 = arith.addf %mul3A_2449, %add3A_2451 : vector<16xf32>
      %add3A_2453 = arith.addf %mul3A_2448, %add3A_2452 : vector<16xf32>
      %min3A_2454 = arith.minimumf %min3A_2386, %add3A_2453 : vector<16xf32>
      %mul3A_2455 = arith.mulf %get3A_2403, %get3A_28 : vector<16xf32>
      %mul3A_2456 = arith.mulf %get3A_2406, %get3A_52 : vector<16xf32>
      %mul3A_2457 = arith.mulf %get3A_2409, %get3A_76 : vector<16xf32>
      %add3A_2458 = arith.addf %mul3A_2457, %get3A_2412 : vector<16xf32>
      %add3A_2459 = arith.addf %mul3A_2456, %add3A_2458 : vector<16xf32>
      %add3A_2460 = arith.addf %mul3A_2455, %add3A_2459 : vector<16xf32>
      %min3A_2461 = arith.minimumf %min3A_2393, %add3A_2460 : vector<16xf32>
      %mul3A_2462 = arith.mulf %get3A_2403, %get3A_31 : vector<16xf32>
      %mul3A_2463 = arith.mulf %get3A_2406, %get3A_55 : vector<16xf32>
      %mul3A_2464 = arith.mulf %get3A_2409, %get3A_79 : vector<16xf32>
      %add3A_2465 = arith.addf %mul3A_2464, %get3A_2412 : vector<16xf32>
      %add3A_2466 = arith.addf %mul3A_2463, %add3A_2465 : vector<16xf32>
      %add3A_2467 = arith.addf %mul3A_2462, %add3A_2466 : vector<16xf32>
      %min3A_2468 = arith.minimumf %min3A_2400, %add3A_2467 : vector<16xf32>
      %get3A_2469 = arith.constant 320 : index
      %get3A_2470 = tpu.vector_load %arg16[%get3A_2469] {strides = array<i32>} : memref<512xf32, #tpu.memory_space<vmem>>, vector<16xf32>,
      %get3A_2471 = vector.shape_cast %get3A_2470 : vector<16xf32> to vector<16xf32>
      %get3A_2472 = arith.constant 320 : index
      %get3A_2473 = tpu.vector_load %arg17[%get3A_2472] {strides = array<i32>} : memref<512xf32, #tpu.memory_space<vmem>>, vector<16xf32>,
      %get3A_2474 = vector.shape_cast %get3A_2473 : vector<16xf32> to vector<16xf32>
      %get3A_2475 = arith.constant 320 : index
      %get3A_2476 = tpu.vector_load %arg18[%get3A_2475] {strides = array<i32>} : memref<512xf32, #tpu.memory_space<vmem>>, vector<16xf32>,
      %get3A_2477 = vector.shape_cast %get3A_2476 : vector<16xf32> to vector<16xf32>
      %get3A_2478 = arith.constant 320 : index
      %get3A_2479 = tpu.vector_load %arg19[%get3A_2478] {strides = array<i32>} : memref<512xf32, #tpu.memory_space<vmem>>, vector<16xf32>,
      %get3A_2480 = vector.shape_cast %get3A_2479 : vector<16xf32> to vector<16xf32>
      %mul3A_2481 = arith.mulf %get3A_2471, %get3A_10 : vector<16xf32>
      %mul3A_2482 = arith.mulf %get3A_2474, %get3A_34 : vector<16xf32>
      %mul3A_2483 = arith.mulf %get3A_2477, %get3A_58 : vector<16xf32>
      %add3A_2484 = arith.addf %mul3A_2483, %get3A_2480 : vector<16xf32>
      %add3A_2485 = arith.addf %mul3A_2482, %add3A_2484 : vector<16xf32>
      %add3A_2486 = arith.addf %mul3A_2481, %add3A_2485 : vector<16xf32>
      %min3A_2487 = arith.minimumf %min3A_2419, %add3A_2486 : vector<16xf32>
      %mul3A_2488 = arith.mulf %get3A_2471, %get3A_13 : vector<16xf32>
      %mul3A_2489 = arith.mulf %get3A_2474, %get3A_37 : vector<16xf32>
      %mul3A_2490 = arith.mulf %get3A_2477, %get3A_61 : vector<16xf32>
      %add3A_2491 = arith.addf %mul3A_2490, %get3A_2480 : vector<16xf32>
      %add3A_2492 = arith.addf %mul3A_2489, %add3A_2491 : vector<16xf32>
      %add3A_2493 = arith.addf %mul3A_2488, %add3A_2492 : vector<16xf32>
      %min3A_2494 = arith.minimumf %min3A_2426, %add3A_2493 : vector<16xf32>
      %mul3A_2495 = arith.mulf %get3A_2471, %get3A_16 : vector<16xf32>
      %mul3A_2496 = arith.mulf %get3A_2474, %get3A_40 : vector<16xf32>
      %mul3A_2497 = arith.mulf %get3A_2477, %get3A_64 : vector<16xf32>
      %add3A_2498 = arith.addf %mul3A_2497, %get3A_2480 : vector<16xf32>
      %add3A_2499 = arith.addf %mul3A_2496, %add3A_2498 : vector<16xf32>
      %add3A_2500 = arith.addf %mul3A_2495, %add3A_2499 : vector<16xf32>
      %min3A_2501 = arith.minimumf %min3A_2433, %add3A_2500 : vector<16xf32>
      %mul3A_2502 = arith.mulf %get3A_2471, %get3A_19 : vector<16xf32>
      %mul3A_2503 = arith.mulf %get3A_2474, %get3A_43 : vector<16xf32>
      %mul3A_2504 = arith.mulf %get3A_2477, %get3A_67 : vector<16xf32>
      %add3A_2505 = arith.addf %mul3A_2504, %get3A_2480 : vector<16xf32>
      %add3A_2506 = arith.addf %mul3A_2503, %add3A_2505 : vector<16xf32>
      %add3A_2507 = arith.addf %mul3A_2502, %add3A_2506 : vector<16xf32>
      %min3A_2508 = arith.minimumf %min3A_2440, %add3A_2507 : vector<16xf32>
      %mul3A_2509 = arith.mulf %get3A_2471, %get3A_22 : vector<16xf32>
      %mul3A_2510 = arith.mulf %get3A_2474, %get3A_46 : vector<16xf32>
      %mul3A_2511 = arith.mulf %get3A_2477, %get3A_70 : vector<16xf32>
      %add3A_2512 = arith.addf %mul3A_2511, %get3A_2480 : vector<16xf32>
      %add3A_2513 = arith.addf %mul3A_2510, %add3A_2512 : vector<16xf32>
      %add3A_2514 = arith.addf %mul3A_2509, %add3A_2513 : vector<16xf32>
      %min3A_2515 = arith.minimumf %min3A_2447, %add3A_2514 : vector<16xf32>
      %mul3A_2516 = arith.mulf %get3A_2471, %get3A_25 : vector<16xf32>
      %mul3A_2517 = arith.mulf %get3A_2474, %get3A_49 : vector<16xf32>
      %mul3A_2518 = arith.mulf %get3A_2477, %get3A_73 : vector<16xf32>
      %add3A_2519 = arith.addf %mul3A_2518, %get3A_2480 : vector<16xf32>
      %add3A_2520 = arith.addf %mul3A_2517, %add3A_2519 : vector<16xf32>
      %add3A_2521 = arith.addf %mul3A_2516, %add3A_2520 : vector<16xf32>
      %min3A_2522 = arith.minimumf %min3A_2454, %add3A_2521 : vector<16xf32>
      %mul3A_2523 = arith.mulf %get3A_2471, %get3A_28 : vector<16xf32>
      %mul3A_2524 = arith.mulf %get3A_2474, %get3A_52 : vector<16xf32>
      %mul3A_2525 = arith.mulf %get3A_2477, %get3A_76 : vector<16xf32>
      %add3A_2526 = arith.addf %mul3A_2525, %get3A_2480 : vector<16xf32>
      %add3A_2527 = arith.addf %mul3A_2524, %add3A_2526 : vector<16xf32>
      %add3A_2528 = arith.addf %mul3A_2523, %add3A_2527 : vector<16xf32>
      %min3A_2529 = arith.minimumf %min3A_2461, %add3A_2528 : vector<16xf32>
      %mul3A_2530 = arith.mulf %get3A_2471, %get3A_31 : vector<16xf32>
      %mul3A_2531 = arith.mulf %get3A_2474, %get3A_55 : vector<16xf32>
      %mul3A_2532 = arith.mulf %get3A_2477, %get3A_79 : vector<16xf32>
      %add3A_2533 = arith.addf %mul3A_2532, %get3A_2480 : vector<16xf32>
      %add3A_2534 = arith.addf %mul3A_2531, %add3A_2533 : vector<16xf32>
      %add3A_2535 = arith.addf %mul3A_2530, %add3A_2534 : vector<16xf32>
      %min3A_2536 = arith.minimumf %min3A_2468, %add3A_2535 : vector<16xf32>
      %get3A_2537 = arith.constant 336 : index
      %get3A_2538 = tpu.vector_load %arg16[%get3A_2537] {strides = array<i32>} : memref<512xf32, #tpu.memory_space<vmem>>, vector<16xf32>,
      %get3A_2539 = vector.shape_cast %get3A_2538 : vector<16xf32> to vector<16xf32>
      %get3A_2540 = arith.constant 336 : index
      %get3A_2541 = tpu.vector_load %arg17[%get3A_2540] {strides = array<i32>} : memref<512xf32, #tpu.memory_space<vmem>>, vector<16xf32>,
      %get3A_2542 = vector.shape_cast %get3A_2541 : vector<16xf32> to vector<16xf32>
      %get3A_2543 = arith.constant 336 : index
      %get3A_2544 = tpu.vector_load %arg18[%get3A_2543] {strides = array<i32>} : memref<512xf32, #tpu.memory_space<vmem>>, vector<16xf32>,
      %get3A_2545 = vector.shape_cast %get3A_2544 : vector<16xf32> to vector<16xf32>
      %get3A_2546 = arith.constant 336 : index
      %get3A_2547 = tpu.vector_load %arg19[%get3A_2546] {strides = array<i32>} : memref<512xf32, #tpu.memory_space<vmem>>, vector<16xf32>,
      %get3A_2548 = vector.shape_cast %get3A_2547 : vector<16xf32> to vector<16xf32>
      %mul3A_2549 = arith.mulf %get3A_2539, %get3A_10 : vector<16xf32>
      %mul3A_2550 = arith.mulf %get3A_2542, %get3A_34 : vector<16xf32>
      %mul3A_2551 = arith.mulf %get3A_2545, %get3A_58 : vector<16xf32>
      %add3A_2552 = arith.addf %mul3A_2551, %get3A_2548 : vector<16xf32>
      %add3A_2553 = arith.addf %mul3A_2550, %add3A_2552 : vector<16xf32>
      %add3A_2554 = arith.addf %mul3A_2549, %add3A_2553 : vector<16xf32>
      %min3A_2555 = arith.minimumf %min3A_2487, %add3A_2554 : vector<16xf32>
      %mul3A_2556 = arith.mulf %get3A_2539, %get3A_13 : vector<16xf32>
      %mul3A_2557 = arith.mulf %get3A_2542, %get3A_37 : vector<16xf32>
      %mul3A_2558 = arith.mulf %get3A_2545, %get3A_61 : vector<16xf32>
      %add3A_2559 = arith.addf %mul3A_2558, %get3A_2548 : vector<16xf32>
      %add3A_2560 = arith.addf %mul3A_2557, %add3A_2559 : vector<16xf32>
      %add3A_2561 = arith.addf %mul3A_2556, %add3A_2560 : vector<16xf32>
      %min3A_2562 = arith.minimumf %min3A_2494, %add3A_2561 : vector<16xf32>
      %mul3A_2563 = arith.mulf %get3A_2539, %get3A_16 : vector<16xf32>
      %mul3A_2564 = arith.mulf %get3A_2542, %get3A_40 : vector<16xf32>
      %mul3A_2565 = arith.mulf %get3A_2545, %get3A_64 : vector<16xf32>
      %add3A_2566 = arith.addf %mul3A_2565, %get3A_2548 : vector<16xf32>
      %add3A_2567 = arith.addf %mul3A_2564, %add3A_2566 : vector<16xf32>
      %add3A_2568 = arith.addf %mul3A_2563, %add3A_2567 : vector<16xf32>
      %min3A_2569 = arith.minimumf %min3A_2501, %add3A_2568 : vector<16xf32>
      %mul3A_2570 = arith.mulf %get3A_2539, %get3A_19 : vector<16xf32>
      %mul3A_2571 = arith.mulf %get3A_2542, %get3A_43 : vector<16xf32>
      %mul3A_2572 = arith.mulf %get3A_2545, %get3A_67 : vector<16xf32>
      %add3A_2573 = arith.addf %mul3A_2572, %get3A_2548 : vector<16xf32>
      %add3A_2574 = arith.addf %mul3A_2571, %add3A_2573 : vector<16xf32>
      %add3A_2575 = arith.addf %mul3A_2570, %add3A_2574 : vector<16xf32>
      %min3A_2576 = arith.minimumf %min3A_2508, %add3A_2575 : vector<16xf32>
      %mul3A_2577 = arith.mulf %get3A_2539, %get3A_22 : vector<16xf32>
      %mul3A_2578 = arith.mulf %get3A_2542, %get3A_46 : vector<16xf32>
      %mul3A_2579 = arith.mulf %get3A_2545, %get3A_70 : vector<16xf32>
      %add3A_2580 = arith.addf %mul3A_2579, %get3A_2548 : vector<16xf32>
      %add3A_2581 = arith.addf %mul3A_2578, %add3A_2580 : vector<16xf32>
      %add3A_2582 = arith.addf %mul3A_2577, %add3A_2581 : vector<16xf32>
      %min3A_2583 = arith.minimumf %min3A_2515, %add3A_2582 : vector<16xf32>
      %mul3A_2584 = arith.mulf %get3A_2539, %get3A_25 : vector<16xf32>
      %mul3A_2585 = arith.mulf %get3A_2542, %get3A_49 : vector<16xf32>
      %mul3A_2586 = arith.mulf %get3A_2545, %get3A_73 : vector<16xf32>
      %add3A_2587 = arith.addf %mul3A_2586, %get3A_2548 : vector<16xf32>
      %add3A_2588 = arith.addf %mul3A_2585, %add3A_2587 : vector<16xf32>
      %add3A_2589 = arith.addf %mul3A_2584, %add3A_2588 : vector<16xf32>
      %min3A_2590 = arith.minimumf %min3A_2522, %add3A_2589 : vector<16xf32>
      %mul3A_2591 = arith.mulf %get3A_2539, %get3A_28 : vector<16xf32>
      %mul3A_2592 = arith.mulf %get3A_2542, %get3A_52 : vector<16xf32>
      %mul3A_2593 = arith.mulf %get3A_2545, %get3A_76 : vector<16xf32>
      %add3A_2594 = arith.addf %mul3A_2593, %get3A_2548 : vector<16xf32>
      %add3A_2595 = arith.addf %mul3A_2592, %add3A_2594 : vector<16xf32>
      %add3A_2596 = arith.addf %mul3A_2591, %add3A_2595 : vector<16xf32>
      %min3A_2597 = arith.minimumf %min3A_2529, %add3A_2596 : vector<16xf32>
      %mul3A_2598 = arith.mulf %get3A_2539, %get3A_31 : vector<16xf32>
      %mul3A_2599 = arith.mulf %get3A_2542, %get3A_55 : vector<16xf32>
      %mul3A_2600 = arith.mulf %get3A_2545, %get3A_79 : vector<16xf32>
      %add3A_2601 = arith.addf %mul3A_2600, %get3A_2548 : vector<16xf32>
      %add3A_2602 = arith.addf %mul3A_2599, %add3A_2601 : vector<16xf32>
      %add3A_2603 = arith.addf %mul3A_2598, %add3A_2602 : vector<16xf32>
      %min3A_2604 = arith.minimumf %min3A_2536, %add3A_2603 : vector<16xf32>
      %get3A_2605 = arith.constant 352 : index
      %get3A_2606 = tpu.vector_load %arg16[%get3A_2605] {strides = array<i32>} : memref<512xf32, #tpu.memory_space<vmem>>, vector<16xf32>,
      %get3A_2607 = vector.shape_cast %get3A_2606 : vector<16xf32> to vector<16xf32>
      %get3A_2608 = arith.constant 352 : index
      %get3A_2609 = tpu.vector_load %arg17[%get3A_2608] {strides = array<i32>} : memref<512xf32, #tpu.memory_space<vmem>>, vector<16xf32>,
      %get3A_2610 = vector.shape_cast %get3A_2609 : vector<16xf32> to vector<16xf32>
      %get3A_2611 = arith.constant 352 : index
      %get3A_2612 = tpu.vector_load %arg18[%get3A_2611] {strides = array<i32>} : memref<512xf32, #tpu.memory_space<vmem>>, vector<16xf32>,
      %get3A_2613 = vector.shape_cast %get3A_2612 : vector<16xf32> to vector<16xf32>
      %get3A_2614 = arith.constant 352 : index
      %get3A_2615 = tpu.vector_load %arg19[%get3A_2614] {strides = array<i32>} : memref<512xf32, #tpu.memory_space<vmem>>, vector<16xf32>,
      %get3A_2616 = vector.shape_cast %get3A_2615 : vector<16xf32> to vector<16xf32>
      %mul3A_2617 = arith.mulf %get3A_2607, %get3A_10 : vector<16xf32>
      %mul3A_2618 = arith.mulf %get3A_2610, %get3A_34 : vector<16xf32>
      %mul3A_2619 = arith.mulf %get3A_2613, %get3A_58 : vector<16xf32>
      %add3A_2620 = arith.addf %mul3A_2619, %get3A_2616 : vector<16xf32>
      %add3A_2621 = arith.addf %mul3A_2618, %add3A_2620 : vector<16xf32>
      %add3A_2622 = arith.addf %mul3A_2617, %add3A_2621 : vector<16xf32>
      %min3A_2623 = arith.minimumf %min3A_2555, %add3A_2622 : vector<16xf32>
      %mul3A_2624 = arith.mulf %get3A_2607, %get3A_13 : vector<16xf32>
      %mul3A_2625 = arith.mulf %get3A_2610, %get3A_37 : vector<16xf32>
      %mul3A_2626 = arith.mulf %get3A_2613, %get3A_61 : vector<16xf32>
      %add3A_2627 = arith.addf %mul3A_2626, %get3A_2616 : vector<16xf32>
      %add3A_2628 = arith.addf %mul3A_2625, %add3A_2627 : vector<16xf32>
      %add3A_2629 = arith.addf %mul3A_2624, %add3A_2628 : vector<16xf32>
      %min3A_2630 = arith.minimumf %min3A_2562, %add3A_2629 : vector<16xf32>
      %mul3A_2631 = arith.mulf %get3A_2607, %get3A_16 : vector<16xf32>
      %mul3A_2632 = arith.mulf %get3A_2610, %get3A_40 : vector<16xf32>
      %mul3A_2633 = arith.mulf %get3A_2613, %get3A_64 : vector<16xf32>
      %add3A_2634 = arith.addf %mul3A_2633, %get3A_2616 : vector<16xf32>
      %add3A_2635 = arith.addf %mul3A_2632, %add3A_2634 : vector<16xf32>
      %add3A_2636 = arith.addf %mul3A_2631, %add3A_2635 : vector<16xf32>
      %min3A_2637 = arith.minimumf %min3A_2569, %add3A_2636 : vector<16xf32>
      %mul3A_2638 = arith.mulf %get3A_2607, %get3A_19 : vector<16xf32>
      %mul3A_2639 = arith.mulf %get3A_2610, %get3A_43 : vector<16xf32>
      %mul3A_2640 = arith.mulf %get3A_2613, %get3A_67 : vector<16xf32>
      %add3A_2641 = arith.addf %mul3A_2640, %get3A_2616 : vector<16xf32>
      %add3A_2642 = arith.addf %mul3A_2639, %add3A_2641 : vector<16xf32>
      %add3A_2643 = arith.addf %mul3A_2638, %add3A_2642 : vector<16xf32>
      %min3A_2644 = arith.minimumf %min3A_2576, %add3A_2643 : vector<16xf32>
      %mul3A_2645 = arith.mulf %get3A_2607, %get3A_22 : vector<16xf32>
      %mul3A_2646 = arith.mulf %get3A_2610, %get3A_46 : vector<16xf32>
      %mul3A_2647 = arith.mulf %get3A_2613, %get3A_70 : vector<16xf32>
      %add3A_2648 = arith.addf %mul3A_2647, %get3A_2616 : vector<16xf32>
      %add3A_2649 = arith.addf %mul3A_2646, %add3A_2648 : vector<16xf32>
      %add3A_2650 = arith.addf %mul3A_2645, %add3A_2649 : vector<16xf32>
      %min3A_2651 = arith.minimumf %min3A_2583, %add3A_2650 : vector<16xf32>
      %mul3A_2652 = arith.mulf %get3A_2607, %get3A_25 : vector<16xf32>
      %mul3A_2653 = arith.mulf %get3A_2610, %get3A_49 : vector<16xf32>
      %mul3A_2654 = arith.mulf %get3A_2613, %get3A_73 : vector<16xf32>
      %add3A_2655 = arith.addf %mul3A_2654, %get3A_2616 : vector<16xf32>
      %add3A_2656 = arith.addf %mul3A_2653, %add3A_2655 : vector<16xf32>
      %add3A_2657 = arith.addf %mul3A_2652, %add3A_2656 : vector<16xf32>
      %min3A_2658 = arith.minimumf %min3A_2590, %add3A_2657 : vector<16xf32>
      %mul3A_2659 = arith.mulf %get3A_2607, %get3A_28 : vector<16xf32>
      %mul3A_2660 = arith.mulf %get3A_2610, %get3A_52 : vector<16xf32>
      %mul3A_2661 = arith.mulf %get3A_2613, %get3A_76 : vector<16xf32>
      %add3A_2662 = arith.addf %mul3A_2661, %get3A_2616 : vector<16xf32>
      %add3A_2663 = arith.addf %mul3A_2660, %add3A_2662 : vector<16xf32>
      %add3A_2664 = arith.addf %mul3A_2659, %add3A_2663 : vector<16xf32>
      %min3A_2665 = arith.minimumf %min3A_2597, %add3A_2664 : vector<16xf32>
      %mul3A_2666 = arith.mulf %get3A_2607, %get3A_31 : vector<16xf32>
      %mul3A_2667 = arith.mulf %get3A_2610, %get3A_55 : vector<16xf32>
      %mul3A_2668 = arith.mulf %get3A_2613, %get3A_79 : vector<16xf32>
      %add3A_2669 = arith.addf %mul3A_2668, %get3A_2616 : vector<16xf32>
      %add3A_2670 = arith.addf %mul3A_2667, %add3A_2669 : vector<16xf32>
      %add3A_2671 = arith.addf %mul3A_2666, %add3A_2670 : vector<16xf32>
      %min3A_2672 = arith.minimumf %min3A_2604, %add3A_2671 : vector<16xf32>
      %get3A_2673 = arith.constant 368 : index
      %get3A_2674 = tpu.vector_load %arg16[%get3A_2673] {strides = array<i32>} : memref<512xf32, #tpu.memory_space<vmem>>, vector<16xf32>,
      %get3A_2675 = vector.shape_cast %get3A_2674 : vector<16xf32> to vector<16xf32>
      %get3A_2676 = arith.constant 368 : index
      %get3A_2677 = tpu.vector_load %arg17[%get3A_2676] {strides = array<i32>} : memref<512xf32, #tpu.memory_space<vmem>>, vector<16xf32>,
      %get3A_2678 = vector.shape_cast %get3A_2677 : vector<16xf32> to vector<16xf32>
      %get3A_2679 = arith.constant 368 : index
      %get3A_2680 = tpu.vector_load %arg18[%get3A_2679] {strides = array<i32>} : memref<512xf32, #tpu.memory_space<vmem>>, vector<16xf32>,
      %get3A_2681 = vector.shape_cast %get3A_2680 : vector<16xf32> to vector<16xf32>
      %get3A_2682 = arith.constant 368 : index
      %get3A_2683 = tpu.vector_load %arg19[%get3A_2682] {strides = array<i32>} : memref<512xf32, #tpu.memory_space<vmem>>, vector<16xf32>,
      %get3A_2684 = vector.shape_cast %get3A_2683 : vector<16xf32> to vector<16xf32>
      %mul3A_2685 = arith.mulf %get3A_2675, %get3A_10 : vector<16xf32>
      %mul3A_2686 = arith.mulf %get3A_2678, %get3A_34 : vector<16xf32>
      %mul3A_2687 = arith.mulf %get3A_2681, %get3A_58 : vector<16xf32>
      %add3A_2688 = arith.addf %mul3A_2687, %get3A_2684 : vector<16xf32>
      %add3A_2689 = arith.addf %mul3A_2686, %add3A_2688 : vector<16xf32>
      %add3A_2690 = arith.addf %mul3A_2685, %add3A_2689 : vector<16xf32>
      %min3A_2691 = arith.minimumf %min3A_2623, %add3A_2690 : vector<16xf32>
      %mul3A_2692 = arith.mulf %get3A_2675, %get3A_13 : vector<16xf32>
      %mul3A_2693 = arith.mulf %get3A_2678, %get3A_37 : vector<16xf32>
      %mul3A_2694 = arith.mulf %get3A_2681, %get3A_61 : vector<16xf32>
      %add3A_2695 = arith.addf %mul3A_2694, %get3A_2684 : vector<16xf32>
      %add3A_2696 = arith.addf %mul3A_2693, %add3A_2695 : vector<16xf32>
      %add3A_2697 = arith.addf %mul3A_2692, %add3A_2696 : vector<16xf32>
      %min3A_2698 = arith.minimumf %min3A_2630, %add3A_2697 : vector<16xf32>
      %mul3A_2699 = arith.mulf %get3A_2675, %get3A_16 : vector<16xf32>
      %mul3A_2700 = arith.mulf %get3A_2678, %get3A_40 : vector<16xf32>
      %mul3A_2701 = arith.mulf %get3A_2681, %get3A_64 : vector<16xf32>
      %add3A_2702 = arith.addf %mul3A_2701, %get3A_2684 : vector<16xf32>
      %add3A_2703 = arith.addf %mul3A_2700, %add3A_2702 : vector<16xf32>
      %add3A_2704 = arith.addf %mul3A_2699, %add3A_2703 : vector<16xf32>
      %min3A_2705 = arith.minimumf %min3A_2637, %add3A_2704 : vector<16xf32>
      %mul3A_2706 = arith.mulf %get3A_2675, %get3A_19 : vector<16xf32>
      %mul3A_2707 = arith.mulf %get3A_2678, %get3A_43 : vector<16xf32>
      %mul3A_2708 = arith.mulf %get3A_2681, %get3A_67 : vector<16xf32>
      %add3A_2709 = arith.addf %mul3A_2708, %get3A_2684 : vector<16xf32>
      %add3A_2710 = arith.addf %mul3A_2707, %add3A_2709 : vector<16xf32>
      %add3A_2711 = arith.addf %mul3A_2706, %add3A_2710 : vector<16xf32>
      %min3A_2712 = arith.minimumf %min3A_2644, %add3A_2711 : vector<16xf32>
      %mul3A_2713 = arith.mulf %get3A_2675, %get3A_22 : vector<16xf32>
      %mul3A_2714 = arith.mulf %get3A_2678, %get3A_46 : vector<16xf32>
      %mul3A_2715 = arith.mulf %get3A_2681, %get3A_70 : vector<16xf32>
      %add3A_2716 = arith.addf %mul3A_2715, %get3A_2684 : vector<16xf32>
      %add3A_2717 = arith.addf %mul3A_2714, %add3A_2716 : vector<16xf32>
      %add3A_2718 = arith.addf %mul3A_2713, %add3A_2717 : vector<16xf32>
      %min3A_2719 = arith.minimumf %min3A_2651, %add3A_2718 : vector<16xf32>
      %mul3A_2720 = arith.mulf %get3A_2675, %get3A_25 : vector<16xf32>
      %mul3A_2721 = arith.mulf %get3A_2678, %get3A_49 : vector<16xf32>
      %mul3A_2722 = arith.mulf %get3A_2681, %get3A_73 : vector<16xf32>
      %add3A_2723 = arith.addf %mul3A_2722, %get3A_2684 : vector<16xf32>
      %add3A_2724 = arith.addf %mul3A_2721, %add3A_2723 : vector<16xf32>
      %add3A_2725 = arith.addf %mul3A_2720, %add3A_2724 : vector<16xf32>
      %min3A_2726 = arith.minimumf %min3A_2658, %add3A_2725 : vector<16xf32>
      %mul3A_2727 = arith.mulf %get3A_2675, %get3A_28 : vector<16xf32>
      %mul3A_2728 = arith.mulf %get3A_2678, %get3A_52 : vector<16xf32>
      %mul3A_2729 = arith.mulf %get3A_2681, %get3A_76 : vector<16xf32>
      %add3A_2730 = arith.addf %mul3A_2729, %get3A_2684 : vector<16xf32>
      %add3A_2731 = arith.addf %mul3A_2728, %add3A_2730 : vector<16xf32>
      %add3A_2732 = arith.addf %mul3A_2727, %add3A_2731 : vector<16xf32>
      %min3A_2733 = arith.minimumf %min3A_2665, %add3A_2732 : vector<16xf32>
      %mul3A_2734 = arith.mulf %get3A_2675, %get3A_31 : vector<16xf32>
      %mul3A_2735 = arith.mulf %get3A_2678, %get3A_55 : vector<16xf32>
      %mul3A_2736 = arith.mulf %get3A_2681, %get3A_79 : vector<16xf32>
      %add3A_2737 = arith.addf %mul3A_2736, %get3A_2684 : vector<16xf32>
      %add3A_2738 = arith.addf %mul3A_2735, %add3A_2737 : vector<16xf32>
      %add3A_2739 = arith.addf %mul3A_2734, %add3A_2738 : vector<16xf32>
      %min3A_2740 = arith.minimumf %min3A_2672, %add3A_2739 : vector<16xf32>
      %get3A_2741 = arith.constant 384 : index
      %get3A_2742 = tpu.vector_load %arg16[%get3A_2741] {strides = array<i32>} : memref<512xf32, #tpu.memory_space<vmem>>, vector<16xf32>,
      %get3A_2743 = vector.shape_cast %get3A_2742 : vector<16xf32> to vector<16xf32>
      %get3A_2744 = arith.constant 384 : index
      %get3A_2745 = tpu.vector_load %arg17[%get3A_2744] {strides = array<i32>} : memref<512xf32, #tpu.memory_space<vmem>>, vector<16xf32>,
      %get3A_2746 = vector.shape_cast %get3A_2745 : vector<16xf32> to vector<16xf32>
      %get3A_2747 = arith.constant 384 : index
      %get3A_2748 = tpu.vector_load %arg18[%get3A_2747] {strides = array<i32>} : memref<512xf32, #tpu.memory_space<vmem>>, vector<16xf32>,
      %get3A_2749 = vector.shape_cast %get3A_2748 : vector<16xf32> to vector<16xf32>
      %get3A_2750 = arith.constant 384 : index
      %get3A_2751 = tpu.vector_load %arg19[%get3A_2750] {strides = array<i32>} : memref<512xf32, #tpu.memory_space<vmem>>, vector<16xf32>,
      %get3A_2752 = vector.shape_cast %get3A_2751 : vector<16xf32> to vector<16xf32>
      %mul3A_2753 = arith.mulf %get3A_2743, %get3A_10 : vector<16xf32>
      %mul3A_2754 = arith.mulf %get3A_2746, %get3A_34 : vector<16xf32>
      %mul3A_2755 = arith.mulf %get3A_2749, %get3A_58 : vector<16xf32>
      %add3A_2756 = arith.addf %mul3A_2755, %get3A_2752 : vector<16xf32>
      %add3A_2757 = arith.addf %mul3A_2754, %add3A_2756 : vector<16xf32>
      %add3A_2758 = arith.addf %mul3A_2753, %add3A_2757 : vector<16xf32>
      %min3A_2759 = arith.minimumf %min3A_2691, %add3A_2758 : vector<16xf32>
      %mul3A_2760 = arith.mulf %get3A_2743, %get3A_13 : vector<16xf32>
      %mul3A_2761 = arith.mulf %get3A_2746, %get3A_37 : vector<16xf32>
      %mul3A_2762 = arith.mulf %get3A_2749, %get3A_61 : vector<16xf32>
      %add3A_2763 = arith.addf %mul3A_2762, %get3A_2752 : vector<16xf32>
      %add3A_2764 = arith.addf %mul3A_2761, %add3A_2763 : vector<16xf32>
      %add3A_2765 = arith.addf %mul3A_2760, %add3A_2764 : vector<16xf32>
      %min3A_2766 = arith.minimumf %min3A_2698, %add3A_2765 : vector<16xf32>
      %mul3A_2767 = arith.mulf %get3A_2743, %get3A_16 : vector<16xf32>
      %mul3A_2768 = arith.mulf %get3A_2746, %get3A_40 : vector<16xf32>
      %mul3A_2769 = arith.mulf %get3A_2749, %get3A_64 : vector<16xf32>
      %add3A_2770 = arith.addf %mul3A_2769, %get3A_2752 : vector<16xf32>
      %add3A_2771 = arith.addf %mul3A_2768, %add3A_2770 : vector<16xf32>
      %add3A_2772 = arith.addf %mul3A_2767, %add3A_2771 : vector<16xf32>
      %min3A_2773 = arith.minimumf %min3A_2705, %add3A_2772 : vector<16xf32>
      %mul3A_2774 = arith.mulf %get3A_2743, %get3A_19 : vector<16xf32>
      %mul3A_2775 = arith.mulf %get3A_2746, %get3A_43 : vector<16xf32>
      %mul3A_2776 = arith.mulf %get3A_2749, %get3A_67 : vector<16xf32>
      %add3A_2777 = arith.addf %mul3A_2776, %get3A_2752 : vector<16xf32>
      %add3A_2778 = arith.addf %mul3A_2775, %add3A_2777 : vector<16xf32>
      %add3A_2779 = arith.addf %mul3A_2774, %add3A_2778 : vector<16xf32>
      %min3A_2780 = arith.minimumf %min3A_2712, %add3A_2779 : vector<16xf32>
      %mul3A_2781 = arith.mulf %get3A_2743, %get3A_22 : vector<16xf32>
      %mul3A_2782 = arith.mulf %get3A_2746, %get3A_46 : vector<16xf32>
      %mul3A_2783 = arith.mulf %get3A_2749, %get3A_70 : vector<16xf32>
      %add3A_2784 = arith.addf %mul3A_2783, %get3A_2752 : vector<16xf32>
      %add3A_2785 = arith.addf %mul3A_2782, %add3A_2784 : vector<16xf32>
      %add3A_2786 = arith.addf %mul3A_2781, %add3A_2785 : vector<16xf32>
      %min3A_2787 = arith.minimumf %min3A_2719, %add3A_2786 : vector<16xf32>
      %mul3A_2788 = arith.mulf %get3A_2743, %get3A_25 : vector<16xf32>
      %mul3A_2789 = arith.mulf %get3A_2746, %get3A_49 : vector<16xf32>
      %mul3A_2790 = arith.mulf %get3A_2749, %get3A_73 : vector<16xf32>
      %add3A_2791 = arith.addf %mul3A_2790, %get3A_2752 : vector<16xf32>
      %add3A_2792 = arith.addf %mul3A_2789, %add3A_2791 : vector<16xf32>
      %add3A_2793 = arith.addf %mul3A_2788, %add3A_2792 : vector<16xf32>
      %min3A_2794 = arith.minimumf %min3A_2726, %add3A_2793 : vector<16xf32>
      %mul3A_2795 = arith.mulf %get3A_2743, %get3A_28 : vector<16xf32>
      %mul3A_2796 = arith.mulf %get3A_2746, %get3A_52 : vector<16xf32>
      %mul3A_2797 = arith.mulf %get3A_2749, %get3A_76 : vector<16xf32>
      %add3A_2798 = arith.addf %mul3A_2797, %get3A_2752 : vector<16xf32>
      %add3A_2799 = arith.addf %mul3A_2796, %add3A_2798 : vector<16xf32>
      %add3A_2800 = arith.addf %mul3A_2795, %add3A_2799 : vector<16xf32>
      %min3A_2801 = arith.minimumf %min3A_2733, %add3A_2800 : vector<16xf32>
      %mul3A_2802 = arith.mulf %get3A_2743, %get3A_31 : vector<16xf32>
      %mul3A_2803 = arith.mulf %get3A_2746, %get3A_55 : vector<16xf32>
      %mul3A_2804 = arith.mulf %get3A_2749, %get3A_79 : vector<16xf32>
      %add3A_2805 = arith.addf %mul3A_2804, %get3A_2752 : vector<16xf32>
      %add3A_2806 = arith.addf %mul3A_2803, %add3A_2805 : vector<16xf32>
      %add3A_2807 = arith.addf %mul3A_2802, %add3A_2806 : vector<16xf32>
      %min3A_2808 = arith.minimumf %min3A_2740, %add3A_2807 : vector<16xf32>
      %get3A_2809 = arith.constant 400 : index
      %get3A_2810 = tpu.vector_load %arg16[%get3A_2809] {strides = array<i32>} : memref<512xf32, #tpu.memory_space<vmem>>, vector<16xf32>,
      %get3A_2811 = vector.shape_cast %get3A_2810 : vector<16xf32> to vector<16xf32>
      %get3A_2812 = arith.constant 400 : index
      %get3A_2813 = tpu.vector_load %arg17[%get3A_2812] {strides = array<i32>} : memref<512xf32, #tpu.memory_space<vmem>>, vector<16xf32>,
      %get3A_2814 = vector.shape_cast %get3A_2813 : vector<16xf32> to vector<16xf32>
      %get3A_2815 = arith.constant 400 : index
      %get3A_2816 = tpu.vector_load %arg18[%get3A_2815] {strides = array<i32>} : memref<512xf32, #tpu.memory_space<vmem>>, vector<16xf32>,
      %get3A_2817 = vector.shape_cast %get3A_2816 : vector<16xf32> to vector<16xf32>
      %get3A_2818 = arith.constant 400 : index
      %get3A_2819 = tpu.vector_load %arg19[%get3A_2818] {strides = array<i32>} : memref<512xf32, #tpu.memory_space<vmem>>, vector<16xf32>,
      %get3A_2820 = vector.shape_cast %get3A_2819 : vector<16xf32> to vector<16xf32>
      %mul3A_2821 = arith.mulf %get3A_2811, %get3A_10 : vector<16xf32>
      %mul3A_2822 = arith.mulf %get3A_2814, %get3A_34 : vector<16xf32>
      %mul3A_2823 = arith.mulf %get3A_2817, %get3A_58 : vector<16xf32>
      %add3A_2824 = arith.addf %mul3A_2823, %get3A_2820 : vector<16xf32>
      %add3A_2825 = arith.addf %mul3A_2822, %add3A_2824 : vector<16xf32>
      %add3A_2826 = arith.addf %mul3A_2821, %add3A_2825 : vector<16xf32>
      %min3A_2827 = arith.minimumf %min3A_2759, %add3A_2826 : vector<16xf32>
      %mul3A_2828 = arith.mulf %get3A_2811, %get3A_13 : vector<16xf32>
      %mul3A_2829 = arith.mulf %get3A_2814, %get3A_37 : vector<16xf32>
      %mul3A_2830 = arith.mulf %get3A_2817, %get3A_61 : vector<16xf32>
      %add3A_2831 = arith.addf %mul3A_2830, %get3A_2820 : vector<16xf32>
      %add3A_2832 = arith.addf %mul3A_2829, %add3A_2831 : vector<16xf32>
      %add3A_2833 = arith.addf %mul3A_2828, %add3A_2832 : vector<16xf32>
      %min3A_2834 = arith.minimumf %min3A_2766, %add3A_2833 : vector<16xf32>
      %mul3A_2835 = arith.mulf %get3A_2811, %get3A_16 : vector<16xf32>
      %mul3A_2836 = arith.mulf %get3A_2814, %get3A_40 : vector<16xf32>
      %mul3A_2837 = arith.mulf %get3A_2817, %get3A_64 : vector<16xf32>
      %add3A_2838 = arith.addf %mul3A_2837, %get3A_2820 : vector<16xf32>
      %add3A_2839 = arith.addf %mul3A_2836, %add3A_2838 : vector<16xf32>
      %add3A_2840 = arith.addf %mul3A_2835, %add3A_2839 : vector<16xf32>
      %min3A_2841 = arith.minimumf %min3A_2773, %add3A_2840 : vector<16xf32>
      %mul3A_2842 = arith.mulf %get3A_2811, %get3A_19 : vector<16xf32>
      %mul3A_2843 = arith.mulf %get3A_2814, %get3A_43 : vector<16xf32>
      %mul3A_2844 = arith.mulf %get3A_2817, %get3A_67 : vector<16xf32>
      %add3A_2845 = arith.addf %mul3A_2844, %get3A_2820 : vector<16xf32>
      %add3A_2846 = arith.addf %mul3A_2843, %add3A_2845 : vector<16xf32>
      %add3A_2847 = arith.addf %mul3A_2842, %add3A_2846 : vector<16xf32>
      %min3A_2848 = arith.minimumf %min3A_2780, %add3A_2847 : vector<16xf32>
      %mul3A_2849 = arith.mulf %get3A_2811, %get3A_22 : vector<16xf32>
      %mul3A_2850 = arith.mulf %get3A_2814, %get3A_46 : vector<16xf32>
      %mul3A_2851 = arith.mulf %get3A_2817, %get3A_70 : vector<16xf32>
      %add3A_2852 = arith.addf %mul3A_2851, %get3A_2820 : vector<16xf32>
      %add3A_2853 = arith.addf %mul3A_2850, %add3A_2852 : vector<16xf32>
      %add3A_2854 = arith.addf %mul3A_2849, %add3A_2853 : vector<16xf32>
      %min3A_2855 = arith.minimumf %min3A_2787, %add3A_2854 : vector<16xf32>
      %mul3A_2856 = arith.mulf %get3A_2811, %get3A_25 : vector<16xf32>
      %mul3A_2857 = arith.mulf %get3A_2814, %get3A_49 : vector<16xf32>
      %mul3A_2858 = arith.mulf %get3A_2817, %get3A_73 : vector<16xf32>
      %add3A_2859 = arith.addf %mul3A_2858, %get3A_2820 : vector<16xf32>
      %add3A_2860 = arith.addf %mul3A_2857, %add3A_2859 : vector<16xf32>
      %add3A_2861 = arith.addf %mul3A_2856, %add3A_2860 : vector<16xf32>
      %min3A_2862 = arith.minimumf %min3A_2794, %add3A_2861 : vector<16xf32>
      %mul3A_2863 = arith.mulf %get3A_2811, %get3A_28 : vector<16xf32>
      %mul3A_2864 = arith.mulf %get3A_2814, %get3A_52 : vector<16xf32>
      %mul3A_2865 = arith.mulf %get3A_2817, %get3A_76 : vector<16xf32>
      %add3A_2866 = arith.addf %mul3A_2865, %get3A_2820 : vector<16xf32>
      %add3A_2867 = arith.addf %mul3A_2864, %add3A_2866 : vector<16xf32>
      %add3A_2868 = arith.addf %mul3A_2863, %add3A_2867 : vector<16xf32>
      %min3A_2869 = arith.minimumf %min3A_2801, %add3A_2868 : vector<16xf32>
      %mul3A_2870 = arith.mulf %get3A_2811, %get3A_31 : vector<16xf32>
      %mul3A_2871 = arith.mulf %get3A_2814, %get3A_55 : vector<16xf32>
      %mul3A_2872 = arith.mulf %get3A_2817, %get3A_79 : vector<16xf32>
      %add3A_2873 = arith.addf %mul3A_2872, %get3A_2820 : vector<16xf32>
      %add3A_2874 = arith.addf %mul3A_2871, %add3A_2873 : vector<16xf32>
      %add3A_2875 = arith.addf %mul3A_2870, %add3A_2874 : vector<16xf32>
      %min3A_2876 = arith.minimumf %min3A_2808, %add3A_2875 : vector<16xf32>
      %get3A_2877 = arith.constant 416 : index
      %get3A_2878 = tpu.vector_load %arg16[%get3A_2877] {strides = array<i32>} : memref<512xf32, #tpu.memory_space<vmem>>, vector<16xf32>,
      %get3A_2879 = vector.shape_cast %get3A_2878 : vector<16xf32> to vector<16xf32>
      %get3A_2880 = arith.constant 416 : index
      %get3A_2881 = tpu.vector_load %arg17[%get3A_2880] {strides = array<i32>} : memref<512xf32, #tpu.memory_space<vmem>>, vector<16xf32>,
      %get3A_2882 = vector.shape_cast %get3A_2881 : vector<16xf32> to vector<16xf32>
      %get3A_2883 = arith.constant 416 : index
      %get3A_2884 = tpu.vector_load %arg18[%get3A_2883] {strides = array<i32>} : memref<512xf32, #tpu.memory_space<vmem>>, vector<16xf32>,
      %get3A_2885 = vector.shape_cast %get3A_2884 : vector<16xf32> to vector<16xf32>
      %get3A_2886 = arith.constant 416 : index
      %get3A_2887 = tpu.vector_load %arg19[%get3A_2886] {strides = array<i32>} : memref<512xf32, #tpu.memory_space<vmem>>, vector<16xf32>,
      %get3A_2888 = vector.shape_cast %get3A_2887 : vector<16xf32> to vector<16xf32>
      %mul3A_2889 = arith.mulf %get3A_2879, %get3A_10 : vector<16xf32>
      %mul3A_2890 = arith.mulf %get3A_2882, %get3A_34 : vector<16xf32>
      %mul3A_2891 = arith.mulf %get3A_2885, %get3A_58 : vector<16xf32>
      %add3A_2892 = arith.addf %mul3A_2891, %get3A_2888 : vector<16xf32>
      %add3A_2893 = arith.addf %mul3A_2890, %add3A_2892 : vector<16xf32>
      %add3A_2894 = arith.addf %mul3A_2889, %add3A_2893 : vector<16xf32>
      %min3A_2895 = arith.minimumf %min3A_2827, %add3A_2894 : vector<16xf32>
      %mul3A_2896 = arith.mulf %get3A_2879, %get3A_13 : vector<16xf32>
      %mul3A_2897 = arith.mulf %get3A_2882, %get3A_37 : vector<16xf32>
      %mul3A_2898 = arith.mulf %get3A_2885, %get3A_61 : vector<16xf32>
      %add3A_2899 = arith.addf %mul3A_2898, %get3A_2888 : vector<16xf32>
      %add3A_2900 = arith.addf %mul3A_2897, %add3A_2899 : vector<16xf32>
      %add3A_2901 = arith.addf %mul3A_2896, %add3A_2900 : vector<16xf32>
      %min3A_2902 = arith.minimumf %min3A_2834, %add3A_2901 : vector<16xf32>
      %mul3A_2903 = arith.mulf %get3A_2879, %get3A_16 : vector<16xf32>
      %mul3A_2904 = arith.mulf %get3A_2882, %get3A_40 : vector<16xf32>
      %mul3A_2905 = arith.mulf %get3A_2885, %get3A_64 : vector<16xf32>
      %add3A_2906 = arith.addf %mul3A_2905, %get3A_2888 : vector<16xf32>
      %add3A_2907 = arith.addf %mul3A_2904, %add3A_2906 : vector<16xf32>
      %add3A_2908 = arith.addf %mul3A_2903, %add3A_2907 : vector<16xf32>
      %min3A_2909 = arith.minimumf %min3A_2841, %add3A_2908 : vector<16xf32>
      %mul3A_2910 = arith.mulf %get3A_2879, %get3A_19 : vector<16xf32>
      %mul3A_2911 = arith.mulf %get3A_2882, %get3A_43 : vector<16xf32>
      %mul3A_2912 = arith.mulf %get3A_2885, %get3A_67 : vector<16xf32>
      %add3A_2913 = arith.addf %mul3A_2912, %get3A_2888 : vector<16xf32>
      %add3A_2914 = arith.addf %mul3A_2911, %add3A_2913 : vector<16xf32>
      %add3A_2915 = arith.addf %mul3A_2910, %add3A_2914 : vector<16xf32>
      %min3A_2916 = arith.minimumf %min3A_2848, %add3A_2915 : vector<16xf32>
      %mul3A_2917 = arith.mulf %get3A_2879, %get3A_22 : vector<16xf32>
      %mul3A_2918 = arith.mulf %get3A_2882, %get3A_46 : vector<16xf32>
      %mul3A_2919 = arith.mulf %get3A_2885, %get3A_70 : vector<16xf32>
      %add3A_2920 = arith.addf %mul3A_2919, %get3A_2888 : vector<16xf32>
      %add3A_2921 = arith.addf %mul3A_2918, %add3A_2920 : vector<16xf32>
      %add3A_2922 = arith.addf %mul3A_2917, %add3A_2921 : vector<16xf32>
      %min3A_2923 = arith.minimumf %min3A_2855, %add3A_2922 : vector<16xf32>
      %mul3A_2924 = arith.mulf %get3A_2879, %get3A_25 : vector<16xf32>
      %mul3A_2925 = arith.mulf %get3A_2882, %get3A_49 : vector<16xf32>
      %mul3A_2926 = arith.mulf %get3A_2885, %get3A_73 : vector<16xf32>
      %add3A_2927 = arith.addf %mul3A_2926, %get3A_2888 : vector<16xf32>
      %add3A_2928 = arith.addf %mul3A_2925, %add3A_2927 : vector<16xf32>
      %add3A_2929 = arith.addf %mul3A_2924, %add3A_2928 : vector<16xf32>
      %min3A_2930 = arith.minimumf %min3A_2862, %add3A_2929 : vector<16xf32>
      %mul3A_2931 = arith.mulf %get3A_2879, %get3A_28 : vector<16xf32>
      %mul3A_2932 = arith.mulf %get3A_2882, %get3A_52 : vector<16xf32>
      %mul3A_2933 = arith.mulf %get3A_2885, %get3A_76 : vector<16xf32>
      %add3A_2934 = arith.addf %mul3A_2933, %get3A_2888 : vector<16xf32>
      %add3A_2935 = arith.addf %mul3A_2932, %add3A_2934 : vector<16xf32>
      %add3A_2936 = arith.addf %mul3A_2931, %add3A_2935 : vector<16xf32>
      %min3A_2937 = arith.minimumf %min3A_2869, %add3A_2936 : vector<16xf32>
      %mul3A_2938 = arith.mulf %get3A_2879, %get3A_31 : vector<16xf32>
      %mul3A_2939 = arith.mulf %get3A_2882, %get3A_55 : vector<16xf32>
      %mul3A_2940 = arith.mulf %get3A_2885, %get3A_79 : vector<16xf32>
      %add3A_2941 = arith.addf %mul3A_2940, %get3A_2888 : vector<16xf32>
      %add3A_2942 = arith.addf %mul3A_2939, %add3A_2941 : vector<16xf32>
      %add3A_2943 = arith.addf %mul3A_2938, %add3A_2942 : vector<16xf32>
      %min3A_2944 = arith.minimumf %min3A_2876, %add3A_2943 : vector<16xf32>
      %get3A_2945 = arith.constant 432 : index
      %get3A_2946 = tpu.vector_load %arg16[%get3A_2945] {strides = array<i32>} : memref<512xf32, #tpu.memory_space<vmem>>, vector<16xf32>,
      %get3A_2947 = vector.shape_cast %get3A_2946 : vector<16xf32> to vector<16xf32>
      %get3A_2948 = arith.constant 432 : index
      %get3A_2949 = tpu.vector_load %arg17[%get3A_2948] {strides = array<i32>} : memref<512xf32, #tpu.memory_space<vmem>>, vector<16xf32>,
      %get3A_2950 = vector.shape_cast %get3A_2949 : vector<16xf32> to vector<16xf32>
      %get3A_2951 = arith.constant 432 : index
      %get3A_2952 = tpu.vector_load %arg18[%get3A_2951] {strides = array<i32>} : memref<512xf32, #tpu.memory_space<vmem>>, vector<16xf32>,
      %get3A_2953 = vector.shape_cast %get3A_2952 : vector<16xf32> to vector<16xf32>
      %get3A_2954 = arith.constant 432 : index
      %get3A_2955 = tpu.vector_load %arg19[%get3A_2954] {strides = array<i32>} : memref<512xf32, #tpu.memory_space<vmem>>, vector<16xf32>,
      %get3A_2956 = vector.shape_cast %get3A_2955 : vector<16xf32> to vector<16xf32>
      %mul3A_2957 = arith.mulf %get3A_2947, %get3A_10 : vector<16xf32>
      %mul3A_2958 = arith.mulf %get3A_2950, %get3A_34 : vector<16xf32>
      %mul3A_2959 = arith.mulf %get3A_2953, %get3A_58 : vector<16xf32>
      %add3A_2960 = arith.addf %mul3A_2959, %get3A_2956 : vector<16xf32>
      %add3A_2961 = arith.addf %mul3A_2958, %add3A_2960 : vector<16xf32>
      %add3A_2962 = arith.addf %mul3A_2957, %add3A_2961 : vector<16xf32>
      %min3A_2963 = arith.minimumf %min3A_2895, %add3A_2962 : vector<16xf32>
      %mul3A_2964 = arith.mulf %get3A_2947, %get3A_13 : vector<16xf32>
      %mul3A_2965 = arith.mulf %get3A_2950, %get3A_37 : vector<16xf32>
      %mul3A_2966 = arith.mulf %get3A_2953, %get3A_61 : vector<16xf32>
      %add3A_2967 = arith.addf %mul3A_2966, %get3A_2956 : vector<16xf32>
      %add3A_2968 = arith.addf %mul3A_2965, %add3A_2967 : vector<16xf32>
      %add3A_2969 = arith.addf %mul3A_2964, %add3A_2968 : vector<16xf32>
      %min3A_2970 = arith.minimumf %min3A_2902, %add3A_2969 : vector<16xf32>
      %mul3A_2971 = arith.mulf %get3A_2947, %get3A_16 : vector<16xf32>
      %mul3A_2972 = arith.mulf %get3A_2950, %get3A_40 : vector<16xf32>
      %mul3A_2973 = arith.mulf %get3A_2953, %get3A_64 : vector<16xf32>
      %add3A_2974 = arith.addf %mul3A_2973, %get3A_2956 : vector<16xf32>
      %add3A_2975 = arith.addf %mul3A_2972, %add3A_2974 : vector<16xf32>
      %add3A_2976 = arith.addf %mul3A_2971, %add3A_2975 : vector<16xf32>
      %min3A_2977 = arith.minimumf %min3A_2909, %add3A_2976 : vector<16xf32>
      %mul3A_2978 = arith.mulf %get3A_2947, %get3A_19 : vector<16xf32>
      %mul3A_2979 = arith.mulf %get3A_2950, %get3A_43 : vector<16xf32>
      %mul3A_2980 = arith.mulf %get3A_2953, %get3A_67 : vector<16xf32>
      %add3A_2981 = arith.addf %mul3A_2980, %get3A_2956 : vector<16xf32>
      %add3A_2982 = arith.addf %mul3A_2979, %add3A_2981 : vector<16xf32>
      %add3A_2983 = arith.addf %mul3A_2978, %add3A_2982 : vector<16xf32>
      %min3A_2984 = arith.minimumf %min3A_2916, %add3A_2983 : vector<16xf32>
      %mul3A_2985 = arith.mulf %get3A_2947, %get3A_22 : vector<16xf32>
      %mul3A_2986 = arith.mulf %get3A_2950, %get3A_46 : vector<16xf32>
      %mul3A_2987 = arith.mulf %get3A_2953, %get3A_70 : vector<16xf32>
      %add3A_2988 = arith.addf %mul3A_2987, %get3A_2956 : vector<16xf32>
      %add3A_2989 = arith.addf %mul3A_2986, %add3A_2988 : vector<16xf32>
      %add3A_2990 = arith.addf %mul3A_2985, %add3A_2989 : vector<16xf32>
      %min3A_2991 = arith.minimumf %min3A_2923, %add3A_2990 : vector<16xf32>
      %mul3A_2992 = arith.mulf %get3A_2947, %get3A_25 : vector<16xf32>
      %mul3A_2993 = arith.mulf %get3A_2950, %get3A_49 : vector<16xf32>
      %mul3A_2994 = arith.mulf %get3A_2953, %get3A_73 : vector<16xf32>
      %add3A_2995 = arith.addf %mul3A_2994, %get3A_2956 : vector<16xf32>
      %add3A_2996 = arith.addf %mul3A_2993, %add3A_2995 : vector<16xf32>
      %add3A_2997 = arith.addf %mul3A_2992, %add3A_2996 : vector<16xf32>
      %min3A_2998 = arith.minimumf %min3A_2930, %add3A_2997 : vector<16xf32>
      %mul3A_2999 = arith.mulf %get3A_2947, %get3A_28 : vector<16xf32>
      %mul3A_3000 = arith.mulf %get3A_2950, %get3A_52 : vector<16xf32>
      %mul3A_3001 = arith.mulf %get3A_2953, %get3A_76 : vector<16xf32>
      %add3A_3002 = arith.addf %mul3A_3001, %get3A_2956 : vector<16xf32>
      %add3A_3003 = arith.addf %mul3A_3000, %add3A_3002 : vector<16xf32>
      %add3A_3004 = arith.addf %mul3A_2999, %add3A_3003 : vector<16xf32>
      %min3A_3005 = arith.minimumf %min3A_2937, %add3A_3004 : vector<16xf32>
      %mul3A_3006 = arith.mulf %get3A_2947, %get3A_31 : vector<16xf32>
      %mul3A_3007 = arith.mulf %get3A_2950, %get3A_55 : vector<16xf32>
      %mul3A_3008 = arith.mulf %get3A_2953, %get3A_79 : vector<16xf32>
      %add3A_3009 = arith.addf %mul3A_3008, %get3A_2956 : vector<16xf32>
      %add3A_3010 = arith.addf %mul3A_3007, %add3A_3009 : vector<16xf32>
      %add3A_3011 = arith.addf %mul3A_3006, %add3A_3010 : vector<16xf32>
      %min3A_3012 = arith.minimumf %min3A_2944, %add3A_3011 : vector<16xf32>
      %get3A_3013 = arith.constant 448 : index
      %get3A_3014 = tpu.vector_load %arg16[%get3A_3013] {strides = array<i32>} : memref<512xf32, #tpu.memory_space<vmem>>, vector<16xf32>,
      %get3A_3015 = vector.shape_cast %get3A_3014 : vector<16xf32> to vector<16xf32>
      %get3A_3016 = arith.constant 448 : index
      %get3A_3017 = tpu.vector_load %arg17[%get3A_3016] {strides = array<i32>} : memref<512xf32, #tpu.memory_space<vmem>>, vector<16xf32>,
      %get3A_3018 = vector.shape_cast %get3A_3017 : vector<16xf32> to vector<16xf32>
      %get3A_3019 = arith.constant 448 : index
      %get3A_3020 = tpu.vector_load %arg18[%get3A_3019] {strides = array<i32>} : memref<512xf32, #tpu.memory_space<vmem>>, vector<16xf32>,
      %get3A_3021 = vector.shape_cast %get3A_3020 : vector<16xf32> to vector<16xf32>
      %get3A_3022 = arith.constant 448 : index
      %get3A_3023 = tpu.vector_load %arg19[%get3A_3022] {strides = array<i32>} : memref<512xf32, #tpu.memory_space<vmem>>, vector<16xf32>,
      %get3A_3024 = vector.shape_cast %get3A_3023 : vector<16xf32> to vector<16xf32>
      %mul3A_3025 = arith.mulf %get3A_3015, %get3A_10 : vector<16xf32>
      %mul3A_3026 = arith.mulf %get3A_3018, %get3A_34 : vector<16xf32>
      %mul3A_3027 = arith.mulf %get3A_3021, %get3A_58 : vector<16xf32>
      %add3A_3028 = arith.addf %mul3A_3027, %get3A_3024 : vector<16xf32>
      %add3A_3029 = arith.addf %mul3A_3026, %add3A_3028 : vector<16xf32>
      %add3A_3030 = arith.addf %mul3A_3025, %add3A_3029 : vector<16xf32>
      %min3A_3031 = arith.minimumf %min3A_2963, %add3A_3030 : vector<16xf32>
      %mul3A_3032 = arith.mulf %get3A_3015, %get3A_13 : vector<16xf32>
      %mul3A_3033 = arith.mulf %get3A_3018, %get3A_37 : vector<16xf32>
      %mul3A_3034 = arith.mulf %get3A_3021, %get3A_61 : vector<16xf32>
      %add3A_3035 = arith.addf %mul3A_3034, %get3A_3024 : vector<16xf32>
      %add3A_3036 = arith.addf %mul3A_3033, %add3A_3035 : vector<16xf32>
      %add3A_3037 = arith.addf %mul3A_3032, %add3A_3036 : vector<16xf32>
      %min3A_3038 = arith.minimumf %min3A_2970, %add3A_3037 : vector<16xf32>
      %mul3A_3039 = arith.mulf %get3A_3015, %get3A_16 : vector<16xf32>
      %mul3A_3040 = arith.mulf %get3A_3018, %get3A_40 : vector<16xf32>
      %mul3A_3041 = arith.mulf %get3A_3021, %get3A_64 : vector<16xf32>
      %add3A_3042 = arith.addf %mul3A_3041, %get3A_3024 : vector<16xf32>
      %add3A_3043 = arith.addf %mul3A_3040, %add3A_3042 : vector<16xf32>
      %add3A_3044 = arith.addf %mul3A_3039, %add3A_3043 : vector<16xf32>
      %min3A_3045 = arith.minimumf %min3A_2977, %add3A_3044 : vector<16xf32>
      %mul3A_3046 = arith.mulf %get3A_3015, %get3A_19 : vector<16xf32>
      %mul3A_3047 = arith.mulf %get3A_3018, %get3A_43 : vector<16xf32>
      %mul3A_3048 = arith.mulf %get3A_3021, %get3A_67 : vector<16xf32>
      %add3A_3049 = arith.addf %mul3A_3048, %get3A_3024 : vector<16xf32>
      %add3A_3050 = arith.addf %mul3A_3047, %add3A_3049 : vector<16xf32>
      %add3A_3051 = arith.addf %mul3A_3046, %add3A_3050 : vector<16xf32>
      %min3A_3052 = arith.minimumf %min3A_2984, %add3A_3051 : vector<16xf32>
      %mul3A_3053 = arith.mulf %get3A_3015, %get3A_22 : vector<16xf32>
      %mul3A_3054 = arith.mulf %get3A_3018, %get3A_46 : vector<16xf32>
      %mul3A_3055 = arith.mulf %get3A_3021, %get3A_70 : vector<16xf32>
      %add3A_3056 = arith.addf %mul3A_3055, %get3A_3024 : vector<16xf32>
      %add3A_3057 = arith.addf %mul3A_3054, %add3A_3056 : vector<16xf32>
      %add3A_3058 = arith.addf %mul3A_3053, %add3A_3057 : vector<16xf32>
      %min3A_3059 = arith.minimumf %min3A_2991, %add3A_3058 : vector<16xf32>
      %mul3A_3060 = arith.mulf %get3A_3015, %get3A_25 : vector<16xf32>
      %mul3A_3061 = arith.mulf %get3A_3018, %get3A_49 : vector<16xf32>
      %mul3A_3062 = arith.mulf %get3A_3021, %get3A_73 : vector<16xf32>
      %add3A_3063 = arith.addf %mul3A_3062, %get3A_3024 : vector<16xf32>
      %add3A_3064 = arith.addf %mul3A_3061, %add3A_3063 : vector<16xf32>
      %add3A_3065 = arith.addf %mul3A_3060, %add3A_3064 : vector<16xf32>
      %min3A_3066 = arith.minimumf %min3A_2998, %add3A_3065 : vector<16xf32>
      %mul3A_3067 = arith.mulf %get3A_3015, %get3A_28 : vector<16xf32>
      %mul3A_3068 = arith.mulf %get3A_3018, %get3A_52 : vector<16xf32>
      %mul3A_3069 = arith.mulf %get3A_3021, %get3A_76 : vector<16xf32>
      %add3A_3070 = arith.addf %mul3A_3069, %get3A_3024 : vector<16xf32>
      %add3A_3071 = arith.addf %mul3A_3068, %add3A_3070 : vector<16xf32>
      %add3A_3072 = arith.addf %mul3A_3067, %add3A_3071 : vector<16xf32>
      %min3A_3073 = arith.minimumf %min3A_3005, %add3A_3072 : vector<16xf32>
      %mul3A_3074 = arith.mulf %get3A_3015, %get3A_31 : vector<16xf32>
      %mul3A_3075 = arith.mulf %get3A_3018, %get3A_55 : vector<16xf32>
      %mul3A_3076 = arith.mulf %get3A_3021, %get3A_79 : vector<16xf32>
      %add3A_3077 = arith.addf %mul3A_3076, %get3A_3024 : vector<16xf32>
      %add3A_3078 = arith.addf %mul3A_3075, %add3A_3077 : vector<16xf32>
      %add3A_3079 = arith.addf %mul3A_3074, %add3A_3078 : vector<16xf32>
      %min3A_3080 = arith.minimumf %min3A_3012, %add3A_3079 : vector<16xf32>
      %get3A_3081 = arith.constant 464 : index
      %get3A_3082 = tpu.vector_load %arg16[%get3A_3081] {strides = array<i32>} : memref<512xf32, #tpu.memory_space<vmem>>, vector<16xf32>,
      %get3A_3083 = vector.shape_cast %get3A_3082 : vector<16xf32> to vector<16xf32>
      %get3A_3084 = arith.constant 464 : index
      %get3A_3085 = tpu.vector_load %arg17[%get3A_3084] {strides = array<i32>} : memref<512xf32, #tpu.memory_space<vmem>>, vector<16xf32>,
      %get3A_3086 = vector.shape_cast %get3A_3085 : vector<16xf32> to vector<16xf32>
      %get3A_3087 = arith.constant 464 : index
      %get3A_3088 = tpu.vector_load %arg18[%get3A_3087] {strides = array<i32>} : memref<512xf32, #tpu.memory_space<vmem>>, vector<16xf32>,
      %get3A_3089 = vector.shape_cast %get3A_3088 : vector<16xf32> to vector<16xf32>
      %get3A_3090 = arith.constant 464 : index
      %get3A_3091 = tpu.vector_load %arg19[%get3A_3090] {strides = array<i32>} : memref<512xf32, #tpu.memory_space<vmem>>, vector<16xf32>,
      %get3A_3092 = vector.shape_cast %get3A_3091 : vector<16xf32> to vector<16xf32>
      %mul3A_3093 = arith.mulf %get3A_3083, %get3A_10 : vector<16xf32>
      %mul3A_3094 = arith.mulf %get3A_3086, %get3A_34 : vector<16xf32>
      %mul3A_3095 = arith.mulf %get3A_3089, %get3A_58 : vector<16xf32>
      %add3A_3096 = arith.addf %mul3A_3095, %get3A_3092 : vector<16xf32>
      %add3A_3097 = arith.addf %mul3A_3094, %add3A_3096 : vector<16xf32>
      %add3A_3098 = arith.addf %mul3A_3093, %add3A_3097 : vector<16xf32>
      %min3A_3099 = arith.minimumf %min3A_3031, %add3A_3098 : vector<16xf32>
      %mul3A_3100 = arith.mulf %get3A_3083, %get3A_13 : vector<16xf32>
      %mul3A_3101 = arith.mulf %get3A_3086, %get3A_37 : vector<16xf32>
      %mul3A_3102 = arith.mulf %get3A_3089, %get3A_61 : vector<16xf32>
      %add3A_3103 = arith.addf %mul3A_3102, %get3A_3092 : vector<16xf32>
      %add3A_3104 = arith.addf %mul3A_3101, %add3A_3103 : vector<16xf32>
      %add3A_3105 = arith.addf %mul3A_3100, %add3A_3104 : vector<16xf32>
      %min3A_3106 = arith.minimumf %min3A_3038, %add3A_3105 : vector<16xf32>
      %mul3A_3107 = arith.mulf %get3A_3083, %get3A_16 : vector<16xf32>
      %mul3A_3108 = arith.mulf %get3A_3086, %get3A_40 : vector<16xf32>
      %mul3A_3109 = arith.mulf %get3A_3089, %get3A_64 : vector<16xf32>
      %add3A_3110 = arith.addf %mul3A_3109, %get3A_3092 : vector<16xf32>
      %add3A_3111 = arith.addf %mul3A_3108, %add3A_3110 : vector<16xf32>
      %add3A_3112 = arith.addf %mul3A_3107, %add3A_3111 : vector<16xf32>
      %min3A_3113 = arith.minimumf %min3A_3045, %add3A_3112 : vector<16xf32>
      %mul3A_3114 = arith.mulf %get3A_3083, %get3A_19 : vector<16xf32>
      %mul3A_3115 = arith.mulf %get3A_3086, %get3A_43 : vector<16xf32>
      %mul3A_3116 = arith.mulf %get3A_3089, %get3A_67 : vector<16xf32>
      %add3A_3117 = arith.addf %mul3A_3116, %get3A_3092 : vector<16xf32>
      %add3A_3118 = arith.addf %mul3A_3115, %add3A_3117 : vector<16xf32>
      %add3A_3119 = arith.addf %mul3A_3114, %add3A_3118 : vector<16xf32>
      %min3A_3120 = arith.minimumf %min3A_3052, %add3A_3119 : vector<16xf32>
      %mul3A_3121 = arith.mulf %get3A_3083, %get3A_22 : vector<16xf32>
      %mul3A_3122 = arith.mulf %get3A_3086, %get3A_46 : vector<16xf32>
      %mul3A_3123 = arith.mulf %get3A_3089, %get3A_70 : vector<16xf32>
      %add3A_3124 = arith.addf %mul3A_3123, %get3A_3092 : vector<16xf32>
      %add3A_3125 = arith.addf %mul3A_3122, %add3A_3124 : vector<16xf32>
      %add3A_3126 = arith.addf %mul3A_3121, %add3A_3125 : vector<16xf32>
      %min3A_3127 = arith.minimumf %min3A_3059, %add3A_3126 : vector<16xf32>
      %mul3A_3128 = arith.mulf %get3A_3083, %get3A_25 : vector<16xf32>
      %mul3A_3129 = arith.mulf %get3A_3086, %get3A_49 : vector<16xf32>
      %mul3A_3130 = arith.mulf %get3A_3089, %get3A_73 : vector<16xf32>
      %add3A_3131 = arith.addf %mul3A_3130, %get3A_3092 : vector<16xf32>
      %add3A_3132 = arith.addf %mul3A_3129, %add3A_3131 : vector<16xf32>
      %add3A_3133 = arith.addf %mul3A_3128, %add3A_3132 : vector<16xf32>
      %min3A_3134 = arith.minimumf %min3A_3066, %add3A_3133 : vector<16xf32>
      %mul3A_3135 = arith.mulf %get3A_3083, %get3A_28 : vector<16xf32>
      %mul3A_3136 = arith.mulf %get3A_3086, %get3A_52 : vector<16xf32>
      %mul3A_3137 = arith.mulf %get3A_3089, %get3A_76 : vector<16xf32>
      %add3A_3138 = arith.addf %mul3A_3137, %get3A_3092 : vector<16xf32>
      %add3A_3139 = arith.addf %mul3A_3136, %add3A_3138 : vector<16xf32>
      %add3A_3140 = arith.addf %mul3A_3135, %add3A_3139 : vector<16xf32>
      %min3A_3141 = arith.minimumf %min3A_3073, %add3A_3140 : vector<16xf32>
      %mul3A_3142 = arith.mulf %get3A_3083, %get3A_31 : vector<16xf32>
      %mul3A_3143 = arith.mulf %get3A_3086, %get3A_55 : vector<16xf32>
      %mul3A_3144 = arith.mulf %get3A_3089, %get3A_79 : vector<16xf32>
      %add3A_3145 = arith.addf %mul3A_3144, %get3A_3092 : vector<16xf32>
      %add3A_3146 = arith.addf %mul3A_3143, %add3A_3145 : vector<16xf32>
      %add3A_3147 = arith.addf %mul3A_3142, %add3A_3146 : vector<16xf32>
      %min3A_3148 = arith.minimumf %min3A_3080, %add3A_3147 : vector<16xf32>
      %get3A_3149 = arith.constant 480 : index
      %get3A_3150 = tpu.vector_load %arg16[%get3A_3149] {strides = array<i32>} : memref<512xf32, #tpu.memory_space<vmem>>, vector<16xf32>,
      %get3A_3151 = vector.shape_cast %get3A_3150 : vector<16xf32> to vector<16xf32>
      %get3A_3152 = arith.constant 480 : index
      %get3A_3153 = tpu.vector_load %arg17[%get3A_3152] {strides = array<i32>} : memref<512xf32, #tpu.memory_space<vmem>>, vector<16xf32>,
      %get3A_3154 = vector.shape_cast %get3A_3153 : vector<16xf32> to vector<16xf32>
      %get3A_3155 = arith.constant 480 : index
      %get3A_3156 = tpu.vector_load %arg18[%get3A_3155] {strides = array<i32>} : memref<512xf32, #tpu.memory_space<vmem>>, vector<16xf32>,
      %get3A_3157 = vector.shape_cast %get3A_3156 : vector<16xf32> to vector<16xf32>
      %get3A_3158 = arith.constant 480 : index
      %get3A_3159 = tpu.vector_load %arg19[%get3A_3158] {strides = array<i32>} : memref<512xf32, #tpu.memory_space<vmem>>, vector<16xf32>,
      %get3A_3160 = vector.shape_cast %get3A_3159 : vector<16xf32> to vector<16xf32>
      %mul3A_3161 = arith.mulf %get3A_3151, %get3A_10 : vector<16xf32>
      %mul3A_3162 = arith.mulf %get3A_3154, %get3A_34 : vector<16xf32>
      %mul3A_3163 = arith.mulf %get3A_3157, %get3A_58 : vector<16xf32>
      %add3A_3164 = arith.addf %mul3A_3163, %get3A_3160 : vector<16xf32>
      %add3A_3165 = arith.addf %mul3A_3162, %add3A_3164 : vector<16xf32>
      %add3A_3166 = arith.addf %mul3A_3161, %add3A_3165 : vector<16xf32>
      %min3A_3167 = arith.minimumf %min3A_3099, %add3A_3166 : vector<16xf32>
      %mul3A_3168 = arith.mulf %get3A_3151, %get3A_13 : vector<16xf32>
      %mul3A_3169 = arith.mulf %get3A_3154, %get3A_37 : vector<16xf32>
      %mul3A_3170 = arith.mulf %get3A_3157, %get3A_61 : vector<16xf32>
      %add3A_3171 = arith.addf %mul3A_3170, %get3A_3160 : vector<16xf32>
      %add3A_3172 = arith.addf %mul3A_3169, %add3A_3171 : vector<16xf32>
      %add3A_3173 = arith.addf %mul3A_3168, %add3A_3172 : vector<16xf32>
      %min3A_3174 = arith.minimumf %min3A_3106, %add3A_3173 : vector<16xf32>
      %mul3A_3175 = arith.mulf %get3A_3151, %get3A_16 : vector<16xf32>
      %mul3A_3176 = arith.mulf %get3A_3154, %get3A_40 : vector<16xf32>
      %mul3A_3177 = arith.mulf %get3A_3157, %get3A_64 : vector<16xf32>
      %add3A_3178 = arith.addf %mul3A_3177, %get3A_3160 : vector<16xf32>
      %add3A_3179 = arith.addf %mul3A_3176, %add3A_3178 : vector<16xf32>
      %add3A_3180 = arith.addf %mul3A_3175, %add3A_3179 : vector<16xf32>
      %min3A_3181 = arith.minimumf %min3A_3113, %add3A_3180 : vector<16xf32>
      %mul3A_3182 = arith.mulf %get3A_3151, %get3A_19 : vector<16xf32>
      %mul3A_3183 = arith.mulf %get3A_3154, %get3A_43 : vector<16xf32>
      %mul3A_3184 = arith.mulf %get3A_3157, %get3A_67 : vector<16xf32>
      %add3A_3185 = arith.addf %mul3A_3184, %get3A_3160 : vector<16xf32>
      %add3A_3186 = arith.addf %mul3A_3183, %add3A_3185 : vector<16xf32>
      %add3A_3187 = arith.addf %mul3A_3182, %add3A_3186 : vector<16xf32>
      %min3A_3188 = arith.minimumf %min3A_3120, %add3A_3187 : vector<16xf32>
      %mul3A_3189 = arith.mulf %get3A_3151, %get3A_22 : vector<16xf32>
      %mul3A_3190 = arith.mulf %get3A_3154, %get3A_46 : vector<16xf32>
      %mul3A_3191 = arith.mulf %get3A_3157, %get3A_70 : vector<16xf32>
      %add3A_3192 = arith.addf %mul3A_3191, %get3A_3160 : vector<16xf32>
      %add3A_3193 = arith.addf %mul3A_3190, %add3A_3192 : vector<16xf32>
      %add3A_3194 = arith.addf %mul3A_3189, %add3A_3193 : vector<16xf32>
      %min3A_3195 = arith.minimumf %min3A_3127, %add3A_3194 : vector<16xf32>
      %mul3A_3196 = arith.mulf %get3A_3151, %get3A_25 : vector<16xf32>
      %mul3A_3197 = arith.mulf %get3A_3154, %get3A_49 : vector<16xf32>
      %mul3A_3198 = arith.mulf %get3A_3157, %get3A_73 : vector<16xf32>
      %add3A_3199 = arith.addf %mul3A_3198, %get3A_3160 : vector<16xf32>
      %add3A_3200 = arith.addf %mul3A_3197, %add3A_3199 : vector<16xf32>
      %add3A_3201 = arith.addf %mul3A_3196, %add3A_3200 : vector<16xf32>
      %min3A_3202 = arith.minimumf %min3A_3134, %add3A_3201 : vector<16xf32>
      %mul3A_3203 = arith.mulf %get3A_3151, %get3A_28 : vector<16xf32>
      %mul3A_3204 = arith.mulf %get3A_3154, %get3A_52 : vector<16xf32>
      %mul3A_3205 = arith.mulf %get3A_3157, %get3A_76 : vector<16xf32>
      %add3A_3206 = arith.addf %mul3A_3205, %get3A_3160 : vector<16xf32>
      %add3A_3207 = arith.addf %mul3A_3204, %add3A_3206 : vector<16xf32>
      %add3A_3208 = arith.addf %mul3A_3203, %add3A_3207 : vector<16xf32>
      %min3A_3209 = arith.minimumf %min3A_3141, %add3A_3208 : vector<16xf32>
      %mul3A_3210 = arith.mulf %get3A_3151, %get3A_31 : vector<16xf32>
      %mul3A_3211 = arith.mulf %get3A_3154, %get3A_55 : vector<16xf32>
      %mul3A_3212 = arith.mulf %get3A_3157, %get3A_79 : vector<16xf32>
      %add3A_3213 = arith.addf %mul3A_3212, %get3A_3160 : vector<16xf32>
      %add3A_3214 = arith.addf %mul3A_3211, %add3A_3213 : vector<16xf32>
      %add3A_3215 = arith.addf %mul3A_3210, %add3A_3214 : vector<16xf32>
      %min3A_3216 = arith.minimumf %min3A_3148, %add3A_3215 : vector<16xf32>
      %get3A_3217 = arith.constant 496 : index
      %get3A_3218 = tpu.vector_load %arg16[%get3A_3217] {strides = array<i32>} : memref<512xf32, #tpu.memory_space<vmem>>, vector<16xf32>,
      %get3A_3219 = vector.shape_cast %get3A_3218 : vector<16xf32> to vector<16xf32>
      %get3A_3220 = arith.constant 496 : index
      %get3A_3221 = tpu.vector_load %arg17[%get3A_3220] {strides = array<i32>} : memref<512xf32, #tpu.memory_space<vmem>>, vector<16xf32>,
      %get3A_3222 = vector.shape_cast %get3A_3221 : vector<16xf32> to vector<16xf32>
      %get3A_3223 = arith.constant 496 : index
      %get3A_3224 = tpu.vector_load %arg18[%get3A_3223] {strides = array<i32>} : memref<512xf32, #tpu.memory_space<vmem>>, vector<16xf32>,
      %get3A_3225 = vector.shape_cast %get3A_3224 : vector<16xf32> to vector<16xf32>
      %get3A_3226 = arith.constant 496 : index
      %get3A_3227 = tpu.vector_load %arg19[%get3A_3226] {strides = array<i32>} : memref<512xf32, #tpu.memory_space<vmem>>, vector<16xf32>,
      %get3A_3228 = vector.shape_cast %get3A_3227 : vector<16xf32> to vector<16xf32>
      %mul3A_3229 = arith.mulf %get3A_3219, %get3A_10 : vector<16xf32>
      %mul3A_3230 = arith.mulf %get3A_3222, %get3A_34 : vector<16xf32>
      %mul3A_3231 = arith.mulf %get3A_3225, %get3A_58 : vector<16xf32>
      %add3A_3232 = arith.addf %mul3A_3231, %get3A_3228 : vector<16xf32>
      %add3A_3233 = arith.addf %mul3A_3230, %add3A_3232 : vector<16xf32>
      %add3A_3234 = arith.addf %mul3A_3229, %add3A_3233 : vector<16xf32>
      %min3A_3235 = arith.minimumf %min3A_3167, %add3A_3234 : vector<16xf32>
      %mul3A_3236 = arith.mulf %get3A_3219, %get3A_13 : vector<16xf32>
      %mul3A_3237 = arith.mulf %get3A_3222, %get3A_37 : vector<16xf32>
      %mul3A_3238 = arith.mulf %get3A_3225, %get3A_61 : vector<16xf32>
      %add3A_3239 = arith.addf %mul3A_3238, %get3A_3228 : vector<16xf32>
      %add3A_3240 = arith.addf %mul3A_3237, %add3A_3239 : vector<16xf32>
      %add3A_3241 = arith.addf %mul3A_3236, %add3A_3240 : vector<16xf32>
      %min3A_3242 = arith.minimumf %min3A_3174, %add3A_3241 : vector<16xf32>
      %mul3A_3243 = arith.mulf %get3A_3219, %get3A_16 : vector<16xf32>
      %mul3A_3244 = arith.mulf %get3A_3222, %get3A_40 : vector<16xf32>
      %mul3A_3245 = arith.mulf %get3A_3225, %get3A_64 : vector<16xf32>
      %add3A_3246 = arith.addf %mul3A_3245, %get3A_3228 : vector<16xf32>
      %add3A_3247 = arith.addf %mul3A_3244, %add3A_3246 : vector<16xf32>
      %add3A_3248 = arith.addf %mul3A_3243, %add3A_3247 : vector<16xf32>
      %min3A_3249 = arith.minimumf %min3A_3181, %add3A_3248 : vector<16xf32>
      %mul3A_3250 = arith.mulf %get3A_3219, %get3A_19 : vector<16xf32>
      %mul3A_3251 = arith.mulf %get3A_3222, %get3A_43 : vector<16xf32>
      %mul3A_3252 = arith.mulf %get3A_3225, %get3A_67 : vector<16xf32>
      %add3A_3253 = arith.addf %mul3A_3252, %get3A_3228 : vector<16xf32>
      %add3A_3254 = arith.addf %mul3A_3251, %add3A_3253 : vector<16xf32>
      %add3A_3255 = arith.addf %mul3A_3250, %add3A_3254 : vector<16xf32>
      %min3A_3256 = arith.minimumf %min3A_3188, %add3A_3255 : vector<16xf32>
      %mul3A_3257 = arith.mulf %get3A_3219, %get3A_22 : vector<16xf32>
      %mul3A_3258 = arith.mulf %get3A_3222, %get3A_46 : vector<16xf32>
      %mul3A_3259 = arith.mulf %get3A_3225, %get3A_70 : vector<16xf32>
      %add3A_3260 = arith.addf %mul3A_3259, %get3A_3228 : vector<16xf32>
      %add3A_3261 = arith.addf %mul3A_3258, %add3A_3260 : vector<16xf32>
      %add3A_3262 = arith.addf %mul3A_3257, %add3A_3261 : vector<16xf32>
      %min3A_3263 = arith.minimumf %min3A_3195, %add3A_3262 : vector<16xf32>
      %mul3A_3264 = arith.mulf %get3A_3219, %get3A_25 : vector<16xf32>
      %mul3A_3265 = arith.mulf %get3A_3222, %get3A_49 : vector<16xf32>
      %mul3A_3266 = arith.mulf %get3A_3225, %get3A_73 : vector<16xf32>
      %add3A_3267 = arith.addf %mul3A_3266, %get3A_3228 : vector<16xf32>
      %add3A_3268 = arith.addf %mul3A_3265, %add3A_3267 : vector<16xf32>
      %add3A_3269 = arith.addf %mul3A_3264, %add3A_3268 : vector<16xf32>
      %min3A_3270 = arith.minimumf %min3A_3202, %add3A_3269 : vector<16xf32>
      %mul3A_3271 = arith.mulf %get3A_3219, %get3A_28 : vector<16xf32>
      %mul3A_3272 = arith.mulf %get3A_3222, %get3A_52 : vector<16xf32>
      %mul3A_3273 = arith.mulf %get3A_3225, %get3A_76 : vector<16xf32>
      %add3A_3274 = arith.addf %mul3A_3273, %get3A_3228 : vector<16xf32>
      %add3A_3275 = arith.addf %mul3A_3272, %add3A_3274 : vector<16xf32>
      %add3A_3276 = arith.addf %mul3A_3271, %add3A_3275 : vector<16xf32>
      %min3A_3277 = arith.minimumf %min3A_3209, %add3A_3276 : vector<16xf32>
      %mul3A_3278 = arith.mulf %get3A_3219, %get3A_31 : vector<16xf32>
      %mul3A_3279 = arith.mulf %get3A_3222, %get3A_55 : vector<16xf32>
      %mul3A_3280 = arith.mulf %get3A_3225, %get3A_79 : vector<16xf32>
      %add3A_3281 = arith.addf %mul3A_3280, %get3A_3228 : vector<16xf32>
      %add3A_3282 = arith.addf %mul3A_3279, %add3A_3281 : vector<16xf32>
      %add3A_3283 = arith.addf %mul3A_3278, %add3A_3282 : vector<16xf32>
      %min3A_3284 = arith.minimumf %min3A_3216, %add3A_3283 : vector<16xf32>
      scf.yield %min3A_3235, %min3A_3242, %min3A_3249, %min3A_3256, %min3A_3263, %min3A_3270, %min3A_3277, %min3A_3284 : vector<16xf32>, vector<16xf32>, vector<16xf32>, vector<16xf32>, vector<16xf32>, vector<16xf32>, vector<16xf32>, vector<16xf32>
    }
    %scan3A_85 = arith.constant 64 : i32
    %mul3A_86 = arith.mulf %get3A_10, %get3A_10 : vector<16xf32>
    %mul3A_87 = arith.mulf %get3A_34, %get3A_34 : vector<16xf32>
    %add3A_88 = arith.addf %mul3A_86, %mul3A_87 : vector<16xf32>
    %mul3A_89 = arith.mulf %get3A_58, %get3A_58 : vector<16xf32>
    %add3A_90 = arith.addf %add3A_88, %mul3A_89 : vector<16xf32>
    %add3A_91 = arith.addf %scan3A_84#0, %add3A_90 : vector<16xf32>
    %swap3A = arith.constant 0 : index
    %swap3A_92 = tpu.vector_load %arg20[%swap3A] {strides = array<i32>} : memref<128xf32, #tpu.memory_space<vmem>>, vector<16xf32>,
    %swap3A_93 = vector.shape_cast %swap3A_92 : vector<16xf32> to vector<16xf32>
    %swap3A_94 = vector.shape_cast %add3A_91 : vector<16xf32> to vector<16xf32>
    tpu.vector_store %arg20[%swap3A], %swap3A_94 {strides = array<i32>} : memref<128xf32, #tpu.memory_space<vmem>>, vector<16xf32>,
    %mul3A_95 = arith.mulf %get3A_13, %get3A_13 : vector<16xf32>
    %mul3A_96 = arith.mulf %get3A_37, %get3A_37 : vector<16xf32>
    %add3A_97 = arith.addf %mul3A_95, %mul3A_96 : vector<16xf32>
    %mul3A_98 = arith.mulf %get3A_61, %get3A_61 : vector<16xf32>
    %add3A_99 = arith.addf %add3A_97, %mul3A_98 : vector<16xf32>
    %add3A_100 = arith.addf %scan3A_84#1, %add3A_99 : vector<16xf32>
    %swap3A_101 = arith.constant 16 : index
    %swap3A_102 = tpu.vector_load %arg20[%swap3A_101] {strides = array<i32>} : memref<128xf32, #tpu.memory_space<vmem>>, vector<16xf32>,
    %swap3A_103 = vector.shape_cast %swap3A_102 : vector<16xf32> to vector<16xf32>
    %swap3A_104 = vector.shape_cast %add3A_100 : vector<16xf32> to vector<16xf32>
    tpu.vector_store %arg20[%swap3A_101], %swap3A_104 {strides = array<i32>} : memref<128xf32, #tpu.memory_space<vmem>>, vector<16xf32>,
    %mul3A_105 = arith.mulf %get3A_16, %get3A_16 : vector<16xf32>
    %mul3A_106 = arith.mulf %get3A_40, %get3A_40 : vector<16xf32>
    %add3A_107 = arith.addf %mul3A_105, %mul3A_106 : vector<16xf32>
    %mul3A_108 = arith.mulf %get3A_64, %get3A_64 : vector<16xf32>
    %add3A_109 = arith.addf %add3A_107, %mul3A_108 : vector<16xf32>
    %add3A_110 = arith.addf %scan3A_84#2, %add3A_109 : vector<16xf32>
    %swap3A_111 = arith.constant 32 : index
    %swap3A_112 = tpu.vector_load %arg20[%swap3A_111] {strides = array<i32>} : memref<128xf32, #tpu.memory_space<vmem>>, vector<16xf32>,
    %swap3A_113 = vector.shape_cast %swap3A_112 : vector<16xf32> to vector<16xf32>
    %swap3A_114 = vector.shape_cast %add3A_110 : vector<16xf32> to vector<16xf32>
    tpu.vector_store %arg20[%swap3A_111], %swap3A_114 {strides = array<i32>} : memref<128xf32, #tpu.memory_space<vmem>>, vector<16xf32>,
    %mul3A_115 = arith.mulf %get3A_19, %get3A_19 : vector<16xf32>
    %mul3A_116 = arith.mulf %get3A_43, %get3A_43 : vector<16xf32>
    %add3A_117 = arith.addf %mul3A_115, %mul3A_116 : vector<16xf32>
    %mul3A_118 = arith.mulf %get3A_67, %get3A_67 : vector<16xf32>
    %add3A_119 = arith.addf %add3A_117, %mul3A_118 : vector<16xf32>
    %add3A_120 = arith.addf %scan3A_84#3, %add3A_119 : vector<16xf32>
    %swap3A_121 = arith.constant 48 : index
    %swap3A_122 = tpu.vector_load %arg20[%swap3A_121] {strides = array<i32>} : memref<128xf32, #tpu.memory_space<vmem>>, vector<16xf32>,
    %swap3A_123 = vector.shape_cast %swap3A_122 : vector<16xf32> to vector<16xf32>
    %swap3A_124 = vector.shape_cast %add3A_120 : vector<16xf32> to vector<16xf32>
    tpu.vector_store %arg20[%swap3A_121], %swap3A_124 {strides = array<i32>} : memref<128xf32, #tpu.memory_space<vmem>>, vector<16xf32>,
    %mul3A_125 = arith.mulf %get3A_22, %get3A_22 : vector<16xf32>
    %mul3A_126 = arith.mulf %get3A_46, %get3A_46 : vector<16xf32>
    %add3A_127 = arith.addf %mul3A_125, %mul3A_126 : vector<16xf32>
    %mul3A_128 = arith.mulf %get3A_70, %get3A_70 : vector<16xf32>
    %add3A_129 = arith.addf %add3A_127, %mul3A_128 : vector<16xf32>
    %add3A_130 = arith.addf %scan3A_84#4, %add3A_129 : vector<16xf32>
    %swap3A_131 = arith.constant 64 : index
    %swap3A_132 = tpu.vector_load %arg20[%swap3A_131] {strides = array<i32>} : memref<128xf32, #tpu.memory_space<vmem>>, vector<16xf32>,
    %swap3A_133 = vector.shape_cast %swap3A_132 : vector<16xf32> to vector<16xf32>
    %swap3A_134 = vector.shape_cast %add3A_130 : vector<16xf32> to vector<16xf32>
    tpu.vector_store %arg20[%swap3A_131], %swap3A_134 {strides = array<i32>} : memref<128xf32, #tpu.memory_space<vmem>>, vector<16xf32>,
    %mul3A_135 = arith.mulf %get3A_25, %get3A_25 : vector<16xf32>
    %mul3A_136 = arith.mulf %get3A_49, %get3A_49 : vector<16xf32>
    %add3A_137 = arith.addf %mul3A_135, %mul3A_136 : vector<16xf32>
    %mul3A_138 = arith.mulf %get3A_73, %get3A_73 : vector<16xf32>
    %add3A_139 = arith.addf %add3A_137, %mul3A_138 : vector<16xf32>
    %add3A_140 = arith.addf %scan3A_84#5, %add3A_139 : vector<16xf32>
    %swap3A_141 = arith.constant 80 : index
    %swap3A_142 = tpu.vector_load %arg20[%swap3A_141] {strides = array<i32>} : memref<128xf32, #tpu.memory_space<vmem>>, vector<16xf32>,
    %swap3A_143 = vector.shape_cast %swap3A_142 : vector<16xf32> to vector<16xf32>
    %swap3A_144 = vector.shape_cast %add3A_140 : vector<16xf32> to vector<16xf32>
    tpu.vector_store %arg20[%swap3A_141], %swap3A_144 {strides = array<i32>} : memref<128xf32, #tpu.memory_space<vmem>>, vector<16xf32>,
    %mul3A_145 = arith.mulf %get3A_28, %get3A_28 : vector<16xf32>
    %mul3A_146 = arith.mulf %get3A_52, %get3A_52 : vector<16xf32>
    %add3A_147 = arith.addf %mul3A_145, %mul3A_146 : vector<16xf32>
    %mul3A_148 = arith.mulf %get3A_76, %get3A_76 : vector<16xf32>
    %add3A_149 = arith.addf %add3A_147, %mul3A_148 : vector<16xf32>
    %add3A_150 = arith.addf %scan3A_84#6, %add3A_149 : vector<16xf32>
    %swap3A_151 = arith.constant 96 : index
    %swap3A_152 = tpu.vector_load %arg20[%swap3A_151] {strides = array<i32>} : memref<128xf32, #tpu.memory_space<vmem>>, vector<16xf32>,
    %swap3A_153 = vector.shape_cast %swap3A_152 : vector<16xf32> to vector<16xf32>
    %swap3A_154 = vector.shape_cast %add3A_150 : vector<16xf32> to vector<16xf32>
    tpu.vector_store %arg20[%swap3A_151], %swap3A_154 {strides = array<i32>} : memref<128xf32, #tpu.memory_space<vmem>>, vector<16xf32>,
    %mul3A_155 = arith.mulf %get3A_31, %get3A_31 : vector<16xf32>
    %mul3A_156 = arith.mulf %get3A_55, %get3A_55 : vector<16xf32>
    %add3A_157 = arith.addf %mul3A_155, %mul3A_156 : vector<16xf32>
    %mul3A_158 = arith.mulf %get3A_79, %get3A_79 : vector<16xf32>
    %add3A_159 = arith.addf %add3A_157, %mul3A_158 : vector<16xf32>
    %add3A_160 = arith.addf %scan3A_84#7, %add3A_159 : vector<16xf32>
    %swap3A_161 = arith.constant 112 : index
    %swap3A_162 = tpu.vector_load %arg20[%swap3A_161] {strides = array<i32>} : memref<128xf32, #tpu.memory_space<vmem>>, vector<16xf32>,
    %swap3A_163 = vector.shape_cast %swap3A_162 : vector<16xf32> to vector<16xf32>
    %swap3A_164 = vector.shape_cast %add3A_160 : vector<16xf32> to vector<16xf32>
    tpu.vector_store %arg20[%swap3A_161], %swap3A_164 {strides = array<i32>} : memref<128xf32, #tpu.memory_space<vmem>>, vector<16xf32>,
    "tpu.region"() ({
      %run_scoped3A = tpu.sem_alloc : memref<!tpu.dma_semaphore, #tpu.memory_space<semaphore_mem>>
      %dma_start3A = arith.constant 0 : i32
      %dma_start3A_165 = tpu.memref_slice %arg8[%add3A, %dma_start3A] : memref<32x128xf32, #tpu.memory_space<hbm>> -> memref<1x128xf32, #tpu.memory_space<hbm>>
      %dma_start3A_166 = tpu.memref_squeeze %dma_start3A_165 : memref<1x128xf32, #tpu.memory_space<hbm>> -> memref<128xf32, #tpu.memory_space<hbm>>
      %dma_start3A_167 = arith.constant 0 : i32
      %dma_start3A_168 = tpu.memref_slice %arg8[%add3A, %dma_start3A_167] : memref<32x128xf32, #tpu.memory_space<hbm>> -> memref<1x128xf32, #tpu.memory_space<hbm>>
      %dma_start3A_169 = tpu.memref_squeeze %dma_start3A_168 : memref<1x128xf32, #tpu.memory_space<hbm>> -> memref<128xf32, #tpu.memory_space<hbm>>
      tpu.enqueue_dma source(%arg20 : memref<128xf32, #tpu.memory_space<vmem>>) target(%dma_start3A_169 : memref<128xf32, #tpu.memory_space<hbm>>) target_semaphore(%run_scoped3A : memref<!tpu.dma_semaphore, #tpu.memory_space<semaphore_mem>>)
      %dma_wait3A = arith.constant 0 : i32
      %dma_wait3A_170 = tpu.memref_slice %arg8[%add3A, %dma_wait3A] : memref<32x128xf32, #tpu.memory_space<hbm>> -> memref<1x128xf32, #tpu.memory_space<hbm>>
      %dma_wait3A_171 = tpu.memref_squeeze %dma_wait3A_170 : memref<1x128xf32, #tpu.memory_space<hbm>> -> memref<128xf32, #tpu.memory_space<hbm>>
      %dma_wait3A_172 = arith.constant 0 : i32
      %dma_wait3A_173 = tpu.memref_slice %arg8[%add3A, %dma_wait3A_172] : memref<32x128xf32, #tpu.memory_space<hbm>> -> memref<1x128xf32, #tpu.memory_space<hbm>>
      %dma_wait3A_174 = tpu.memref_squeeze %dma_wait3A_173 : memref<1x128xf32, #tpu.memory_space<hbm>> -> memref<128xf32, #tpu.memory_space<hbm>>
      tpu.wait_dma2 semaphore(%run_scoped3A : memref<!tpu.dma_semaphore, #tpu.memory_space<semaphore_mem>>) src(%arg20 : memref<128xf32, #tpu.memory_space<vmem>>) dst(%dma_wait3A_174 : memref<128xf32, #tpu.memory_space<hbm>>)
      tpu.yield
    }) : () -> ()
    return
  }
}

module attributes {stable_mosaic.version = 14 : i64} {
  func.func @_tc_body(%arg0: i32, %arg1: i32, %arg2: memref<512x1xf32, #tpu.memory_space<vmem>>, %arg3: memref<512x1xf32, #tpu.memory_space<vmem>>, %arg4: memref<512x1xf32, #tpu.memory_space<vmem>>, %arg5: memref<1x1024xf32, #tpu.memory_space<vmem>>, %arg6: memref<1x1024xf32, #tpu.memory_space<vmem>>, %arg7: memref<1x1024xf32, #tpu.memory_space<vmem>>, %arg8: memref<512x1xf32, #tpu.memory_space<vmem>>) attributes {dimension_semantics = [#tpu.dimension_semantics<parallel>, #tpu.dimension_semantics<arbitrary>], iteration_bounds = array<i64: 8, 2>, scalar_prefetch = 0 : i64, scratch_operands = 0 : i64, tpu.core_type = #tpu.core_type<tc>, window_params = [{transform_indices = @transform_0, window_bounds = array<i64: 512, 1>}, {transform_indices = @transform_1, window_bounds = array<i64: 512, 1>}, {transform_indices = @transform_2, window_bounds = array<i64: 512, 1>}, {transform_indices = @transform_3, window_bounds = array<i64: 1, 1024>}, {transform_indices = @transform_4, window_bounds = array<i64: 1, 1024>}, {transform_indices = @transform_5, window_bounds = array<i64: 1, 1024>}, {transform_indices = @transform_6, window_bounds = array<i64: 512, 1>}]} {
    %get3A = arith.constant 0 : index
    %get3A_0 = arith.constant 0 : index
    %get3A_1 = vector.load %arg2[%get3A, %get3A_0] : memref<512x1xf32, #tpu.memory_space<vmem>>, vector<512x1xf32>
    %get3A_2 = arith.constant 0 : index
    %get3A_3 = arith.constant 0 : index
    %get3A_4 = vector.load %arg5[%get3A_2, %get3A_3] : memref<1x1024xf32, #tpu.memory_space<vmem>>, vector<1x1024xf32>
    %sub3A = vector.broadcast %get3A_1 : vector<512x1xf32> to vector<512x1024xf32>
    %sub3A_5 = vector.broadcast %get3A_4 : vector<1x1024xf32> to vector<512x1024xf32>
    %sub3A_6 = arith.subf %sub3A, %sub3A_5 : vector<512x1024xf32>
    %get3A_7 = arith.constant 0 : index
    %get3A_8 = arith.constant 0 : index
    %get3A_9 = vector.load %arg3[%get3A_7, %get3A_8] : memref<512x1xf32, #tpu.memory_space<vmem>>, vector<512x1xf32>
    %get3A_10 = arith.constant 0 : index
    %get3A_11 = arith.constant 0 : index
    %get3A_12 = vector.load %arg6[%get3A_10, %get3A_11] : memref<1x1024xf32, #tpu.memory_space<vmem>>, vector<1x1024xf32>
    %sub3A_13 = vector.broadcast %get3A_9 : vector<512x1xf32> to vector<512x1024xf32>
    %sub3A_14 = vector.broadcast %get3A_12 : vector<1x1024xf32> to vector<512x1024xf32>
    %sub3A_15 = arith.subf %sub3A_13, %sub3A_14 : vector<512x1024xf32>
    %get3A_16 = arith.constant 0 : index
    %get3A_17 = arith.constant 0 : index
    %get3A_18 = vector.load %arg4[%get3A_16, %get3A_17] : memref<512x1xf32, #tpu.memory_space<vmem>>, vector<512x1xf32>
    %get3A_19 = arith.constant 0 : index
    %get3A_20 = arith.constant 0 : index
    %get3A_21 = vector.load %arg7[%get3A_19, %get3A_20] : memref<1x1024xf32, #tpu.memory_space<vmem>>, vector<1x1024xf32>
    %sub3A_22 = vector.broadcast %get3A_18 : vector<512x1xf32> to vector<512x1024xf32>
    %sub3A_23 = vector.broadcast %get3A_21 : vector<1x1024xf32> to vector<512x1024xf32>
    %sub3A_24 = arith.subf %sub3A_22, %sub3A_23 : vector<512x1024xf32>
    %mul3A = arith.mulf %sub3A_6, %sub3A_6 : vector<512x1024xf32>
    %mul3A_25 = arith.mulf %sub3A_15, %sub3A_15 : vector<512x1024xf32>
    %mul3A_26 = arith.mulf %sub3A_24, %sub3A_24 : vector<512x1024xf32>
    %add3A = arith.addf %mul3A_25, %mul3A_26 : vector<512x1024xf32>
    %add3A_27 = arith.addf %mul3A, %add3A : vector<512x1024xf32>
    %reduce_min3A = arith.constant dense<0x7F800000> : vector<512xf32>
    %reduce_min3A_28 = vector.multi_reduction <minimumf>, %add3A_27, %reduce_min3A [1] : vector<512x1024xf32> to vector<512xf32>
    %broadcast_in_dim3A = vector.shape_cast %reduce_min3A_28 : vector<512xf32> to vector<512x1xf32>
    %eq3A = arith.constant 0 : i32
    %eq3A_29 = arith.cmpi eq, %arg1, %eq3A : i32
    %convert_element_type3A = arith.extui %eq3A_29 : i1 to i32
    %cond3A = arith.constant 0 : i32
    %cond3A_30 = arith.cmpi ne, %convert_element_type3A, %cond3A : i32
    scf.if %cond3A_30 {
      %swap3A = arith.constant 0 : index
      %swap3A_35 = arith.constant 0 : index
      %swap3A_36 = vector.load %arg8[%swap3A, %swap3A_35] : memref<512x1xf32, #tpu.memory_space<vmem>>, vector<512x1xf32>
      tpu.vector_store %arg8[%swap3A, %swap3A_35], %broadcast_in_dim3A {strides = array<i32>} : memref<512x1xf32, #tpu.memory_space<vmem>>, vector<512x1xf32>,
    } else {
    }
    %ne3A = arith.constant 0 : i32
    %ne3A_31 = arith.cmpi ne, %arg1, %ne3A : i32
    %convert_element_type3A_32 = arith.extui %ne3A_31 : i1 to i32
    %cond3A_33 = arith.constant 0 : i32
    %cond3A_34 = arith.cmpi ne, %convert_element_type3A_32, %cond3A_33 : i32
    scf.if %cond3A_34 {
      %get3A_35 = arith.constant 0 : index
      %get3A_36 = arith.constant 0 : index
      %get3A_37 = vector.load %arg8[%get3A_35, %get3A_36] : memref<512x1xf32, #tpu.memory_space<vmem>>, vector<512x1xf32>
      %min3A = arith.minimumf %get3A_37, %broadcast_in_dim3A : vector<512x1xf32>
      %swap3A = arith.constant 0 : index
      %swap3A_38 = arith.constant 0 : index
      %swap3A_39 = vector.load %arg8[%swap3A, %swap3A_38] : memref<512x1xf32, #tpu.memory_space<vmem>>, vector<512x1xf32>
      tpu.vector_store %arg8[%swap3A, %swap3A_38], %min3A {strides = array<i32>} : memref<512x1xf32, #tpu.memory_space<vmem>>, vector<512x1xf32>,
    } else {
    }
    return
  }
  func.func @transform_0(%arg0: i32, %arg1: i32) -> (i32, i32) {
    %c0_i32 = arith.constant 0 : i32
    %c0_i32_0 = arith.constant 0 : i32
    return %arg0, %c0_i32 : i32, i32
  }
  func.func @transform_1(%arg0: i32, %arg1: i32) -> (i32, i32) {
    %c0_i32 = arith.constant 0 : i32
    %c0_i32_0 = arith.constant 0 : i32
    return %arg0, %c0_i32 : i32, i32
  }
  func.func @transform_2(%arg0: i32, %arg1: i32) -> (i32, i32) {
    %c0_i32 = arith.constant 0 : i32
    %c0_i32_0 = arith.constant 0 : i32
    return %arg0, %c0_i32 : i32, i32
  }
  func.func @transform_3(%arg0: i32, %arg1: i32) -> (i32, i32) {
    %c0_i32 = arith.constant 0 : i32
    %c0_i32_0 = arith.constant 0 : i32
    return %c0_i32, %arg1 : i32, i32
  }
  func.func @transform_4(%arg0: i32, %arg1: i32) -> (i32, i32) {
    %c0_i32 = arith.constant 0 : i32
    %c0_i32_0 = arith.constant 0 : i32
    return %c0_i32, %arg1 : i32, i32
  }
  func.func @transform_5(%arg0: i32, %arg1: i32) -> (i32, i32) {
    %c0_i32 = arith.constant 0 : i32
    %c0_i32_0 = arith.constant 0 : i32
    return %c0_i32, %arg1 : i32, i32
  }
  func.func @transform_6(%arg0: i32, %arg1: i32) -> (i32, i32) {
    %c0_i32 = arith.constant 0 : i32
    %c0_i32_0 = arith.constant 0 : i32
    return %arg0, %c0_i32 : i32, i32
  }
}

</mosaic_0001>

<sc_bundles>
// kernel: kernel.4.cloned.1.call-start
scs
__scs_entry_jumppad:
0x0: {  	(pc) =	sbr.rel $0x88, $3  }
0x1: {  	(tag) =	ssettag $0x0;
	lr =	simm.s32 $0x1  }
0x2: {  	[smem:$0x3F9F] =	sst lr;
	_ =	strace $0xD0000000  }
0x3: {  	_ = 	snop  }
0x4: {  	_ = 	snop  }
0x5: {  	_ = 	snop  }
0x6: {  	_ = 	snop  }
0x7: {  	_ = 	snop  }
__scs_overlays_trampoline_lowered:
0x8: {  	[smem:$0x3FAE] =	sst s0  }
0x9: {  	[smem:$0x3FAF] =	sst s1  }
0xa: {  	[smem:$0x3FB0] =	sst s2  }
0xb: {  	[smem:$0x3FB1] =	sst s3  }
0xc: {  	[smem:$0x3FB2] =	sst s4  }
0xd: {  	[smem:$0x3FB3] =	sst s5  }
0xe: {  	[smem:$0x3FB4] =	sst s6  }
0xf: {  	[smem:$0x3FB5] =	sst s7  }
0x10: {  	[smem:$0x3FB6] =	sst s8  }
0x11: {  	[smem:$0x3FB7] =	sst s9;
	s0 =	simm.s32 @!p0 $0x0  }
0x12: {  	s1 =	sld [smem:$0x3F9D];
	s0 =	simm.s32 @p0 $0x1  }
0x13: {  	[smem:$0x3FB8] =	sst s0;
	s0 =	simm.s32 @!p1 $0x0  }
0x14: {  	s2 =	sld [smem:$0x3F9C];
	s0 =	simm.s32 @p1 $0x1  }
0x15: {  	[smem:$0x3FB9] =	sst s0;
	s0 =	simm.s32 @!p2 $0x0  }
0x16: {  	s3 =	sld [smem:$0x3FDB];
	s0 =	simm.s32 @p2 $0x1  }
0x17: {  	s4 =	simm.s32 $0x1BF5;
	[smem:$0x3FBB] =	sst s0  }
0x18: {  	s0 =	sld [smem:$0x3F9E];
	_ =	swait.ge [sflag:s4], $0x0  }
0x19: {  	s7 =	sld [smem:$0x3F9F]  }
0x1a: {  	s8 =	sadd.s32 $0xFFFFE003, lr  }
0x1b: {  	s9 =	sadd.s32 $0xFFFFFEF7, lr;
	s5 =	simm.s32 $0xFFFFFFFF;
	p2 =	slt.u32 s8, $0xFFFFF086  }
0x1c: {  	p1 =	slt.u32 s9, $0xF7A;
	s5 =	simm.s32 @!p2 $0x0  }
0x1d: {  	s5 =	simm.s32 @p1 $0x1;
	p0 =	seq.s32 s7, s2  }
0x1e: {  	s7 =	smul.u32 @!p0 $0xF7A, s2;
	p2 =	seq.s32 @!p0 s5, $0x0  }
0x1f: {  	s9 =	smul.u32 $0xF7A, s1;
	s8 =	simm.s32 @!p0 $0x1BF5;
	p2 =	por !p2, p0  }
0x20: {  	[sflag:s8] =	ssyncset.s32 @!p0 $0xFFFFF086;
	s6 =	sadd.s32 @!p0 s3, s7;
	s7 =	simm.s32 @!p0 $0x108  }
0x21: {  	s3 =	sadd.s32 s3, s9;
	s6 =	sadd.s32 @!p0 $0x88, s6;
	s7 =	simm.s32 @p2 $0x1082  }
0x22: {  	[simem:s7], [sflag:s8] =	dma.local @!p0 [hbm:s6], $0xF7A  }
0x23: {  	s9 =	sor.u32 $0xD0000000, s2;
	s6 =	simm.s32 $0x108;
	_ =	swait.ge @!p0 [sflag:s8], $0x0  }
0x24: {  	s3 =	sadd.s32 $0x88, s3;
	s6 =	simm.s32 @!p1 $0x1082;
	[sflag:s4] =	ssyncset.s32 $0xFFFFF086  }
0x25: {  	[simem:s6], [sflag:s4] =	dma.local [hbm:s3], $0xF7A  }
0x26: {  	[smem:$0x3F9F] =	sst s1;
	(tag) =	ssettag s2;
	_ =	strace s9  }
0x27: {  	s1 =	sld [smem:$0x3FAF]  }
0x28: {  	s2 =	sld [smem:$0x3FB0]  }
0x29: {  	s4 =	sld [smem:$0x3FB2]  }
0x2a: {  	p0 =	seq.s32 s5, $0x0;
	s5 =	sld [smem:$0x3FB3]  }
0x2b: {  	s6 =	sld [smem:$0x3FB4]  }
0x2c: {  	s7 =	sld [smem:$0x3FB5]  }
0x2d: {  	s3 =	simm.s32 $0x108;
	s8 =	sld [smem:$0x3FB6]  }
0x2e: {  	s3 =	simm.s32 @!p0 $0x1082;
	s9 =	sld [smem:$0x3FB7]  }
0x2f: {  	lr =	sadd.s32 s0, s3;
	s0 =	sld [smem:$0x3FAE]  }
0x30: {  	s3 =	sld [smem:$0x3FB1]  }
0x31: {  	[smem:$0x3FBA] =	sst s10  }
0x32: {  	s10 =	sld [smem:$0x3FB8];
	_ =	sdelay $0x3  }
0x33: {  	p0 =	seq.s32 s10, $0x1;
	s10 =	sld [smem:$0x3FBA];
	_ =	sdelay $0x3  }
0x34: {  	[smem:$0x3FBA] =	sst s10  }
0x35: {  	s10 =	sld [smem:$0x3FB9];
	_ =	sdelay $0x3  }
0x36: {  	p1 =	seq.s32 s10, $0x1;
	s10 =	sld [smem:$0x3FBA];
	_ =	sdelay $0x3  }
0x37: {  	[smem:$0x3FBA] =	sst s10  }
0x38: {  	s10 =	sld [smem:$0x3FBB]  }
0x39: {  	_ = 	snop;
	(pc) =	sbr.ind lr, $3  }
0x3a: {  	_ = 	snop  }
0x3b: {  	_ = 	snop  }
0x3c: {  	p2 =	seq.s32 s10, $0x1;
	s10 =	sld [smem:$0x3FBA]  }
0x3d: {  	_ =	shalt  }
0x3e: {  	_ =	shalt  }
0x3f: {  	_ =	shalt  }
0x40: {  	_ =	shalt  }
0x41: {  	_ =	shalt  }
0x42: {  	_ =	shalt  }
0x43: {  	_ =	shalt  }
0x44: {  	_ =	shalt  }
0x45: {  	_ =	shalt  }
0x46: {  	_ =	shalt  }
0x47: {  	_ =	shalt  }
0x48: {  	_ =	shalt  }
0x49: {  	_ =	shalt  }
0x4a: {  	_ =	shalt  }
0x4b: {  	_ =	shalt  }
0x4c: {  	_ =	shalt  }
0x4d: {  	_ =	shalt  }
0x4e: {  	_ =	shalt  }
0x4f: {  	_ =	shalt  }
0x50: {  	_ =	shalt  }
0x51: {  	_ =	shalt  }
0x52: {  	_ =	shalt  }
0x53: {  	_ =	shalt  }
0x54: {  	_ =	shalt  }
0x55: {  	_ =	shalt  }
0x56: {  	_ =	shalt  }
0x57: {  	_ =	shalt  }
0x58: {  	_ =	shalt  }
0x59: {  	_ =	shalt  }
0x5a: {  	_ =	shalt  }
0x5b: {  	_ =	shalt  }
0x5c: {  	_ =	shalt  }
0x5d: {  	_ =	shalt  }
0x5e: {  	_ =	shalt  }
0x5f: {  	_ =	shalt  }
0x60: {  	_ =	shalt  }
0x61: {  	_ =	shalt  }
0x62: {  	_ =	shalt  }
0x63: {  	_ =	shalt  }
0x64: {  	_ =	shalt  }
0x65: {  	_ =	shalt  }
0x66: {  	_ =	shalt  }
0x67: {  	_ =	shalt  }
0x68: {  	_ =	shalt  }
0x69: {  	_ =	shalt  }
0x6a: {  	_ =	shalt  }
0x6b: {  	_ =	shalt  }
0x6c: {  	_ =	shalt  }
0x6d: {  	_ =	shalt  }
0x6e: {  	_ =	shalt  }
0x6f: {  	_ =	shalt  }
0x70: {  	_ =	shalt  }
0x71: {  	_ =	shalt  }
0x72: {  	_ =	shalt  }
0x73: {  	_ =	shalt  }
0x74: {  	_ =	shalt  }
0x75: {  	_ =	shalt  }
0x76: {  	_ =	shalt  }
0x77: {  	_ =	shalt  }
0x78: {  	_ =	shalt  }
0x79: {  	_ =	shalt  }
0x7a: {  	_ =	shalt  }
0x7b: {  	_ =	shalt  }
0x7c: {  	_ =	shalt  }
0x7d: {  	_ =	shalt  }
0x7e: {  	_ =	shalt  }
0x7f: {  	_ =	shalt  }
0x80: {  	_ =	shalt  }
0x81: {  	_ =	shalt  }
0x82: {  	_ =	shalt  }
0x83: {  	_ =	shalt  }
0x84: {  	_ =	shalt  }
0x85: {  	_ =	shalt  }
0x86: {  	_ =	shalt  }
0x87: {  	_ =	shalt  }
.Lfunc_end0:
.L_simem_size_0:
called_computation_lowered:
.L_overlay_start_0:
0x88: {  	s2 =	sld [smem:$0x3FD9]  }
0x89: {  	s3 =	sld [smem:$0x3FFE];
	_ =	sdelay $0x1  }
0x8a: {  	s1 =	srdreg.scid  }
0x8b: {  	s0 =	sand.u32 $0x1, s1  }
0x8c: {  	s16 =	sshll.u32 s0, $0xA;
	s2 =	sadd.s32 s3, s2  }
0x8d: {  	s2 =	sadd.s32 s2, s16  }
0x8e: {  	[smem:$0x3FC6] =	sst s2  }
0x8f: {  	_ = 	snop  }
0x90: {  	(tm) =	ssettm $0x1  }
0x91: {  	s17 =	sld [smem:$0x3FFB];
	_ =	sdelay $0x3  }
0x92: {  	_ =	strace s17  }
0x93: {  	s2 =	sld [smem:$0x3FFC];
	_ =	sdelay $0x3  }
0x94: {  	_ =	strace s2  }
0x95: {  	s2 =	sld [smem:$0x3FFD];
	_ =	sdelay $0x3  }
0x96: {  	_ =	strace s2  }
0x97: {  	_ =	strace $0x8FFFFFFF  }
0x98: {  	s18 =	sld [smem:$0x3FDB];
	_ =	sdelay $0x1  }
0x99: {  	s19 =	simm.s32 $_scs_section_size  }
0x9a: {  	s4 =	simm.s32 $_size__tile_overlayer_lowered;
	s5 =	simm.s32 $_tile_overlayer_lowered  }
0x9b: {  	s22 =	simm.s32 $0x1BFF;
	s21 =	sshll.u32 s5, $0x1;
	s2 =	sadd.s32 s19, s18  }
0x9c: {  	s6 =	simm.s32 $0x0;
	s20 =	sshll.u32 s4, $0x1;
	s4 =	sadd.s32 s21, s2  }
0x9d: {  	[timem:s6], [sflag:s22] =	dma.local [hbm:s4], s20  }
0x9e: {  	_ =	swait.ge [sflag:s22], s20  }
0x9f: {  	s3 =	ssub.s32 $0x0, s20;
	[sflag:s22] =	ssyncset.done $0x0  }
0xa0: {  	[sflag:s22] =	ssyncadd.s32 s3;
	_ =	sdelay $0x1  }
0xa1: {  	s23 =	simm.s32 $0x1B8B  }
0xa2: {  	_ =	swait.ge [sflag:s23], $0x1  }
0xa3: {  	[sflag:s23] =	ssyncset.done $0x0  }
0xa4: {  	s25 =	simm.s32 $0x1B8E;
	s24 =	sld [smem:$0x3FFE];
	[sflag:s23] =	ssyncadd.s32 $0xFFFFFFFF  }
0xa5: {  	s26 =	simm.s32 $execute0_lowered;
	[smem:$0x3FD2] =	sst s25  }
0xa6: {  	s4 =	sshll.u32 s26, $0x1;
	_ =	strace $0x80000046;
	[dreg:$0x1] =	wrdreg $0xFFFFFFFF  }
0xa7: {  	s28 =	simm.s32 $_size_execute0_lowered;
	s2 =	sadd.s32 s2, s4;
	[dreg:$0x0] =	wrdreg $0x0  }
0xa8: {  	s4 =	sshll.u32 s28, $0x1;
	[dreg:$0x2] =	wrdreg s2  }
0xa9: {  	[dreg:$0x3] =	wrdreg s4  }
0xaa: {  	[dreg:$0x4] =	wrdreg $0xC0  }
0xab: {  	_ =	task [dreg:s6], $0x5FFFF  }
0xac: {  	[dreg:$0x1] =	wrdreg $0xFFFFFFFF  }
0xad: {  	[dreg:$0x0] =	wrdreg $0x60  }
0xae: {  	[dreg:$0x2] =	wrdreg s24  }
0xaf: {  	[dreg:$0x3] =	wrdreg $0x9  }
0xb0: {  	_ =	task.clear_ibuf [dreg:s6], $0x4FFFF;
	_ =	strace $0x90000046  }
0xb1: {  	s29 =	simm.s32 $0x9;
	_ =	strace $0x80000048  }
0xb2: {  	_ =	swait.ge [sflag:s29], $0x1  }
0xb3: {  	[sflag:s29] =	ssyncadd.s32 $0xFFFFFFFF  }
0xb4: {  	_ =	strace $0x90000048  }
0xb5: {  	_ =	sfence  }
0xb6: {  	s30 =	sld [smem:$0x0];
	_ =	sdelay $0x2  }
0xb7: {  	s31 =	sshll.u32 s1, $0xD;
	s1 =	sshrl.u32 s1, $0x2  }
0xb8: {  	s3 =	sand.u32 $0x4000, s31;
	s1 =	sadd.s32 s1, s30  }
0xb9: {  	s0 =	sor.u32 s3, s0;
	s1 =	sshll.u32 s1, $0x11  }
0xba: {  	s0 =	sor.u32 s1, s0  }
0xbb: {  	s0 =	sadd.s32 $0x8F2B, s0  }
0xbc: {  	[sflag:s0] =	ssyncadd.remote.s32 $0x1  }
0xbd: {  	_ =	sfence.sel $0xFFFF  }
0xbe: {  	[dreg:$0x0] =	wrdreg $0xFFFFFFFF;
	(pc) =	sbr.abs _section_cstart, $3  }
0xbf: {  	[dreg:$0x1] =	wrdreg $0xFFFFFFFF  }
0xc0: {  	_ =	task.clear_ibuf [dreg:s6], $0x2FFFF;
	_ =	strace $0x9FFFFFFF  }
0xc1: {  	(tm) =	ssettm $0x7FFFFFFF  }
tec
execute0_lowered:
.L_overlay_start_1:
0x0: {  	(tag) =	ssettag $0x1  }
0x1: {  	s2 =	rddreg [dreg:$0x0]  }
0x2: {  	s0 =	rddreg [dreg:$0x1];
	s4 =	srdreg.scid  }
0x3: {  	s3 =	simm.s32 $0x0;
	s1 =	stileid.u32;
	s11 =	simm.s32 $0x1  }
0x4: {  	s12 =	simm.s32 $0x80;
	s13 =	simm.s32 $0x100;
	s14 =	simm.s32 $0x180  }
0x5: {  	s15 =	simm.s32 $0x980;
	s16 =	simm.s32 $0x1180;
	s17 =	simm.s32 $0x2980  }
0x6: {  	s18 =	simm.s32 $0x0;
	s4 =	sand.u32 $0x1, s4;
	[smem:$0x7FF] =	sst s3  }
0x7: {  	s5 =	sshll.u32 s1, $0x5;
	s6 =	sshll.u32 s4, $0x4;
	_ =	strace $0x80000047  }
0x8: {  	s31 =	ssub.s32 $0x2, s4;
	s4 =	sadd.s32 $0x400, s2;
	s5 =	sor.u32 s6, s5  }
0x9: {  	s7 =	sshrl.u32 s31, $0x1;
	s9 =	sadd.s32 s5, s2;
	s5 =	sadd.s32 $0x200, s2  }
0xa: {  	s10 =	ssub.s32 s31, s7;
	s6 =	sadd.s32 $0xA00, s9;
	s7 =	sadd.s32 $0x800, s9  }
0xb: {  	s8 =	sadd.s32 $0x600, s9;
	s9 =	sadd.s32 $0xC00, s9;
	s10 =	smax.u32 s10, $0x1  }
.LBB2_1:
0xc: {  	[tilespmem:s3], [sflag:$0x1] =	stream.linear.gather [hbm4b:s6+s3], $0x80, $0x38;
	[tilespmem:$0x2A00] =	vst v63  }
0xd: {  	_ =	swait.ge [sflag:s11], $0x80  }
0xe: {  	[sflag:s11] =	ssyncset.done $0x0  }
0xf: {  	[sflag:s11] =	ssyncadd.s32 $0xFFFFFF80  }
0x10: {  	[tilespmem:s12], [sflag:$0x1] =	stream.linear.gather [hbm4b:s7+s3], $0x80, $0x38;
	[tilespmem:$0x2A00] =	vst v63  }
0x11: {  	_ =	swait.ge [sflag:s11], $0x80  }
0x12: {  	[sflag:s11] =	ssyncset.done $0x0  }
0x13: {  	[sflag:s11] =	ssyncadd.s32 $0xFFFFFF80  }
0x14: {  	[tilespmem:s13], [sflag:$0x1] =	stream.linear.gather [hbm4b:s8+s3], $0x80, $0x38;
	[tilespmem:$0x2A00] =	vst v63  }
0x15: {  	_ =	swait.ge [sflag:s11], $0x80  }
0x16: {  	[sflag:s11] =	ssyncset.done $0x0  }
0x17: {  	[sflag:s11] =	ssyncadd.s32 $0xFFFFFF80  }
0x18: {  	[tilespmem:s14], [sflag:$0x1] =	stream.linear.gather [hbm4b:s4+s3], $0x800, $0x38;
	[tilespmem:$0x2A00] =	vst v63  }
0x19: {  	_ =	swait.ge [sflag:s11], $0x800  }
0x1a: {  	[sflag:s11] =	ssyncset.done $0x0  }
0x1b: {  	[sflag:s11] =	ssyncadd.s32 $0xFFFFF800  }
0x1c: {  	[tilespmem:s15], [sflag:$0x1] =	stream.linear.gather [hbm4b:s5+s3], $0x800, $0x38;
	[tilespmem:$0x2A00] =	vst v63  }
0x1d: {  	_ =	swait.ge [sflag:s11], $0x800  }
0x1e: {  	[sflag:s11] =	ssyncset.done $0x0  }
0x1f: {  	[sflag:s11] =	ssyncadd.s32 $0xFFFFF800  }
0x20: {  	[tilespmem:s16], [sflag:$0x1] =	stream.linear.gather [hbm4b:s2+s3], $0x800, $0x38;
	[tilespmem:$0x2A00] =	vst v63  }
0x21: {  	_ =	swait.ge [sflag:s11], $0x800  }
0x22: {  	[sflag:s11] =	ssyncset.done $0x0  }
0x23: {  	s19 =	simm.s32 $0x0;
	[sflag:s11] =	ssyncadd.s32 $0xFFFFF800  }
0x24: {  	v3 =	vld [tilespmem:s19+$0x180]  }
0x25: {  	v1 =	vld [tilespmem:s19+$0x980]  }
0x26: {  	v0 =	vld [tilespmem:s19+$0x1180];
	_ =	sdelay $0x2  }
0x27: {  	s20 =	simm.s32 $0x40;
	s21 =	simm.s32 $0x80;
	v2 =	vmul.f32 v3, v3;
	v3 =	vmul.f32 $-2.000000000e+00, v3  }
.LBB2_2:
0x28: {  	p0 =	sne.s32 s21, $0x1FC0;
	v4 =	vmul.f32 v1, v1;
	v1 =	vmul.f32 $-2.000000000e+00, v1  }
0x29: {  	s22 =	sshra.s32 s20, $0x2;
	s20 =	smov.u32 s21;
	v5 =	vmul.f32 v0, v0;
	[tilespmem:s19+$0x180] =	vst v3;
	v0 =	vmul.f32 $-2.000000000e+00, v0  }
0x2a: {  	v3 =	vld [tilespmem:s22+$0x180];
	v2 =	vadd.f32 v4, v2;
	[tilespmem:s19+$0x980] =	vst v1  }
.Ltmp0:
0x2b: {  	v1 =	vld [tilespmem:s22+$0x980];
	[tilespmem:s19+$0x1180] =	vst v0;
	(pc) =	sbr.rel @p0 .LBB2_2-.Ltmp0, $3  }
0x2c: {  	v0 =	vld [tilespmem:s22+$0x1180];
	v2 =	vadd.f32 v5, v2;
	_ =	sdelay $0x1  }
0x2d: {  	[tilespmem:s19+$0x1980] =	vst v2;
	s19 =	smov.u32 s22  }
0x2e: {  	s21 =	sadd.s32 $0x40, s21;
	v2 =	vmul.f32 v3, v3;
	v3 =	vmul.f32 $-2.000000000e+00, v3  }
0x2f: {  	v4 =	vmul.f32 $-2.000000000e+00, v1  }
0x30: {  	s20 =	sshra.s32 s20, $0x2;
	[tilespmem:s19+$0x180] =	vst v3  }
0x31: {  	v5 =	vmul.f32 $-2.000000000e+00, v0;
	v3 =	vld [tilespmem:s20+$0x180];
	[tilespmem:s19+$0x980] =	vst v4  }
0x32: {  	v4 =	vld [tilespmem:s20+$0x980]  }
0x33: {  	v1 =	vmul.f32 v1, v1;
	[tilespmem:s19+$0x1180] =	vst v5  }
0x34: {  	v5 =	vld [tilespmem:s20+$0x1180]  }
0x35: {  	v0 =	vmul.f32 v0, v0;
	v1 =	vadd.f32 v1, v2;
	_ =	sdelay $0x1  }
0x36: {  	v0 =	vadd.f32 v0, v1;
	v1 =	vmul.f32 v3, v3;
	v2 =	vmul.f32 v4, v4  }
0x37: {  	v3 =	vmul.f32 $-2.000000000e+00, v3  }
0x38: {  	[tilespmem:s19+$0x1980] =	vst v0;
	v0 =	vmul.f32 $-2.000000000e+00, v4;
	v4 =	vmul.f32 v5, v5;
	v1 =	vadd.f32 v2, v1  }
0x39: {  	[tilespmem:s20+$0x180] =	vst v3;
	v2 =	vmul.f32 $-2.000000000e+00, v5  }
0x3a: {  	[tilespmem:s20+$0x980] =	vst v0;
	v0 =	vadd.f32 v4, v1  }
0x3b: {  	[tilespmem:s20+$0x1180] =	vst v2  }
0x3c: {  	[tilespmem:s20+$0x1980] =	vst v0  }
0x3d: {  	v16 =	vld [tilespmem:$0x0]  }
0x3e: {  	v14 =	vld [tilespmem:$0x10]  }
0x3f: {  	v12 =	vld [tilespmem:$0x20]  }
0x40: {  	v10 =	vld [tilespmem:$0x30]  }
0x41: {  	v4 =	vld [tilespmem:$0x40]  }
0x42: {  	v2 =	vld [tilespmem:$0x50]  }
0x43: {  	v1 =	vld [tilespmem:$0x60]  }
0x44: {  	v0 =	vld [tilespmem:$0x70]  }
0x45: {  	v21 =	vld [tilespmem:$0x80]  }
0x46: {  	v20 =	vld [tilespmem:$0x90]  }
0x47: {  	v17 =	vld [tilespmem:$0xA0]  }
0x48: {  	v15 =	vld [tilespmem:$0xB0]  }
0x49: {  	v9 =	vld [tilespmem:$0xC0]  }
0x4a: {  	v6 =	vld [tilespmem:$0xD0]  }
0x4b: {  	v5 =	vld [tilespmem:$0xE0]  }
0x4c: {  	v3 =	vld [tilespmem:$0xF0]  }
0x4d: {  	v22 =	vld [tilespmem:$0x100]  }
0x4e: {  	v23 =	vld [tilespmem:$0x110]  }
0x4f: {  	v19 =	vld [tilespmem:$0x120]  }
0x50: {  	v18 =	vld [tilespmem:$0x130]  }
0x51: {  	v13 =	vld [tilespmem:$0x140]  }
0x52: {  	v32 =	vimm.f32 $1.000000020e+30;
	v46 =	vimm.f32 $1.000000020e+30;
	v11 =	vld [tilespmem:$0x150]  }
0x53: {  	v47 =	vimm.f32 $1.000000020e+30;
	v48 =	vimm.f32 $1.000000020e+30;
	v49 =	vimm.f32 $1.000000020e+30;
	v7 =	vld [tilespmem:$0x160]  }
0x54: {  	v50 =	vimm.f32 $1.000000020e+30;
	v51 =	vimm.f32 $1.000000020e+30;
	v52 =	vimm.f32 $1.000000020e+30;
	s19 =	simm.s32 $0x0;
	v8 =	vld [tilespmem:$0x170]  }
.LBB2_4:
0x55: {  	s20 =	sshra.s32 s19, $0x2  }
0x56: {  	v24 =	vld [tilespmem:s20+$0x180]  }
0x57: {  	v25 =	vld [tilespmem:s20+$0x980]  }
0x58: {  	v26 =	vld [tilespmem:s20+$0x1180]  }
0x59: {  	v27 =	vld [tilespmem:s20+$0x1980];
	_ =	sdelay $0x1  }
0x5a: {  	v28 =	vbroadcast v24, $0x0  }
0x5b: {  	v29 =	vbroadcast v25, $0x0  }
0x5c: {  	v41 =	vbroadcast v26, $0x0;
	[tilespmem:$0x2180] =	vst v28  }
0x5d: {  	v42 =	vbroadcast v27, $0x0;
	[tilespmem:$0x2380] =	vst v29  }
0x5e: {  	v43 =	vbroadcast v24, $0x1;
	[tilespmem:$0x2580] =	vst v41  }
0x5f: {  	v44 =	vbroadcast v25, $0x1;
	[tilespmem:$0x2780] =	vst v42  }
0x60: {  	v45 =	vbroadcast v26, $0x1;
	[tilespmem:$0x2190] =	vst v43  }
0x61: {  	v53 =	vbroadcast v27, $0x1;
	[tilespmem:$0x2390] =	vst v44  }
0x62: {  	v54 =	vbroadcast v24, $0x2;
	[tilespmem:$0x2590] =	vst v45  }
0x63: {  	v55 =	vbroadcast v25, $0x2;
	[tilespmem:$0x2790] =	vst v53  }
0x64: {  	v56 =	vbroadcast v26, $0x2;
	[tilespmem:$0x21A0] =	vst v54  }
0x65: {  	v57 =	vbroadcast v27, $0x2;
	[tilespmem:$0x23A0] =	vst v55  }
0x66: {  	v58 =	vbroadcast v24, $0x3;
	[tilespmem:$0x25A0] =	vst v56  }
0x67: {  	v59 =	vbroadcast v25, $0x3;
	[tilespmem:$0x27A0] =	vst v57  }
0x68: {  	v60 =	vbroadcast v26, $0x3;
	[tilespmem:$0x21B0] =	vst v58  }
0x69: {  	v61 =	vbroadcast v27, $0x3;
	[tilespmem:$0x23B0] =	vst v59  }
0x6a: {  	v62 =	vbroadcast v24, $0x4;
	[tilespmem:$0x25B0] =	vst v60  }
0x6b: {  	v63 =	vbroadcast v25, $0x4;
	[tilespmem:$0x27B0] =	vst v61  }
0x6c: {  	v33 =	vbroadcast v26, $0x4;
	[tilespmem:$0x21C0] =	vst v62  }
0x6d: {  	v34 =	vbroadcast v27, $0x4;
	[tilespmem:$0x23C0] =	vst v63  }
0x6e: {  	v35 =	vbroadcast v24, $0x5;
	[tilespmem:$0x25C0] =	vst v33  }
0x6f: {  	v36 =	vbroadcast v25, $0x5;
	[tilespmem:$0x27C0] =	vst v34  }
0x70: {  	v37 =	vbroadcast v26, $0x5;
	[tilespmem:$0x21D0] =	vst v35  }
0x71: {  	v38 =	vbroadcast v27, $0x5;
	[tilespmem:$0x23D0] =	vst v36  }
0x72: {  	v39 =	vbroadcast v24, $0x6;
	[tilespmem:$0x25D0] =	vst v37  }
0x73: {  	v40 =	vbroadcast v25, $0x6;
	[tilespmem:$0x27D0] =	vst v38  }
0x74: {  	[tilespmem:$0x21E0] =	vst v39;
	v41 =	vbroadcast v26, $0x6  }
0x75: {  	[tilespmem:$0x23E0] =	vst v40;
	v42 =	vbroadcast v27, $0x6  }
0x76: {  	v43 =	vbroadcast v24, $0x7;
	[tilespmem:$0x25E0] =	vst v41  }
0x77: {  	v44 =	vbroadcast v25, $0x7;
	[tilespmem:$0x27E0] =	vst v42  }
0x78: {  	v45 =	vbroadcast v26, $0x7;
	[tilespmem:$0x21F0] =	vst v43  }
0x79: {  	v53 =	vbroadcast v27, $0x7;
	[tilespmem:$0x23F0] =	vst v44  }
0x7a: {  	v54 =	vbroadcast v24, $0x8;
	[tilespmem:$0x25F0] =	vst v45  }
0x7b: {  	v55 =	vbroadcast v25, $0x8;
	[tilespmem:$0x27F0] =	vst v53  }
0x7c: {  	v56 =	vbroadcast v26, $0x8;
	[tilespmem:$0x2200] =	vst v54  }
0x7d: {  	v57 =	vbroadcast v27, $0x8;
	[tilespmem:$0x2400] =	vst v55  }
0x7e: {  	v58 =	vbroadcast v24, $0x9;
	[tilespmem:$0x2600] =	vst v56  }
0x7f: {  	v59 =	vbroadcast v25, $0x9;
	[tilespmem:$0x2800] =	vst v57  }
0x80: {  	v60 =	vbroadcast v26, $0x9;
	[tilespmem:$0x2210] =	vst v58  }
0x81: {  	v61 =	vbroadcast v27, $0x9;
	[tilespmem:$0x2410] =	vst v59  }
0x82: {  	v62 =	vbroadcast v24, $0xA;
	[tilespmem:$0x2610] =	vst v60  }
0x83: {  	v63 =	vbroadcast v25, $0xA;
	[tilespmem:$0x2810] =	vst v61  }
0x84: {  	v33 =	vbroadcast v26, $0xA;
	[tilespmem:$0x2220] =	vst v62  }
0x85: {  	v34 =	vbroadcast v27, $0xA;
	[tilespmem:$0x2420] =	vst v63  }
0x86: {  	v35 =	vbroadcast v24, $0xB;
	[tilespmem:$0x2620] =	vst v33  }
0x87: {  	v36 =	vbroadcast v25, $0xB;
	[tilespmem:$0x2820] =	vst v34  }
0x88: {  	v37 =	vbroadcast v26, $0xB;
	[tilespmem:$0x2230] =	vst v35  }
0x89: {  	v38 =	vbroadcast v27, $0xB;
	[tilespmem:$0x2430] =	vst v36  }
0x8a: {  	v39 =	vbroadcast v24, $0xC;
	[tilespmem:$0x2630] =	vst v37  }
0x8b: {  	v40 =	vbroadcast v25, $0xC;
	[tilespmem:$0x2830] =	vst v38  }
0x8c: {  	[tilespmem:$0x2240] =	vst v39;
	v41 =	vbroadcast v26, $0xC  }
0x8d: {  	[tilespmem:$0x2440] =	vst v40;
	v42 =	vbroadcast v27, $0xC  }
0x8e: {  	v43 =	vbroadcast v24, $0xD;
	[tilespmem:$0x2640] =	vst v41  }
0x8f: {  	v44 =	vbroadcast v25, $0xD;
	[tilespmem:$0x2840] =	vst v42  }
0x90: {  	v45 =	vbroadcast v26, $0xD;
	[tilespmem:$0x2250] =	vst v43  }
0x91: {  	v53 =	vbroadcast v27, $0xD;
	[tilespmem:$0x2450] =	vst v44  }
0x92: {  	v54 =	vbroadcast v24, $0xE;
	[tilespmem:$0x2650] =	vst v45  }
0x93: {  	v55 =	vbroadcast v25, $0xE;
	[tilespmem:$0x2850] =	vst v53  }
0x94: {  	v56 =	vbroadcast v26, $0xE;
	[tilespmem:$0x2260] =	vst v54  }
0x95: {  	v57 =	vbroadcast v27, $0xE;
	[tilespmem:$0x2460] =	vst v55  }
0x96: {  	v24 =	vbroadcast v24, $0xF;
	[tilespmem:$0x2660] =	vst v56  }
0x97: {  	v25 =	vbroadcast v25, $0xF;
	[tilespmem:$0x2860] =	vst v57  }
0x98: {  	v58 =	vbroadcast v26, $0xF;
	[tilespmem:$0x2270] =	vst v24;
	v53 =	vld [tilespmem:$0x2580]  }
0x99: {  	v59 =	vbroadcast v27, $0xF;
	[tilespmem:$0x2470] =	vst v25;
	v54 =	vld [tilespmem:$0x2380]  }
0x9a: {  	[tilespmem:$0x2670] =	vst v58;
	v55 =	vld [tilespmem:$0x2780]  }
0x9b: {  	[tilespmem:$0x2870] =	vst v59;
	v56 =	vld [tilespmem:$0x2180]  }
0x9c: {  	v27 =	vld [tilespmem:s20+$0x990]  }
0x9d: {  	v24 =	vld [tilespmem:s20+$0x1990]  }
0x9e: {  	v25 =	vld [tilespmem:s20+$0x1190]  }
0x9f: {  	v63 =	vmul.f32 v53, v22;
	v57 =	vmul.f32 v53, v23  }
0xa0: {  	v26 =	vld [tilespmem:s20+$0x190];
	v58 =	vmul.f32 v54, v21;
	v59 =	vmul.f32 v53, v19  }
0xa1: {  	v45 =	vmul.f32 v56, v12;
	v60 =	vbroadcast v27, $0x3  }
0xa2: {  	v31 =	vmul.f32 v53, v13;
	v62 =	vbroadcast v24, $0x3  }
0xa3: {  	v61 =	vbroadcast v25, $0x3;
	v28 =	vadd.f32 v55, v63;
	v57 =	vadd.f32 v55, v57;
	[tilespmem:$0x1FFE0] =	vst v60  }
0xa4: {  	v59 =	vadd.f32 v55, v59;
	[tilespmem:$0x1FFF0] =	vst v62;
	v60 =	vmul.f32 v54, v20;
	v62 =	vmul.f32 v54, v17  }
0xa5: {  	v41 =	vbroadcast v26, $0x0;
	[tilespmem:$0x1FFD0] =	vst v61;
	v61 =	vmul.f32 v56, v16;
	v58 =	vadd.f32 v28, v58  }
0xa6: {  	v63 =	vmul.f32 v56, v14;
	v57 =	vadd.f32 v57, v60;
	v59 =	vadd.f32 v59, v62  }
0xa7: {  	v43 =	vbroadcast v27, $0x0;
	v62 =	vmul.f32 v53, v18;
	v58 =	vadd.f32 v58, v61  }
0xa8: {  	v60 =	vmul.f32 v54, v6;
	v57 =	vadd.f32 v57, v63;
	v59 =	vadd.f32 v59, v45  }
0xa9: {  	v45 =	vmul.f32 v54, v15;
	v30 =	vadd.f32 v55, v62;
	v63 =	vmul.f32 v54, v5  }
0xaa: {  	v52 =	vmin.f32 v52, v58;
	v58 =	vmul.f32 v56, v10;
	v51 =	vmin.f32 v51, v57  }
0xab: {  	v50 =	vmin.f32 v50, v59;
	v45 =	vadd.f32 v30, v45;
	v30 =	vmul.f32 v54, v9  }
0xac: {  	v57 =	vadd.f32 v55, v31;
	v31 =	vmul.f32 v53, v11;
	v59 =	vmul.f32 v56, v4  }
0xad: {  	v58 =	vadd.f32 v45, v58;
	v45 =	vmul.f32 v53, v7;
	v53 =	vmul.f32 v53, v8  }
0xae: {  	v54 =	vmul.f32 v54, v3;
	v57 =	vadd.f32 v57, v30;
	v61 =	vadd.f32 v55, v31;
	v31 =	vld [tilespmem:$0x2390]  }
0xaf: {  	v30 =	vmul.f32 v56, v2;
	v62 =	vadd.f32 v55, v45;
	v45 =	vld [tilespmem:$0x2590];
	v53 =	vadd.f32 v55, v53  }
0xb0: {  	v60 =	vadd.f32 v61, v60;
	v49 =	vmin.f32 v49, v58;
	v57 =	vadd.f32 v57, v59;
	v58 =	vld [tilespmem:$0x2190]  }
0xb1: {  	v61 =	vmul.f32 v56, v1;
	v55 =	vld [tilespmem:$0x2790];
	v56 =	vmul.f32 v56, v0;
	v53 =	vadd.f32 v53, v54  }
0xb2: {  	v62 =	vadd.f32 v62, v63;
	v30 =	vadd.f32 v60, v30;
	v48 =	vmin.f32 v48, v57  }
0xb3: {  	v60 =	vmul.f32 v31, v20;
	v53 =	vadd.f32 v53, v56;
	v56 =	vmul.f32 v31, v21  }
0xb4: {  	v62 =	vadd.f32 v62, v61;
	v63 =	vmul.f32 v45, v22;
	v54 =	vmul.f32 v45, v23  }
0xb5: {  	v30 =	vmin.f32 v47, v30;
	v57 =	vmul.f32 v45, v19;
	v59 =	vmul.f32 v58, v16  }
0xb6: {  	v61 =	vmul.f32 v58, v14;
	v46 =	vmin.f32 v46, v62;
	v47 =	vadd.f32 v55, v63  }
0xb7: {  	v32 =	vmin.f32 v32, v53;
	v53 =	vmul.f32 v58, v10;
	v54 =	vadd.f32 v55, v54  }
0xb8: {  	v57 =	vadd.f32 v55, v57;
	v47 =	vadd.f32 v47, v56;
	v56 =	vmul.f32 v31, v17  }
0xb9: {  	v62 =	vmul.f32 v45, v13;
	v54 =	vadd.f32 v54, v60;
	v60 =	vmul.f32 v45, v18  }
0xba: {  	v47 =	vadd.f32 v47, v59;
	v59 =	vmul.f32 v58, v12;
	v56 =	vadd.f32 v57, v56  }
0xbb: {  	v54 =	vadd.f32 v54, v61;
	v57 =	vmul.f32 v31, v15;
	v60 =	vadd.f32 v55, v60  }
0xbc: {  	v63 =	vmul.f32 v45, v11;
	v47 =	vmin.f32 v52, v47;
	v59 =	vadd.f32 v56, v59  }
0xbd: {  	v51 =	vmin.f32 v51, v54;
	v61 =	vadd.f32 v60, v57;
	v54 =	vmul.f32 v31, v9  }
0xbe: {  	v57 =	vmul.f32 v45, v7;
	v52 =	vadd.f32 v55, v62;
	v60 =	vmul.f32 v58, v4  }
0xbf: {  	v56 =	vadd.f32 v55, v63;
	v63 =	vmul.f32 v58, v1;
	v45 =	vmul.f32 v45, v8  }
0xc0: {  	v50 =	vmin.f32 v50, v59;
	v53 =	vadd.f32 v61, v53;
	v59 =	vmul.f32 v31, v6  }
0xc1: {  	v62 =	vld [tilespmem:$0x25A0];
	v61 =	vmul.f32 v31, v5;
	v57 =	vadd.f32 v55, v57;
	v52 =	vadd.f32 v52, v54  }
0xc2: {  	v54 =	vmul.f32 v58, v2;
	v45 =	vadd.f32 v55, v45;
	v56 =	vadd.f32 v56, v59;
	v59 =	vld [tilespmem:$0x23A0]  }
0xc3: {  	v31 =	vmul.f32 v31, v3;
	v57 =	vadd.f32 v57, v61;
	v61 =	vld [tilespmem:$0x27A0];
	v52 =	vadd.f32 v52, v60  }
0xc4: {  	v44 =	vbroadcast v25, $0x0;
	v49 =	vmin.f32 v49, v53;
	v60 =	vadd.f32 v56, v54  }
0xc5: {  	v31 =	vadd.f32 v45, v31;
	v63 =	vadd.f32 v57, v63;
	v48 =	vmin.f32 v48, v52  }
0xc6: {  	v54 =	vld [tilespmem:$0x21A0];
	v57 =	vmul.f32 v62, v22;
	v30 =	vmin.f32 v30, v60;
	v60 =	vmul.f32 v58, v0  }
0xc7: {  	v46 =	vmin.f32 v46, v63;
	v63 =	vmul.f32 v62, v23;
	v45 =	vmul.f32 v59, v21  }
0xc8: {  	v52 =	vadd.f32 v61, v57;
	v31 =	vadd.f32 v31, v60;
	v60 =	vmul.f32 v62, v19  }
0xc9: {  	v58 =	vmul.f32 v62, v18;
	v57 =	vmul.f32 v59, v17;
	v55 =	vadd.f32 v61, v63  }
0xca: {  	v45 =	vadd.f32 v52, v45;
	v52 =	vmul.f32 v59, v20;
	v56 =	vadd.f32 v61, v60  }
0xcb: {  	v58 =	vadd.f32 v61, v58;
	v53 =	vmul.f32 v54, v16;
	v63 =	vmul.f32 v54, v12  }
0xcc: {  	v60 =	vmul.f32 v54, v14;
	v52 =	vadd.f32 v55, v52;
	v56 =	vadd.f32 v56, v57  }
0xcd: {  	v31 =	vmin.f32 v32, v31;
	v32 =	vadd.f32 v45, v53;
	v57 =	vmul.f32 v59, v15  }
0xce: {  	v53 =	vmul.f32 v59, v9;
	v60 =	vadd.f32 v52, v60;
	v52 =	vadd.f32 v56, v63  }
0xcf: {  	v32 =	vmin.f32 v47, v32;
	v63 =	vmul.f32 v54, v10;
	v58 =	vadd.f32 v58, v57  }
0xd0: {  	v45 =	vmin.f32 v51, v60;
	v60 =	vmul.f32 v62, v13;
	v50 =	vmin.f32 v50, v52  }
0xd1: {  	v51 =	vadd.f32 v58, v63;
	v52 =	vmul.f32 v62, v11;
	v63 =	vmul.f32 v62, v7  }
0xd2: {  	v56 =	vmul.f32 v54, v4;
	v57 =	vmul.f32 v62, v8;
	v47 =	vadd.f32 v61, v60  }
0xd3: {  	v60 =	vmul.f32 v59, v6;
	v52 =	vadd.f32 v61, v52;
	v55 =	vadd.f32 v61, v63  }
0xd4: {  	v49 =	vmin.f32 v49, v51;
	v51 =	vld [tilespmem:$0x21B0];
	v47 =	vadd.f32 v47, v53;
	v53 =	vmul.f32 v59, v5  }
0xd5: {  	v58 =	vmul.f32 v54, v2;
	v62 =	vmul.f32 v54, v1;
	v52 =	vadd.f32 v52, v60;
	v60 =	vld [tilespmem:$0x25B0]  }
0xd6: {  	v57 =	vadd.f32 v61, v57;
	v63 =	vmul.f32 v59, v3;
	v53 =	vadd.f32 v55, v53;
	v55 =	vld [tilespmem:$0x23B0]  }
0xd7: {  	v42 =	vbroadcast v24, $0x0;
	v59 =	vld [tilespmem:$0x27B0];
	v47 =	vadd.f32 v47, v56;
	v52 =	vadd.f32 v52, v58  }
0xd8: {  	v37 =	vbroadcast v26, $0x1;
	v61 =	vadd.f32 v53, v62;
	v62 =	vadd.f32 v57, v63  }
0xd9: {  	v58 =	vmul.f32 v51, v16;
	v30 =	vmin.f32 v30, v52;
	v52 =	vmul.f32 v54, v0  }
0xda: {  	v46 =	vmin.f32 v46, v61;
	v63 =	vmul.f32 v60, v22;
	v61 =	vmul.f32 v60, v23  }
0xdb: {  	v47 =	vmin.f32 v48, v47;
	v56 =	vmul.f32 v60, v19;
	v53 =	vmul.f32 v55, v21  }
0xdc: {  	v57 =	vmul.f32 v55, v20;
	v48 =	vadd.f32 v59, v63;
	v54 =	vadd.f32 v59, v61  }
0xdd: {  	v52 =	vadd.f32 v62, v52;
	v61 =	vmul.f32 v55, v17;
	v56 =	vadd.f32 v59, v56  }
0xde: {  	v48 =	vadd.f32 v48, v53;
	v53 =	vmul.f32 v51, v14;
	v54 =	vadd.f32 v54, v57  }
0xdf: {  	v63 =	vmul.f32 v55, v15;
	v56 =	vadd.f32 v56, v61;
	v61 =	vmul.f32 v60, v18  }
0xe0: {  	v31 =	vmin.f32 v31, v52;
	v57 =	vmul.f32 v51, v12;
	v62 =	vadd.f32 v54, v53  }
0xe1: {  	v52 =	vmul.f32 v51, v10;
	v48 =	vadd.f32 v48, v58;
	v61 =	vadd.f32 v59, v61  }
0xe2: {  	v53 =	vadd.f32 v56, v57;
	v45 =	vmin.f32 v45, v62;
	v62 =	vmul.f32 v60, v13  }
0xe3: {  	v54 =	vmul.f32 v55, v6;
	v58 =	vmul.f32 v55, v5;
	v63 =	vadd.f32 v61, v63  }
0xe4: {  	v32 =	vmin.f32 v32, v48;
	v61 =	vmul.f32 v55, v9;
	v48 =	vadd.f32 v59, v62  }
0xe5: {  	v62 =	vmul.f32 v60, v11;
	v52 =	vadd.f32 v63, v52;
	v63 =	vmul.f32 v60, v7  }
0xe6: {  	v50 =	vmin.f32 v50, v53;
	v60 =	vmul.f32 v60, v8;
	v48 =	vadd.f32 v48, v61  }
0xe7: {  	v53 =	vmul.f32 v51, v4;
	v56 =	vadd.f32 v59, v62;
	v57 =	vadd.f32 v59, v63;
	v61 =	vld [tilespmem:$0x25C0]  }
0xe8: {  	v55 =	vmul.f32 v55, v3;
	v62 =	vmul.f32 v51, v2;
	v63 =	vld [tilespmem:$0x23C0];
	v60 =	vadd.f32 v59, v60  }
0xe9: {  	v59 =	vld [tilespmem:$0x27C0];
	v54 =	vadd.f32 v56, v54;
	v56 =	vmul.f32 v51, v1;
	v57 =	vadd.f32 v57, v58  }
0xea: {  	v48 =	vadd.f32 v48, v53;
	v51 =	vmul.f32 v51, v0;
	v55 =	vadd.f32 v60, v55  }
0xeb: {  	v49 =	vmin.f32 v49, v52;
	v62 =	vadd.f32 v54, v62;
	v57 =	vadd.f32 v57, v56  }
0xec: {  	v53 =	vld [tilespmem:$0x21C0];
	v47 =	vmin.f32 v47, v48;
	v51 =	vadd.f32 v55, v51;
	v60 =	vmul.f32 v61, v22  }
0xed: {  	v52 =	vmul.f32 v61, v23;
	v54 =	vmul.f32 v63, v21;
	v30 =	vmin.f32 v30, v62  }
0xee: {  	v46 =	vmin.f32 v46, v57;
	v62 =	vmul.f32 v61, v19;
	v48 =	vadd.f32 v59, v60  }
0xef: {  	v57 =	vmul.f32 v61, v18;
	v60 =	vmul.f32 v63, v20;
	v52 =	vadd.f32 v59, v52  }
0xf0: {  	v55 =	vadd.f32 v59, v62;
	v48 =	vadd.f32 v48, v54;
	v54 =	vmul.f32 v63, v17  }
0xf1: {  	v56 =	vmul.f32 v53, v16;
	v62 =	vmul.f32 v53, v14;
	v52 =	vadd.f32 v52, v60  }
0xf2: {  	v57 =	vadd.f32 v59, v57;
	v60 =	vmul.f32 v53, v12;
	v54 =	vadd.f32 v55, v54  }
0xf3: {  	v48 =	vadd.f32 v48, v56;
	v52 =	vadd.f32 v52, v62;
	v62 =	vmul.f32 v63, v15  }
0xf4: {  	v31 =	vmin.f32 v31, v51;
	v56 =	vmul.f32 v63, v6;
	v58 =	vadd.f32 v54, v60  }
0xf5: {  	v32 =	vmin.f32 v32, v48;
	v60 =	vmul.f32 v53, v10;
	v57 =	vadd.f32 v57, v62  }
0xf6: {  	v62 =	vmul.f32 v61, v11;
	v48 =	vmin.f32 v50, v58;
	v58 =	vmul.f32 v61, v13  }
0xf7: {  	v45 =	vmin.f32 v45, v52;
	v51 =	vadd.f32 v57, v60;
	v60 =	vmul.f32 v61, v7  }
0xf8: {  	v52 =	vmul.f32 v63, v9;
	v54 =	vadd.f32 v59, v62;
	v50 =	vadd.f32 v59, v58  }
0xf9: {  	v57 =	vmul.f32 v53, v4;
	v58 =	vmul.f32 v63, v5;
	v55 =	vadd.f32 v59, v60;
	v60 =	vld [tilespmem:$0x25D0]  }
0xfa: {  	v54 =	vadd.f32 v54, v56;
	v56 =	vld [tilespmem:$0x23D0];
	v50 =	vadd.f32 v50, v52;
	v52 =	vmul.f32 v53, v2  }
0xfb: {  	v62 =	vmul.f32 v53, v1;
	v55 =	vadd.f32 v55, v58;
	v58 =	vmul.f32 v61, v8;
	v61 =	vld [tilespmem:$0x27D0]  }
0xfc: {  	v49 =	vmin.f32 v49, v51;
	v50 =	vadd.f32 v50, v57;
	v51 =	vadd.f32 v54, v52  }
0xfd: {  	v52 =	vld [tilespmem:$0x21D0];
	v54 =	vadd.f32 v55, v62;
	v62 =	vmul.f32 v63, v3;
	v63 =	vadd.f32 v59, v58  }
0xfe: {  	v59 =	vmul.f32 v53, v0;
	v58 =	vmul.f32 v60, v22;
	v47 =	vmin.f32 v47, v50  }
0xff: {  	v30 =	vmin.f32 v30, v51;
	v46 =	vmin.f32 v46, v54;
	v62 =	vadd.f32 v63, v62  }
0x100: {  	v54 =	vmul.f32 v56, v21;
	v63 =	vmul.f32 v60, v23;
	v50 =	vadd.f32 v61, v58  }
0x101: {  	v58 =	vmul.f32 v56, v17;
	v51 =	vadd.f32 v62, v59;
	v62 =	vmul.f32 v60, v19  }
0x102: {  	v55 =	vadd.f32 v61, v63;
	v59 =	vmul.f32 v60, v18;
	v53 =	vmul.f32 v52, v16  }
0x103: {  	v50 =	vadd.f32 v50, v54;
	v54 =	vmul.f32 v56, v20;
	v63 =	vmul.f32 v52, v12  }
0x104: {  	v57 =	vadd.f32 v61, v62;
	v62 =	vmul.f32 v52, v14;
	v59 =	vadd.f32 v61, v59  }
0x105: {  	v31 =	vmin.f32 v31, v51;
	v54 =	vadd.f32 v55, v54;
	v50 =	vadd.f32 v50, v53  }
0x106: {  	v53 =	vmul.f32 v60, v11;
	v57 =	vadd.f32 v57, v58;
	v58 =	vmul.f32 v56, v15  }
0x107: {  	v62 =	vadd.f32 v54, v62;
	v32 =	vmin.f32 v32, v50;
	v54 =	vmul.f32 v56, v9  }
0x108: {  	v63 =	vadd.f32 v57, v63;
	v57 =	vmul.f32 v52, v10;
	v59 =	vadd.f32 v59, v58  }
0x109: {  	v53 =	vadd.f32 v61, v53;
	v45 =	vmin.f32 v45, v62;
	v62 =	vmul.f32 v60, v13  }
0x10a: {  	v58 =	vmul.f32 v60, v8;
	v48 =	vmin.f32 v48, v63;
	v51 =	vadd.f32 v59, v57  }
0x10b: {  	v63 =	vmul.f32 v60, v7;
	v57 =	vmul.f32 v52, v4;
	v50 =	vadd.f32 v61, v62  }
0x10c: {  	v59 =	vmul.f32 v52, v2;
	v60 =	vld [tilespmem:$0x25E0];
	v58 =	vadd.f32 v61, v58;
	v62 =	vmul.f32 v56, v6  }
0x10d: {  	v55 =	vadd.f32 v61, v63;
	v50 =	vadd.f32 v50, v54;
	v54 =	vmul.f32 v56, v5  }
0x10e: {  	v49 =	vmin.f32 v49, v51;
	v51 =	vld [tilespmem:$0x21E0];
	v53 =	vadd.f32 v53, v62;
	v56 =	vmul.f32 v56, v3  }
0x10f: {  	v63 =	vmul.f32 v52, v1;
	v50 =	vadd.f32 v50, v57;
	v54 =	vadd.f32 v55, v54;
	v55 =	vld [tilespmem:$0x23E0]  }
0x110: {  	v52 =	vmul.f32 v52, v0;
	v53 =	vadd.f32 v53, v59;
	v59 =	vld [tilespmem:$0x27E0];
	v62 =	vadd.f32 v58, v56  }
0x111: {  	v39 =	vbroadcast v27, $0x1;
	v56 =	vmul.f32 v60, v19;
	v61 =	vadd.f32 v54, v63  }
0x112: {  	v47 =	vmin.f32 v47, v50;
	v30 =	vmin.f32 v30, v53;
	v52 =	vadd.f32 v62, v52  }
0x113: {  	v63 =	vmul.f32 v60, v22;
	v46 =	vmin.f32 v46, v61;
	v61 =	vmul.f32 v60, v23  }
0x114: {  	v58 =	vmul.f32 v51, v16;
	v31 =	vmin.f32 v31, v52;
	v53 =	vmul.f32 v55, v21  }
0x115: {  	v50 =	vadd.f32 v59, v63;
	v57 =	vmul.f32 v55, v20;
	v54 =	vadd.f32 v59, v61  }
0x116: {  	v52 =	vmul.f32 v51, v10;
	v56 =	vadd.f32 v59, v56;
	v61 =	vmul.f32 v55, v17  }
0x117: {  	v50 =	vadd.f32 v50, v53;
	v53 =	vmul.f32 v51, v14;
	v54 =	vadd.f32 v54, v57  }
0x118: {  	v57 =	vmul.f32 v51, v12;
	v56 =	vadd.f32 v56, v61;
	v61 =	vmul.f32 v60, v18  }
0x119: {  	v63 =	vmul.f32 v55, v15;
	v50 =	vadd.f32 v50, v58;
	v62 =	vadd.f32 v54, v53  }
0x11a: {  	v58 =	vmul.f32 v55, v5;
	v53 =	vadd.f32 v56, v57;
	v61 =	vadd.f32 v59, v61  }
0x11b: {  	v54 =	vmul.f32 v55, v6;
	v45 =	vmin.f32 v45, v62;
	v62 =	vmul.f32 v60, v13  }
0x11c: {  	v32 =	vmin.f32 v32, v50;
	v48 =	vmin.f32 v48, v53;
	v63 =	vadd.f32 v61, v63  }
0x11d: {  	v61 =	vmul.f32 v55, v9;
	v50 =	vadd.f32 v59, v62;
	v62 =	vmul.f32 v60, v11  }
0x11e: {  	v53 =	vmul.f32 v51, v4;
	v52 =	vadd.f32 v63, v52;
	v63 =	vmul.f32 v60, v7  }
0x11f: {  	v60 =	vmul.f32 v60, v8;
	v50 =	vadd.f32 v50, v61;
	v56 =	vadd.f32 v59, v62;
	v61 =	vld [tilespmem:$0x25F0]  }
0x120: {  	v55 =	vmul.f32 v55, v3;
	v57 =	vadd.f32 v59, v63;
	v62 =	vmul.f32 v51, v2;
	v63 =	vld [tilespmem:$0x23F0]  }
0x121: {  	v60 =	vadd.f32 v59, v60;
	v59 =	vld [tilespmem:$0x27F0];
	v49 =	vmin.f32 v49, v52;
	v54 =	vadd.f32 v56, v54  }
0x122: {  	v56 =	vmul.f32 v51, v1;
	v57 =	vadd.f32 v57, v58;
	v50 =	vadd.f32 v50, v53  }
0x123: {  	v51 =	vmul.f32 v51, v0;
	v55 =	vadd.f32 v60, v55;
	v62 =	vadd.f32 v54, v62  }
0x124: {  	v53 =	vld [tilespmem:$0x21F0];
	v57 =	vadd.f32 v57, v56;
	v47 =	vmin.f32 v47, v50;
	v60 =	vmul.f32 v61, v22  }
0x125: {  	v51 =	vadd.f32 v55, v51;
	v52 =	vmul.f32 v61, v23;
	v54 =	vmul.f32 v63, v21  }
0x126: {  	v30 =	vmin.f32 v30, v62;
	v62 =	vmul.f32 v61, v19;
	v50 =	vadd.f32 v59, v60  }
0x127: {  	v46 =	vmin.f32 v46, v57;
	v60 =	vmul.f32 v63, v20;
	v52 =	vadd.f32 v59, v52  }
0x128: {  	v55 =	vadd.f32 v59, v62;
	v50 =	vadd.f32 v50, v54;
	v54 =	vmul.f32 v63, v17  }
0x129: {  	v57 =	vmul.f32 v61, v18;
	v62 =	vmul.f32 v53, v14;
	v52 =	vadd.f32 v52, v60  }
0x12a: {  	v56 =	vmul.f32 v53, v16;
	v60 =	vmul.f32 v53, v12;
	v54 =	vadd.f32 v55, v54  }
0x12b: {  	v57 =	vadd.f32 v59, v57;
	v52 =	vadd.f32 v52, v62;
	v62 =	vmul.f32 v63, v15  }
0x12c: {  	v31 =	vmin.f32 v31, v51;
	v50 =	vadd.f32 v50, v56;
	v58 =	vadd.f32 v54, v60  }
0x12d: {  	v56 =	vmul.f32 v63, v6;
	v60 =	vmul.f32 v53, v10;
	v57 =	vadd.f32 v57, v62  }
0x12e: {  	v32 =	vmin.f32 v32, v50;
	v48 =	vmin.f32 v48, v58;
	v58 =	vmul.f32 v61, v13  }
0x12f: {  	v62 =	vmul.f32 v61, v11;
	v51 =	vadd.f32 v57, v60;
	v60 =	vmul.f32 v61, v7  }
0x130: {  	v45 =	vmin.f32 v45, v52;
	v52 =	vmul.f32 v63, v9;
	v50 =	vadd.f32 v59, v58  }
0x131: {  	v54 =	vadd.f32 v59, v62;
	v58 =	vmul.f32 v63, v5;
	v55 =	vadd.f32 v59, v60  }
0x132: {  	v57 =	vmul.f32 v53, v4;
	v62 =	vmul.f32 v53, v1;
	v60 =	vld [tilespmem:$0x2600];
	v50 =	vadd.f32 v50, v52  }
0x133: {  	v54 =	vadd.f32 v54, v56;
	v56 =	vld [tilespmem:$0x2400];
	v52 =	vmul.f32 v53, v2;
	v55 =	vadd.f32 v55, v58  }
0x134: {  	v40 =	vbroadcast v25, $0x1;
	v58 =	vmul.f32 v61, v8;
	v61 =	vld [tilespmem:$0x2800];
	v50 =	vadd.f32 v50, v57  }
0x135: {  	v49 =	vmin.f32 v49, v51;
	v51 =	vadd.f32 v54, v52;
	v54 =	vadd.f32 v55, v62  }
0x136: {  	v62 =	vmul.f32 v63, v3;
	v63 =	vadd.f32 v59, v58;
	v59 =	vmul.f32 v53, v0  }
0x137: {  	v52 =	vld [tilespmem:$0x2200];
	v58 =	vmul.f32 v60, v22;
	v47 =	vmin.f32 v47, v50;
	v30 =	vmin.f32 v30, v51  }
0x138: {  	v46 =	vmin.f32 v46, v54;
	v62 =	vadd.f32 v63, v62;
	v63 =	vmul.f32 v60, v23  }
0x139: {  	v54 =	vmul.f32 v56, v21;
	v50 =	vadd.f32 v61, v58;
	v58 =	vmul.f32 v56, v17  }
0x13a: {  	v51 =	vadd.f32 v62, v59;
	v62 =	vmul.f32 v60, v19;
	v55 =	vadd.f32 v61, v63  }
0x13b: {  	v59 =	vmul.f32 v60, v18;
	v50 =	vadd.f32 v50, v54;
	v54 =	vmul.f32 v56, v20  }
0x13c: {  	v53 =	vmul.f32 v52, v16;
	v63 =	vmul.f32 v52, v12  }
0x13d: {  	v57 =	vadd.f32 v61, v62;
	v62 =	vmul.f32 v52, v14;
	v54 =	vadd.f32 v55, v54  }
0x13e: {  	v59 =	vadd.f32 v61, v59;
	v31 =	vmin.f32 v31, v51;
	v50 =	vadd.f32 v50, v53  }
0x13f: {  	v53 =	vmul.f32 v60, v11;
	v57 =	vadd.f32 v57, v58;
	v62 =	vadd.f32 v54, v62  }
0x140: {  	v58 =	vmul.f32 v56, v15;
	v32 =	vmin.f32 v32, v50;
	v54 =	vmul.f32 v56, v9  }
0x141: {  	v63 =	vadd.f32 v57, v63;
	v45 =	vmin.f32 v45, v62;
	v62 =	vmul.f32 v60, v13  }
0x142: {  	v53 =	vadd.f32 v61, v53;
	v57 =	vmul.f32 v52, v10;
	v59 =	vadd.f32 v59, v58  }
0x143: {  	v48 =	vmin.f32 v48, v63;
	v63 =	vmul.f32 v60, v7;
	v50 =	vadd.f32 v61, v62  }
0x144: {  	v58 =	vmul.f32 v60, v8;
	v51 =	vadd.f32 v59, v57;
	v62 =	vmul.f32 v56, v6  }
0x145: {  	v60 =	vld [tilespmem:$0x2610];
	v55 =	vadd.f32 v61, v63;
	v50 =	vadd.f32 v50, v54;
	v54 =	vmul.f32 v56, v5  }
0x146: {  	v57 =	vmul.f32 v52, v4;
	v59 =	vmul.f32 v52, v2;
	v53 =	vadd.f32 v53, v62  }
0x147: {  	v58 =	vadd.f32 v61, v58;
	v63 =	vmul.f32 v52, v1;
	v54 =	vadd.f32 v55, v54;
	v55 =	vld [tilespmem:$0x2410]  }
0x148: {  	v56 =	vmul.f32 v56, v3;
	v50 =	vadd.f32 v50, v57;
	v53 =	vadd.f32 v53, v59;
	v59 =	vld [tilespmem:$0x2810]  }
0x149: {  	v49 =	vmin.f32 v49, v51;
	v51 =	vld [tilespmem:$0x2210];
	v52 =	vmul.f32 v52, v0;
	v61 =	vadd.f32 v54, v63  }
0x14a: {  	v62 =	vadd.f32 v58, v56;
	v56 =	vmul.f32 v60, v19;
	v47 =	vmin.f32 v47, v50  }
0x14b: {  	v63 =	vmul.f32 v60, v22;
	v46 =	vmin.f32 v46, v61;
	v61 =	vmul.f32 v60, v23  }
0x14c: {  	v30 =	vmin.f32 v30, v53;
	v52 =	vadd.f32 v62, v52;
	v53 =	vmul.f32 v55, v21  }
0x14d: {  	v50 =	vadd.f32 v59, v63;
	v57 =	vmul.f32 v55, v20;
	v54 =	vadd.f32 v59, v61  }
0x14e: {  	v58 =	vmul.f32 v51, v16;
	v56 =	vadd.f32 v59, v56;
	v61 =	vmul.f32 v55, v17  }
0x14f: {  	v50 =	vadd.f32 v50, v53;
	v53 =	vmul.f32 v51, v14;
	v54 =	vadd.f32 v54, v57  }
0x150: {  	v31 =	vmin.f32 v31, v52;
	v56 =	vadd.f32 v56, v61;
	v61 =	vmul.f32 v60, v18  }
0x151: {  	v52 =	vmul.f32 v51, v10;
	v57 =	vmul.f32 v51, v12;
	v62 =	vadd.f32 v54, v53  }
0x152: {  	v63 =	vmul.f32 v55, v15;
	v50 =	vadd.f32 v50, v58;
	v61 =	vadd.f32 v59, v61  }
0x153: {  	v53 =	vadd.f32 v56, v57;
	v45 =	vmin.f32 v45, v62;
	v62 =	vmul.f32 v60, v13  }
0x154: {  	v57 =	vmul.f32 v60, v7;
	v32 =	vmin.f32 v32, v50;
	v63 =	vadd.f32 v61, v63  }
0x155: {  	v61 =	vmul.f32 v55, v9;
	v50 =	vadd.f32 v59, v62;
	v62 =	vmul.f32 v60, v11  }
0x156: {  	v54 =	vmul.f32 v55, v6;
	v48 =	vmin.f32 v48, v53;
	v52 =	vadd.f32 v63, v52  }
0x157: {  	v58 =	vld [tilespmem:$0x2620];
	v53 =	vmul.f32 v51, v4;
	v50 =	vadd.f32 v50, v61;
	v56 =	vadd.f32 v59, v62  }
0x158: {  	v57 =	vadd.f32 v59, v57;
	v61 =	vld [tilespmem:$0x2420];
	v49 =	vmin.f32 v49, v52;
	v52 =	vmul.f32 v55, v5  }
0x159: {  	v62 =	vld [tilespmem:$0x2820];
	v50 =	vadd.f32 v50, v53;
	v53 =	vmul.f32 v51, v2;
	v54 =	vadd.f32 v56, v54  }
0x15a: {  	v56 =	vmul.f32 v51, v1;
	v52 =	vadd.f32 v57, v52;
	v57 =	vmul.f32 v60, v8  }
0x15b: {  	v60 =	vld [tilespmem:$0x2220];
	v51 =	vmul.f32 v51, v0;
	v47 =	vmin.f32 v47, v50;
	v63 =	vadd.f32 v54, v53  }
0x15c: {  	v53 =	vmul.f32 v58, v22;
	v52 =	vadd.f32 v52, v56;
	v54 =	vmul.f32 v55, v3  }
0x15d: {  	v59 =	vadd.f32 v59, v57;
	v55 =	vmul.f32 v58, v23;
	v56 =	vmul.f32 v58, v18  }
0x15e: {  	v30 =	vmin.f32 v30, v63;
	v63 =	vmul.f32 v61, v21;
	v53 =	vadd.f32 v62, v53  }
0x15f: {  	v46 =	vmin.f32 v46, v52;
	v57 =	vadd.f32 v59, v54;
	v52 =	vmul.f32 v61, v20  }
0x160: {  	v55 =	vadd.f32 v62, v55;
	v56 =	vadd.f32 v62, v56;
	v59 =	vmul.f32 v60, v16  }
0x161: {  	v50 =	vadd.f32 v53, v63;
	v53 =	vmul.f32 v60, v14;
	v63 =	vmul.f32 v58, v19  }
0x162: {  	v51 =	vadd.f32 v57, v51;
	v57 =	vmul.f32 v61, v17;
	v52 =	vadd.f32 v55, v52  }
0x163: {  	v50 =	vadd.f32 v50, v59;
	v59 =	vmul.f32 v58, v13;
	v54 =	vadd.f32 v62, v63  }
0x164: {  	v63 =	vmul.f32 v61, v15;
	v31 =	vmin.f32 v31, v51;
	v51 =	vadd.f32 v52, v53  }
0x165: {  	v55 =	vmul.f32 v61, v9;
	v59 =	vadd.f32 v62, v59;
	v54 =	vadd.f32 v54, v57  }
0x166: {  	v57 =	vmul.f32 v60, v12;
	v56 =	vadd.f32 v56, v63;
	v63 =	vmul.f32 v60, v10  }
0x167: {  	v32 =	vmin.f32 v32, v50;
	v55 =	vadd.f32 v59, v55;
	v59 =	vmul.f32 v60, v4  }
0x168: {  	v53 =	vld [tilespmem:$0x2430];
	v45 =	vmin.f32 v45, v51;
	v50 =	vmul.f32 v58, v7;
	v52 =	vadd.f32 v54, v57  }
0x169: {  	v56 =	vadd.f32 v56, v63;
	v57 =	vadd.f32 v55, v59;
	v59 =	vmul.f32 v58, v11  }
0x16a: {  	v54 =	vmul.f32 v61, v6;
	v63 =	vmul.f32 v58, v8;
	v48 =	vmin.f32 v48, v52;
	v52 =	vld [tilespmem:$0x2630]  }
0x16b: {  	v50 =	vadd.f32 v62, v50;
	v49 =	vmin.f32 v49, v56;
	v51 =	vadd.f32 v62, v59  }
0x16c: {  	v56 =	vld [tilespmem:$0x2830];
	v58 =	vmul.f32 v61, v5;
	v55 =	vadd.f32 v62, v63;
	v47 =	vmin.f32 v47, v57  }
0x16d: {  	v57 =	vmul.f32 v60, v2;
	v59 =	vld [tilespmem:$0x2230];
	v62 =	vmul.f32 v53, v21;
	v51 =	vadd.f32 v51, v54  }
0x16e: {  	v50 =	vadd.f32 v50, v58;
	v54 =	vmul.f32 v61, v3;
	v61 =	vmul.f32 v60, v1  }
0x16f: {  	v60 =	vmul.f32 v60, v0;
	v63 =	vmul.f32 v52, v22;
	v51 =	vadd.f32 v51, v57  }
0x170: {  	v54 =	vadd.f32 v55, v54;
	v50 =	vadd.f32 v50, v61;
	v57 =	vmul.f32 v52, v23  }
0x171: {  	v61 =	vmul.f32 v53, v20;
	v58 =	vadd.f32 v56, v63;
	v30 =	vmin.f32 v30, v51  }
0x172: {  	v63 =	vadd.f32 v54, v60;
	v46 =	vmin.f32 v46, v50;
	v60 =	vmul.f32 v59, v16  }
0x173: {  	v54 =	vadd.f32 v56, v57;
	v57 =	vmul.f32 v52, v18;
	v55 =	vadd.f32 v58, v62  }
0x174: {  	v62 =	vmul.f32 v52, v19;
	v58 =	vmul.f32 v59, v14;
	v31 =	vmin.f32 v31, v63  }
0x175: {  	v51 =	vadd.f32 v54, v61;
	v54 =	vmul.f32 v53, v17;
	v57 =	vadd.f32 v56, v57  }
0x176: {  	v50 =	vadd.f32 v55, v60;
	v55 =	vadd.f32 v56, v62;
	v60 =	vmul.f32 v53, v15  }
0x177: {  	v61 =	vmul.f32 v52, v13;
	v51 =	vadd.f32 v51, v58;
	v58 =	vmul.f32 v59, v12  }
0x178: {  	v54 =	vadd.f32 v55, v54;
	v55 =	vmul.f32 v59, v10;
	v57 =	vadd.f32 v57, v60  }
0x179: {  	v32 =	vmin.f32 v32, v50;
	v50 =	vmul.f32 v53, v9;
	v60 =	vadd.f32 v56, v61  }
0x17a: {  	v62 =	vmul.f32 v52, v11;
	v45 =	vmin.f32 v45, v51;
	v51 =	vadd.f32 v54, v58  }
0x17b: {  	v61 =	vmul.f32 v59, v4;
	v63 =	vadd.f32 v57, v55;
	v50 =	vadd.f32 v60, v50  }
0x17c: {  	v55 =	vmul.f32 v53, v6;
	v58 =	vld [tilespmem:$0x2440];
	v48 =	vmin.f32 v48, v51;
	v51 =	vmul.f32 v52, v7  }
0x17d: {  	v57 =	vadd.f32 v56, v62;
	v60 =	vmul.f32 v53, v5;
	v62 =	vmul.f32 v59, v2  }
0x17e: {  	v54 =	vld [tilespmem:$0x2640];
	v53 =	vmul.f32 v53, v3;
	v52 =	vmul.f32 v52, v8;
	v51 =	vadd.f32 v56, v51  }
0x17f: {  	v49 =	vmin.f32 v49, v63;
	v50 =	vadd.f32 v50, v61;
	v55 =	vadd.f32 v57, v55  }
0x180: {  	v61 =	vld [tilespmem:$0x2840];
	v63 =	vmul.f32 v59, v1;
	v52 =	vadd.f32 v56, v52;
	v51 =	vadd.f32 v51, v60  }
0x181: {  	v56 =	vld [tilespmem:$0x2240];
	v47 =	vmin.f32 v47, v50;
	v57 =	vmul.f32 v58, v20;
	v60 =	vadd.f32 v55, v62  }
0x182: {  	v52 =	vadd.f32 v52, v53;
	v51 =	vadd.f32 v51, v63;
	v63 =	vmul.f32 v59, v0  }
0x183: {  	v62 =	vmul.f32 v54, v22;
	v53 =	vmul.f32 v54, v19;
	v30 =	vmin.f32 v30, v60  }
0x184: {  	v46 =	vmin.f32 v46, v51;
	v51 =	vadd.f32 v52, v63;
	v63 =	vmul.f32 v54, v23  }
0x185: {  	v60 =	vmul.f32 v58, v21;
	v62 =	vadd.f32 v61, v62;
	v59 =	vmul.f32 v54, v18  }
0x186: {  	v53 =	vadd.f32 v61, v53;
	v55 =	vmul.f32 v56, v16;
	v52 =	vadd.f32 v61, v63  }
0x187: {  	v50 =	vadd.f32 v62, v60;
	v60 =	vmul.f32 v56, v14;
	v62 =	vmul.f32 v58, v17  }
0x188: {  	v59 =	vadd.f32 v61, v59;
	v52 =	vadd.f32 v52, v57;
	v57 =	vmul.f32 v58, v15  }
0x189: {  	v50 =	vadd.f32 v50, v55;
	v55 =	vmul.f32 v56, v12;
	v53 =	vadd.f32 v53, v62  }
0x18a: {  	v52 =	vadd.f32 v52, v60;
	v60 =	vmul.f32 v56, v10;
	v57 =	vadd.f32 v59, v57  }
0x18b: {  	v31 =	vmin.f32 v31, v51;
	v62 =	vmul.f32 v54, v13;
	v59 =	vadd.f32 v53, v55  }
0x18c: {  	v32 =	vmin.f32 v32, v50;
	v55 =	vmul.f32 v56, v4;
	v63 =	vadd.f32 v57, v60  }
0x18d: {  	v48 =	vmin.f32 v48, v59;
	v57 =	vmul.f32 v58, v9;
	v59 =	vadd.f32 v61, v62  }
0x18e: {  	v45 =	vmin.f32 v45, v52;
	v60 =	vmul.f32 v54, v11;
	v62 =	vmul.f32 v54, v7  }
0x18f: {  	v52 =	vmul.f32 v58, v6;
	v54 =	vmul.f32 v54, v8;
	v51 =	vadd.f32 v59, v57  }
0x190: {  	v57 =	vld [tilespmem:$0x2650];
	v50 =	vadd.f32 v61, v60;
	v59 =	vmul.f32 v58, v5;
	v53 =	vadd.f32 v61, v62  }
0x191: {  	v49 =	vmin.f32 v49, v63;
	v60 =	vld [tilespmem:$0x2450];
	v63 =	vmul.f32 v56, v1;
	v51 =	vadd.f32 v51, v55  }
0x192: {  	v62 =	vld [tilespmem:$0x2850];
	v55 =	vmul.f32 v56, v2;
	v50 =	vadd.f32 v50, v52;
	v53 =	vadd.f32 v53, v59  }
0x193: {  	v58 =	vmul.f32 v58, v3;
	v54 =	vadd.f32 v61, v54;
	v47 =	vmin.f32 v47, v51  }
0x194: {  	v59 =	vld [tilespmem:$0x2250];
	v50 =	vadd.f32 v50, v55;
	v52 =	vadd.f32 v53, v63;
	v55 =	vmul.f32 v56, v0  }
0x195: {  	v51 =	vadd.f32 v54, v58;
	v63 =	vmul.f32 v57, v22;
	v54 =	vmul.f32 v57, v23  }
0x196: {  	v56 =	vmul.f32 v60, v21;
	v58 =	vmul.f32 v57, v19  }
0x197: {  	v51 =	vadd.f32 v51, v55;
	v30 =	vmin.f32 v30, v50;
	v53 =	vadd.f32 v62, v63  }
0x198: {  	v50 =	vmin.f32 v46, v52;
	v63 =	vmul.f32 v60, v20;
	v54 =	vadd.f32 v62, v54  }
0x199: {  	v61 =	vmul.f32 v59, v16;
	v58 =	vadd.f32 v62, v58;
	v53 =	vadd.f32 v53, v56  }
0x19a: {  	v55 =	vmul.f32 v59, v14;
	v56 =	vmul.f32 v60, v17;
	v54 =	vadd.f32 v54, v63  }
0x19b: {  	v31 =	vmin.f32 v31, v51;
	v63 =	vmul.f32 v60, v9;
	v53 =	vadd.f32 v53, v61  }
0x19c: {  	v61 =	vmul.f32 v59, v12;
	v56 =	vadd.f32 v58, v56;
	v55 =	vadd.f32 v54, v55  }
0x19d: {  	v58 =	vmul.f32 v57, v18;
	v54 =	vmul.f32 v60, v15;
	v32 =	vmin.f32 v32, v53  }
0x19e: {  	v56 =	vadd.f32 v56, v61;
	v52 =	vmin.f32 v45, v55;
	v61 =	vmul.f32 v57, v13  }
0x19f: {  	v45 =	vmul.f32 v59, v10;
	v53 =	vmul.f32 v57, v11;
	v46 =	vadd.f32 v62, v58  }
0x1a0: {  	v58 =	vmul.f32 v57, v7;
	v55 =	vmul.f32 v59, v2;
	v51 =	vadd.f32 v62, v61  }
0x1a1: {  	v48 =	vmin.f32 v48, v56;
	v61 =	vmul.f32 v60, v6;
	v53 =	vadd.f32 v62, v53  }
0x1a2: {  	v46 =	vadd.f32 v46, v54;
	v54 =	vmul.f32 v59, v4;
	v51 =	vadd.f32 v51, v63  }
0x1a3: {  	v56 =	vld [tilespmem:$0x2660];
	v58 =	vadd.f32 v62, v58;
	v53 =	vadd.f32 v53, v61;
	v63 =	vmul.f32 v60, v5  }
0x1a4: {  	v38 =	vbroadcast v24, $0x1;
	v61 =	vadd.f32 v46, v45;
	v46 =	vld [tilespmem:$0x2460];
	v54 =	vadd.f32 v51, v54  }
0x1a5: {  	v53 =	vadd.f32 v53, v55;
	v55 =	vld [tilespmem:$0x2860];
	v58 =	vadd.f32 v58, v63;
	v63 =	vmul.f32 v59, v1  }
0x1a6: {  	v60 =	vmul.f32 v60, v3;
	v59 =	vmul.f32 v59, v0;
	v47 =	vmin.f32 v47, v54  }
0x1a7: {  	v54 =	vmul.f32 v57, v8;
	v57 =	vld [tilespmem:$0x2260];
	v30 =	vmin.f32 v30, v53;
	v53 =	vadd.f32 v58, v63  }
0x1a8: {  	v49 =	vmin.f32 v49, v61;
	v61 =	vmul.f32 v56, v23;
	v58 =	vmul.f32 v56, v22  }
0x1a9: {  	v54 =	vadd.f32 v62, v54;
	v50 =	vmin.f32 v50, v53;
	v53 =	vmul.f32 v56, v18  }
0x1aa: {  	v62 =	vmul.f32 v46, v21;
	v58 =	vadd.f32 v55, v58;
	v61 =	vadd.f32 v55, v61  }
0x1ab: {  	v54 =	vadd.f32 v54, v60;
	v60 =	vmul.f32 v46, v20;
	v53 =	vadd.f32 v55, v53  }
0x1ac: {  	v63 =	vmul.f32 v57, v16;
	v58 =	vadd.f32 v58, v62;
	v62 =	vmul.f32 v56, v19  }
0x1ad: {  	v54 =	vadd.f32 v54, v59;
	v59 =	vmul.f32 v57, v14;
	v60 =	vadd.f32 v61, v60  }
0x1ae: {  	v61 =	vmul.f32 v46, v17;
	v58 =	vadd.f32 v58, v63;
	v62 =	vadd.f32 v55, v62  }
0x1af: {  	v31 =	vmin.f32 v31, v54;
	v63 =	vadd.f32 v60, v59;
	v59 =	vmul.f32 v56, v13  }
0x1b0: {  	v60 =	vmul.f32 v57, v12;
	v32 =	vmin.f32 v32, v58;
	v62 =	vadd.f32 v62, v61  }
0x1b1: {  	v58 =	vmul.f32 v46, v15;
	v61 =	vmul.f32 v46, v9;
	v59 =	vadd.f32 v55, v59  }
0x1b2: {  	v54 =	vadd.f32 v62, v60;
	v60 =	vmul.f32 v56, v11;
	v62 =	vmul.f32 v57, v10  }
0x1b3: {  	v53 =	vadd.f32 v53, v58;
	v58 =	vmul.f32 v57, v4;
	v59 =	vadd.f32 v59, v61  }
0x1b4: {  	v52 =	vmin.f32 v52, v63;
	v63 =	vmul.f32 v46, v6;
	v60 =	vadd.f32 v55, v60  }
0x1b5: {  	v48 =	vmin.f32 v48, v54;
	v53 =	vadd.f32 v53, v62;
	v54 =	vadd.f32 v59, v58  }
0x1b6: {  	v61 =	vmul.f32 v57, v2;
	v58 =	vld [tilespmem:$0x2670];
	v60 =	vadd.f32 v60, v63;
	v63 =	vmul.f32 v56, v7  }
0x1b7: {  	v62 =	vld [tilespmem:$0x2470];
	v49 =	vmin.f32 v49, v53;
	v53 =	vmul.f32 v56, v8;
	v47 =	vmin.f32 v47, v54  }
0x1b8: {  	v54 =	vld [tilespmem:$0x2870];
	v59 =	vadd.f32 v60, v61;
	v60 =	vmul.f32 v46, v5;
	v61 =	vadd.f32 v55, v63  }
0x1b9: {  	v56 =	vmul.f32 v57, v1;
	v46 =	vmul.f32 v46, v3;
	v53 =	vadd.f32 v55, v53  }
0x1ba: {  	v57 =	vmul.f32 v57, v0;
	v55 =	vld [tilespmem:$0x2270];
	v30 =	vmin.f32 v30, v59;
	v63 =	vadd.f32 v61, v60  }
0x1bb: {  	v59 =	vmul.f32 v58, v22;
	v60 =	vmul.f32 v58, v23;
	v46 =	vadd.f32 v53, v46  }
0x1bc: {  	v53 =	vmul.f32 v62, v21;
	v61 =	vmul.f32 v58, v19;
	v56 =	vadd.f32 v63, v56  }
0x1bd: {  	v59 =	vadd.f32 v54, v59;
	v63 =	vmul.f32 v62, v20;
	v60 =	vadd.f32 v54, v60  }
0x1be: {  	v46 =	vadd.f32 v46, v57;
	v57 =	vmul.f32 v62, v17;
	v61 =	vadd.f32 v54, v61  }
0x1bf: {  	v53 =	vadd.f32 v59, v53;
	v59 =	vmul.f32 v55, v16;
	v60 =	vadd.f32 v60, v63  }
0x1c0: {  	v63 =	vmul.f32 v55, v14;
	v57 =	vadd.f32 v61, v57;
	v61 =	vmul.f32 v55, v12  }
0x1c1: {  	v50 =	vmin.f32 v50, v56;
	v56 =	vmul.f32 v58, v18;
	v53 =	vadd.f32 v53, v59  }
0x1c2: {  	v31 =	vmin.f32 v31, v46;
	v60 =	vadd.f32 v60, v63;
	v57 =	vadd.f32 v57, v61  }
0x1c3: {  	v61 =	vmul.f32 v62, v15;
	v56 =	vadd.f32 v54, v56;
	v63 =	vmul.f32 v58, v13  }
0x1c4: {  	v59 =	vmul.f32 v62, v9;
	v32 =	vmin.f32 v32, v53;
	v46 =	vmin.f32 v52, v60  }
0x1c5: {  	v48 =	vmin.f32 v48, v57;
	v53 =	vadd.f32 v56, v61;
	v56 =	vmul.f32 v58, v11  }
0x1c6: {  	v57 =	vmul.f32 v55, v10;
	v52 =	vadd.f32 v54, v63;
	v60 =	vmul.f32 v58, v7  }
0x1c7: {  	v61 =	vmul.f32 v55, v4;
	v63 =	vmul.f32 v62, v6;
	v56 =	vadd.f32 v54, v56  }
0x1c8: {  	[tilespmem:$0x2680] =	vst v44;
	v44 =	vadd.f32 v52, v59;
	v52 =	vmul.f32 v62, v5;
	v59 =	vadd.f32 v54, v60  }
0x1c9: {  	[tilespmem:$0x2480] =	vst v43;
	v43 =	vadd.f32 v53, v57;
	v60 =	vmul.f32 v55, v2;
	v57 =	vld [tilespmem:$0x2680];
	v56 =	vadd.f32 v56, v63  }
0x1ca: {  	v35 =	vbroadcast v27, $0x2;
	v36 =	vbroadcast v25, $0x2;
	[tilespmem:$0x2880] =	vst v42;
	v52 =	vadd.f32 v59, v52;
	v59 =	vld [tilespmem:$0x2480]  }
0x1cb: {  	v34 =	vbroadcast v24, $0x2;
	v61 =	vadd.f32 v44, v61;
	v53 =	vadd.f32 v56, v60;
	v56 =	vld [tilespmem:$0x2880]  }
0x1cc: {  	v42 =	vmul.f32 v55, v0;
	v63 =	vmul.f32 v55, v1  }
0x1cd: {  	[tilespmem:$0x2280] =	vst v41;
	v44 =	vmul.f32 v62, v3;
	v47 =	vmin.f32 v47, v61;
	v61 =	vmul.f32 v58, v8  }
0x1ce: {  	v60 =	vadd.f32 v52, v63;
	v62 =	vmul.f32 v57, v22;
	v30 =	vmin.f32 v30, v53;
	v53 =	vld [tilespmem:$0x2280]  }
0x1cf: {  	v55 =	vmul.f32 v57, v23;
	v58 =	vmul.f32 v57, v19;
	v52 =	vadd.f32 v54, v61  }
0x1d0: {  	v50 =	vmin.f32 v50, v60;
	v54 =	vmul.f32 v59, v21;
	v41 =	vadd.f32 v56, v62  }
0x1d1: {  	v60 =	vmul.f32 v59, v20;
	v44 =	vadd.f32 v52, v44;
	v55 =	vadd.f32 v56, v55  }
0x1d2: {  	v52 =	vmul.f32 v59, v17;
	v58 =	vadd.f32 v56, v58;
	v54 =	vadd.f32 v41, v54  }
0x1d3: {  	v61 =	vmul.f32 v53, v16;
	v55 =	vadd.f32 v55, v60;
	v60 =	vmul.f32 v53, v14  }
0x1d4: {  	v44 =	vadd.f32 v44, v42;
	v52 =	vadd.f32 v58, v52;
	v63 =	vmul.f32 v53, v12  }
0x1d5: {  	v58 =	vmul.f32 v59, v9;
	v54 =	vadd.f32 v54, v61;
	v55 =	vadd.f32 v55, v60  }
0x1d6: {  	v31 =	vmin.f32 v31, v44;
	v52 =	vadd.f32 v52, v63;
	v60 =	vmul.f32 v57, v18  }
0x1d7: {  	v61 =	vmul.f32 v57, v13;
	v32 =	vmin.f32 v32, v54;
	v46 =	vmin.f32 v46, v55  }
0x1d8: {  	v48 =	vmin.f32 v48, v52;
	v55 =	vmul.f32 v59, v15;
	v44 =	vadd.f32 v56, v60  }
0x1d9: {  	v54 =	vmul.f32 v53, v10;
	v52 =	vadd.f32 v56, v61;
	v60 =	vmul.f32 v57, v11  }
0x1da: {  	[tilespmem:$0x2690] =	vst v40;
	v40 =	vadd.f32 v44, v55;
	v44 =	vmul.f32 v53, v4;
	v55 =	vmul.f32 v57, v7  }
0x1db: {  	[tilespmem:$0x2490] =	vst v39;
	v39 =	vadd.f32 v52, v58;
	v52 =	vmul.f32 v59, v6;
	v58 =	vadd.f32 v56, v60;
	v60 =	vld [tilespmem:$0x2690]  }
0x1dc: {  	[tilespmem:$0x2890] =	vst v38;
	v61 =	vld [tilespmem:$0x2490];
	v40 =	vadd.f32 v40, v54;
	v54 =	vmul.f32 v59, v5;
	v55 =	vadd.f32 v56, v55  }
0x1dd: {  	v49 =	vmin.f32 v49, v43;
	v39 =	vadd.f32 v39, v44;
	v44 =	vadd.f32 v58, v52;
	v52 =	vld [tilespmem:$0x2890]  }
0x1de: {  	[tilespmem:$0x2290] =	vst v37;
	v62 =	vmul.f32 v53, v2;
	v63 =	vmul.f32 v53, v1;
	v54 =	vadd.f32 v55, v54  }
0x1df: {  	v58 =	vmul.f32 v57, v8;
	v40 =	vmin.f32 v49, v40;
	v39 =	vmin.f32 v47, v39;
	v49 =	vld [tilespmem:$0x2290]  }
0x1e0: {  	v44 =	vadd.f32 v44, v62;
	v54 =	vadd.f32 v54, v63;
	v63 =	vmul.f32 v60, v22  }
0x1e1: {  	v62 =	vmul.f32 v59, v3;
	v47 =	vadd.f32 v56, v58;
	v56 =	vmul.f32 v60, v23  }
0x1e2: {  	v53 =	vmul.f32 v53, v0;
	v57 =	vmul.f32 v61, v21;
	v63 =	vadd.f32 v52, v63  }
0x1e3: {  	v47 =	vadd.f32 v47, v62;
	v62 =	vmul.f32 v61, v20;
	v56 =	vadd.f32 v52, v56  }
0x1e4: {  	v59 =	vmul.f32 v61, v17;
	v57 =	vadd.f32 v63, v57;
	v63 =	vmul.f32 v49, v16  }
0x1e5: {  	v47 =	vadd.f32 v47, v53;
	v53 =	vmul.f32 v49, v14;
	v55 =	vadd.f32 v56, v62  }
0x1e6: {  	v30 =	vmin.f32 v30, v44;
	v62 =	vadd.f32 v57, v63;
	v63 =	vmul.f32 v60, v19  }
0x1e7: {  	v50 =	vmin.f32 v50, v54;
	v58 =	vadd.f32 v55, v53;
	v53 =	vmul.f32 v60, v13  }
0x1e8: {  	v55 =	vmul.f32 v60, v11;
	v32 =	vmin.f32 v32, v62;
	v62 =	vadd.f32 v52, v63  }
0x1e9: {  	v46 =	vmin.f32 v46, v58;
	v53 =	vadd.f32 v52, v53;
	v63 =	vmul.f32 v60, v18  }
0x1ea: {  	v58 =	vmul.f32 v61, v6;
	v55 =	vadd.f32 v52, v55;
	v44 =	vadd.f32 v62, v59  }
0x1eb: {  	v62 =	vmul.f32 v61, v15;
	v54 =	vadd.f32 v52, v63;
	v63 =	vmul.f32 v61, v9  }
0x1ec: {  	[tilespmem:$0x26A0] =	vst v36;
	v31 =	vmin.f32 v31, v47;
	v47 =	vmul.f32 v49, v12;
	v55 =	vadd.f32 v55, v58  }
0x1ed: {  	[tilespmem:$0x24A0] =	vst v35;
	v57 =	vld [tilespmem:$0x26A0];
	v54 =	vadd.f32 v54, v62;
	v62 =	vadd.f32 v53, v63;
	v63 =	vmul.f32 v49, v2  }
0x1ee: {  	v33 =	vbroadcast v26, $0x2;
	[tilespmem:$0x28A0] =	vst v34;
	v59 =	vmul.f32 v60, v7;
	v44 =	vadd.f32 v44, v47;
	v47 =	vld [tilespmem:$0x24A0]  }
0x1ef: {  	v29 =	vbroadcast v26, $0x3;
	v56 =	vmul.f32 v49, v4;
	v53 =	vadd.f32 v55, v63;
	v55 =	vld [tilespmem:$0x28A0]  }
0x1f0: {  	v38 =	vbroadcast v25, $0x5;
	[tilespmem:$0x22A0] =	vst v33;
	v36 =	vmul.f32 v49, v10;
	v33 =	vadd.f32 v52, v59  }
0x1f1: {  	v58 =	vadd.f32 v62, v56;
	v44 =	vmin.f32 v48, v44;
	v62 =	vmul.f32 v60, v8  }
0x1f2: {  	v63 =	vmul.f32 v61, v5;
	v60 =	vmul.f32 v57, v22;
	v30 =	vmin.f32 v30, v53;
	v53 =	vld [tilespmem:$0x22A0]  }
0x1f3: {  	v61 =	vmul.f32 v61, v3;
	v48 =	vmin.f32 v39, v58;
	v39 =	vadd.f32 v52, v62  }
0x1f4: {  	v33 =	vadd.f32 v33, v63;
	v62 =	vmul.f32 v47, v21;
	v63 =	vadd.f32 v55, v60  }
0x1f5: {  	v58 =	vadd.f32 v39, v61;
	v60 =	vmul.f32 v49, v1;
	v49 =	vmul.f32 v49, v0  }
0x1f6: {  	v59 =	vmul.f32 v57, v19;
	v52 =	vadd.f32 v63, v62;
	v62 =	vmul.f32 v57, v23  }
0x1f7: {  	v36 =	vadd.f32 v54, v36;
	v61 =	vmul.f32 v53, v16;
	v49 =	vadd.f32 v58, v49  }
0x1f8: {  	v33 =	vadd.f32 v33, v60;
	v63 =	vmul.f32 v47, v20;
	v54 =	vadd.f32 v55, v62  }
0x1f9: {  	v60 =	vmul.f32 v53, v14;
	v52 =	vadd.f32 v52, v61;
	v49 =	vmin.f32 v31, v49  }
0x1fa: {  	v62 =	vmul.f32 v47, v17;
	v31 =	vadd.f32 v55, v59;
	v61 =	vadd.f32 v54, v63  }
0x1fb: {  	v37 =	vbroadcast v24, $0x5;
	v52 =	vmin.f32 v32, v52;
	v63 =	vmul.f32 v57, v18  }
0x1fc: {  	v31 =	vadd.f32 v31, v62;
	v32 =	vadd.f32 v61, v60;
	v61 =	vmul.f32 v57, v13  }
0x1fd: {  	v62 =	vmul.f32 v47, v15;
	v60 =	vmul.f32 v53, v12;
	v56 =	vadd.f32 v55, v63  }
0x1fe: {  	v34 =	vbroadcast v26, $0x6;
	v63 =	vmul.f32 v47, v9;
	v58 =	vadd.f32 v55, v61  }
0x1ff: {  	v31 =	vadd.f32 v31, v60;
	v60 =	vmul.f32 v53, v10;
	v54 =	vadd.f32 v56, v62  }
0x200: {  	v35 =	vbroadcast v27, $0x6;
	v28 =	vbroadcast v26, $0x4;
	v46 =	vmin.f32 v46, v32  }
0x201: {  	[tilespmem:$0x22B0] =	vst v29;
	v32 =	vadd.f32 v58, v63;
	v58 =	vmin.f32 v44, v31;
	v44 =	vadd.f32 v54, v60;
	v60 =	vld [tilespmem:$0x1FFE0]  }
0x202: {  	[tilespmem:$0x24E0] =	vst v35;
	v35 =	vbroadcast v27, $0x9;
	v45 =	vbroadcast v27, $0x4;
	v59 =	vld [tilespmem:$0x22B0]  }
0x203: {  	v51 =	vbroadcast v25, $0x4;
	v43 =	vbroadcast v24, $0x4  }
0x204: {  	v42 =	vbroadcast v27, $0x5;
	v41 =	vbroadcast v26, $0x5;
	v63 =	vld [tilespmem:$0x1FFD0]  }
0x205: {  	v40 =	vmin.f32 v40, v36;
	v36 =	vbroadcast v25, $0x6;
	v39 =	vbroadcast v24, $0x6  }
0x206: {  	v50 =	vmin.f32 v50, v33;
	v33 =	vbroadcast v26, $0x7;
	v61 =	vmul.f32 v53, v4;
	[tilespmem:$0x24B0] =	vst v60;
	v60 =	vld [tilespmem:$0x1FFF0]  }
0x207: {  	[tilespmem:$0x26C0] =	vst v51;
	v51 =	vmul.f32 v59, v4;
	v62 =	vmul.f32 v57, v11  }
0x208: {  	v54 =	vmul.f32 v57, v8;
	v29 =	vadd.f32 v32, v61;
	v32 =	vmul.f32 v57, v7  }
0x209: {  	v56 =	vmul.f32 v47, v6;
	v31 =	vadd.f32 v55, v62;
	v57 =	vmul.f32 v47, v5;
	[tilespmem:$0x26B0] =	vst v63  }
0x20a: {  	v47 =	vmul.f32 v47, v3;
	v54 =	vadd.f32 v55, v54;
	v32 =	vadd.f32 v55, v32;
	v55 =	vld [tilespmem:$0x26B0]  }
0x20b: {  	v56 =	vadd.f32 v31, v56;
	v61 =	vmul.f32 v53, v1;
	v31 =	vbroadcast v27, $0x7;
	v62 =	vld [tilespmem:$0x24B0];
	[tilespmem:$0x28B0] =	vst v60  }
0x20c: {  	v40 =	vmin.f32 v40, v44;
	v47 =	vadd.f32 v54, v47;
	v60 =	vmul.f32 v53, v2;
	v54 =	vld [tilespmem:$0x28B0]  }
0x20d: {  	v44 =	vmul.f32 v59, v16;
	v48 =	vmin.f32 v48, v29;
	v57 =	vadd.f32 v32, v57  }
0x20e: {  	v32 =	vbroadcast v25, $0x7;
	v53 =	vmul.f32 v53, v0;
	v56 =	vadd.f32 v56, v60  }
0x20f: {  	v63 =	vmul.f32 v55, v23;
	v60 =	vadd.f32 v57, v61;
	v61 =	vmul.f32 v55, v22  }
0x210: {  	v47 =	vadd.f32 v47, v53;
	v57 =	vmul.f32 v55, v19;
	v53 =	vmin.f32 v30, v56  }
0x211: {  	v50 =	vmin.f32 v50, v60;
	v60 =	vmul.f32 v62, v21;
	v29 =	vadd.f32 v54, v61  }
0x212: {  	v47 =	vmin.f32 v49, v47;
	v56 =	vmul.f32 v62, v20;
	v30 =	vadd.f32 v54, v63  }
0x213: {  	v49 =	vmul.f32 v59, v14;
	v29 =	vadd.f32 v29, v60;
	v60 =	vmul.f32 v55, v18  }
0x214: {  	v57 =	vadd.f32 v54, v57;
	v30 =	vadd.f32 v30, v56;
	v56 =	vmul.f32 v62, v17  }
0x215: {  	[tilespmem:$0x24C0] =	vst v45;
	v45 =	vmul.f32 v62, v5;
	v61 =	vmul.f32 v62, v15;
	v60 =	vadd.f32 v54, v60  }
0x216: {  	v30 =	vadd.f32 v30, v49;
	v49 =	vmul.f32 v59, v12;
	v56 =	vadd.f32 v57, v56  }
0x217: {  	v29 =	vadd.f32 v29, v44;
	v57 =	vadd.f32 v60, v61;
	v60 =	vmul.f32 v59, v10  }
0x218: {  	v63 =	vmul.f32 v62, v9;
	v49 =	vadd.f32 v56, v49;
	v56 =	vmul.f32 v55, v13  }
0x219: {  	v44 =	vbroadcast v24, $0x7;
	v52 =	vmin.f32 v52, v29;
	v61 =	vadd.f32 v57, v60  }
0x21a: {  	v46 =	vmin.f32 v46, v30;
	v56 =	vadd.f32 v54, v56;
	v60 =	vmul.f32 v55, v11  }
0x21b: {  	v49 =	vmin.f32 v58, v49;
	v58 =	vmin.f32 v40, v61;
	v61 =	vmul.f32 v55, v7  }
0x21c: {  	v57 =	vmul.f32 v62, v6;
	v56 =	vadd.f32 v56, v63;
	v30 =	vadd.f32 v54, v60  }
0x21d: {  	v29 =	vbroadcast v26, $0x8;
	v60 =	vld [tilespmem:$0x26C0];
	v55 =	vmul.f32 v55, v8;
	v40 =	vadd.f32 v54, v61  }
0x21e: {  	[tilespmem:$0x28C0] =	vst v43;
	v43 =	vadd.f32 v56, v51;
	v51 =	vmul.f32 v59, v2;
	v56 =	vld [tilespmem:$0x24C0];
	v57 =	vadd.f32 v30, v57  }
0x21f: {  	[tilespmem:$0x22C0] =	vst v28;
	v63 =	vmul.f32 v62, v3;
	v54 =	vadd.f32 v54, v55;
	v40 =	vadd.f32 v40, v45;
	v45 =	vld [tilespmem:$0x28C0]  }
0x220: {  	v61 =	vmul.f32 v59, v1;
	v30 =	vbroadcast v27, $0x8;
	v57 =	vadd.f32 v57, v51;
	v51 =	vld [tilespmem:$0x22C0]  }
0x221: {  	v59 =	vmul.f32 v59, v0;
	v48 =	vmin.f32 v48, v43;
	v28 =	vadd.f32 v54, v63  }
0x222: {  	v62 =	vmul.f32 v60, v23;
	v40 =	vadd.f32 v40, v61;
	v61 =	vmul.f32 v60, v22  }
0x223: {  	v53 =	vmin.f32 v53, v57;
	v28 =	vadd.f32 v28, v59;
	v57 =	vmul.f32 v60, v19  }
0x224: {  	v63 =	vmul.f32 v56, v21;
	v55 =	vmul.f32 v56, v20;
	v54 =	vadd.f32 v45, v61  }
0x225: {  	v50 =	vmin.f32 v50, v40;
	v40 =	vadd.f32 v45, v62;
	v59 =	vmul.f32 v51, v16  }
0x226: {  	v62 =	vmul.f32 v56, v17;
	v57 =	vadd.f32 v45, v57;
	v54 =	vadd.f32 v54, v63  }
0x227: {  	v47 =	vmin.f32 v47, v28;
	v61 =	vmul.f32 v51, v14;
	v55 =	vadd.f32 v40, v55  }
0x228: {  	v57 =	vadd.f32 v57, v62;
	v62 =	vmul.f32 v60, v18;
	v54 =	vadd.f32 v54, v59  }
0x229: {  	v63 =	vmul.f32 v60, v13;
	v55 =	vadd.f32 v55, v61;
	v61 =	vmul.f32 v51, v12  }
0x22a: {  	v28 =	vadd.f32 v45, v62;
	v62 =	vmul.f32 v60, v11;
	v52 =	vmin.f32 v52, v54  }
0x22b: {  	v46 =	vmin.f32 v46, v55;
	v54 =	vadd.f32 v57, v61;
	v61 =	vmul.f32 v56, v15  }
0x22c: {  	v55 =	vadd.f32 v45, v63;
	v57 =	vmul.f32 v56, v6;
	v59 =	vadd.f32 v45, v62  }
0x22d: {  	v49 =	vmin.f32 v49, v54;
	v54 =	vmul.f32 v56, v9;
	v28 =	vadd.f32 v28, v61  }
0x22e: {  	v61 =	vmul.f32 v51, v10;
	v57 =	vadd.f32 v59, v57;
	v59 =	vmul.f32 v60, v7  }
0x22f: {  	[tilespmem:$0x24D0] =	vst v42;
	v63 =	vmul.f32 v51, v2;
	v54 =	vadd.f32 v55, v54;
	v55 =	vmul.f32 v51, v4  }
0x230: {  	[tilespmem:$0x26D0] =	vst v38;
	v43 =	vbroadcast v25, $0x8;
	v62 =	vadd.f32 v28, v61;
	v61 =	vadd.f32 v45, v59;
	v59 =	vld [tilespmem:$0x24D0]  }
0x231: {  	v38 =	vmul.f32 v56, v5;
	v63 =	vadd.f32 v57, v63;
	v54 =	vadd.f32 v54, v55;
	v55 =	vld [tilespmem:$0x26D0]  }
0x232: {  	[tilespmem:$0x28D0] =	vst v37;
	v40 =	vbroadcast v24, $0x8;
	v42 =	vmin.f32 v58, v62;
	v62 =	vmul.f32 v60, v8  }
0x233: {  	v58 =	vld [tilespmem:$0x28D0];
	v37 =	vmin.f32 v53, v63;
	v63 =	vmul.f32 v51, v1;
	v38 =	vadd.f32 v61, v38  }
0x234: {  	[tilespmem:$0x22D0] =	vst v41;
	v51 =	vmul.f32 v51, v0;
	v60 =	vmul.f32 v56, v3;
	v45 =	vadd.f32 v45, v62  }
0x235: {  	v48 =	vmin.f32 v48, v54;
	v54 =	vld [tilespmem:$0x22D0];
	v38 =	vadd.f32 v38, v63;
	v53 =	vmul.f32 v59, v21  }
0x236: {  	v45 =	vadd.f32 v45, v60;
	v60 =	vmul.f32 v59, v20;
	v61 =	vmul.f32 v55, v22  }
0x237: {  	v38 =	vmin.f32 v50, v38;
	v56 =	vmul.f32 v55, v23;
	v57 =	vmul.f32 v55, v19  }
0x238: {  	v63 =	vmul.f32 v55, v18;
	v45 =	vadd.f32 v45, v51;
	v41 =	vadd.f32 v58, v61  }
0x239: {  	v51 =	vmul.f32 v59, v17;
	v56 =	vadd.f32 v58, v56;
	v57 =	vadd.f32 v58, v57  }
0x23a: {  	v62 =	vmul.f32 v54, v12;
	v41 =	vadd.f32 v41, v53;
	v53 =	vmul.f32 v54, v16  }
0x23b: {  	v56 =	vadd.f32 v56, v60;
	v60 =	vmul.f32 v54, v14;
	v51 =	vadd.f32 v57, v51  }
0x23c: {  	v50 =	vadd.f32 v58, v63;
	v57 =	vmul.f32 v59, v15;
	v41 =	vadd.f32 v41, v53  }
0x23d: {  	v45 =	vmin.f32 v47, v45;
	v56 =	vadd.f32 v56, v60;
	v51 =	vadd.f32 v51, v62  }
0x23e: {  	v60 =	vmul.f32 v55, v13;
	v50 =	vadd.f32 v50, v57;
	v53 =	vmul.f32 v59, v9  }
0x23f: {  	v41 =	vmin.f32 v52, v41;
	v46 =	vmin.f32 v46, v56;
	v52 =	vmul.f32 v55, v11  }
0x240: {  	v47 =	vmin.f32 v49, v51;
	v49 =	vadd.f32 v58, v60;
	v56 =	vmul.f32 v55, v7  }
0x241: {  	v51 =	vmul.f32 v54, v10;
	v60 =	vmul.f32 v59, v6;
	v52 =	vadd.f32 v58, v52  }
0x242: {  	[tilespmem:$0x26E0] =	vst v36;
	v36 =	vadd.f32 v49, v53;
	v49 =	vmul.f32 v59, v5;
	v53 =	vadd.f32 v58, v56  }
0x243: {  	[tilespmem:$0x28E0] =	vst v39;
	v39 =	vmul.f32 v59, v3;
	v57 =	vmul.f32 v54, v4;
	v63 =	vadd.f32 v52, v60;
	v52 =	vld [tilespmem:$0x26E0]  }
0x244: {  	v62 =	vmul.f32 v54, v2;
	v61 =	vadd.f32 v50, v51;
	v49 =	vadd.f32 v53, v49;
	v53 =	vld [tilespmem:$0x24E0]  }
0x245: {  	v56 =	vmul.f32 v54, v1;
	v59 =	vmul.f32 v55, v8;
	v36 =	vadd.f32 v36, v57  }
0x246: {  	v28 =	vbroadcast v26, $0x9;
	v51 =	vld [tilespmem:$0x28E0];
	v42 =	vmin.f32 v42, v61;
	v50 =	vadd.f32 v63, v62  }
0x247: {  	v48 =	vmin.f32 v48, v36;
	v57 =	vadd.f32 v49, v56;
	v49 =	vadd.f32 v58, v59  }
0x248: {  	[tilespmem:$0x22E0] =	vst v34;
	v36 =	vmul.f32 v54, v0;
	v37 =	vmin.f32 v37, v50;
	v60 =	vmul.f32 v52, v22  }
0x249: {  	v50 =	vld [tilespmem:$0x22E0];
	v39 =	vadd.f32 v49, v39;
	v61 =	vmul.f32 v52, v23;
	v62 =	vmul.f32 v53, v21  }
0x24a: {  	[tilespmem:$0x26F0] =	vst v32;
	v38 =	vmin.f32 v38, v57;
	v63 =	vmul.f32 v52, v19;
	v58 =	vmul.f32 v53, v3  }
0x24b: {  	v57 =	vld [tilespmem:$0x26F0];
	v39 =	vadd.f32 v39, v36;
	v36 =	vbroadcast v25, $0x9;
	v34 =	vadd.f32 v51, v60  }
0x24c: {  	v60 =	vmul.f32 v53, v20;
	v54 =	vadd.f32 v51, v61;
	v61 =	vmul.f32 v53, v17  }
0x24d: {  	v56 =	vadd.f32 v51, v63;
	v39 =	vmin.f32 v45, v39;
	v34 =	vadd.f32 v34, v62  }
0x24e: {  	v62 =	vmul.f32 v50, v16;
	v54 =	vadd.f32 v54, v60;
	v63 =	vmul.f32 v50, v14  }
0x24f: {  	v49 =	vadd.f32 v56, v61;
	v60 =	vmul.f32 v50, v12;
	v61 =	vmul.f32 v52, v18  }
0x250: {  	v59 =	vmul.f32 v57, v23;
	v55 =	vadd.f32 v34, v62;
	v34 =	vbroadcast v24, $0x9  }
0x251: {  	v54 =	vadd.f32 v54, v63;
	v49 =	vadd.f32 v49, v60;
	v62 =	vmul.f32 v52, v13  }
0x252: {  	v63 =	vmul.f32 v53, v15;
	v45 =	vadd.f32 v51, v61;
	v60 =	vmul.f32 v53, v9  }
0x253: {  	v61 =	vmul.f32 v52, v11;
	v41 =	vmin.f32 v41, v55;
	v46 =	vmin.f32 v46, v54  }
0x254: {  	v47 =	vmin.f32 v47, v49;
	v54 =	vmul.f32 v50, v10;
	v49 =	vadd.f32 v51, v62  }
0x255: {  	[tilespmem:$0x28F0] =	vst v44;
	v62 =	vadd.f32 v45, v63;
	v45 =	vmul.f32 v50, v4;
	v63 =	vmul.f32 v52, v7  }
0x256: {  	[tilespmem:$0x24F0] =	vst v31;
	v56 =	vld [tilespmem:$0x28F0];
	v61 =	vadd.f32 v51, v61;
	v31 =	vadd.f32 v49, v60;
	v60 =	vmul.f32 v53, v6  }
0x257: {  	v55 =	vld [tilespmem:$0x24F0];
	v32 =	vadd.f32 v62, v54;
	v62 =	vmul.f32 v53, v5;
	v63 =	vadd.f32 v51, v63  }
0x258: {  	v45 =	vadd.f32 v31, v45;
	v31 =	vbroadcast v26, $0xA;
	v49 =	vadd.f32 v61, v60  }
0x259: {  	v60 =	vmul.f32 v50, v2;
	v44 =	vadd.f32 v63, v62;
	v61 =	vmul.f32 v50, v1  }
0x25a: {  	v42 =	vmin.f32 v42, v32;
	v62 =	vmul.f32 v52, v8;
	v63 =	vmul.f32 v57, v22  }
0x25b: {  	[tilespmem:$0x22F0] =	vst v33;
	v50 =	vmul.f32 v50, v0;
	v45 =	vmin.f32 v48, v45;
	v33 =	vadd.f32 v49, v60  }
0x25c: {  	v48 =	vld [tilespmem:$0x22F0];
	v32 =	vadd.f32 v51, v62;
	v60 =	vmul.f32 v55, v21;
	v49 =	vadd.f32 v56, v63  }
0x25d: {  	v44 =	vadd.f32 v44, v61;
	v61 =	vmul.f32 v55, v20;
	v51 =	vadd.f32 v56, v59  }
0x25e: {  	v52 =	vadd.f32 v32, v58;
	v32 =	vbroadcast v27, $0xA;
	v49 =	vadd.f32 v49, v60  }
0x25f: {  	v51 =	vadd.f32 v51, v61;
	v33 =	vmin.f32 v37, v33;
	v58 =	vmul.f32 v57, v19  }
0x260: {  	v60 =	vmul.f32 v55, v17;
	v61 =	vmul.f32 v57, v18;
	v50 =	vadd.f32 v52, v50  }
0x261: {  	v38 =	vmin.f32 v38, v44;
	v62 =	vmul.f32 v48, v16;
	v63 =	vmul.f32 v48, v14  }
0x262: {  	v39 =	vmin.f32 v39, v50;
	v50 =	vadd.f32 v56, v61;
	v61 =	vmul.f32 v48, v10  }
0x263: {  	v54 =	vadd.f32 v49, v62;
	v59 =	vadd.f32 v51, v63;
	v62 =	vmul.f32 v57, v13  }
0x264: {  	v49 =	vadd.f32 v56, v58;
	v63 =	vmul.f32 v57, v11;
	v58 =	vmul.f32 v55, v15  }
0x265: {  	v37 =	vmin.f32 v41, v54;
	v44 =	vmin.f32 v46, v59;
	v46 =	vmul.f32 v48, v12  }
0x266: {  	v41 =	vadd.f32 v49, v60;
	v59 =	vmul.f32 v55, v9;
	v49 =	vadd.f32 v56, v62  }
0x267: {  	[tilespmem:$0x2700] =	vst v43;
	v60 =	vmul.f32 v55, v6;
	v51 =	vadd.f32 v56, v63;
	v50 =	vadd.f32 v50, v58  }
0x268: {  	v53 =	vld [tilespmem:$0x2700];
	v62 =	vmul.f32 v48, v4;
	v58 =	vmul.f32 v48, v2;
	v63 =	vadd.f32 v49, v59  }
0x269: {  	v51 =	vadd.f32 v51, v60;
	v59 =	vadd.f32 v41, v46;
	v41 =	vbroadcast v25, $0xA  }
0x26a: {  	v43 =	vadd.f32 v50, v61;
	v50 =	vbroadcast v24, $0xA;
	v60 =	vmul.f32 v57, v7  }
0x26b: {  	v61 =	vmul.f32 v57, v8;
	v57 =	vmul.f32 v55, v3  }
0x26c: {  	[tilespmem:$0x2500] =	vst v30;
	v30 =	vadd.f32 v63, v62;
	v49 =	vadd.f32 v51, v58;
	v42 =	vmin.f32 v42, v43  }
0x26d: {  	[tilespmem:$0x2900] =	vst v40;
	v46 =	vld [tilespmem:$0x2500];
	v62 =	vmul.f32 v55, v5;
	v43 =	vadd.f32 v56, v60;
	v63 =	vmul.f32 v53, v22  }
0x26e: {  	[tilespmem:$0x2300] =	vst v29;
	v51 =	vld [tilespmem:$0x2900];
	v29 =	vadd.f32 v56, v61;
	v58 =	vmul.f32 v53, v23;
	v61 =	vmul.f32 v48, v1  }
0x26f: {  	v40 =	vmin.f32 v47, v59;
	v47 =	vld [tilespmem:$0x2300];
	v48 =	vmul.f32 v48, v0;
	v56 =	vmul.f32 v53, v8  }
0x270: {  	v45 =	vmin.f32 v45, v30;
	v33 =	vmin.f32 v33, v49;
	v30 =	vadd.f32 v43, v62  }
0x271: {  	v52 =	vadd.f32 v29, v57;
	v29 =	vbroadcast v26, $0xB;
	v57 =	vmul.f32 v53, v13  }
0x272: {  	v59 =	vmul.f32 v46, v21;
	v60 =	vmul.f32 v46, v20;
	v55 =	vadd.f32 v30, v61  }
0x273: {  	v48 =	vadd.f32 v52, v48;
	v30 =	vbroadcast v27, $0xB;
	v49 =	vadd.f32 v51, v63  }
0x274: {  	v61 =	vmul.f32 v53, v19;
	v54 =	vadd.f32 v51, v58;
	v62 =	vmul.f32 v47, v16  }
0x275: {  	v63 =	vmul.f32 v47, v14;
	v58 =	vmul.f32 v47, v12;
	v43 =	vadd.f32 v49, v59  }
0x276: {  	v52 =	vadd.f32 v51, v57;
	v57 =	vmul.f32 v47, v4;
	v54 =	vadd.f32 v54, v60  }
0x277: {  	v39 =	vmin.f32 v39, v48;
	v48 =	vadd.f32 v51, v61;
	v43 =	vadd.f32 v43, v62  }
0x278: {  	v60 =	vadd.f32 v54, v63;
	v62 =	vmul.f32 v53, v18;
	v63 =	vmul.f32 v46, v17  }
0x279: {  	v61 =	vmul.f32 v47, v10;
	v59 =	vmul.f32 v46, v15;
	v37 =	vmin.f32 v37, v43  }
0x27a: {  	v43 =	vmin.f32 v44, v60;
	v44 =	vadd.f32 v51, v62;
	v48 =	vadd.f32 v48, v63  }
0x27b: {  	[tilespmem:$0x2510] =	vst v35;
	v38 =	vmin.f32 v38, v55;
	v60 =	vmul.f32 v46, v9;
	v62 =	vmul.f32 v53, v11  }
0x27c: {  	v55 =	vbroadcast v25, $0xB;
	v54 =	vld [tilespmem:$0x2510];
	v44 =	vadd.f32 v44, v59;
	v63 =	vadd.f32 v48, v58  }
0x27d: {  	[tilespmem:$0x2710] =	vst v36;
	v49 =	vadd.f32 v52, v60;
	v59 =	vmul.f32 v46, v6;
	v60 =	vadd.f32 v51, v62  }
0x27e: {  	v52 =	vld [tilespmem:$0x2710];
	v62 =	vmul.f32 v47, v2;
	v58 =	vadd.f32 v44, v61;
	v35 =	vmin.f32 v40, v63  }
0x27f: {  	v61 =	vadd.f32 v49, v57;
	v36 =	vadd.f32 v60, v59;
	v63 =	vmul.f32 v53, v7  }
0x280: {  	[tilespmem:$0x2910] =	vst v34;
	v57 =	vmul.f32 v46, v5;
	v46 =	vmul.f32 v46, v3;
	v44 =	vadd.f32 v51, v56  }
0x281: {  	[tilespmem:$0x2310] =	vst v28;
	v48 =	vld [tilespmem:$0x2910];
	v59 =	vmul.f32 v47, v1;
	v60 =	vmul.f32 v54, v21;
	v28 =	vmin.f32 v42, v58  }
0x282: {  	v40 =	vmin.f32 v45, v61;
	v34 =	vadd.f32 v36, v62;
	v42 =	vadd.f32 v51, v63  }
0x283: {  	v45 =	vld [tilespmem:$0x2310];
	v61 =	vmul.f32 v47, v0;
	v44 =	vadd.f32 v44, v46;
	v58 =	vmul.f32 v52, v22  }
0x284: {  	v53 =	vmul.f32 v52, v23;
	v51 =	vmul.f32 v52, v18  }
0x285: {  	v36 =	vadd.f32 v42, v57;
	v33 =	vmin.f32 v33, v34;
	v57 =	vadd.f32 v44, v61  }
0x286: {  	v61 =	vmul.f32 v52, v19;
	v49 =	vadd.f32 v48, v58;
	v46 =	vadd.f32 v48, v51  }
0x287: {  	v51 =	vbroadcast v26, $0xC;
	v56 =	vadd.f32 v36, v59;
	v59 =	vmul.f32 v54, v20  }
0x288: {  	v36 =	vmin.f32 v39, v57;
	v57 =	vmul.f32 v54, v9;
	v62 =	vmul.f32 v45, v16  }
0x289: {  	v63 =	vadd.f32 v49, v60;
	v49 =	vmul.f32 v54, v17;
	v42 =	vmul.f32 v45, v12  }
0x28a: {  	v60 =	vadd.f32 v48, v53;
	v53 =	vmul.f32 v52, v13;
	[tilespmem:$0x2340] =	vst v51;
	v51 =	vbroadcast v24, $0xD  }
0x28b: {  	v34 =	vmin.f32 v38, v56;
	v38 =	vadd.f32 v48, v61;
	v56 =	vmul.f32 v54, v15  }
0x28c: {  	v58 =	vadd.f32 v63, v62;
	v62 =	vmul.f32 v45, v14;
	v63 =	vadd.f32 v60, v59  }
0x28d: {  	v47 =	vadd.f32 v48, v53;
	v59 =	vmul.f32 v45, v10;
	v60 =	vmul.f32 v45, v4  }
0x28e: {  	v38 =	vadd.f32 v38, v49;
	v44 =	vadd.f32 v46, v56;
	v37 =	vmin.f32 v37, v58  }
0x28f: {  	[tilespmem:$0x2520] =	vst v32;
	v39 =	vadd.f32 v63, v62;
	v58 =	vmul.f32 v52, v11;
	v61 =	vadd.f32 v47, v57  }
0x290: {  	v49 =	vld [tilespmem:$0x2520];
	v62 =	vmul.f32 v54, v6;
	v56 =	vadd.f32 v38, v42;
	v38 =	vbroadcast v24, $0xB  }
0x291: {  	[tilespmem:$0x2320] =	vst v31;
	v57 =	vadd.f32 v44, v59;
	v59 =	vmul.f32 v52, v7;
	v63 =	vadd.f32 v48, v58  }
0x292: {  	[tilespmem:$0x2720] =	vst v41;
	v41 =	vadd.f32 v61, v60;
	v58 =	vmul.f32 v45, v2;
	v31 =	vmin.f32 v43, v39  }
0x293: {  	v44 =	vld [tilespmem:$0x2720];
	v61 =	vmul.f32 v54, v5;
	v32 =	vmin.f32 v35, v56;
	v28 =	vmin.f32 v28, v57  }
0x294: {  	[tilespmem:$0x2920] =	vst v50;
	v42 =	vld [tilespmem:$0x2320];
	v56 =	vmul.f32 v54, v3;
	v47 =	vadd.f32 v63, v62;
	v62 =	vmul.f32 v52, v8  }
0x295: {  	v39 =	vld [tilespmem:$0x2920];
	v35 =	vadd.f32 v48, v59;
	v63 =	vmul.f32 v45, v1;
	v57 =	vmul.f32 v49, v21  }
0x296: {  	v40 =	vmin.f32 v40, v41;
	v45 =	vmul.f32 v45, v0;
	v54 =	vmul.f32 v49, v17  }
0x297: {  	[tilespmem:$0x2730] =	vst v55;
	v55 =	vmul.f32 v49, v5;
	v35 =	vadd.f32 v35, v61;
	v60 =	vadd.f32 v47, v58  }
0x298: {  	v53 =	vmul.f32 v44, v22;
	v46 =	vadd.f32 v48, v62;
	v58 =	vmul.f32 v44, v23  }
0x299: {  	v59 =	vmul.f32 v42, v16;
	v35 =	vadd.f32 v35, v63;
	v63 =	vmul.f32 v42, v14  }
0x29a: {  	v33 =	vmin.f32 v33, v60;
	v47 =	vadd.f32 v39, v53;
	v43 =	vadd.f32 v46, v56  }
0x29b: {  	v60 =	vmul.f32 v49, v20;
	v50 =	vadd.f32 v39, v58;
	v53 =	vmul.f32 v44, v18  }
0x29c: {  	v56 =	vmul.f32 v44, v13;
	v58 =	vmul.f32 v49, v15;
	v47 =	vadd.f32 v47, v57  }
0x29d: {  	v34 =	vmin.f32 v34, v35;
	v61 =	vadd.f32 v43, v45;
	v48 =	vadd.f32 v50, v60  }
0x29e: {  	v50 =	vmul.f32 v44, v19;
	v57 =	vmul.f32 v42, v12;
	v43 =	vadd.f32 v39, v53  }
0x29f: {  	v46 =	vadd.f32 v39, v56;
	v60 =	vmul.f32 v42, v10;
	v53 =	vmul.f32 v49, v6  }
0x2a0: {  	v56 =	vmul.f32 v42, v2;
	v62 =	vadd.f32 v47, v59;
	v35 =	vmin.f32 v36, v61  }
0x2a1: {  	v36 =	vadd.f32 v39, v50;
	v59 =	vmul.f32 v49, v9;
	v50 =	vbroadcast v27, $0xC  }
0x2a2: {  	v52 =	vadd.f32 v48, v63;
	v61 =	vmul.f32 v42, v4;
	v48 =	vbroadcast v24, $0xC  }
0x2a3: {  	v43 =	vadd.f32 v43, v58;
	v63 =	vmul.f32 v44, v11;
	v49 =	vmul.f32 v49, v3  }
0x2a4: {  	v37 =	vmin.f32 v37, v62;
	v36 =	vadd.f32 v36, v54;
	v45 =	vadd.f32 v46, v59  }
0x2a5: {  	[tilespmem:$0x2530] =	vst v30;
	v43 =	vadd.f32 v43, v60;
	v31 =	vmin.f32 v31, v52;
	v52 =	vmul.f32 v44, v7  }
0x2a6: {  	v54 =	vmul.f32 v44, v8;
	v44 =	vld [tilespmem:$0x2530];
	v30 =	vadd.f32 v39, v63;
	v36 =	vadd.f32 v36, v57  }
0x2a7: {  	v46 =	vbroadcast v25, $0xC;
	v62 =	vadd.f32 v45, v61;
	v41 =	vadd.f32 v39, v52  }
0x2a8: {  	v28 =	vmin.f32 v28, v43;
	v43 =	vld [tilespmem:$0x2730];
	v39 =	vadd.f32 v39, v54;
	v30 =	vadd.f32 v30, v53  }
0x2a9: {  	[tilespmem:$0x2930] =	vst v38;
	v57 =	vmul.f32 v42, v1;
	v42 =	vmul.f32 v42, v0;
	v32 =	vmin.f32 v32, v36  }
0x2aa: {  	[tilespmem:$0x2330] =	vst v29;
	v47 =	vld [tilespmem:$0x2930];
	v36 =	vmin.f32 v40, v62;
	v58 =	vadd.f32 v41, v55;
	v39 =	vadd.f32 v39, v49  }
0x2ab: {  	v41 =	vld [tilespmem:$0x2330];
	v49 =	vbroadcast v26, $0xD;
	v29 =	vadd.f32 v30, v56;
	v62 =	vmul.f32 v44, v21  }
0x2ac: {  	v54 =	vmul.f32 v44, v20;
	v60 =	vadd.f32 v58, v57;
	v58 =	vmul.f32 v44, v17  }
0x2ad: {  	v61 =	vadd.f32 v39, v42;
	v59 =	vmul.f32 v43, v22;
	v45 =	vmul.f32 v43, v23  }
0x2ae: {  	v29 =	vmin.f32 v33, v29;
	v55 =	vmul.f32 v43, v19;
	v57 =	vmul.f32 v43, v18  }
0x2af: {  	[tilespmem:$0x2740] =	vst v46;
	v46 =	vmul.f32 v43, v11;
	v30 =	vmin.f32 v34, v60;
	v34 =	vmin.f32 v35, v61  }
0x2b0: {  	v63 =	vadd.f32 v47, v59;
	v52 =	vmul.f32 v41, v16;
	v56 =	vmul.f32 v41, v14  }
0x2b1: {  	v33 =	vadd.f32 v47, v45;
	v59 =	vmul.f32 v44, v15;
	v60 =	vmul.f32 v41, v12  }
0x2b2: {  	v40 =	vadd.f32 v47, v55;
	v61 =	vmul.f32 v41, v10;
	v45 =	vbroadcast v27, $0xD  }
0x2b3: {  	v42 =	vadd.f32 v47, v57;
	v55 =	vmul.f32 v43, v7;
	v57 =	vmul.f32 v44, v5  }
0x2b4: {  	v53 =	vadd.f32 v63, v62;
	v33 =	vadd.f32 v33, v54;
	v62 =	vmul.f32 v43, v13  }
0x2b5: {  	v39 =	vadd.f32 v40, v58;
	v63 =	vmul.f32 v44, v9;
	v54 =	vmul.f32 v44, v6  }
0x2b6: {  	v43 =	vmul.f32 v43, v8;
	v44 =	vmul.f32 v44, v3;
	v35 =	vadd.f32 v53, v52  }
0x2b7: {  	v33 =	vadd.f32 v33, v56;
	v38 =	vadd.f32 v39, v60;
	v39 =	vbroadcast v25, $0xD  }
0x2b8: {  	[tilespmem:$0x2540] =	vst v50;
	v40 =	vld [tilespmem:$0x2740];
	v52 =	vmul.f32 v41, v4;
	v56 =	vmul.f32 v41, v2;
	v43 =	vadd.f32 v47, v43  }
0x2b9: {  	[tilespmem:$0x2940] =	vst v48;
	v48 =	vld [tilespmem:$0x2540];
	v60 =	vmul.f32 v41, v1;
	v41 =	vmul.f32 v41, v0;
	v35 =	vmin.f32 v37, v35  }
0x2ba: {  	[tilespmem:$0x2550] =	vst v45;
	v37 =	vadd.f32 v42, v59;
	v42 =	vadd.f32 v47, v62;
	v31 =	vmin.f32 v31, v33  }
0x2bb: {  	[tilespmem:$0x2950] =	vst v51;
	v51 =	vld [tilespmem:$0x2550];
	v32 =	vmin.f32 v32, v38;
	v33 =	vadd.f32 v47, v46;
	v46 =	vadd.f32 v47, v55  }
0x2bc: {  	v43 =	vadd.f32 v43, v44;
	v44 =	vbroadcast v27, $0xE;
	v27 =	vbroadcast v27, $0xF  }
0x2bd: {  	v50 =	vld [tilespmem:$0x2940];
	v59 =	vmul.f32 v40, v22;
	v37 =	vadd.f32 v37, v61;
	v53 =	vadd.f32 v42, v63  }
0x2be: {  	v47 =	vld [tilespmem:$0x2340];
	v33 =	vadd.f32 v33, v54;
	v58 =	vadd.f32 v46, v57;
	v61 =	vmul.f32 v48, v21  }
0x2bf: {  	v63 =	vadd.f32 v43, v41;
	v54 =	vmul.f32 v48, v20;
	v57 =	vmul.f32 v40, v18  }
0x2c0: {  	[tilespmem:$0x2350] =	vst v49;
	v49 =	vmul.f32 v51, v21;
	v28 =	vmin.f32 v28, v37;
	v37 =	vadd.f32 v53, v52  }
0x2c1: {  	v33 =	vadd.f32 v33, v56;
	v52 =	vmul.f32 v40, v23;
	v53 =	vmul.f32 v40, v19  }
0x2c2: {  	[tilespmem:$0x2750] =	vst v39;
	v62 =	vadd.f32 v58, v60;
	v56 =	vmul.f32 v48, v17;
	v60 =	vmul.f32 v48, v15  }
0x2c3: {  	v45 =	vld [tilespmem:$0x2750];
	v42 =	vadd.f32 v50, v59;
	v46 =	vmul.f32 v47, v16;
	v58 =	vmul.f32 v47, v14  }
0x2c4: {  	v43 =	vadd.f32 v50, v57;
	v59 =	vmul.f32 v47, v12;
	v57 =	vmul.f32 v47, v4  }
0x2c5: {  	v36 =	vmin.f32 v36, v37;
	v29 =	vmin.f32 v29, v33;
	v37 =	vadd.f32 v42, v61  }
0x2c6: {  	v30 =	vmin.f32 v30, v62;
	v33 =	vmin.f32 v34, v63;
	v55 =	vadd.f32 v50, v52  }
0x2c7: {  	v34 =	vadd.f32 v50, v53;
	v61 =	vmul.f32 v47, v10;
	v62 =	vmul.f32 v40, v13  }
0x2c8: {  	v42 =	vadd.f32 v43, v60;
	v60 =	vmul.f32 v47, v2;
	v52 =	vmul.f32 v45, v23  }
0x2c9: {  	v37 =	vadd.f32 v37, v46;
	v38 =	vadd.f32 v55, v54;
	v46 =	vbroadcast v26, $0xE  }
0x2ca: {  	v34 =	vadd.f32 v34, v56;
	v54 =	vmul.f32 v40, v11;
	v55 =	vmul.f32 v48, v9  }
0x2cb: {  	v63 =	vadd.f32 v42, v61;
	v56 =	vmul.f32 v40, v7;
	v61 =	vmul.f32 v47, v1  }
0x2cc: {  	v42 =	vmul.f32 v45, v22;
	v26 =	vbroadcast v26, $0xF;
	v38 =	vadd.f32 v38, v58  }
0x2cd: {  	v34 =	vadd.f32 v34, v59;
	v35 =	vmin.f32 v35, v37;
	v37 =	vadd.f32 v50, v62  }
0x2ce: {  	v58 =	vmul.f32 v48, v6;
	v59 =	vmul.f32 v48, v5;
	v41 =	vadd.f32 v50, v56  }
0x2cf: {  	v28 =	vmin.f32 v28, v63;
	v62 =	vmul.f32 v40, v8;
	v48 =	vmul.f32 v48, v3  }
0x2d0: {  	v43 =	vld [tilespmem:$0x2950];
	v56 =	vmul.f32 v51, v17;
	v31 =	vmin.f32 v31, v38;
	v38 =	vadd.f32 v50, v54  }
0x2d1: {  	v40 =	vld [tilespmem:$0x2350];
	v39 =	vadd.f32 v41, v59;
	v41 =	vbroadcast v25, $0xE;
	v54 =	vmul.f32 v45, v19  }
0x2d2: {  	v37 =	vadd.f32 v37, v55;
	v55 =	vmul.f32 v51, v20;
	v59 =	vbroadcast v24, $0xE  }
0x2d3: {  	v32 =	vmin.f32 v32, v34;
	v25 =	vbroadcast v25, $0xF;
	v24 =	vbroadcast v24, $0xF  }
0x2d4: {  	v38 =	vadd.f32 v38, v58;
	v37 =	vadd.f32 v37, v57;
	v58 =	vmul.f32 v45, v18  }
0x2d5: {  	v63 =	vadd.f32 v39, v61;
	v61 =	vmul.f32 v51, v15;
	[tilespmem:$0x2960] =	vst v59;
	v59 =	vmul.f32 v45, v8  }
0x2d6: {  	v39 =	vadd.f32 v43, v42;
	v53 =	vmul.f32 v40, v16;
	v57 =	vmul.f32 v40, v14  }
0x2d7: {  	v34 =	vadd.f32 v38, v60;
	v36 =	vmin.f32 v36, v37;
	v38 =	vadd.f32 v50, v62  }
0x2d8: {  	v30 =	vmin.f32 v30, v63;
	v50 =	vmul.f32 v47, v0;
	v37 =	vadd.f32 v39, v49  }
0x2d9: {  	v39 =	vadd.f32 v43, v54;
	v60 =	vmul.f32 v40, v12;
	v63 =	vmul.f32 v40, v10  }
0x2da: {  	[tilespmem:$0x2760] =	vst v41;
	v42 =	vadd.f32 v43, v58;
	v54 =	vmul.f32 v51, v6;
	v58 =	vmul.f32 v40, v1  }
0x2db: {  	[tilespmem:$0x2560] =	vst v44;
	v44 =	vld [tilespmem:$0x2760];
	v29 =	vmin.f32 v29, v34;
	v34 =	vadd.f32 v38, v48;
	v38 =	vadd.f32 v43, v52  }
0x2dc: {  	v37 =	vadd.f32 v37, v53;
	v48 =	vmul.f32 v45, v13;
	v52 =	vmul.f32 v51, v9  }
0x2dd: {  	v39 =	vadd.f32 v39, v56;
	v53 =	vmul.f32 v45, v7;
	v56 =	vmul.f32 v51, v5  }
0x2de: {  	v34 =	vadd.f32 v34, v50;
	v38 =	vadd.f32 v38, v55;
	v50 =	vmul.f32 v45, v11  }
0x2df: {  	v62 =	vadd.f32 v39, v60;
	v55 =	vmul.f32 v40, v4;
	v60 =	vmul.f32 v51, v3  }
0x2e0: {  	[tilespmem:$0x2360] =	vst v46;
	v41 =	vld [tilespmem:$0x2960];
	v47 =	vadd.f32 v42, v61;
	v61 =	vmul.f32 v44, v22;
	v46 =	vmul.f32 v44, v23  }
0x2e1: {  	v42 =	vadd.f32 v43, v53;
	v49 =	vmul.f32 v44, v19;
	v53 =	vmul.f32 v44, v18  }
0x2e2: {  	v38 =	vadd.f32 v38, v57;
	v33 =	vmin.f32 v33, v34;
	v34 =	vmin.f32 v35, v37  }
0x2e3: {  	v32 =	vmin.f32 v32, v62;
	v37 =	vadd.f32 v47, v63;
	v35 =	vadd.f32 v43, v48  }
0x2e4: {  	v39 =	vadd.f32 v43, v50;
	v57 =	vmul.f32 v40, v2;
	v42 =	vadd.f32 v42, v56;
	v47 =	vld [tilespmem:$0x2560]  }
0x2e5: {  	v62 =	vmul.f32 v40, v0;
	v40 =	vadd.f32 v41, v46;
	v35 =	vadd.f32 v35, v52  }
0x2e6: {  	v31 =	vmin.f32 v31, v38;
	v39 =	vadd.f32 v39, v54;
	v28 =	vmin.f32 v28, v37  }
0x2e7: {  	v37 =	vadd.f32 v42, v58;
	v58 =	vmul.f32 v44, v13;
	v35 =	vadd.f32 v35, v55  }
0x2e8: {  	v42 =	vld [tilespmem:$0x2360];
	v38 =	vadd.f32 v39, v57;
	v39 =	vadd.f32 v43, v59;
	v59 =	vmul.f32 v44, v11  }
0x2e9: {  	v30 =	vmin.f32 v30, v37;
	v45 =	vmul.f32 v47, v21;
	v50 =	vmul.f32 v47, v20  }
0x2ea: {  	v43 =	vadd.f32 v41, v49;
	v51 =	vmul.f32 v47, v17;
	v56 =	vmul.f32 v47, v15  }
0x2eb: {  	v49 =	vmul.f32 v47, v5;
	v35 =	vmin.f32 v36, v35;
	v29 =	vmin.f32 v29, v38  }
0x2ec: {  	v63 =	vadd.f32 v39, v60;
	v36 =	vadd.f32 v41, v61;
	v60 =	vmul.f32 v47, v9  }
0x2ed: {  	v39 =	vadd.f32 v41, v53;
	v61 =	vmul.f32 v47, v6;
	v48 =	vmul.f32 v42, v16  }
0x2ee: {  	v52 =	vadd.f32 v40, v50;
	v54 =	vmul.f32 v42, v14;
	v55 =	vmul.f32 v42, v12  }
0x2ef: {  	v57 =	vmul.f32 v42, v10;
	v53 =	vmul.f32 v42, v1;
	v37 =	vadd.f32 v63, v62  }
0x2f0: {  	v36 =	vadd.f32 v36, v45;
	v62 =	vmul.f32 v44, v7;
	v63 =	vmul.f32 v42, v4  }
0x2f1: {  	[tilespmem:$0x2770] =	vst v25;
	v38 =	vadd.f32 v52, v54;
	v52 =	vmul.f32 v47, v3;
	v33 =	vmin.f32 v33, v37  }
0x2f2: {  	v36 =	vadd.f32 v36, v48;
	v37 =	vadd.f32 v43, v51;
	v48 =	vmul.f32 v44, v8;
	v44 =	vld [tilespmem:$0x2770]  }
0x2f3: {  	v54 =	vmul.f32 v42, v0;
	v50 =	vadd.f32 v41, v62;
	v51 =	vmul.f32 v42, v2  }
0x2f4: {  	v34 =	vmin.f32 v34, v36;
	v37 =	vadd.f32 v37, v55;
	v36 =	vadd.f32 v39, v56  }
0x2f5: {  	[tilespmem:$0x2570] =	vst v27;
	v31 =	vmin.f32 v31, v38;
	v39 =	vadd.f32 v41, v58;
	v27 =	vadd.f32 v50, v49  }
0x2f6: {  	v32 =	vmin.f32 v32, v37;
	v36 =	vadd.f32 v36, v57;
	v37 =	vadd.f32 v41, v59  }
0x2f7: {  	v38 =	vadd.f32 v39, v60;
	v39 =	vadd.f32 v41, v48;
	v55 =	vmul.f32 v44, v22  }
0x2f8: {  	v27 =	vadd.f32 v27, v53;
	v59 =	vmul.f32 v44, v23;
	v60 =	vmul.f32 v44, v19  }
0x2f9: {  	v41 =	vld [tilespmem:$0x2570];
	v50 =	vmul.f32 v44, v13;
	v53 =	vmul.f32 v44, v7;
	v25 =	vadd.f32 v37, v61  }
0x2fa: {  	v38 =	vadd.f32 v38, v63;
	v39 =	vadd.f32 v39, v52;
	v28 =	vmin.f32 v28, v36  }
0x2fb: {  	v27 =	vmin.f32 v30, v27;
	v57 =	vadd.f32 v55, v24;
	v36 =	vadd.f32 v59, v24  }
0x2fc: {  	[tilespmem:$0x2370] =	vst v26;
	v61 =	vmul.f32 v44, v18;
	v30 =	vadd.f32 v60, v24;
	v42 =	vadd.f32 v53, v24  }
0x2fd: {  	v37 =	vld [tilespmem:$0x2370];
	v25 =	vadd.f32 v25, v51;
	v51 =	vmul.f32 v44, v11;
	v44 =	vmul.f32 v44, v8  }
0x2fe: {  	v35 =	vmin.f32 v35, v38;
	v56 =	vmul.f32 v41, v21;
	v62 =	vmul.f32 v41, v20  }
0x2ff: {  	v26 =	vadd.f32 v39, v54;
	v63 =	vmul.f32 v41, v17;
	v45 =	vmul.f32 v41, v15  }
0x300: {  	v38 =	vadd.f32 v61, v24;
	v52 =	vmul.f32 v41, v9;
	v54 =	vmul.f32 v41, v6  }
0x301: {  	v55 =	vmul.f32 v41, v5;
	v41 =	vmul.f32 v41, v3;
	v25 =	vmin.f32 v29, v25  }
0x302: {  	v26 =	vmin.f32 v33, v26;
	v39 =	vadd.f32 v51, v24;
	v58 =	vmul.f32 v37, v16  }
0x303: {  	v29 =	vadd.f32 v57, v56;
	v46 =	vmul.f32 v37, v14;
	v36 =	vadd.f32 v36, v62  }
0x304: {  	v47 =	vmul.f32 v37, v12;
	v30 =	vadd.f32 v30, v63;
	v38 =	vadd.f32 v38, v45  }
0x305: {  	v48 =	vmul.f32 v37, v10;
	v56 =	vadd.f32 v44, v24;
	v40 =	vadd.f32 v42, v55  }
0x306: {  	v57 =	vmul.f32 v37, v4;
	v39 =	vadd.f32 v39, v54;
	v29 =	vadd.f32 v29, v58  }
0x307: {  	v59 =	vmul.f32 v37, v1;
	v49 =	vadd.f32 v36, v46;
	v36 =	vadd.f32 v50, v24  }
0x308: {  	p0 =	sne.s32 s19, $0x1F80;
	v30 =	vadd.f32 v30, v47;
	v38 =	vadd.f32 v38, v48;
	v58 =	vmul.f32 v37, v2  }
.Ltmp1:
0x309: {  	v41 =	vadd.f32 v56, v41;
	v37 =	vmul.f32 v37, v0;
	v36 =	vadd.f32 v36, v52;
	(pc) =	sbr.rel @p0 .LBB2_4-.Ltmp1, $4  }
0x30a: {  	v62 =	vadd.f32 v40, v59;
	v52 =	vmin.f32 v34, v29;
	v61 =	vadd.f32 v39, v58  }
0x30b: {  	v51 =	vmin.f32 v31, v49;
	v63 =	vadd.f32 v41, v37;
	v60 =	vadd.f32 v36, v57  }
0x30c: {  	v50 =	vmin.f32 v32, v30;
	v49 =	vmin.f32 v28, v38;
	v46 =	vmin.f32 v27, v62  }
0x30d: {  	s19 =	sadd.s32 $0x80, s19;
	[tilespmem:$0x2970] =	vst v24;
	v47 =	vmin.f32 v25, v61;
	v32 =	vmin.f32 v26, v63;
	v48 =	vmin.f32 v35, v60  }
0x30e: {  	v16 =	vmul.f32 v16, v16  }
0x30f: {  	v21 =	vmul.f32 v21, v21;
	v14 =	vmul.f32 v14, v14  }
0x310: {  	v20 =	vmul.f32 v20, v20;
	v58 =	vmul.f32 v22, v22  }
0x311: {  	v59 =	vmul.f32 v23, v23;
	v12 =	vmul.f32 v12, v12  }
0x312: {  	v17 =	vmul.f32 v17, v17;
	v10 =	vmul.f32 v10, v10  }
0x313: {  	v15 =	vmul.f32 v15, v15;
	v4 =	vmul.f32 v4, v4  }
0x314: {  	v9 =	vmul.f32 v9, v9;
	v2 =	vmul.f32 v2, v2  }
0x315: {  	v6 =	vmul.f32 v6, v6;
	v1 =	vmul.f32 v1, v1  }
0x316: {  	v5 =	vmul.f32 v5, v5;
	v16 =	vadd.f32 v21, v16;
	v14 =	vadd.f32 v20, v14  }
0x317: {  	v0 =	vmul.f32 v0, v0;
	v12 =	vadd.f32 v17, v12;
	v10 =	vadd.f32 v15, v10  }
0x318: {  	v3 =	vmul.f32 v3, v3;
	v4 =	vadd.f32 v9, v4;
	v2 =	vadd.f32 v6, v2  }
0x319: {  	v60 =	vmul.f32 v19, v19;
	v1 =	vadd.f32 v5, v1;
	v16 =	vadd.f32 v58, v16  }
0x31a: {  	v61 =	vmul.f32 v18, v18;
	v0 =	vadd.f32 v3, v0;
	v14 =	vadd.f32 v59, v14  }
0x31b: {  	v13 =	vmul.f32 v13, v13;
	v12 =	vadd.f32 v60, v12;
	v16 =	vadd.f32 v52, v16  }
0x31c: {  	v11 =	vmul.f32 v11, v11;
	v10 =	vadd.f32 v61, v10;
	v14 =	vadd.f32 v51, v14  }
0x31d: {  	v62 =	vmul.f32 v7, v7;
	v4 =	vadd.f32 v13, v4;
	v12 =	vadd.f32 v50, v12;
	[tilespmem:$0x2980] =	vst v16  }
0x31e: {  	v63 =	vmul.f32 v8, v8;
	v2 =	vadd.f32 v11, v2;
	v10 =	vadd.f32 v49, v10;
	[tilespmem:$0x2990] =	vst v14  }
0x31f: {  	v1 =	vadd.f32 v62, v1;
	v4 =	vadd.f32 v48, v4;
	[tilespmem:$0x29A0] =	vst v12  }
0x320: {  	v0 =	vadd.f32 v63, v0;
	v2 =	vadd.f32 v47, v2;
	[tilespmem:$0x29B0] =	vst v10  }
0x321: {  	v1 =	vadd.f32 v46, v1;
	[tilespmem:$0x29C0] =	vst v4  }
0x322: {  	s18 =	sadd.s32 $0x1, s18;
	v0 =	vadd.f32 v32, v0;
	[tilespmem:$0x29D0] =	vst v2  }
0x323: {  	p0 =	sne.s32 s18, s10;
	[tilespmem:$0x29E0] =	vst v1  }
.Ltmp2:
0x324: {  	[tilespmem:$0x29F0] =	vst v0;
	(pc) =	sbr.rel @p0 .LBB2_1-.Ltmp2, $4  }
0x325: {  	[hbm4b:s9+s3] =	stream.linear.scatter [tilespmem:s17], [sflag:$0x1], $0x80, $0x38;
	[tilespmem:$0x2A00] =	vst v63  }
0x326: {  	_ =	swait.ge [sflag:s11], $0x80  }
0x327: {  	[sflag:s11] =	ssyncset.done $0x0  }
0x328: {  	[sflag:s11] =	ssyncadd.s32 $0xFFFFFF80  }
0x329: {  	_ =	sfence.sel $0x180000  }
0x32a: {  	[bflag:$0x0] =	sbarrier.arrive $0xFFFF  }
0x32b: {  	p0 =	sne.s32 s1, $0x0;
	_ =	strace $0x90000047  }
0x32c: {  	s0 =	sadd.s32 @!p0 $0x100000, s0;
	[bflag:$0x2] =	sbarrier.arrive $0xFFFF  }
0x32d: {  	[sflag:s0] =	ssyncadd.tile.s32 @!p0 $0x1;
	_ =	shalt  }
.Lfunc_end2:
_tile_overlayer_lowered:
.L_overlay_start_2:
0x32e: {  	(tag) =	ssettag $0x2  }
0x32f: {  	s0 =	rddreg [dreg:$0x0];
	s2 =	stileid.u32  }
0x330: {  	s1 =	rddreg [dreg:$0x1];
	p0 =	sne.s32 s2, $0x0  }
0x331: {  	s3 =	rddreg [dreg:$0x2];
	[bflag:$0x3] =	sbarrier.arrive $0xFFFF;
	s2 =	simm.s32 @!p0 $0x1C01  }
0x332: {  	[timem:s3], [sflag:s2] =	dma.local @!p0 [hbm:s0], s1  }
0x333: {  	s0 =	simm.s32 @!p0 $0x1  }
0x334: {  	_ =	swait.ge @!p0 [sflag:s0], s1  }
0x335: {  	s1 =	ssub.s32 @!p0 $0x0, s1;
	[sflag:s0] =	ssyncset.done @!p0 $0x0  }
0x336: {  	[sflag:s0] =	ssyncadd.s32 @!p0 s1  }
0x337: {  	[bflag:$0x3] =	sbarrier.arrive $0xFFFF  }
0x338: {  	_ =	shalt  }

</sc_bundles>
